<compile_context>
chip_gen: v7x
topology: tpu7x:2x2x1
jax: 0.10.2.dev20260603
libtpu: 0.0.44.dev20260713+nightly
codegen_flags: <defaults>
</compile_context>

<pallas_src>
import functools

import jax
import jax.numpy as jnp
from jax import lax
from jax.experimental import pallas as pl
from jax.experimental.pallas import tpu as pltpu
from jax.experimental.pallas import tpu_sc as plsc

VOCAB = 1000000
DIM = 64
BATCH = 4096
HIST = 200

NC, NS = 2, 16
NW = NC * NS
BC = BATCH // NW
N_UNITS = HIST
NB = 5
AHEAD = 3
NT = 2
N_OUTER = N_UNITS // NB


def _gather_kernel(table_hbm, ids_hbm, out_hbm, idx_v, bufs, tbufs,
                   gsems, ssems):
    wid = lax.axis_index("s") * NC + lax.axis_index("c")

    pltpu.sync_copy(ids_hbm.at[:, wid, :], idx_v)

    lanes = lax.iota(jnp.int32, 16)

    def fire_gather(h, g):
        pltpu.async_copy(table_hbm.at[idx_v.at[h]], bufs[g], gsems[g])

    def wait_gather(g):
        pltpu.make_async_copy(
            table_hbm.at[pl.ds(0, BC)], bufs[g], gsems[g]
        ).wait()

    def transpose(h, g, t):
        def skrot(k, carry):
            base = (lanes + k) & 15
            fis = base & 7
            fts = base >> 3
            for bb in range(BC // 16):
                rowsb = lanes + bb * 16
                for ff in range(DIM // 16):
                    colr = base + ff * 16
                    v = plsc.load_gather(bufs[g], [rowsb, colr])
                    plsc.store_scatter(
                        tbufs[t], [fts + ff * 2, fis, rowsb], v
                    )
            return carry

        lax.fori_loop(0, 16, skrot, 0)

    def start_store(h, t):
        pltpu.async_copy(
            tbufs[t], out_hbm.at[h, :, wid, :, :], ssems[t]
        )

    def wait_store(t):
        pltpu.make_async_copy(
            tbufs[t], out_hbm.at[0, :, wid, :, :], ssems[t]
        ).wait()

    for g in range(AHEAD):
        fire_gather(g, g)

    def body(c, carry):
        for u in range(NB):
            p = c * NB + u
            s = (u + AHEAD) % NB
            if u < NB - AHEAD:
                fire_gather(p + AHEAD, s)
            else:
                @pl.when(c < N_OUTER - 1)
                def _():
                    fire_gather(p + AHEAD, s)
            wait_gather(u)
            t = u % NT
            if u < NT:
                @pl.when(c > 0)
                def _():
                    wait_store(t)
            else:
                wait_store(t)
            transpose(p, u, t)
            start_store(p, t)
        return carry

    lax.fori_loop(0, N_OUTER, body, 0)

    for t in range(NT):
        wait_store(t)


@jax.jit
def _embedding_lookup(ids3, table2):
    mesh = plsc.VectorSubcoreMesh(
        core_axis_name="c", subcore_axis_name="s",
        num_cores=NC, num_subcores=NS,
    )
    run = pl.kernel(
        _gather_kernel,
        out_type=jax.ShapeDtypeStruct((HIST, DIM // 8, NW, 8, BC), jnp.float32),
        mesh=mesh,
        scratch_types=[
            pltpu.VMEM((HIST, BC), jnp.int32),
            [pltpu.VMEM((BC, 2 * DIM), jnp.float32) for _ in range(NB)],
            [pltpu.VMEM((DIM // 8, 8, BC), jnp.float32) for _ in range(NT)],
            [pltpu.SemaphoreType.DMA for _ in range(NB)],
            [pltpu.SemaphoreType.DMA for _ in range(NT)],
        ],
        compiler_params=pltpu.CompilerParams(
            use_tc_tiling_on_sc=False, needs_layout_passes=False,
        ),
    )
    return run(table2, ids3)


def kernel(input_ids, table):
    ids3 = input_ids.T.reshape(HIST, NW, BC)
    table2 = jnp.pad(table, ((0, 0), (0, 2 * DIM - DIM)))
    out5 = _embedding_lookup(ids3, table2)
    out = out5.transpose(2, 4, 0, 1, 3).reshape(BATCH, HIST, DIM)
    return out

# --- scband reference (transcript-rebuilt; emitter-appended) ---
"""Pipeline reference for scband-embedding-table-38439957299433 (READ-ONLY COPY).

The authoritative reference and input builder live on the scoring server;
editing this copy changes nothing except your own understanding.
"""

import jax, jax.numpy as jnp
import numpy as np

VOCAB = 1000000
DIM = 64
BATCH = 4096
HIST = 200


def setup_inputs(seed: int = 0) -> dict:
    key = jax.random.key(seed)
    k1, k2 = jax.random.split(key)
    input_ids = jax.random.randint(k1, (BATCH, HIST), 0, VOCAB, dtype=jnp.int32)
    table = jax.random.normal(k2, (VOCAB, DIM), dtype=jnp.float32)
    # nn.Embedding(padding_idx=0): row 0 is the padding row (zero vector)
    table = table.at[0].set(0.0)
    return {"input_ids": input_ids, "table": table}


def reference(input_ids, table):
    # EmbeddingTable.forward: encoder lookup followed by dropout.
    # Dropout is identity at inference (eval mode), so forward is a pure gather.
    input_embeds = jnp.take(table, input_ids, axis=0)
    return input_embeds

if __name__ == "__main__":
    import jax
    _d = setup_inputs()
    print(jax.jit(kernel)(*tuple(_d.values())))

</pallas_src>

<mosaic_0001>
#map = affine_map<(d0, d1) -> (0, 0)>
#map1 = affine_map<(d0, d1) -> (0, 0, 0)>
#map2 = affine_map<(d0, d1) -> (0, 0, 0, 0, 0)>
module attributes {stable_mosaic.version = 14 : i64} {
  func.func @_gather_kernel(%arg0: i32, %arg1: i32, %arg2: memref<1000000x128xf32, #tpu.memory_space<hbm>>, %arg3: memref<200x32x128xi32, #tpu.memory_space<hbm>>, %arg4: memref<200x8x32x8x128xf32, #tpu.memory_space<hbm>>, %arg5: memref<200x128xi32, #tpu.memory_space<vmem>>, %arg6: memref<128x128xf32, #tpu.memory_space<vmem>>, %arg7: memref<128x128xf32, #tpu.memory_space<vmem>>, %arg8: memref<128x128xf32, #tpu.memory_space<vmem>>, %arg9: memref<128x128xf32, #tpu.memory_space<vmem>>, %arg10: memref<128x128xf32, #tpu.memory_space<vmem>>, %arg11: memref<8x8x128xf32, #tpu.memory_space<vmem>>, %arg12: memref<8x8x128xf32, #tpu.memory_space<vmem>>, %arg13: memref<!tpu.dma_semaphore, #tpu.memory_space<semaphore_mem>>, %arg14: memref<!tpu.dma_semaphore, #tpu.memory_space<semaphore_mem>>, %arg15: memref<!tpu.dma_semaphore, #tpu.memory_space<semaphore_mem>>, %arg16: memref<!tpu.dma_semaphore, #tpu.memory_space<semaphore_mem>>, %arg17: memref<!tpu.dma_semaphore, #tpu.memory_space<semaphore_mem>>, %arg18: memref<!tpu.dma_semaphore, #tpu.memory_space<semaphore_mem>>, %arg19: memref<!tpu.dma_semaphore, #tpu.memory_space<semaphore_mem>>) attributes {dimension_semantics = [#tpu.dimension_semantics<core_parallel>, #tpu.dimension_semantics<subcore_parallel>], iteration_bounds = array<i64: 2, 16>, scalar_prefetch = 0 : i64, scratch_operands = 15 : i64, tpu.core_type = #tpu.core_type<sc_vector_subcore>, window_params = [{transform_indices = #map}, {transform_indices = #map1}, {transform_indices = #map2}]} {
    %mul3A = arith.constant 2 : i32
    %mul3A_0 = arith.muli %arg1, %mul3A : i32
    %add3A = arith.addi %mul3A_0, %arg0 : i32
    "tpu.region"() ({
      %run_scoped3A = tpu.sem_alloc : memref<!tpu.dma_semaphore, #tpu.memory_space<semaphore_mem>>
      %dma_start3A_47 = arith.constant 0 : i32
      %dma_start3A_48 = arith.constant 0 : i32
      %dma_start3A_49 = tpu.memref_slice %arg3[%dma_start3A_47, %add3A, %dma_start3A_48] : memref<200x32x128xi32, #tpu.memory_space<hbm>> -> memref<200x1x128xi32, #tpu.memory_space<hbm>>
      %dma_start3A_50 = tpu.memref_squeeze %dma_start3A_49 : memref<200x1x128xi32, #tpu.memory_space<hbm>> -> memref<200x128xi32, #tpu.memory_space<hbm>>
      %dma_start3A_51 = arith.constant 0 : i32
      %dma_start3A_52 = arith.constant 0 : i32
      %dma_start3A_53 = tpu.memref_slice %arg3[%dma_start3A_51, %add3A, %dma_start3A_52] : memref<200x32x128xi32, #tpu.memory_space<hbm>> -> memref<200x1x128xi32, #tpu.memory_space<hbm>>
      %dma_start3A_54 = tpu.memref_squeeze %dma_start3A_53 : memref<200x1x128xi32, #tpu.memory_space<hbm>> -> memref<200x128xi32, #tpu.memory_space<hbm>>
      tpu.enqueue_dma source(%dma_start3A_54 : memref<200x128xi32, #tpu.memory_space<hbm>>) target(%arg5 : memref<200x128xi32, #tpu.memory_space<vmem>>) target_semaphore(%run_scoped3A : memref<!tpu.dma_semaphore, #tpu.memory_space<semaphore_mem>>)
      %dma_wait3A_55 = arith.constant 0 : i32
      %dma_wait3A_56 = arith.constant 0 : i32
      %dma_wait3A_57 = tpu.memref_slice %arg3[%dma_wait3A_55, %add3A, %dma_wait3A_56] : memref<200x32x128xi32, #tpu.memory_space<hbm>> -> memref<200x1x128xi32, #tpu.memory_space<hbm>>
      %dma_wait3A_58 = tpu.memref_squeeze %dma_wait3A_57 : memref<200x1x128xi32, #tpu.memory_space<hbm>> -> memref<200x128xi32, #tpu.memory_space<hbm>>
      %dma_wait3A_59 = arith.constant 0 : i32
      %dma_wait3A_60 = arith.constant 0 : i32
      %dma_wait3A_61 = tpu.memref_slice %arg3[%dma_wait3A_59, %add3A, %dma_wait3A_60] : memref<200x32x128xi32, #tpu.memory_space<hbm>> -> memref<200x1x128xi32, #tpu.memory_space<hbm>>
      %dma_wait3A_62 = tpu.memref_squeeze %dma_wait3A_61 : memref<200x1x128xi32, #tpu.memory_space<hbm>> -> memref<200x128xi32, #tpu.memory_space<hbm>>
      tpu.wait_dma2 semaphore(%run_scoped3A : memref<!tpu.dma_semaphore, #tpu.memory_space<semaphore_mem>>) src(%dma_wait3A_62 : memref<200x128xi32, #tpu.memory_space<hbm>>) dst(%arg5 : memref<200x128xi32, #tpu.memory_space<vmem>>)
      tpu.yield
    }) : () -> ()
    %iota3A = tpu.iota {dimensions = array<i32: 0>} : vector<16xi32>
    %dma_start3A = arith.constant 0 : i32
    %dma_start3A_1 = arith.constant 0 : i32
    %dma_start3A_2 = tpu.memref_slice %arg5[%dma_start3A, %dma_start3A_1] : memref<200x128xi32, #tpu.memory_space<vmem>> -> memref<1x128xi32, #tpu.memory_space<vmem>>
    %dma_start3A_3 = tpu.memref_squeeze %dma_start3A_2 : memref<1x128xi32, #tpu.memory_space<vmem>> -> memref<128xi32, #tpu.memory_space<vmem>>
    %dma_start3A_4 = arith.constant 0 : i32
    %dma_start3A_5 = arith.constant 0 : i32
    %dma_start3A_6 = tpu.memref_slice %arg2[%dma_start3A_4, %dma_start3A_5] : memref<1000000x128xf32, #tpu.memory_space<hbm>> -> memref<1000000x128xf32, #tpu.memory_space<hbm>>
    tpu.enqueue_indirect_dma source(%dma_start3A_6 : memref<1000000x128xf32, #tpu.memory_space<hbm>>) target(%arg6 : memref<128x128xf32, #tpu.memory_space<vmem>>) offsets(%dma_start3A_3 : memref<128xi32, #tpu.memory_space<vmem>>) semaphore(%arg13 : memref<!tpu.dma_semaphore, #tpu.memory_space<semaphore_mem>>)
    %dma_start3A_7 = arith.constant 1 : i32
    %dma_start3A_8 = arith.constant 0 : i32
    %dma_start3A_9 = tpu.memref_slice %arg5[%dma_start3A_7, %dma_start3A_8] : memref<200x128xi32, #tpu.memory_space<vmem>> -> memref<1x128xi32, #tpu.memory_space<vmem>>
    %dma_start3A_10 = tpu.memref_squeeze %dma_start3A_9 : memref<1x128xi32, #tpu.memory_space<vmem>> -> memref<128xi32, #tpu.memory_space<vmem>>
    %dma_start3A_11 = arith.constant 0 : i32
    %dma_start3A_12 = arith.constant 0 : i32
    %dma_start3A_13 = tpu.memref_slice %arg2[%dma_start3A_11, %dma_start3A_12] : memref<1000000x128xf32, #tpu.memory_space<hbm>> -> memref<1000000x128xf32, #tpu.memory_space<hbm>>
    tpu.enqueue_indirect_dma source(%dma_start3A_13 : memref<1000000x128xf32, #tpu.memory_space<hbm>>) target(%arg7 : memref<128x128xf32, #tpu.memory_space<vmem>>) offsets(%dma_start3A_10 : memref<128xi32, #tpu.memory_space<vmem>>) semaphore(%arg14 : memref<!tpu.dma_semaphore, #tpu.memory_space<semaphore_mem>>)
    %dma_start3A_14 = arith.constant 2 : i32
    %dma_start3A_15 = arith.constant 0 : i32
    %dma_start3A_16 = tpu.memref_slice %arg5[%dma_start3A_14, %dma_start3A_15] : memref<200x128xi32, #tpu.memory_space<vmem>> -> memref<1x128xi32, #tpu.memory_space<vmem>>
    %dma_start3A_17 = tpu.memref_squeeze %dma_start3A_16 : memref<1x128xi32, #tpu.memory_space<vmem>> -> memref<128xi32, #tpu.memory_space<vmem>>
    %dma_start3A_18 = arith.constant 0 : i32
    %dma_start3A_19 = arith.constant 0 : i32
    %dma_start3A_20 = tpu.memref_slice %arg2[%dma_start3A_18, %dma_start3A_19] : memref<1000000x128xf32, #tpu.memory_space<hbm>> -> memref<1000000x128xf32, #tpu.memory_space<hbm>>
    tpu.enqueue_indirect_dma source(%dma_start3A_20 : memref<1000000x128xf32, #tpu.memory_space<hbm>>) target(%arg8 : memref<128x128xf32, #tpu.memory_space<vmem>>) offsets(%dma_start3A_17 : memref<128xi32, #tpu.memory_space<vmem>>) semaphore(%arg15 : memref<!tpu.dma_semaphore, #tpu.memory_space<semaphore_mem>>)
    %scan3A = arith.constant 0 : i32
    %scan3A_21 = arith.constant 0 : i32
    %scan3A_22 = arith.constant 40 : i32
    %scan3A_23 = arith.addi %scan3A_21, %scan3A_22 : i32
    %scan3A_24 = arith.constant 1 : i32
    scf.for %scan3A_47 = %scan3A_21 to %scan3A_23 step %scan3A_24  : i32 {
      %mul3A_48 = arith.constant 5 : i32
      %mul3A_49 = arith.muli %scan3A_47, %mul3A_48 : i32
      %add3A_50 = arith.constant 0 : i32
      %add3A_51 = arith.addi %mul3A_49, %add3A_50 : i32
      %add3A_52 = arith.constant 3 : i32
      %add3A_53 = arith.addi %add3A_51, %add3A_52 : i32
      %dma_start3A_54 = arith.constant 0 : i32
      %dma_start3A_55 = tpu.memref_slice %arg5[%add3A_53, %dma_start3A_54] : memref<200x128xi32, #tpu.memory_space<vmem>> -> memref<1x128xi32, #tpu.memory_space<vmem>>
      %dma_start3A_56 = tpu.memref_squeeze %dma_start3A_55 : memref<1x128xi32, #tpu.memory_space<vmem>> -> memref<128xi32, #tpu.memory_space<vmem>>
      %dma_start3A_57 = arith.constant 0 : i32
      %dma_start3A_58 = arith.constant 0 : i32
      %dma_start3A_59 = tpu.memref_slice %arg2[%dma_start3A_57, %dma_start3A_58] : memref<1000000x128xf32, #tpu.memory_space<hbm>> -> memref<1000000x128xf32, #tpu.memory_space<hbm>>
      tpu.enqueue_indirect_dma source(%dma_start3A_59 : memref<1000000x128xf32, #tpu.memory_space<hbm>>) target(%arg9 : memref<128x128xf32, #tpu.memory_space<vmem>>) offsets(%dma_start3A_56 : memref<128xi32, #tpu.memory_space<vmem>>) semaphore(%arg16 : memref<!tpu.dma_semaphore, #tpu.memory_space<semaphore_mem>>)
      %dma_wait3A_60 = arith.constant 0 : i32
      %dma_wait3A_61 = arith.constant 0 : i32
      %dma_wait3A_62 = tpu.memref_slice %arg2[%dma_wait3A_60, %dma_wait3A_61] : memref<1000000x128xf32, #tpu.memory_space<hbm>> -> memref<128x128xf32, #tpu.memory_space<hbm>>
      %dma_wait3A_63 = arith.constant 0 : i32
      %dma_wait3A_64 = arith.constant 0 : i32
      %dma_wait3A_65 = tpu.memref_slice %arg2[%dma_wait3A_63, %dma_wait3A_64] : memref<1000000x128xf32, #tpu.memory_space<hbm>> -> memref<128x128xf32, #tpu.memory_space<hbm>>
      tpu.wait_dma2 semaphore(%arg13 : memref<!tpu.dma_semaphore, #tpu.memory_space<semaphore_mem>>) src(%dma_wait3A_65 : memref<128x128xf32, #tpu.memory_space<hbm>>) dst(%arg6 : memref<128x128xf32, #tpu.memory_space<vmem>>)
      %gt3A = arith.constant 0 : i32
      %gt3A_66 = arith.cmpi sgt, %scan3A_47, %gt3A : i32
      %convert_element_type3A = arith.extui %gt3A_66 : i1 to i32
      %cond3A = arith.constant 0 : i32
      %cond3A_67 = arith.cmpi ne, %convert_element_type3A, %cond3A : i32
      scf.if %cond3A_67 {
        %dma_wait3A_248 = arith.constant 0 : i32
        %dma_wait3A_249 = arith.constant 0 : i32
        %dma_wait3A_250 = arith.constant 0 : i32
        %dma_wait3A_251 = arith.constant 0 : i32
        %dma_wait3A_252 = tpu.memref_slice %arg4[%dma_wait3A_248, %dma_wait3A_249, %add3A, %dma_wait3A_250, %dma_wait3A_251] : memref<200x8x32x8x128xf32, #tpu.memory_space<hbm>> -> memref<1x8x1x8x128xf32, #tpu.memory_space<hbm>>
        %dma_wait3A_253 = tpu.memref_squeeze %dma_wait3A_252 : memref<1x8x1x8x128xf32, #tpu.memory_space<hbm>> -> memref<8x8x128xf32, #tpu.memory_space<hbm>>
        %dma_wait3A_254 = arith.constant 0 : i32
        %dma_wait3A_255 = arith.constant 0 : i32
        %dma_wait3A_256 = arith.constant 0 : i32
        %dma_wait3A_257 = tpu.memref_slice %arg4[%dma_wait3A_248, %dma_wait3A_254, %add3A, %dma_wait3A_255, %dma_wait3A_256] : memref<200x8x32x8x128xf32, #tpu.memory_space<hbm>> -> memref<1x8x1x8x128xf32, #tpu.memory_space<hbm>>
        %dma_wait3A_258 = tpu.memref_squeeze %dma_wait3A_257 : memref<1x8x1x8x128xf32, #tpu.memory_space<hbm>> -> memref<8x8x128xf32, #tpu.memory_space<hbm>>
        tpu.wait_dma2 semaphore(%arg18 : memref<!tpu.dma_semaphore, #tpu.memory_space<semaphore_mem>>) src(%arg11 : memref<8x8x128xf32, #tpu.memory_space<vmem>>) dst(%dma_wait3A_258 : memref<8x8x128xf32, #tpu.memory_space<hbm>>)
      } else {
      }
      %scan3A_68 = arith.constant 0 : i32
      %scan3A_69 = arith.constant 0 : i32
      %scan3A_70 = arith.constant 16 : i32
      %scan3A_71 = arith.addi %scan3A_69, %scan3A_70 : i32
      %scan3A_72 = arith.constant 1 : i32
      scf.for %scan3A_248 = %scan3A_69 to %scan3A_71 step %scan3A_72  : i32 {
        %add3A_249 = vector.broadcast %scan3A_248 : i32 to vector<16xi32>
        %add3A_250 = arith.addi %iota3A, %add3A_249 : vector<16xi32>
        %and3A = arith.constant 15 : i32
        %and3A_251 = vector.broadcast %and3A : i32 to vector<16xi32>
        %and3A_252 = arith.andi %add3A_250, %and3A_251 : vector<16xi32>
        %and3A_253 = arith.constant 7 : i32
        %and3A_254 = vector.broadcast %and3A_253 : i32 to vector<16xi32>
        %and3A_255 = arith.andi %and3A_252, %and3A_254 : vector<16xi32>
        %shift_right_arithmetic3A = arith.constant 3 : i32
        %shift_right_arithmetic3A_256 = vector.broadcast %shift_right_arithmetic3A : i32 to vector<16xi32>
        %shift_right_arithmetic3A_257 = arith.shrsi %and3A_252, %shift_right_arithmetic3A_256 : vector<16xi32>
        %add3A_258 = arith.constant 0 : i32
        %add3A_259 = vector.broadcast %add3A_258 : i32 to vector<16xi32>
        %add3A_260 = arith.addi %iota3A, %add3A_259 : vector<16xi32>
        %add3A_261 = arith.constant 0 : i32
        %add3A_262 = vector.broadcast %add3A_261 : i32 to vector<16xi32>
        %add3A_263 = arith.addi %and3A_252, %add3A_262 : vector<16xi32>
        %gather3A = tpu.vector_load_idx %arg6[%add3A_260, %add3A_263] : memref<128x128xf32, #tpu.memory_space<vmem>>[vector<16xi32>, vector<16xi32>], vector<16xf32>,
        %add3A_264 = arith.constant 0 : i32
        %add3A_265 = vector.broadcast %add3A_264 : i32 to vector<16xi32>
        %add3A_266 = arith.addi %shift_right_arithmetic3A_257, %add3A_265 : vector<16xi32>
        tpu.vector_store_idx %arg11[%add3A_266, %and3A_255, %add3A_260], %gather3A : memref<8x8x128xf32, #tpu.memory_space<vmem>>[vector<16xi32>, vector<16xi32>, vector<16xi32>], vector<16xf32>,
        %add3A_267 = arith.constant 16 : i32
        %add3A_268 = vector.broadcast %add3A_267 : i32 to vector<16xi32>
        %add3A_269 = arith.addi %and3A_252, %add3A_268 : vector<16xi32>
        %gather3A_270 = tpu.vector_load_idx %arg6[%add3A_260, %add3A_269] : memref<128x128xf32, #tpu.memory_space<vmem>>[vector<16xi32>, vector<16xi32>], vector<16xf32>,
        %add3A_271 = arith.constant 2 : i32
        %add3A_272 = vector.broadcast %add3A_271 : i32 to vector<16xi32>
        %add3A_273 = arith.addi %shift_right_arithmetic3A_257, %add3A_272 : vector<16xi32>
        tpu.vector_store_idx %arg11[%add3A_273, %and3A_255, %add3A_260], %gather3A_270 : memref<8x8x128xf32, #tpu.memory_space<vmem>>[vector<16xi32>, vector<16xi32>, vector<16xi32>], vector<16xf32>,
        %add3A_274 = arith.constant 32 : i32
        %add3A_275 = vector.broadcast %add3A_274 : i32 to vector<16xi32>
        %add3A_276 = arith.addi %and3A_252, %add3A_275 : vector<16xi32>
        %gather3A_277 = tpu.vector_load_idx %arg6[%add3A_260, %add3A_276] : memref<128x128xf32, #tpu.memory_space<vmem>>[vector<16xi32>, vector<16xi32>], vector<16xf32>,
        %add3A_278 = arith.constant 4 : i32
        %add3A_279 = vector.broadcast %add3A_278 : i32 to vector<16xi32>
        %add3A_280 = arith.addi %shift_right_arithmetic3A_257, %add3A_279 : vector<16xi32>
        tpu.vector_store_idx %arg11[%add3A_280, %and3A_255, %add3A_260], %gather3A_277 : memref<8x8x128xf32, #tpu.memory_space<vmem>>[vector<16xi32>, vector<16xi32>, vector<16xi32>], vector<16xf32>,
        %add3A_281 = arith.constant 48 : i32
        %add3A_282 = vector.broadcast %add3A_281 : i32 to vector<16xi32>
        %add3A_283 = arith.addi %and3A_252, %add3A_282 : vector<16xi32>
        %gather3A_284 = tpu.vector_load_idx %arg6[%add3A_260, %add3A_283] : memref<128x128xf32, #tpu.memory_space<vmem>>[vector<16xi32>, vector<16xi32>], vector<16xf32>,
        %add3A_285 = arith.constant 6 : i32
        %add3A_286 = vector.broadcast %add3A_285 : i32 to vector<16xi32>
        %add3A_287 = arith.addi %shift_right_arithmetic3A_257, %add3A_286 : vector<16xi32>
        tpu.vector_store_idx %arg11[%add3A_287, %and3A_255, %add3A_260], %gather3A_284 : memref<8x8x128xf32, #tpu.memory_space<vmem>>[vector<16xi32>, vector<16xi32>, vector<16xi32>], vector<16xf32>,
        %add3A_288 = arith.constant 16 : i32
        %add3A_289 = vector.broadcast %add3A_288 : i32 to vector<16xi32>
        %add3A_290 = arith.addi %iota3A, %add3A_289 : vector<16xi32>
        %add3A_291 = arith.constant 0 : i32
        %add3A_292 = vector.broadcast %add3A_291 : i32 to vector<16xi32>
        %add3A_293 = arith.addi %and3A_252, %add3A_292 : vector<16xi32>
        %gather3A_294 = tpu.vector_load_idx %arg6[%add3A_290, %add3A_293] : memref<128x128xf32, #tpu.memory_space<vmem>>[vector<16xi32>, vector<16xi32>], vector<16xf32>,
        %add3A_295 = arith.constant 0 : i32
        %add3A_296 = vector.broadcast %add3A_295 : i32 to vector<16xi32>
        %add3A_297 = arith.addi %shift_right_arithmetic3A_257, %add3A_296 : vector<16xi32>
        tpu.vector_store_idx %arg11[%add3A_297, %and3A_255, %add3A_290], %gather3A_294 : memref<8x8x128xf32, #tpu.memory_space<vmem>>[vector<16xi32>, vector<16xi32>, vector<16xi32>], vector<16xf32>,
        %add3A_298 = arith.constant 16 : i32
        %add3A_299 = vector.broadcast %add3A_298 : i32 to vector<16xi32>
        %add3A_300 = arith.addi %and3A_252, %add3A_299 : vector<16xi32>
        %gather3A_301 = tpu.vector_load_idx %arg6[%add3A_290, %add3A_300] : memref<128x128xf32, #tpu.memory_space<vmem>>[vector<16xi32>, vector<16xi32>], vector<16xf32>,
        %add3A_302 = arith.constant 2 : i32
        %add3A_303 = vector.broadcast %add3A_302 : i32 to vector<16xi32>
        %add3A_304 = arith.addi %shift_right_arithmetic3A_257, %add3A_303 : vector<16xi32>
        tpu.vector_store_idx %arg11[%add3A_304, %and3A_255, %add3A_290], %gather3A_301 : memref<8x8x128xf32, #tpu.memory_space<vmem>>[vector<16xi32>, vector<16xi32>, vector<16xi32>], vector<16xf32>,
        %add3A_305 = arith.constant 32 : i32
        %add3A_306 = vector.broadcast %add3A_305 : i32 to vector<16xi32>
        %add3A_307 = arith.addi %and3A_252, %add3A_306 : vector<16xi32>
        %gather3A_308 = tpu.vector_load_idx %arg6[%add3A_290, %add3A_307] : memref<128x128xf32, #tpu.memory_space<vmem>>[vector<16xi32>, vector<16xi32>], vector<16xf32>,
        %add3A_309 = arith.constant 4 : i32
        %add3A_310 = vector.broadcast %add3A_309 : i32 to vector<16xi32>
        %add3A_311 = arith.addi %shift_right_arithmetic3A_257, %add3A_310 : vector<16xi32>
        tpu.vector_store_idx %arg11[%add3A_311, %and3A_255, %add3A_290], %gather3A_308 : memref<8x8x128xf32, #tpu.memory_space<vmem>>[vector<16xi32>, vector<16xi32>, vector<16xi32>], vector<16xf32>,
        %add3A_312 = arith.constant 48 : i32
        %add3A_313 = vector.broadcast %add3A_312 : i32 to vector<16xi32>
        %add3A_314 = arith.addi %and3A_252, %add3A_313 : vector<16xi32>
        %gather3A_315 = tpu.vector_load_idx %arg6[%add3A_290, %add3A_314] : memref<128x128xf32, #tpu.memory_space<vmem>>[vector<16xi32>, vector<16xi32>], vector<16xf32>,
        %add3A_316 = arith.constant 6 : i32
        %add3A_317 = vector.broadcast %add3A_316 : i32 to vector<16xi32>
        %add3A_318 = arith.addi %shift_right_arithmetic3A_257, %add3A_317 : vector<16xi32>
        tpu.vector_store_idx %arg11[%add3A_318, %and3A_255, %add3A_290], %gather3A_315 : memref<8x8x128xf32, #tpu.memory_space<vmem>>[vector<16xi32>, vector<16xi32>, vector<16xi32>], vector<16xf32>,
        %add3A_319 = arith.constant 32 : i32
        %add3A_320 = vector.broadcast %add3A_319 : i32 to vector<16xi32>
        %add3A_321 = arith.addi %iota3A, %add3A_320 : vector<16xi32>
        %add3A_322 = arith.constant 0 : i32
        %add3A_323 = vector.broadcast %add3A_322 : i32 to vector<16xi32>
        %add3A_324 = arith.addi %and3A_252, %add3A_323 : vector<16xi32>
        %gather3A_325 = tpu.vector_load_idx %arg6[%add3A_321, %add3A_324] : memref<128x128xf32, #tpu.memory_space<vmem>>[vector<16xi32>, vector<16xi32>], vector<16xf32>,
        %add3A_326 = arith.constant 0 : i32
        %add3A_327 = vector.broadcast %add3A_326 : i32 to vector<16xi32>
        %add3A_328 = arith.addi %shift_right_arithmetic3A_257, %add3A_327 : vector<16xi32>
        tpu.vector_store_idx %arg11[%add3A_328, %and3A_255, %add3A_321], %gather3A_325 : memref<8x8x128xf32, #tpu.memory_space<vmem>>[vector<16xi32>, vector<16xi32>, vector<16xi32>], vector<16xf32>,
        %add3A_329 = arith.constant 16 : i32
        %add3A_330 = vector.broadcast %add3A_329 : i32 to vector<16xi32>
        %add3A_331 = arith.addi %and3A_252, %add3A_330 : vector<16xi32>
        %gather3A_332 = tpu.vector_load_idx %arg6[%add3A_321, %add3A_331] : memref<128x128xf32, #tpu.memory_space<vmem>>[vector<16xi32>, vector<16xi32>], vector<16xf32>,
        %add3A_333 = arith.constant 2 : i32
        %add3A_334 = vector.broadcast %add3A_333 : i32 to vector<16xi32>
        %add3A_335 = arith.addi %shift_right_arithmetic3A_257, %add3A_334 : vector<16xi32>
        tpu.vector_store_idx %arg11[%add3A_335, %and3A_255, %add3A_321], %gather3A_332 : memref<8x8x128xf32, #tpu.memory_space<vmem>>[vector<16xi32>, vector<16xi32>, vector<16xi32>], vector<16xf32>,
        %add3A_336 = arith.constant 32 : i32
        %add3A_337 = vector.broadcast %add3A_336 : i32 to vector<16xi32>
        %add3A_338 = arith.addi %and3A_252, %add3A_337 : vector<16xi32>
        %gather3A_339 = tpu.vector_load_idx %arg6[%add3A_321, %add3A_338] : memref<128x128xf32, #tpu.memory_space<vmem>>[vector<16xi32>, vector<16xi32>], vector<16xf32>,
        %add3A_340 = arith.constant 4 : i32
        %add3A_341 = vector.broadcast %add3A_340 : i32 to vector<16xi32>
        %add3A_342 = arith.addi %shift_right_arithmetic3A_257, %add3A_341 : vector<16xi32>
        tpu.vector_store_idx %arg11[%add3A_342, %and3A_255, %add3A_321], %gather3A_339 : memref<8x8x128xf32, #tpu.memory_space<vmem>>[vector<16xi32>, vector<16xi32>, vector<16xi32>], vector<16xf32>,
        %add3A_343 = arith.constant 48 : i32
        %add3A_344 = vector.broadcast %add3A_343 : i32 to vector<16xi32>
        %add3A_345 = arith.addi %and3A_252, %add3A_344 : vector<16xi32>
        %gather3A_346 = tpu.vector_load_idx %arg6[%add3A_321, %add3A_345] : memref<128x128xf32, #tpu.memory_space<vmem>>[vector<16xi32>, vector<16xi32>], vector<16xf32>,
        %add3A_347 = arith.constant 6 : i32
        %add3A_348 = vector.broadcast %add3A_347 : i32 to vector<16xi32>
        %add3A_349 = arith.addi %shift_right_arithmetic3A_257, %add3A_348 : vector<16xi32>
        tpu.vector_store_idx %arg11[%add3A_349, %and3A_255, %add3A_321], %gather3A_346 : memref<8x8x128xf32, #tpu.memory_space<vmem>>[vector<16xi32>, vector<16xi32>, vector<16xi32>], vector<16xf32>,
        %add3A_350 = arith.constant 48 : i32
        %add3A_351 = vector.broadcast %add3A_350 : i32 to vector<16xi32>
        %add3A_352 = arith.addi %iota3A, %add3A_351 : vector<16xi32>
        %add3A_353 = arith.constant 0 : i32
        %add3A_354 = vector.broadcast %add3A_353 : i32 to vector<16xi32>
        %add3A_355 = arith.addi %and3A_252, %add3A_354 : vector<16xi32>
        %gather3A_356 = tpu.vector_load_idx %arg6[%add3A_352, %add3A_355] : memref<128x128xf32, #tpu.memory_space<vmem>>[vector<16xi32>, vector<16xi32>], vector<16xf32>,
        %add3A_357 = arith.constant 0 : i32
        %add3A_358 = vector.broadcast %add3A_357 : i32 to vector<16xi32>
        %add3A_359 = arith.addi %shift_right_arithmetic3A_257, %add3A_358 : vector<16xi32>
        tpu.vector_store_idx %arg11[%add3A_359, %and3A_255, %add3A_352], %gather3A_356 : memref<8x8x128xf32, #tpu.memory_space<vmem>>[vector<16xi32>, vector<16xi32>, vector<16xi32>], vector<16xf32>,
        %add3A_360 = arith.constant 16 : i32
        %add3A_361 = vector.broadcast %add3A_360 : i32 to vector<16xi32>
        %add3A_362 = arith.addi %and3A_252, %add3A_361 : vector<16xi32>
        %gather3A_363 = tpu.vector_load_idx %arg6[%add3A_352, %add3A_362] : memref<128x128xf32, #tpu.memory_space<vmem>>[vector<16xi32>, vector<16xi32>], vector<16xf32>,
        %add3A_364 = arith.constant 2 : i32
        %add3A_365 = vector.broadcast %add3A_364 : i32 to vector<16xi32>
        %add3A_366 = arith.addi %shift_right_arithmetic3A_257, %add3A_365 : vector<16xi32>
        tpu.vector_store_idx %arg11[%add3A_366, %and3A_255, %add3A_352], %gather3A_363 : memref<8x8x128xf32, #tpu.memory_space<vmem>>[vector<16xi32>, vector<16xi32>, vector<16xi32>], vector<16xf32>,
        %add3A_367 = arith.constant 32 : i32
        %add3A_368 = vector.broadcast %add3A_367 : i32 to vector<16xi32>
        %add3A_369 = arith.addi %and3A_252, %add3A_368 : vector<16xi32>
        %gather3A_370 = tpu.vector_load_idx %arg6[%add3A_352, %add3A_369] : memref<128x128xf32, #tpu.memory_space<vmem>>[vector<16xi32>, vector<16xi32>], vector<16xf32>,
        %add3A_371 = arith.constant 4 : i32
        %add3A_372 = vector.broadcast %add3A_371 : i32 to vector<16xi32>
        %add3A_373 = arith.addi %shift_right_arithmetic3A_257, %add3A_372 : vector<16xi32>
        tpu.vector_store_idx %arg11[%add3A_373, %and3A_255, %add3A_352], %gather3A_370 : memref<8x8x128xf32, #tpu.memory_space<vmem>>[vector<16xi32>, vector<16xi32>, vector<16xi32>], vector<16xf32>,
        %add3A_374 = arith.constant 48 : i32
        %add3A_375 = vector.broadcast %add3A_374 : i32 to vector<16xi32>
        %add3A_376 = arith.addi %and3A_252, %add3A_375 : vector<16xi32>
        %gather3A_377 = tpu.vector_load_idx %arg6[%add3A_352, %add3A_376] : memref<128x128xf32, #tpu.memory_space<vmem>>[vector<16xi32>, vector<16xi32>], vector<16xf32>,
        %add3A_378 = arith.constant 6 : i32
        %add3A_379 = vector.broadcast %add3A_378 : i32 to vector<16xi32>
        %add3A_380 = arith.addi %shift_right_arithmetic3A_257, %add3A_379 : vector<16xi32>
        tpu.vector_store_idx %arg11[%add3A_380, %and3A_255, %add3A_352], %gather3A_377 : memref<8x8x128xf32, #tpu.memory_space<vmem>>[vector<16xi32>, vector<16xi32>, vector<16xi32>], vector<16xf32>,
        %add3A_381 = arith.constant 64 : i32
        %add3A_382 = vector.broadcast %add3A_381 : i32 to vector<16xi32>
        %add3A_383 = arith.addi %iota3A, %add3A_382 : vector<16xi32>
        %add3A_384 = arith.constant 0 : i32
        %add3A_385 = vector.broadcast %add3A_384 : i32 to vector<16xi32>
        %add3A_386 = arith.addi %and3A_252, %add3A_385 : vector<16xi32>
        %gather3A_387 = tpu.vector_load_idx %arg6[%add3A_383, %add3A_386] : memref<128x128xf32, #tpu.memory_space<vmem>>[vector<16xi32>, vector<16xi32>], vector<16xf32>,
        %add3A_388 = arith.constant 0 : i32
        %add3A_389 = vector.broadcast %add3A_388 : i32 to vector<16xi32>
        %add3A_390 = arith.addi %shift_right_arithmetic3A_257, %add3A_389 : vector<16xi32>
        tpu.vector_store_idx %arg11[%add3A_390, %and3A_255, %add3A_383], %gather3A_387 : memref<8x8x128xf32, #tpu.memory_space<vmem>>[vector<16xi32>, vector<16xi32>, vector<16xi32>], vector<16xf32>,
        %add3A_391 = arith.constant 16 : i32
        %add3A_392 = vector.broadcast %add3A_391 : i32 to vector<16xi32>
        %add3A_393 = arith.addi %and3A_252, %add3A_392 : vector<16xi32>
        %gather3A_394 = tpu.vector_load_idx %arg6[%add3A_383, %add3A_393] : memref<128x128xf32, #tpu.memory_space<vmem>>[vector<16xi32>, vector<16xi32>], vector<16xf32>,
        %add3A_395 = arith.constant 2 : i32
        %add3A_396 = vector.broadcast %add3A_395 : i32 to vector<16xi32>
        %add3A_397 = arith.addi %shift_right_arithmetic3A_257, %add3A_396 : vector<16xi32>
        tpu.vector_store_idx %arg11[%add3A_397, %and3A_255, %add3A_383], %gather3A_394 : memref<8x8x128xf32, #tpu.memory_space<vmem>>[vector<16xi32>, vector<16xi32>, vector<16xi32>], vector<16xf32>,
        %add3A_398 = arith.constant 32 : i32
        %add3A_399 = vector.broadcast %add3A_398 : i32 to vector<16xi32>
        %add3A_400 = arith.addi %and3A_252, %add3A_399 : vector<16xi32>
        %gather3A_401 = tpu.vector_load_idx %arg6[%add3A_383, %add3A_400] : memref<128x128xf32, #tpu.memory_space<vmem>>[vector<16xi32>, vector<16xi32>], vector<16xf32>,
        %add3A_402 = arith.constant 4 : i32
        %add3A_403 = vector.broadcast %add3A_402 : i32 to vector<16xi32>
        %add3A_404 = arith.addi %shift_right_arithmetic3A_257, %add3A_403 : vector<16xi32>
        tpu.vector_store_idx %arg11[%add3A_404, %and3A_255, %add3A_383], %gather3A_401 : memref<8x8x128xf32, #tpu.memory_space<vmem>>[vector<16xi32>, vector<16xi32>, vector<16xi32>], vector<16xf32>,
        %add3A_405 = arith.constant 48 : i32
        %add3A_406 = vector.broadcast %add3A_405 : i32 to vector<16xi32>
        %add3A_407 = arith.addi %and3A_252, %add3A_406 : vector<16xi32>
        %gather3A_408 = tpu.vector_load_idx %arg6[%add3A_383, %add3A_407] : memref<128x128xf32, #tpu.memory_space<vmem>>[vector<16xi32>, vector<16xi32>], vector<16xf32>,
        %add3A_409 = arith.constant 6 : i32
        %add3A_410 = vector.broadcast %add3A_409 : i32 to vector<16xi32>
        %add3A_411 = arith.addi %shift_right_arithmetic3A_257, %add3A_410 : vector<16xi32>
        tpu.vector_store_idx %arg11[%add3A_411, %and3A_255, %add3A_383], %gather3A_408 : memref<8x8x128xf32, #tpu.memory_space<vmem>>[vector<16xi32>, vector<16xi32>, vector<16xi32>], vector<16xf32>,
        %add3A_412 = arith.constant 80 : i32
        %add3A_413 = vector.broadcast %add3A_412 : i32 to vector<16xi32>
        %add3A_414 = arith.addi %iota3A, %add3A_413 : vector<16xi32>
        %add3A_415 = arith.constant 0 : i32
        %add3A_416 = vector.broadcast %add3A_415 : i32 to vector<16xi32>
        %add3A_417 = arith.addi %and3A_252, %add3A_416 : vector<16xi32>
        %gather3A_418 = tpu.vector_load_idx %arg6[%add3A_414, %add3A_417] : memref<128x128xf32, #tpu.memory_space<vmem>>[vector<16xi32>, vector<16xi32>], vector<16xf32>,
        %add3A_419 = arith.constant 0 : i32
        %add3A_420 = vector.broadcast %add3A_419 : i32 to vector<16xi32>
        %add3A_421 = arith.addi %shift_right_arithmetic3A_257, %add3A_420 : vector<16xi32>
        tpu.vector_store_idx %arg11[%add3A_421, %and3A_255, %add3A_414], %gather3A_418 : memref<8x8x128xf32, #tpu.memory_space<vmem>>[vector<16xi32>, vector<16xi32>, vector<16xi32>], vector<16xf32>,
        %add3A_422 = arith.constant 16 : i32
        %add3A_423 = vector.broadcast %add3A_422 : i32 to vector<16xi32>
        %add3A_424 = arith.addi %and3A_252, %add3A_423 : vector<16xi32>
        %gather3A_425 = tpu.vector_load_idx %arg6[%add3A_414, %add3A_424] : memref<128x128xf32, #tpu.memory_space<vmem>>[vector<16xi32>, vector<16xi32>], vector<16xf32>,
        %add3A_426 = arith.constant 2 : i32
        %add3A_427 = vector.broadcast %add3A_426 : i32 to vector<16xi32>
        %add3A_428 = arith.addi %shift_right_arithmetic3A_257, %add3A_427 : vector<16xi32>
        tpu.vector_store_idx %arg11[%add3A_428, %and3A_255, %add3A_414], %gather3A_425 : memref<8x8x128xf32, #tpu.memory_space<vmem>>[vector<16xi32>, vector<16xi32>, vector<16xi32>], vector<16xf32>,
        %add3A_429 = arith.constant 32 : i32
        %add3A_430 = vector.broadcast %add3A_429 : i32 to vector<16xi32>
        %add3A_431 = arith.addi %and3A_252, %add3A_430 : vector<16xi32>
        %gather3A_432 = tpu.vector_load_idx %arg6[%add3A_414, %add3A_431] : memref<128x128xf32, #tpu.memory_space<vmem>>[vector<16xi32>, vector<16xi32>], vector<16xf32>,
        %add3A_433 = arith.constant 4 : i32
        %add3A_434 = vector.broadcast %add3A_433 : i32 to vector<16xi32>
        %add3A_435 = arith.addi %shift_right_arithmetic3A_257, %add3A_434 : vector<16xi32>
        tpu.vector_store_idx %arg11[%add3A_435, %and3A_255, %add3A_414], %gather3A_432 : memref<8x8x128xf32, #tpu.memory_space<vmem>>[vector<16xi32>, vector<16xi32>, vector<16xi32>], vector<16xf32>,
        %add3A_436 = arith.constant 48 : i32
        %add3A_437 = vector.broadcast %add3A_436 : i32 to vector<16xi32>
        %add3A_438 = arith.addi %and3A_252, %add3A_437 : vector<16xi32>
        %gather3A_439 = tpu.vector_load_idx %arg6[%add3A_414, %add3A_438] : memref<128x128xf32, #tpu.memory_space<vmem>>[vector<16xi32>, vector<16xi32>], vector<16xf32>,
        %add3A_440 = arith.constant 6 : i32
        %add3A_441 = vector.broadcast %add3A_440 : i32 to vector<16xi32>
        %add3A_442 = arith.addi %shift_right_arithmetic3A_257, %add3A_441 : vector<16xi32>
        tpu.vector_store_idx %arg11[%add3A_442, %and3A_255, %add3A_414], %gather3A_439 : memref<8x8x128xf32, #tpu.memory_space<vmem>>[vector<16xi32>, vector<16xi32>, vector<16xi32>], vector<16xf32>,
        %add3A_443 = arith.constant 96 : i32
        %add3A_444 = vector.broadcast %add3A_443 : i32 to vector<16xi32>
        %add3A_445 = arith.addi %iota3A, %add3A_444 : vector<16xi32>
        %add3A_446 = arith.constant 0 : i32
        %add3A_447 = vector.broadcast %add3A_446 : i32 to vector<16xi32>
        %add3A_448 = arith.addi %and3A_252, %add3A_447 : vector<16xi32>
        %gather3A_449 = tpu.vector_load_idx %arg6[%add3A_445, %add3A_448] : memref<128x128xf32, #tpu.memory_space<vmem>>[vector<16xi32>, vector<16xi32>], vector<16xf32>,
        %add3A_450 = arith.constant 0 : i32
        %add3A_451 = vector.broadcast %add3A_450 : i32 to vector<16xi32>
        %add3A_452 = arith.addi %shift_right_arithmetic3A_257, %add3A_451 : vector<16xi32>
        tpu.vector_store_idx %arg11[%add3A_452, %and3A_255, %add3A_445], %gather3A_449 : memref<8x8x128xf32, #tpu.memory_space<vmem>>[vector<16xi32>, vector<16xi32>, vector<16xi32>], vector<16xf32>,
        %add3A_453 = arith.constant 16 : i32
        %add3A_454 = vector.broadcast %add3A_453 : i32 to vector<16xi32>
        %add3A_455 = arith.addi %and3A_252, %add3A_454 : vector<16xi32>
        %gather3A_456 = tpu.vector_load_idx %arg6[%add3A_445, %add3A_455] : memref<128x128xf32, #tpu.memory_space<vmem>>[vector<16xi32>, vector<16xi32>], vector<16xf32>,
        %add3A_457 = arith.constant 2 : i32
        %add3A_458 = vector.broadcast %add3A_457 : i32 to vector<16xi32>
        %add3A_459 = arith.addi %shift_right_arithmetic3A_257, %add3A_458 : vector<16xi32>
        tpu.vector_store_idx %arg11[%add3A_459, %and3A_255, %add3A_445], %gather3A_456 : memref<8x8x128xf32, #tpu.memory_space<vmem>>[vector<16xi32>, vector<16xi32>, vector<16xi32>], vector<16xf32>,
        %add3A_460 = arith.constant 32 : i32
        %add3A_461 = vector.broadcast %add3A_460 : i32 to vector<16xi32>
        %add3A_462 = arith.addi %and3A_252, %add3A_461 : vector<16xi32>
        %gather3A_463 = tpu.vector_load_idx %arg6[%add3A_445, %add3A_462] : memref<128x128xf32, #tpu.memory_space<vmem>>[vector<16xi32>, vector<16xi32>], vector<16xf32>,
        %add3A_464 = arith.constant 4 : i32
        %add3A_465 = vector.broadcast %add3A_464 : i32 to vector<16xi32>
        %add3A_466 = arith.addi %shift_right_arithmetic3A_257, %add3A_465 : vector<16xi32>
        tpu.vector_store_idx %arg11[%add3A_466, %and3A_255, %add3A_445], %gather3A_463 : memref<8x8x128xf32, #tpu.memory_space<vmem>>[vector<16xi32>, vector<16xi32>, vector<16xi32>], vector<16xf32>,
        %add3A_467 = arith.constant 48 : i32
        %add3A_468 = vector.broadcast %add3A_467 : i32 to vector<16xi32>
        %add3A_469 = arith.addi %and3A_252, %add3A_468 : vector<16xi32>
        %gather3A_470 = tpu.vector_load_idx %arg6[%add3A_445, %add3A_469] : memref<128x128xf32, #tpu.memory_space<vmem>>[vector<16xi32>, vector<16xi32>], vector<16xf32>,
        %add3A_471 = arith.constant 6 : i32
        %add3A_472 = vector.broadcast %add3A_471 : i32 to vector<16xi32>
        %add3A_473 = arith.addi %shift_right_arithmetic3A_257, %add3A_472 : vector<16xi32>
        tpu.vector_store_idx %arg11[%add3A_473, %and3A_255, %add3A_445], %gather3A_470 : memref<8x8x128xf32, #tpu.memory_space<vmem>>[vector<16xi32>, vector<16xi32>, vector<16xi32>], vector<16xf32>,
        %add3A_474 = arith.constant 112 : i32
        %add3A_475 = vector.broadcast %add3A_474 : i32 to vector<16xi32>
        %add3A_476 = arith.addi %iota3A, %add3A_475 : vector<16xi32>
        %add3A_477 = arith.constant 0 : i32
        %add3A_478 = vector.broadcast %add3A_477 : i32 to vector<16xi32>
        %add3A_479 = arith.addi %and3A_252, %add3A_478 : vector<16xi32>
        %gather3A_480 = tpu.vector_load_idx %arg6[%add3A_476, %add3A_479] : memref<128x128xf32, #tpu.memory_space<vmem>>[vector<16xi32>, vector<16xi32>], vector<16xf32>,
        %add3A_481 = arith.constant 0 : i32
        %add3A_482 = vector.broadcast %add3A_481 : i32 to vector<16xi32>
        %add3A_483 = arith.addi %shift_right_arithmetic3A_257, %add3A_482 : vector<16xi32>
        tpu.vector_store_idx %arg11[%add3A_483, %and3A_255, %add3A_476], %gather3A_480 : memref<8x8x128xf32, #tpu.memory_space<vmem>>[vector<16xi32>, vector<16xi32>, vector<16xi32>], vector<16xf32>,
        %add3A_484 = arith.constant 16 : i32
        %add3A_485 = vector.broadcast %add3A_484 : i32 to vector<16xi32>
        %add3A_486 = arith.addi %and3A_252, %add3A_485 : vector<16xi32>
        %gather3A_487 = tpu.vector_load_idx %arg6[%add3A_476, %add3A_486] : memref<128x128xf32, #tpu.memory_space<vmem>>[vector<16xi32>, vector<16xi32>], vector<16xf32>,
        %add3A_488 = arith.constant 2 : i32
        %add3A_489 = vector.broadcast %add3A_488 : i32 to vector<16xi32>
        %add3A_490 = arith.addi %shift_right_arithmetic3A_257, %add3A_489 : vector<16xi32>
        tpu.vector_store_idx %arg11[%add3A_490, %and3A_255, %add3A_476], %gather3A_487 : memref<8x8x128xf32, #tpu.memory_space<vmem>>[vector<16xi32>, vector<16xi32>, vector<16xi32>], vector<16xf32>,
        %add3A_491 = arith.constant 32 : i32
        %add3A_492 = vector.broadcast %add3A_491 : i32 to vector<16xi32>
        %add3A_493 = arith.addi %and3A_252, %add3A_492 : vector<16xi32>
        %gather3A_494 = tpu.vector_load_idx %arg6[%add3A_476, %add3A_493] : memref<128x128xf32, #tpu.memory_space<vmem>>[vector<16xi32>, vector<16xi32>], vector<16xf32>,
        %add3A_495 = arith.constant 4 : i32
        %add3A_496 = vector.broadcast %add3A_495 : i32 to vector<16xi32>
        %add3A_497 = arith.addi %shift_right_arithmetic3A_257, %add3A_496 : vector<16xi32>
        tpu.vector_store_idx %arg11[%add3A_497, %and3A_255, %add3A_476], %gather3A_494 : memref<8x8x128xf32, #tpu.memory_space<vmem>>[vector<16xi32>, vector<16xi32>, vector<16xi32>], vector<16xf32>,
        %add3A_498 = arith.constant 48 : i32
        %add3A_499 = vector.broadcast %add3A_498 : i32 to vector<16xi32>
        %add3A_500 = arith.addi %and3A_252, %add3A_499 : vector<16xi32>
        %gather3A_501 = tpu.vector_load_idx %arg6[%add3A_476, %add3A_500] : memref<128x128xf32, #tpu.memory_space<vmem>>[vector<16xi32>, vector<16xi32>], vector<16xf32>,
        %add3A_502 = arith.constant 6 : i32
        %add3A_503 = vector.broadcast %add3A_502 : i32 to vector<16xi32>
        %add3A_504 = arith.addi %shift_right_arithmetic3A_257, %add3A_503 : vector<16xi32>
        tpu.vector_store_idx %arg11[%add3A_504, %and3A_255, %add3A_476], %gather3A_501 : memref<8x8x128xf32, #tpu.memory_space<vmem>>[vector<16xi32>, vector<16xi32>, vector<16xi32>], vector<16xf32>,
      }
      %scan3A_73 = arith.constant 16 : i32
      %dma_start3A_74 = arith.constant 0 : i32
      %dma_start3A_75 = arith.constant 0 : i32
      %dma_start3A_76 = arith.constant 0 : i32
      %dma_start3A_77 = tpu.memref_slice %arg4[%add3A_51, %dma_start3A_74, %add3A, %dma_start3A_75, %dma_start3A_76] : memref<200x8x32x8x128xf32, #tpu.memory_space<hbm>> -> memref<1x8x1x8x128xf32, #tpu.memory_space<hbm>>
      %dma_start3A_78 = tpu.memref_squeeze %dma_start3A_77 : memref<1x8x1x8x128xf32, #tpu.memory_space<hbm>> -> memref<8x8x128xf32, #tpu.memory_space<hbm>>
      %dma_start3A_79 = arith.constant 0 : i32
      %dma_start3A_80 = arith.constant 0 : i32
      %dma_start3A_81 = arith.constant 0 : i32
      %dma_start3A_82 = tpu.memref_slice %arg4[%add3A_51, %dma_start3A_79, %add3A, %dma_start3A_80, %dma_start3A_81] : memref<200x8x32x8x128xf32, #tpu.memory_space<hbm>> -> memref<1x8x1x8x128xf32, #tpu.memory_space<hbm>>
      %dma_start3A_83 = tpu.memref_squeeze %dma_start3A_82 : memref<1x8x1x8x128xf32, #tpu.memory_space<hbm>> -> memref<8x8x128xf32, #tpu.memory_space<hbm>>
      tpu.enqueue_dma source(%arg11 : memref<8x8x128xf32, #tpu.memory_space<vmem>>) target(%dma_start3A_83 : memref<8x8x128xf32, #tpu.memory_space<hbm>>) target_semaphore(%arg18 : memref<!tpu.dma_semaphore, #tpu.memory_space<semaphore_mem>>)
      %mul3A_84 = arith.constant 5 : i32
      %mul3A_85 = arith.muli %scan3A_47, %mul3A_84 : i32
      %add3A_86 = arith.constant 1 : i32
      %add3A_87 = arith.addi %mul3A_85, %add3A_86 : i32
      %add3A_88 = arith.constant 3 : i32
      %add3A_89 = arith.addi %add3A_87, %add3A_88 : i32
      %dma_start3A_90 = arith.constant 0 : i32
      %dma_start3A_91 = tpu.memref_slice %arg5[%add3A_89, %dma_start3A_90] : memref<200x128xi32, #tpu.memory_space<vmem>> -> memref<1x128xi32, #tpu.memory_space<vmem>>
      %dma_start3A_92 = tpu.memref_squeeze %dma_start3A_91 : memref<1x128xi32, #tpu.memory_space<vmem>> -> memref<128xi32, #tpu.memory_space<vmem>>
      %dma_start3A_93 = arith.constant 0 : i32
      %dma_start3A_94 = arith.constant 0 : i32
      %dma_start3A_95 = tpu.memref_slice %arg2[%dma_start3A_93, %dma_start3A_94] : memref<1000000x128xf32, #tpu.memory_space<hbm>> -> memref<1000000x128xf32, #tpu.memory_space<hbm>>
      tpu.enqueue_indirect_dma source(%dma_start3A_95 : memref<1000000x128xf32, #tpu.memory_space<hbm>>) target(%arg10 : memref<128x128xf32, #tpu.memory_space<vmem>>) offsets(%dma_start3A_92 : memref<128xi32, #tpu.memory_space<vmem>>) semaphore(%arg17 : memref<!tpu.dma_semaphore, #tpu.memory_space<semaphore_mem>>)
      %dma_wait3A_96 = arith.constant 0 : i32
      %dma_wait3A_97 = arith.constant 0 : i32
      %dma_wait3A_98 = tpu.memref_slice %arg2[%dma_wait3A_96, %dma_wait3A_97] : memref<1000000x128xf32, #tpu.memory_space<hbm>> -> memref<128x128xf32, #tpu.memory_space<hbm>>
      %dma_wait3A_99 = arith.constant 0 : i32
      %dma_wait3A_100 = arith.constant 0 : i32
      %dma_wait3A_101 = tpu.memref_slice %arg2[%dma_wait3A_99, %dma_wait3A_100] : memref<1000000x128xf32, #tpu.memory_space<hbm>> -> memref<128x128xf32, #tpu.memory_space<hbm>>
      tpu.wait_dma2 semaphore(%arg14 : memref<!tpu.dma_semaphore, #tpu.memory_space<semaphore_mem>>) src(%dma_wait3A_101 : memref<128x128xf32, #tpu.memory_space<hbm>>) dst(%arg7 : memref<128x128xf32, #tpu.memory_space<vmem>>)
      %gt3A_102 = arith.constant 0 : i32
      %gt3A_103 = arith.cmpi sgt, %scan3A_47, %gt3A_102 : i32
      %convert_element_type3A_104 = arith.extui %gt3A_103 : i1 to i32
      %cond3A_105 = arith.constant 0 : i32
      %cond3A_106 = arith.cmpi ne, %convert_element_type3A_104, %cond3A_105 : i32
      scf.if %cond3A_106 {
        %dma_wait3A_248 = arith.constant 0 : i32
        %dma_wait3A_249 = arith.constant 0 : i32
        %dma_wait3A_250 = arith.constant 0 : i32
        %dma_wait3A_251 = arith.constant 0 : i32
        %dma_wait3A_252 = tpu.memref_slice %arg4[%dma_wait3A_248, %dma_wait3A_249, %add3A, %dma_wait3A_250, %dma_wait3A_251] : memref<200x8x32x8x128xf32, #tpu.memory_space<hbm>> -> memref<1x8x1x8x128xf32, #tpu.memory_space<hbm>>
        %dma_wait3A_253 = tpu.memref_squeeze %dma_wait3A_252 : memref<1x8x1x8x128xf32, #tpu.memory_space<hbm>> -> memref<8x8x128xf32, #tpu.memory_space<hbm>>
        %dma_wait3A_254 = arith.constant 0 : i32
        %dma_wait3A_255 = arith.constant 0 : i32
        %dma_wait3A_256 = arith.constant 0 : i32
        %dma_wait3A_257 = tpu.memref_slice %arg4[%dma_wait3A_248, %dma_wait3A_254, %add3A, %dma_wait3A_255, %dma_wait3A_256] : memref<200x8x32x8x128xf32, #tpu.memory_space<hbm>> -> memref<1x8x1x8x128xf32, #tpu.memory_space<hbm>>
        %dma_wait3A_258 = tpu.memref_squeeze %dma_wait3A_257 : memref<1x8x1x8x128xf32, #tpu.memory_space<hbm>> -> memref<8x8x128xf32, #tpu.memory_space<hbm>>
        tpu.wait_dma2 semaphore(%arg19 : memref<!tpu.dma_semaphore, #tpu.memory_space<semaphore_mem>>) src(%arg12 : memref<8x8x128xf32, #tpu.memory_space<vmem>>) dst(%dma_wait3A_258 : memref<8x8x128xf32, #tpu.memory_space<hbm>>)
      } else {
      }
      %scan3A_107 = arith.constant 0 : i32
      %scan3A_108 = arith.constant 0 : i32
      %scan3A_109 = arith.constant 16 : i32
      %scan3A_110 = arith.addi %scan3A_108, %scan3A_109 : i32
      %scan3A_111 = arith.constant 1 : i32
      scf.for %scan3A_248 = %scan3A_108 to %scan3A_110 step %scan3A_111  : i32 {
        %add3A_249 = vector.broadcast %scan3A_248 : i32 to vector<16xi32>
        %add3A_250 = arith.addi %iota3A, %add3A_249 : vector<16xi32>
        %and3A = arith.constant 15 : i32
        %and3A_251 = vector.broadcast %and3A : i32 to vector<16xi32>
        %and3A_252 = arith.andi %add3A_250, %and3A_251 : vector<16xi32>
        %and3A_253 = arith.constant 7 : i32
        %and3A_254 = vector.broadcast %and3A_253 : i32 to vector<16xi32>
        %and3A_255 = arith.andi %and3A_252, %and3A_254 : vector<16xi32>
        %shift_right_arithmetic3A = arith.constant 3 : i32
        %shift_right_arithmetic3A_256 = vector.broadcast %shift_right_arithmetic3A : i32 to vector<16xi32>
        %shift_right_arithmetic3A_257 = arith.shrsi %and3A_252, %shift_right_arithmetic3A_256 : vector<16xi32>
        %add3A_258 = arith.constant 0 : i32
        %add3A_259 = vector.broadcast %add3A_258 : i32 to vector<16xi32>
        %add3A_260 = arith.addi %iota3A, %add3A_259 : vector<16xi32>
        %add3A_261 = arith.constant 0 : i32
        %add3A_262 = vector.broadcast %add3A_261 : i32 to vector<16xi32>
        %add3A_263 = arith.addi %and3A_252, %add3A_262 : vector<16xi32>
        %gather3A = tpu.vector_load_idx %arg7[%add3A_260, %add3A_263] : memref<128x128xf32, #tpu.memory_space<vmem>>[vector<16xi32>, vector<16xi32>], vector<16xf32>,
        %add3A_264 = arith.constant 0 : i32
        %add3A_265 = vector.broadcast %add3A_264 : i32 to vector<16xi32>
        %add3A_266 = arith.addi %shift_right_arithmetic3A_257, %add3A_265 : vector<16xi32>
        tpu.vector_store_idx %arg12[%add3A_266, %and3A_255, %add3A_260], %gather3A : memref<8x8x128xf32, #tpu.memory_space<vmem>>[vector<16xi32>, vector<16xi32>, vector<16xi32>], vector<16xf32>,
        %add3A_267 = arith.constant 16 : i32
        %add3A_268 = vector.broadcast %add3A_267 : i32 to vector<16xi32>
        %add3A_269 = arith.addi %and3A_252, %add3A_268 : vector<16xi32>
        %gather3A_270 = tpu.vector_load_idx %arg7[%add3A_260, %add3A_269] : memref<128x128xf32, #tpu.memory_space<vmem>>[vector<16xi32>, vector<16xi32>], vector<16xf32>,
        %add3A_271 = arith.constant 2 : i32
        %add3A_272 = vector.broadcast %add3A_271 : i32 to vector<16xi32>
        %add3A_273 = arith.addi %shift_right_arithmetic3A_257, %add3A_272 : vector<16xi32>
        tpu.vector_store_idx %arg12[%add3A_273, %and3A_255, %add3A_260], %gather3A_270 : memref<8x8x128xf32, #tpu.memory_space<vmem>>[vector<16xi32>, vector<16xi32>, vector<16xi32>], vector<16xf32>,
        %add3A_274 = arith.constant 32 : i32
        %add3A_275 = vector.broadcast %add3A_274 : i32 to vector<16xi32>
        %add3A_276 = arith.addi %and3A_252, %add3A_275 : vector<16xi32>
        %gather3A_277 = tpu.vector_load_idx %arg7[%add3A_260, %add3A_276] : memref<128x128xf32, #tpu.memory_space<vmem>>[vector<16xi32>, vector<16xi32>], vector<16xf32>,
        %add3A_278 = arith.constant 4 : i32
        %add3A_279 = vector.broadcast %add3A_278 : i32 to vector<16xi32>
        %add3A_280 = arith.addi %shift_right_arithmetic3A_257, %add3A_279 : vector<16xi32>
        tpu.vector_store_idx %arg12[%add3A_280, %and3A_255, %add3A_260], %gather3A_277 : memref<8x8x128xf32, #tpu.memory_space<vmem>>[vector<16xi32>, vector<16xi32>, vector<16xi32>], vector<16xf32>,
        %add3A_281 = arith.constant 48 : i32
        %add3A_282 = vector.broadcast %add3A_281 : i32 to vector<16xi32>
        %add3A_283 = arith.addi %and3A_252, %add3A_282 : vector<16xi32>
        %gather3A_284 = tpu.vector_load_idx %arg7[%add3A_260, %add3A_283] : memref<128x128xf32, #tpu.memory_space<vmem>>[vector<16xi32>, vector<16xi32>], vector<16xf32>,
        %add3A_285 = arith.constant 6 : i32
        %add3A_286 = vector.broadcast %add3A_285 : i32 to vector<16xi32>
        %add3A_287 = arith.addi %shift_right_arithmetic3A_257, %add3A_286 : vector<16xi32>
        tpu.vector_store_idx %arg12[%add3A_287, %and3A_255, %add3A_260], %gather3A_284 : memref<8x8x128xf32, #tpu.memory_space<vmem>>[vector<16xi32>, vector<16xi32>, vector<16xi32>], vector<16xf32>,
        %add3A_288 = arith.constant 16 : i32
        %add3A_289 = vector.broadcast %add3A_288 : i32 to vector<16xi32>
        %add3A_290 = arith.addi %iota3A, %add3A_289 : vector<16xi32>
        %add3A_291 = arith.constant 0 : i32
        %add3A_292 = vector.broadcast %add3A_291 : i32 to vector<16xi32>
        %add3A_293 = arith.addi %and3A_252, %add3A_292 : vector<16xi32>
        %gather3A_294 = tpu.vector_load_idx %arg7[%add3A_290, %add3A_293] : memref<128x128xf32, #tpu.memory_space<vmem>>[vector<16xi32>, vector<16xi32>], vector<16xf32>,
        %add3A_295 = arith.constant 0 : i32
        %add3A_296 = vector.broadcast %add3A_295 : i32 to vector<16xi32>
        %add3A_297 = arith.addi %shift_right_arithmetic3A_257, %add3A_296 : vector<16xi32>
        tpu.vector_store_idx %arg12[%add3A_297, %and3A_255, %add3A_290], %gather3A_294 : memref<8x8x128xf32, #tpu.memory_space<vmem>>[vector<16xi32>, vector<16xi32>, vector<16xi32>], vector<16xf32>,
        %add3A_298 = arith.constant 16 : i32
        %add3A_299 = vector.broadcast %add3A_298 : i32 to vector<16xi32>
        %add3A_300 = arith.addi %and3A_252, %add3A_299 : vector<16xi32>
        %gather3A_301 = tpu.vector_load_idx %arg7[%add3A_290, %add3A_300] : memref<128x128xf32, #tpu.memory_space<vmem>>[vector<16xi32>, vector<16xi32>], vector<16xf32>,
        %add3A_302 = arith.constant 2 : i32
        %add3A_303 = vector.broadcast %add3A_302 : i32 to vector<16xi32>
        %add3A_304 = arith.addi %shift_right_arithmetic3A_257, %add3A_303 : vector<16xi32>
        tpu.vector_store_idx %arg12[%add3A_304, %and3A_255, %add3A_290], %gather3A_301 : memref<8x8x128xf32, #tpu.memory_space<vmem>>[vector<16xi32>, vector<16xi32>, vector<16xi32>], vector<16xf32>,
        %add3A_305 = arith.constant 32 : i32
        %add3A_306 = vector.broadcast %add3A_305 : i32 to vector<16xi32>
        %add3A_307 = arith.addi %and3A_252, %add3A_306 : vector<16xi32>
        %gather3A_308 = tpu.vector_load_idx %arg7[%add3A_290, %add3A_307] : memref<128x128xf32, #tpu.memory_space<vmem>>[vector<16xi32>, vector<16xi32>], vector<16xf32>,
        %add3A_309 = arith.constant 4 : i32
        %add3A_310 = vector.broadcast %add3A_309 : i32 to vector<16xi32>
        %add3A_311 = arith.addi %shift_right_arithmetic3A_257, %add3A_310 : vector<16xi32>
        tpu.vector_store_idx %arg12[%add3A_311, %and3A_255, %add3A_290], %gather3A_308 : memref<8x8x128xf32, #tpu.memory_space<vmem>>[vector<16xi32>, vector<16xi32>, vector<16xi32>], vector<16xf32>,
        %add3A_312 = arith.constant 48 : i32
        %add3A_313 = vector.broadcast %add3A_312 : i32 to vector<16xi32>
        %add3A_314 = arith.addi %and3A_252, %add3A_313 : vector<16xi32>
        %gather3A_315 = tpu.vector_load_idx %arg7[%add3A_290, %add3A_314] : memref<128x128xf32, #tpu.memory_space<vmem>>[vector<16xi32>, vector<16xi32>], vector<16xf32>,
        %add3A_316 = arith.constant 6 : i32
        %add3A_317 = vector.broadcast %add3A_316 : i32 to vector<16xi32>
        %add3A_318 = arith.addi %shift_right_arithmetic3A_257, %add3A_317 : vector<16xi32>
        tpu.vector_store_idx %arg12[%add3A_318, %and3A_255, %add3A_290], %gather3A_315 : memref<8x8x128xf32, #tpu.memory_space<vmem>>[vector<16xi32>, vector<16xi32>, vector<16xi32>], vector<16xf32>,
        %add3A_319 = arith.constant 32 : i32
        %add3A_320 = vector.broadcast %add3A_319 : i32 to vector<16xi32>
        %add3A_321 = arith.addi %iota3A, %add3A_320 : vector<16xi32>
        %add3A_322 = arith.constant 0 : i32
        %add3A_323 = vector.broadcast %add3A_322 : i32 to vector<16xi32>
        %add3A_324 = arith.addi %and3A_252, %add3A_323 : vector<16xi32>
        %gather3A_325 = tpu.vector_load_idx %arg7[%add3A_321, %add3A_324] : memref<128x128xf32, #tpu.memory_space<vmem>>[vector<16xi32>, vector<16xi32>], vector<16xf32>,
        %add3A_326 = arith.constant 0 : i32
        %add3A_327 = vector.broadcast %add3A_326 : i32 to vector<16xi32>
        %add3A_328 = arith.addi %shift_right_arithmetic3A_257, %add3A_327 : vector<16xi32>
        tpu.vector_store_idx %arg12[%add3A_328, %and3A_255, %add3A_321], %gather3A_325 : memref<8x8x128xf32, #tpu.memory_space<vmem>>[vector<16xi32>, vector<16xi32>, vector<16xi32>], vector<16xf32>,
        %add3A_329 = arith.constant 16 : i32
        %add3A_330 = vector.broadcast %add3A_329 : i32 to vector<16xi32>
        %add3A_331 = arith.addi %and3A_252, %add3A_330 : vector<16xi32>
        %gather3A_332 = tpu.vector_load_idx %arg7[%add3A_321, %add3A_331] : memref<128x128xf32, #tpu.memory_space<vmem>>[vector<16xi32>, vector<16xi32>], vector<16xf32>,
        %add3A_333 = arith.constant 2 : i32
        %add3A_334 = vector.broadcast %add3A_333 : i32 to vector<16xi32>
        %add3A_335 = arith.addi %shift_right_arithmetic3A_257, %add3A_334 : vector<16xi32>
        tpu.vector_store_idx %arg12[%add3A_335, %and3A_255, %add3A_321], %gather3A_332 : memref<8x8x128xf32, #tpu.memory_space<vmem>>[vector<16xi32>, vector<16xi32>, vector<16xi32>], vector<16xf32>,
        %add3A_336 = arith.constant 32 : i32
        %add3A_337 = vector.broadcast %add3A_336 : i32 to vector<16xi32>
        %add3A_338 = arith.addi %and3A_252, %add3A_337 : vector<16xi32>
        %gather3A_339 = tpu.vector_load_idx %arg7[%add3A_321, %add3A_338] : memref<128x128xf32, #tpu.memory_space<vmem>>[vector<16xi32>, vector<16xi32>], vector<16xf32>,
        %add3A_340 = arith.constant 4 : i32
        %add3A_341 = vector.broadcast %add3A_340 : i32 to vector<16xi32>
        %add3A_342 = arith.addi %shift_right_arithmetic3A_257, %add3A_341 : vector<16xi32>
        tpu.vector_store_idx %arg12[%add3A_342, %and3A_255, %add3A_321], %gather3A_339 : memref<8x8x128xf32, #tpu.memory_space<vmem>>[vector<16xi32>, vector<16xi32>, vector<16xi32>], vector<16xf32>,
        %add3A_343 = arith.constant 48 : i32
        %add3A_344 = vector.broadcast %add3A_343 : i32 to vector<16xi32>
        %add3A_345 = arith.addi %and3A_252, %add3A_344 : vector<16xi32>
        %gather3A_346 = tpu.vector_load_idx %arg7[%add3A_321, %add3A_345] : memref<128x128xf32, #tpu.memory_space<vmem>>[vector<16xi32>, vector<16xi32>], vector<16xf32>,
        %add3A_347 = arith.constant 6 : i32
        %add3A_348 = vector.broadcast %add3A_347 : i32 to vector<16xi32>
        %add3A_349 = arith.addi %shift_right_arithmetic3A_257, %add3A_348 : vector<16xi32>
        tpu.vector_store_idx %arg12[%add3A_349, %and3A_255, %add3A_321], %gather3A_346 : memref<8x8x128xf32, #tpu.memory_space<vmem>>[vector<16xi32>, vector<16xi32>, vector<16xi32>], vector<16xf32>,
        %add3A_350 = arith.constant 48 : i32
        %add3A_351 = vector.broadcast %add3A_350 : i32 to vector<16xi32>
        %add3A_352 = arith.addi %iota3A, %add3A_351 : vector<16xi32>
        %add3A_353 = arith.constant 0 : i32
        %add3A_354 = vector.broadcast %add3A_353 : i32 to vector<16xi32>
        %add3A_355 = arith.addi %and3A_252, %add3A_354 : vector<16xi32>
        %gather3A_356 = tpu.vector_load_idx %arg7[%add3A_352, %add3A_355] : memref<128x128xf32, #tpu.memory_space<vmem>>[vector<16xi32>, vector<16xi32>], vector<16xf32>,
        %add3A_357 = arith.constant 0 : i32
        %add3A_358 = vector.broadcast %add3A_357 : i32 to vector<16xi32>
        %add3A_359 = arith.addi %shift_right_arithmetic3A_257, %add3A_358 : vector<16xi32>
        tpu.vector_store_idx %arg12[%add3A_359, %and3A_255, %add3A_352], %gather3A_356 : memref<8x8x128xf32, #tpu.memory_space<vmem>>[vector<16xi32>, vector<16xi32>, vector<16xi32>], vector<16xf32>,
        %add3A_360 = arith.constant 16 : i32
        %add3A_361 = vector.broadcast %add3A_360 : i32 to vector<16xi32>
        %add3A_362 = arith.addi %and3A_252, %add3A_361 : vector<16xi32>
        %gather3A_363 = tpu.vector_load_idx %arg7[%add3A_352, %add3A_362] : memref<128x128xf32, #tpu.memory_space<vmem>>[vector<16xi32>, vector<16xi32>], vector<16xf32>,
        %add3A_364 = arith.constant 2 : i32
        %add3A_365 = vector.broadcast %add3A_364 : i32 to vector<16xi32>
        %add3A_366 = arith.addi %shift_right_arithmetic3A_257, %add3A_365 : vector<16xi32>
        tpu.vector_store_idx %arg12[%add3A_366, %and3A_255, %add3A_352], %gather3A_363 : memref<8x8x128xf32, #tpu.memory_space<vmem>>[vector<16xi32>, vector<16xi32>, vector<16xi32>], vector<16xf32>,
        %add3A_367 = arith.constant 32 : i32
        %add3A_368 = vector.broadcast %add3A_367 : i32 to vector<16xi32>
        %add3A_369 = arith.addi %and3A_252, %add3A_368 : vector<16xi32>
        %gather3A_370 = tpu.vector_load_idx %arg7[%add3A_352, %add3A_369] : memref<128x128xf32, #tpu.memory_space<vmem>>[vector<16xi32>, vector<16xi32>], vector<16xf32>,
        %add3A_371 = arith.constant 4 : i32
        %add3A_372 = vector.broadcast %add3A_371 : i32 to vector<16xi32>
        %add3A_373 = arith.addi %shift_right_arithmetic3A_257, %add3A_372 : vector<16xi32>
        tpu.vector_store_idx %arg12[%add3A_373, %and3A_255, %add3A_352], %gather3A_370 : memref<8x8x128xf32, #tpu.memory_space<vmem>>[vector<16xi32>, vector<16xi32>, vector<16xi32>], vector<16xf32>,
        %add3A_374 = arith.constant 48 : i32
        %add3A_375 = vector.broadcast %add3A_374 : i32 to vector<16xi32>
        %add3A_376 = arith.addi %and3A_252, %add3A_375 : vector<16xi32>
        %gather3A_377 = tpu.vector_load_idx %arg7[%add3A_352, %add3A_376] : memref<128x128xf32, #tpu.memory_space<vmem>>[vector<16xi32>, vector<16xi32>], vector<16xf32>,
        %add3A_378 = arith.constant 6 : i32
        %add3A_379 = vector.broadcast %add3A_378 : i32 to vector<16xi32>
        %add3A_380 = arith.addi %shift_right_arithmetic3A_257, %add3A_379 : vector<16xi32>
        tpu.vector_store_idx %arg12[%add3A_380, %and3A_255, %add3A_352], %gather3A_377 : memref<8x8x128xf32, #tpu.memory_space<vmem>>[vector<16xi32>, vector<16xi32>, vector<16xi32>], vector<16xf32>,
        %add3A_381 = arith.constant 64 : i32
        %add3A_382 = vector.broadcast %add3A_381 : i32 to vector<16xi32>
        %add3A_383 = arith.addi %iota3A, %add3A_382 : vector<16xi32>
        %add3A_384 = arith.constant 0 : i32
        %add3A_385 = vector.broadcast %add3A_384 : i32 to vector<16xi32>
        %add3A_386 = arith.addi %and3A_252, %add3A_385 : vector<16xi32>
        %gather3A_387 = tpu.vector_load_idx %arg7[%add3A_383, %add3A_386] : memref<128x128xf32, #tpu.memory_space<vmem>>[vector<16xi32>, vector<16xi32>], vector<16xf32>,
        %add3A_388 = arith.constant 0 : i32
        %add3A_389 = vector.broadcast %add3A_388 : i32 to vector<16xi32>
        %add3A_390 = arith.addi %shift_right_arithmetic3A_257, %add3A_389 : vector<16xi32>
        tpu.vector_store_idx %arg12[%add3A_390, %and3A_255, %add3A_383], %gather3A_387 : memref<8x8x128xf32, #tpu.memory_space<vmem>>[vector<16xi32>, vector<16xi32>, vector<16xi32>], vector<16xf32>,
        %add3A_391 = arith.constant 16 : i32
        %add3A_392 = vector.broadcast %add3A_391 : i32 to vector<16xi32>
        %add3A_393 = arith.addi %and3A_252, %add3A_392 : vector<16xi32>
        %gather3A_394 = tpu.vector_load_idx %arg7[%add3A_383, %add3A_393] : memref<128x128xf32, #tpu.memory_space<vmem>>[vector<16xi32>, vector<16xi32>], vector<16xf32>,
        %add3A_395 = arith.constant 2 : i32
        %add3A_396 = vector.broadcast %add3A_395 : i32 to vector<16xi32>
        %add3A_397 = arith.addi %shift_right_arithmetic3A_257, %add3A_396 : vector<16xi32>
        tpu.vector_store_idx %arg12[%add3A_397, %and3A_255, %add3A_383], %gather3A_394 : memref<8x8x128xf32, #tpu.memory_space<vmem>>[vector<16xi32>, vector<16xi32>, vector<16xi32>], vector<16xf32>,
        %add3A_398 = arith.constant 32 : i32
        %add3A_399 = vector.broadcast %add3A_398 : i32 to vector<16xi32>
        %add3A_400 = arith.addi %and3A_252, %add3A_399 : vector<16xi32>
        %gather3A_401 = tpu.vector_load_idx %arg7[%add3A_383, %add3A_400] : memref<128x128xf32, #tpu.memory_space<vmem>>[vector<16xi32>, vector<16xi32>], vector<16xf32>,
        %add3A_402 = arith.constant 4 : i32
        %add3A_403 = vector.broadcast %add3A_402 : i32 to vector<16xi32>
        %add3A_404 = arith.addi %shift_right_arithmetic3A_257, %add3A_403 : vector<16xi32>
        tpu.vector_store_idx %arg12[%add3A_404, %and3A_255, %add3A_383], %gather3A_401 : memref<8x8x128xf32, #tpu.memory_space<vmem>>[vector<16xi32>, vector<16xi32>, vector<16xi32>], vector<16xf32>,
        %add3A_405 = arith.constant 48 : i32
        %add3A_406 = vector.broadcast %add3A_405 : i32 to vector<16xi32>
        %add3A_407 = arith.addi %and3A_252, %add3A_406 : vector<16xi32>
        %gather3A_408 = tpu.vector_load_idx %arg7[%add3A_383, %add3A_407] : memref<128x128xf32, #tpu.memory_space<vmem>>[vector<16xi32>, vector<16xi32>], vector<16xf32>,
        %add3A_409 = arith.constant 6 : i32
        %add3A_410 = vector.broadcast %add3A_409 : i32 to vector<16xi32>
        %add3A_411 = arith.addi %shift_right_arithmetic3A_257, %add3A_410 : vector<16xi32>
        tpu.vector_store_idx %arg12[%add3A_411, %and3A_255, %add3A_383], %gather3A_408 : memref<8x8x128xf32, #tpu.memory_space<vmem>>[vector<16xi32>, vector<16xi32>, vector<16xi32>], vector<16xf32>,
        %add3A_412 = arith.constant 80 : i32
        %add3A_413 = vector.broadcast %add3A_412 : i32 to vector<16xi32>
        %add3A_414 = arith.addi %iota3A, %add3A_413 : vector<16xi32>
        %add3A_415 = arith.constant 0 : i32
        %add3A_416 = vector.broadcast %add3A_415 : i32 to vector<16xi32>
        %add3A_417 = arith.addi %and3A_252, %add3A_416 : vector<16xi32>
        %gather3A_418 = tpu.vector_load_idx %arg7[%add3A_414, %add3A_417] : memref<128x128xf32, #tpu.memory_space<vmem>>[vector<16xi32>, vector<16xi32>], vector<16xf32>,
        %add3A_419 = arith.constant 0 : i32
        %add3A_420 = vector.broadcast %add3A_419 : i32 to vector<16xi32>
        %add3A_421 = arith.addi %shift_right_arithmetic3A_257, %add3A_420 : vector<16xi32>
        tpu.vector_store_idx %arg12[%add3A_421, %and3A_255, %add3A_414], %gather3A_418 : memref<8x8x128xf32, #tpu.memory_space<vmem>>[vector<16xi32>, vector<16xi32>, vector<16xi32>], vector<16xf32>,
        %add3A_422 = arith.constant 16 : i32
        %add3A_423 = vector.broadcast %add3A_422 : i32 to vector<16xi32>
        %add3A_424 = arith.addi %and3A_252, %add3A_423 : vector<16xi32>
        %gather3A_425 = tpu.vector_load_idx %arg7[%add3A_414, %add3A_424] : memref<128x128xf32, #tpu.memory_space<vmem>>[vector<16xi32>, vector<16xi32>], vector<16xf32>,
        %add3A_426 = arith.constant 2 : i32
        %add3A_427 = vector.broadcast %add3A_426 : i32 to vector<16xi32>
        %add3A_428 = arith.addi %shift_right_arithmetic3A_257, %add3A_427 : vector<16xi32>
        tpu.vector_store_idx %arg12[%add3A_428, %and3A_255, %add3A_414], %gather3A_425 : memref<8x8x128xf32, #tpu.memory_space<vmem>>[vector<16xi32>, vector<16xi32>, vector<16xi32>], vector<16xf32>,
        %add3A_429 = arith.constant 32 : i32
        %add3A_430 = vector.broadcast %add3A_429 : i32 to vector<16xi32>
        %add3A_431 = arith.addi %and3A_252, %add3A_430 : vector<16xi32>
        %gather3A_432 = tpu.vector_load_idx %arg7[%add3A_414, %add3A_431] : memref<128x128xf32, #tpu.memory_space<vmem>>[vector<16xi32>, vector<16xi32>], vector<16xf32>,
        %add3A_433 = arith.constant 4 : i32
        %add3A_434 = vector.broadcast %add3A_433 : i32 to vector<16xi32>
        %add3A_435 = arith.addi %shift_right_arithmetic3A_257, %add3A_434 : vector<16xi32>
        tpu.vector_store_idx %arg12[%add3A_435, %and3A_255, %add3A_414], %gather3A_432 : memref<8x8x128xf32, #tpu.memory_space<vmem>>[vector<16xi32>, vector<16xi32>, vector<16xi32>], vector<16xf32>,
        %add3A_436 = arith.constant 48 : i32
        %add3A_437 = vector.broadcast %add3A_436 : i32 to vector<16xi32>
        %add3A_438 = arith.addi %and3A_252, %add3A_437 : vector<16xi32>
        %gather3A_439 = tpu.vector_load_idx %arg7[%add3A_414, %add3A_438] : memref<128x128xf32, #tpu.memory_space<vmem>>[vector<16xi32>, vector<16xi32>], vector<16xf32>,
        %add3A_440 = arith.constant 6 : i32
        %add3A_441 = vector.broadcast %add3A_440 : i32 to vector<16xi32>
        %add3A_442 = arith.addi %shift_right_arithmetic3A_257, %add3A_441 : vector<16xi32>
        tpu.vector_store_idx %arg12[%add3A_442, %and3A_255, %add3A_414], %gather3A_439 : memref<8x8x128xf32, #tpu.memory_space<vmem>>[vector<16xi32>, vector<16xi32>, vector<16xi32>], vector<16xf32>,
        %add3A_443 = arith.constant 96 : i32
        %add3A_444 = vector.broadcast %add3A_443 : i32 to vector<16xi32>
        %add3A_445 = arith.addi %iota3A, %add3A_444 : vector<16xi32>
        %add3A_446 = arith.constant 0 : i32
        %add3A_447 = vector.broadcast %add3A_446 : i32 to vector<16xi32>
        %add3A_448 = arith.addi %and3A_252, %add3A_447 : vector<16xi32>
        %gather3A_449 = tpu.vector_load_idx %arg7[%add3A_445, %add3A_448] : memref<128x128xf32, #tpu.memory_space<vmem>>[vector<16xi32>, vector<16xi32>], vector<16xf32>,
        %add3A_450 = arith.constant 0 : i32
        %add3A_451 = vector.broadcast %add3A_450 : i32 to vector<16xi32>
        %add3A_452 = arith.addi %shift_right_arithmetic3A_257, %add3A_451 : vector<16xi32>
        tpu.vector_store_idx %arg12[%add3A_452, %and3A_255, %add3A_445], %gather3A_449 : memref<8x8x128xf32, #tpu.memory_space<vmem>>[vector<16xi32>, vector<16xi32>, vector<16xi32>], vector<16xf32>,
        %add3A_453 = arith.constant 16 : i32
        %add3A_454 = vector.broadcast %add3A_453 : i32 to vector<16xi32>
        %add3A_455 = arith.addi %and3A_252, %add3A_454 : vector<16xi32>
        %gather3A_456 = tpu.vector_load_idx %arg7[%add3A_445, %add3A_455] : memref<128x128xf32, #tpu.memory_space<vmem>>[vector<16xi32>, vector<16xi32>], vector<16xf32>,
        %add3A_457 = arith.constant 2 : i32
        %add3A_458 = vector.broadcast %add3A_457 : i32 to vector<16xi32>
        %add3A_459 = arith.addi %shift_right_arithmetic3A_257, %add3A_458 : vector<16xi32>
        tpu.vector_store_idx %arg12[%add3A_459, %and3A_255, %add3A_445], %gather3A_456 : memref<8x8x128xf32, #tpu.memory_space<vmem>>[vector<16xi32>, vector<16xi32>, vector<16xi32>], vector<16xf32>,
        %add3A_460 = arith.constant 32 : i32
        %add3A_461 = vector.broadcast %add3A_460 : i32 to vector<16xi32>
        %add3A_462 = arith.addi %and3A_252, %add3A_461 : vector<16xi32>
        %gather3A_463 = tpu.vector_load_idx %arg7[%add3A_445, %add3A_462] : memref<128x128xf32, #tpu.memory_space<vmem>>[vector<16xi32>, vector<16xi32>], vector<16xf32>,
        %add3A_464 = arith.constant 4 : i32
        %add3A_465 = vector.broadcast %add3A_464 : i32 to vector<16xi32>
        %add3A_466 = arith.addi %shift_right_arithmetic3A_257, %add3A_465 : vector<16xi32>
        tpu.vector_store_idx %arg12[%add3A_466, %and3A_255, %add3A_445], %gather3A_463 : memref<8x8x128xf32, #tpu.memory_space<vmem>>[vector<16xi32>, vector<16xi32>, vector<16xi32>], vector<16xf32>,
        %add3A_467 = arith.constant 48 : i32
        %add3A_468 = vector.broadcast %add3A_467 : i32 to vector<16xi32>
        %add3A_469 = arith.addi %and3A_252, %add3A_468 : vector<16xi32>
        %gather3A_470 = tpu.vector_load_idx %arg7[%add3A_445, %add3A_469] : memref<128x128xf32, #tpu.memory_space<vmem>>[vector<16xi32>, vector<16xi32>], vector<16xf32>,
        %add3A_471 = arith.constant 6 : i32
        %add3A_472 = vector.broadcast %add3A_471 : i32 to vector<16xi32>
        %add3A_473 = arith.addi %shift_right_arithmetic3A_257, %add3A_472 : vector<16xi32>
        tpu.vector_store_idx %arg12[%add3A_473, %and3A_255, %add3A_445], %gather3A_470 : memref<8x8x128xf32, #tpu.memory_space<vmem>>[vector<16xi32>, vector<16xi32>, vector<16xi32>], vector<16xf32>,
        %add3A_474 = arith.constant 112 : i32
        %add3A_475 = vector.broadcast %add3A_474 : i32 to vector<16xi32>
        %add3A_476 = arith.addi %iota3A, %add3A_475 : vector<16xi32>
        %add3A_477 = arith.constant 0 : i32
        %add3A_478 = vector.broadcast %add3A_477 : i32 to vector<16xi32>
        %add3A_479 = arith.addi %and3A_252, %add3A_478 : vector<16xi32>
        %gather3A_480 = tpu.vector_load_idx %arg7[%add3A_476, %add3A_479] : memref<128x128xf32, #tpu.memory_space<vmem>>[vector<16xi32>, vector<16xi32>], vector<16xf32>,
        %add3A_481 = arith.constant 0 : i32
        %add3A_482 = vector.broadcast %add3A_481 : i32 to vector<16xi32>
        %add3A_483 = arith.addi %shift_right_arithmetic3A_257, %add3A_482 : vector<16xi32>
        tpu.vector_store_idx %arg12[%add3A_483, %and3A_255, %add3A_476], %gather3A_480 : memref<8x8x128xf32, #tpu.memory_space<vmem>>[vector<16xi32>, vector<16xi32>, vector<16xi32>], vector<16xf32>,
        %add3A_484 = arith.constant 16 : i32
        %add3A_485 = vector.broadcast %add3A_484 : i32 to vector<16xi32>
        %add3A_486 = arith.addi %and3A_252, %add3A_485 : vector<16xi32>
        %gather3A_487 = tpu.vector_load_idx %arg7[%add3A_476, %add3A_486] : memref<128x128xf32, #tpu.memory_space<vmem>>[vector<16xi32>, vector<16xi32>], vector<16xf32>,
        %add3A_488 = arith.constant 2 : i32
        %add3A_489 = vector.broadcast %add3A_488 : i32 to vector<16xi32>
        %add3A_490 = arith.addi %shift_right_arithmetic3A_257, %add3A_489 : vector<16xi32>
        tpu.vector_store_idx %arg12[%add3A_490, %and3A_255, %add3A_476], %gather3A_487 : memref<8x8x128xf32, #tpu.memory_space<vmem>>[vector<16xi32>, vector<16xi32>, vector<16xi32>], vector<16xf32>,
        %add3A_491 = arith.constant 32 : i32
        %add3A_492 = vector.broadcast %add3A_491 : i32 to vector<16xi32>
        %add3A_493 = arith.addi %and3A_252, %add3A_492 : vector<16xi32>
        %gather3A_494 = tpu.vector_load_idx %arg7[%add3A_476, %add3A_493] : memref<128x128xf32, #tpu.memory_space<vmem>>[vector<16xi32>, vector<16xi32>], vector<16xf32>,
        %add3A_495 = arith.constant 4 : i32
        %add3A_496 = vector.broadcast %add3A_495 : i32 to vector<16xi32>
        %add3A_497 = arith.addi %shift_right_arithmetic3A_257, %add3A_496 : vector<16xi32>
        tpu.vector_store_idx %arg12[%add3A_497, %and3A_255, %add3A_476], %gather3A_494 : memref<8x8x128xf32, #tpu.memory_space<vmem>>[vector<16xi32>, vector<16xi32>, vector<16xi32>], vector<16xf32>,
        %add3A_498 = arith.constant 48 : i32
        %add3A_499 = vector.broadcast %add3A_498 : i32 to vector<16xi32>
        %add3A_500 = arith.addi %and3A_252, %add3A_499 : vector<16xi32>
        %gather3A_501 = tpu.vector_load_idx %arg7[%add3A_476, %add3A_500] : memref<128x128xf32, #tpu.memory_space<vmem>>[vector<16xi32>, vector<16xi32>], vector<16xf32>,
        %add3A_502 = arith.constant 6 : i32
        %add3A_503 = vector.broadcast %add3A_502 : i32 to vector<16xi32>
        %add3A_504 = arith.addi %shift_right_arithmetic3A_257, %add3A_503 : vector<16xi32>
        tpu.vector_store_idx %arg12[%add3A_504, %and3A_255, %add3A_476], %gather3A_501 : memref<8x8x128xf32, #tpu.memory_space<vmem>>[vector<16xi32>, vector<16xi32>, vector<16xi32>], vector<16xf32>,
      }
      %scan3A_112 = arith.constant 16 : i32
      %dma_start3A_113 = arith.constant 0 : i32
      %dma_start3A_114 = arith.constant 0 : i32
      %dma_start3A_115 = arith.constant 0 : i32
      %dma_start3A_116 = tpu.memref_slice %arg4[%add3A_87, %dma_start3A_113, %add3A, %dma_start3A_114, %dma_start3A_115] : memref<200x8x32x8x128xf32, #tpu.memory_space<hbm>> -> memref<1x8x1x8x128xf32, #tpu.memory_space<hbm>>
      %dma_start3A_117 = tpu.memref_squeeze %dma_start3A_116 : memref<1x8x1x8x128xf32, #tpu.memory_space<hbm>> -> memref<8x8x128xf32, #tpu.memory_space<hbm>>
      %dma_start3A_118 = arith.constant 0 : i32
      %dma_start3A_119 = arith.constant 0 : i32
      %dma_start3A_120 = arith.constant 0 : i32
      %dma_start3A_121 = tpu.memref_slice %arg4[%add3A_87, %dma_start3A_118, %add3A, %dma_start3A_119, %dma_start3A_120] : memref<200x8x32x8x128xf32, #tpu.memory_space<hbm>> -> memref<1x8x1x8x128xf32, #tpu.memory_space<hbm>>
      %dma_start3A_122 = tpu.memref_squeeze %dma_start3A_121 : memref<1x8x1x8x128xf32, #tpu.memory_space<hbm>> -> memref<8x8x128xf32, #tpu.memory_space<hbm>>
      tpu.enqueue_dma source(%arg12 : memref<8x8x128xf32, #tpu.memory_space<vmem>>) target(%dma_start3A_122 : memref<8x8x128xf32, #tpu.memory_space<hbm>>) target_semaphore(%arg19 : memref<!tpu.dma_semaphore, #tpu.memory_space<semaphore_mem>>)
      %mul3A_123 = arith.constant 5 : i32
      %mul3A_124 = arith.muli %scan3A_47, %mul3A_123 : i32
      %add3A_125 = arith.constant 2 : i32
      %add3A_126 = arith.addi %mul3A_124, %add3A_125 : i32
      %lt3A = arith.constant 39 : i32
      %lt3A_127 = arith.cmpi slt, %scan3A_47, %lt3A : i32
      %convert_element_type3A_128 = arith.extui %lt3A_127 : i1 to i32
      %cond3A_129 = arith.constant 0 : i32
      %cond3A_130 = arith.cmpi ne, %convert_element_type3A_128, %cond3A_129 : i32
      scf.if %cond3A_130 {
        %add3A_248 = arith.constant 3 : i32
        %add3A_249 = arith.addi %add3A_126, %add3A_248 : i32
        %dma_start3A_250 = arith.constant 0 : i32
        %dma_start3A_251 = tpu.memref_slice %arg5[%add3A_249, %dma_start3A_250] : memref<200x128xi32, #tpu.memory_space<vmem>> -> memref<1x128xi32, #tpu.memory_space<vmem>>
        %dma_start3A_252 = tpu.memref_squeeze %dma_start3A_251 : memref<1x128xi32, #tpu.memory_space<vmem>> -> memref<128xi32, #tpu.memory_space<vmem>>
        %dma_start3A_253 = arith.constant 0 : i32
        %dma_start3A_254 = arith.constant 0 : i32
        %dma_start3A_255 = tpu.memref_slice %arg2[%dma_start3A_253, %dma_start3A_254] : memref<1000000x128xf32, #tpu.memory_space<hbm>> -> memref<1000000x128xf32, #tpu.memory_space<hbm>>
        tpu.enqueue_indirect_dma source(%dma_start3A_255 : memref<1000000x128xf32, #tpu.memory_space<hbm>>) target(%arg6 : memref<128x128xf32, #tpu.memory_space<vmem>>) offsets(%dma_start3A_252 : memref<128xi32, #tpu.memory_space<vmem>>) semaphore(%arg13 : memref<!tpu.dma_semaphore, #tpu.memory_space<semaphore_mem>>)
      } else {
      }
      %dma_wait3A_131 = arith.constant 0 : i32
      %dma_wait3A_132 = arith.constant 0 : i32
      %dma_wait3A_133 = tpu.memref_slice %arg2[%dma_wait3A_131, %dma_wait3A_132] : memref<1000000x128xf32, #tpu.memory_space<hbm>> -> memref<128x128xf32, #tpu.memory_space<hbm>>
      %dma_wait3A_134 = arith.constant 0 : i32
      %dma_wait3A_135 = arith.constant 0 : i32
      %dma_wait3A_136 = tpu.memref_slice %arg2[%dma_wait3A_134, %dma_wait3A_135] : memref<1000000x128xf32, #tpu.memory_space<hbm>> -> memref<128x128xf32, #tpu.memory_space<hbm>>
      tpu.wait_dma2 semaphore(%arg15 : memref<!tpu.dma_semaphore, #tpu.memory_space<semaphore_mem>>) src(%dma_wait3A_136 : memref<128x128xf32, #tpu.memory_space<hbm>>) dst(%arg8 : memref<128x128xf32, #tpu.memory_space<vmem>>)
      %dma_wait3A_137 = arith.constant 0 : i32
      %dma_wait3A_138 = arith.constant 0 : i32
      %dma_wait3A_139 = arith.constant 0 : i32
      %dma_wait3A_140 = arith.constant 0 : i32
      %dma_wait3A_141 = tpu.memref_slice %arg4[%dma_wait3A_137, %dma_wait3A_138, %add3A, %dma_wait3A_139, %dma_wait3A_140] : memref<200x8x32x8x128xf32, #tpu.memory_space<hbm>> -> memref<1x8x1x8x128xf32, #tpu.memory_space<hbm>>
      %dma_wait3A_142 = tpu.memref_squeeze %dma_wait3A_141 : memref<1x8x1x8x128xf32, #tpu.memory_space<hbm>> -> memref<8x8x128xf32, #tpu.memory_space<hbm>>
      %dma_wait3A_143 = arith.constant 0 : i32
      %dma_wait3A_144 = arith.constant 0 : i32
      %dma_wait3A_145 = arith.constant 0 : i32
      %dma_wait3A_146 = tpu.memref_slice %arg4[%dma_wait3A_137, %dma_wait3A_143, %add3A, %dma_wait3A_144, %dma_wait3A_145] : memref<200x8x32x8x128xf32, #tpu.memory_space<hbm>> -> memref<1x8x1x8x128xf32, #tpu.memory_space<hbm>>
      %dma_wait3A_147 = tpu.memref_squeeze %dma_wait3A_146 : memref<1x8x1x8x128xf32, #tpu.memory_space<hbm>> -> memref<8x8x128xf32, #tpu.memory_space<hbm>>
      tpu.wait_dma2 semaphore(%arg18 : memref<!tpu.dma_semaphore, #tpu.memory_space<semaphore_mem>>) src(%arg11 : memref<8x8x128xf32, #tpu.memory_space<vmem>>) dst(%dma_wait3A_147 : memref<8x8x128xf32, #tpu.memory_space<hbm>>)
      %scan3A_148 = arith.constant 0 : i32
      %scan3A_149 = arith.constant 0 : i32
      %scan3A_150 = arith.constant 16 : i32
      %scan3A_151 = arith.addi %scan3A_149, %scan3A_150 : i32
      %scan3A_152 = arith.constant 1 : i32
      scf.for %scan3A_248 = %scan3A_149 to %scan3A_151 step %scan3A_152  : i32 {
        %add3A_249 = vector.broadcast %scan3A_248 : i32 to vector<16xi32>
        %add3A_250 = arith.addi %iota3A, %add3A_249 : vector<16xi32>
        %and3A = arith.constant 15 : i32
        %and3A_251 = vector.broadcast %and3A : i32 to vector<16xi32>
        %and3A_252 = arith.andi %add3A_250, %and3A_251 : vector<16xi32>
        %and3A_253 = arith.constant 7 : i32
        %and3A_254 = vector.broadcast %and3A_253 : i32 to vector<16xi32>
        %and3A_255 = arith.andi %and3A_252, %and3A_254 : vector<16xi32>
        %shift_right_arithmetic3A = arith.constant 3 : i32
        %shift_right_arithmetic3A_256 = vector.broadcast %shift_right_arithmetic3A : i32 to vector<16xi32>
        %shift_right_arithmetic3A_257 = arith.shrsi %and3A_252, %shift_right_arithmetic3A_256 : vector<16xi32>
        %add3A_258 = arith.constant 0 : i32
        %add3A_259 = vector.broadcast %add3A_258 : i32 to vector<16xi32>
        %add3A_260 = arith.addi %iota3A, %add3A_259 : vector<16xi32>
        %add3A_261 = arith.constant 0 : i32
        %add3A_262 = vector.broadcast %add3A_261 : i32 to vector<16xi32>
        %add3A_263 = arith.addi %and3A_252, %add3A_262 : vector<16xi32>
        %gather3A = tpu.vector_load_idx %arg8[%add3A_260, %add3A_263] : memref<128x128xf32, #tpu.memory_space<vmem>>[vector<16xi32>, vector<16xi32>], vector<16xf32>,
        %add3A_264 = arith.constant 0 : i32
        %add3A_265 = vector.broadcast %add3A_264 : i32 to vector<16xi32>
        %add3A_266 = arith.addi %shift_right_arithmetic3A_257, %add3A_265 : vector<16xi32>
        tpu.vector_store_idx %arg11[%add3A_266, %and3A_255, %add3A_260], %gather3A : memref<8x8x128xf32, #tpu.memory_space<vmem>>[vector<16xi32>, vector<16xi32>, vector<16xi32>], vector<16xf32>,
        %add3A_267 = arith.constant 16 : i32
        %add3A_268 = vector.broadcast %add3A_267 : i32 to vector<16xi32>
        %add3A_269 = arith.addi %and3A_252, %add3A_268 : vector<16xi32>
        %gather3A_270 = tpu.vector_load_idx %arg8[%add3A_260, %add3A_269] : memref<128x128xf32, #tpu.memory_space<vmem>>[vector<16xi32>, vector<16xi32>], vector<16xf32>,
        %add3A_271 = arith.constant 2 : i32
        %add3A_272 = vector.broadcast %add3A_271 : i32 to vector<16xi32>
        %add3A_273 = arith.addi %shift_right_arithmetic3A_257, %add3A_272 : vector<16xi32>
        tpu.vector_store_idx %arg11[%add3A_273, %and3A_255, %add3A_260], %gather3A_270 : memref<8x8x128xf32, #tpu.memory_space<vmem>>[vector<16xi32>, vector<16xi32>, vector<16xi32>], vector<16xf32>,
        %add3A_274 = arith.constant 32 : i32
        %add3A_275 = vector.broadcast %add3A_274 : i32 to vector<16xi32>
        %add3A_276 = arith.addi %and3A_252, %add3A_275 : vector<16xi32>
        %gather3A_277 = tpu.vector_load_idx %arg8[%add3A_260, %add3A_276] : memref<128x128xf32, #tpu.memory_space<vmem>>[vector<16xi32>, vector<16xi32>], vector<16xf32>,
        %add3A_278 = arith.constant 4 : i32
        %add3A_279 = vector.broadcast %add3A_278 : i32 to vector<16xi32>
        %add3A_280 = arith.addi %shift_right_arithmetic3A_257, %add3A_279 : vector<16xi32>
        tpu.vector_store_idx %arg11[%add3A_280, %and3A_255, %add3A_260], %gather3A_277 : memref<8x8x128xf32, #tpu.memory_space<vmem>>[vector<16xi32>, vector<16xi32>, vector<16xi32>], vector<16xf32>,
        %add3A_281 = arith.constant 48 : i32
        %add3A_282 = vector.broadcast %add3A_281 : i32 to vector<16xi32>
        %add3A_283 = arith.addi %and3A_252, %add3A_282 : vector<16xi32>
        %gather3A_284 = tpu.vector_load_idx %arg8[%add3A_260, %add3A_283] : memref<128x128xf32, #tpu.memory_space<vmem>>[vector<16xi32>, vector<16xi32>], vector<16xf32>,
        %add3A_285 = arith.constant 6 : i32
        %add3A_286 = vector.broadcast %add3A_285 : i32 to vector<16xi32>
        %add3A_287 = arith.addi %shift_right_arithmetic3A_257, %add3A_286 : vector<16xi32>
        tpu.vector_store_idx %arg11[%add3A_287, %and3A_255, %add3A_260], %gather3A_284 : memref<8x8x128xf32, #tpu.memory_space<vmem>>[vector<16xi32>, vector<16xi32>, vector<16xi32>], vector<16xf32>,
        %add3A_288 = arith.constant 16 : i32
        %add3A_289 = vector.broadcast %add3A_288 : i32 to vector<16xi32>
        %add3A_290 = arith.addi %iota3A, %add3A_289 : vector<16xi32>
        %add3A_291 = arith.constant 0 : i32
        %add3A_292 = vector.broadcast %add3A_291 : i32 to vector<16xi32>
        %add3A_293 = arith.addi %and3A_252, %add3A_292 : vector<16xi32>
        %gather3A_294 = tpu.vector_load_idx %arg8[%add3A_290, %add3A_293] : memref<128x128xf32, #tpu.memory_space<vmem>>[vector<16xi32>, vector<16xi32>], vector<16xf32>,
        %add3A_295 = arith.constant 0 : i32
        %add3A_296 = vector.broadcast %add3A_295 : i32 to vector<16xi32>
        %add3A_297 = arith.addi %shift_right_arithmetic3A_257, %add3A_296 : vector<16xi32>
        tpu.vector_store_idx %arg11[%add3A_297, %and3A_255, %add3A_290], %gather3A_294 : memref<8x8x128xf32, #tpu.memory_space<vmem>>[vector<16xi32>, vector<16xi32>, vector<16xi32>], vector<16xf32>,
        %add3A_298 = arith.constant 16 : i32
        %add3A_299 = vector.broadcast %add3A_298 : i32 to vector<16xi32>
        %add3A_300 = arith.addi %and3A_252, %add3A_299 : vector<16xi32>
        %gather3A_301 = tpu.vector_load_idx %arg8[%add3A_290, %add3A_300] : memref<128x128xf32, #tpu.memory_space<vmem>>[vector<16xi32>, vector<16xi32>], vector<16xf32>,
        %add3A_302 = arith.constant 2 : i32
        %add3A_303 = vector.broadcast %add3A_302 : i32 to vector<16xi32>
        %add3A_304 = arith.addi %shift_right_arithmetic3A_257, %add3A_303 : vector<16xi32>
        tpu.vector_store_idx %arg11[%add3A_304, %and3A_255, %add3A_290], %gather3A_301 : memref<8x8x128xf32, #tpu.memory_space<vmem>>[vector<16xi32>, vector<16xi32>, vector<16xi32>], vector<16xf32>,
        %add3A_305 = arith.constant 32 : i32
        %add3A_306 = vector.broadcast %add3A_305 : i32 to vector<16xi32>
        %add3A_307 = arith.addi %and3A_252, %add3A_306 : vector<16xi32>
        %gather3A_308 = tpu.vector_load_idx %arg8[%add3A_290, %add3A_307] : memref<128x128xf32, #tpu.memory_space<vmem>>[vector<16xi32>, vector<16xi32>], vector<16xf32>,
        %add3A_309 = arith.constant 4 : i32
        %add3A_310 = vector.broadcast %add3A_309 : i32 to vector<16xi32>
        %add3A_311 = arith.addi %shift_right_arithmetic3A_257, %add3A_310 : vector<16xi32>
        tpu.vector_store_idx %arg11[%add3A_311, %and3A_255, %add3A_290], %gather3A_308 : memref<8x8x128xf32, #tpu.memory_space<vmem>>[vector<16xi32>, vector<16xi32>, vector<16xi32>], vector<16xf32>,
        %add3A_312 = arith.constant 48 : i32
        %add3A_313 = vector.broadcast %add3A_312 : i32 to vector<16xi32>
        %add3A_314 = arith.addi %and3A_252, %add3A_313 : vector<16xi32>
        %gather3A_315 = tpu.vector_load_idx %arg8[%add3A_290, %add3A_314] : memref<128x128xf32, #tpu.memory_space<vmem>>[vector<16xi32>, vector<16xi32>], vector<16xf32>,
        %add3A_316 = arith.constant 6 : i32
        %add3A_317 = vector.broadcast %add3A_316 : i32 to vector<16xi32>
        %add3A_318 = arith.addi %shift_right_arithmetic3A_257, %add3A_317 : vector<16xi32>
        tpu.vector_store_idx %arg11[%add3A_318, %and3A_255, %add3A_290], %gather3A_315 : memref<8x8x128xf32, #tpu.memory_space<vmem>>[vector<16xi32>, vector<16xi32>, vector<16xi32>], vector<16xf32>,
        %add3A_319 = arith.constant 32 : i32
        %add3A_320 = vector.broadcast %add3A_319 : i32 to vector<16xi32>
        %add3A_321 = arith.addi %iota3A, %add3A_320 : vector<16xi32>
        %add3A_322 = arith.constant 0 : i32
        %add3A_323 = vector.broadcast %add3A_322 : i32 to vector<16xi32>
        %add3A_324 = arith.addi %and3A_252, %add3A_323 : vector<16xi32>
        %gather3A_325 = tpu.vector_load_idx %arg8[%add3A_321, %add3A_324] : memref<128x128xf32, #tpu.memory_space<vmem>>[vector<16xi32>, vector<16xi32>], vector<16xf32>,
        %add3A_326 = arith.constant 0 : i32
        %add3A_327 = vector.broadcast %add3A_326 : i32 to vector<16xi32>
        %add3A_328 = arith.addi %shift_right_arithmetic3A_257, %add3A_327 : vector<16xi32>
        tpu.vector_store_idx %arg11[%add3A_328, %and3A_255, %add3A_321], %gather3A_325 : memref<8x8x128xf32, #tpu.memory_space<vmem>>[vector<16xi32>, vector<16xi32>, vector<16xi32>], vector<16xf32>,
        %add3A_329 = arith.constant 16 : i32
        %add3A_330 = vector.broadcast %add3A_329 : i32 to vector<16xi32>
        %add3A_331 = arith.addi %and3A_252, %add3A_330 : vector<16xi32>
        %gather3A_332 = tpu.vector_load_idx %arg8[%add3A_321, %add3A_331] : memref<128x128xf32, #tpu.memory_space<vmem>>[vector<16xi32>, vector<16xi32>], vector<16xf32>,
        %add3A_333 = arith.constant 2 : i32
        %add3A_334 = vector.broadcast %add3A_333 : i32 to vector<16xi32>
        %add3A_335 = arith.addi %shift_right_arithmetic3A_257, %add3A_334 : vector<16xi32>
        tpu.vector_store_idx %arg11[%add3A_335, %and3A_255, %add3A_321], %gather3A_332 : memref<8x8x128xf32, #tpu.memory_space<vmem>>[vector<16xi32>, vector<16xi32>, vector<16xi32>], vector<16xf32>,
        %add3A_336 = arith.constant 32 : i32
        %add3A_337 = vector.broadcast %add3A_336 : i32 to vector<16xi32>
        %add3A_338 = arith.addi %and3A_252, %add3A_337 : vector<16xi32>
        %gather3A_339 = tpu.vector_load_idx %arg8[%add3A_321, %add3A_338] : memref<128x128xf32, #tpu.memory_space<vmem>>[vector<16xi32>, vector<16xi32>], vector<16xf32>,
        %add3A_340 = arith.constant 4 : i32
        %add3A_341 = vector.broadcast %add3A_340 : i32 to vector<16xi32>
        %add3A_342 = arith.addi %shift_right_arithmetic3A_257, %add3A_341 : vector<16xi32>
        tpu.vector_store_idx %arg11[%add3A_342, %and3A_255, %add3A_321], %gather3A_339 : memref<8x8x128xf32, #tpu.memory_space<vmem>>[vector<16xi32>, vector<16xi32>, vector<16xi32>], vector<16xf32>,
        %add3A_343 = arith.constant 48 : i32
        %add3A_344 = vector.broadcast %add3A_343 : i32 to vector<16xi32>
        %add3A_345 = arith.addi %and3A_252, %add3A_344 : vector<16xi32>
        %gather3A_346 = tpu.vector_load_idx %arg8[%add3A_321, %add3A_345] : memref<128x128xf32, #tpu.memory_space<vmem>>[vector<16xi32>, vector<16xi32>], vector<16xf32>,
        %add3A_347 = arith.constant 6 : i32
        %add3A_348 = vector.broadcast %add3A_347 : i32 to vector<16xi32>
        %add3A_349 = arith.addi %shift_right_arithmetic3A_257, %add3A_348 : vector<16xi32>
        tpu.vector_store_idx %arg11[%add3A_349, %and3A_255, %add3A_321], %gather3A_346 : memref<8x8x128xf32, #tpu.memory_space<vmem>>[vector<16xi32>, vector<16xi32>, vector<16xi32>], vector<16xf32>,
        %add3A_350 = arith.constant 48 : i32
        %add3A_351 = vector.broadcast %add3A_350 : i32 to vector<16xi32>
        %add3A_352 = arith.addi %iota3A, %add3A_351 : vector<16xi32>
        %add3A_353 = arith.constant 0 : i32
        %add3A_354 = vector.broadcast %add3A_353 : i32 to vector<16xi32>
        %add3A_355 = arith.addi %and3A_252, %add3A_354 : vector<16xi32>
        %gather3A_356 = tpu.vector_load_idx %arg8[%add3A_352, %add3A_355] : memref<128x128xf32, #tpu.memory_space<vmem>>[vector<16xi32>, vector<16xi32>], vector<16xf32>,
        %add3A_357 = arith.constant 0 : i32
        %add3A_358 = vector.broadcast %add3A_357 : i32 to vector<16xi32>
        %add3A_359 = arith.addi %shift_right_arithmetic3A_257, %add3A_358 : vector<16xi32>
        tpu.vector_store_idx %arg11[%add3A_359, %and3A_255, %add3A_352], %gather3A_356 : memref<8x8x128xf32, #tpu.memory_space<vmem>>[vector<16xi32>, vector<16xi32>, vector<16xi32>], vector<16xf32>,
        %add3A_360 = arith.constant 16 : i32
        %add3A_361 = vector.broadcast %add3A_360 : i32 to vector<16xi32>
        %add3A_362 = arith.addi %and3A_252, %add3A_361 : vector<16xi32>
        %gather3A_363 = tpu.vector_load_idx %arg8[%add3A_352, %add3A_362] : memref<128x128xf32, #tpu.memory_space<vmem>>[vector<16xi32>, vector<16xi32>], vector<16xf32>,
        %add3A_364 = arith.constant 2 : i32
        %add3A_365 = vector.broadcast %add3A_364 : i32 to vector<16xi32>
        %add3A_366 = arith.addi %shift_right_arithmetic3A_257, %add3A_365 : vector<16xi32>
        tpu.vector_store_idx %arg11[%add3A_366, %and3A_255, %add3A_352], %gather3A_363 : memref<8x8x128xf32, #tpu.memory_space<vmem>>[vector<16xi32>, vector<16xi32>, vector<16xi32>], vector<16xf32>,
        %add3A_367 = arith.constant 32 : i32
        %add3A_368 = vector.broadcast %add3A_367 : i32 to vector<16xi32>
        %add3A_369 = arith.addi %and3A_252, %add3A_368 : vector<16xi32>
        %gather3A_370 = tpu.vector_load_idx %arg8[%add3A_352, %add3A_369] : memref<128x128xf32, #tpu.memory_space<vmem>>[vector<16xi32>, vector<16xi32>], vector<16xf32>,
        %add3A_371 = arith.constant 4 : i32
        %add3A_372 = vector.broadcast %add3A_371 : i32 to vector<16xi32>
        %add3A_373 = arith.addi %shift_right_arithmetic3A_257, %add3A_372 : vector<16xi32>
        tpu.vector_store_idx %arg11[%add3A_373, %and3A_255, %add3A_352], %gather3A_370 : memref<8x8x128xf32, #tpu.memory_space<vmem>>[vector<16xi32>, vector<16xi32>, vector<16xi32>], vector<16xf32>,
        %add3A_374 = arith.constant 48 : i32
        %add3A_375 = vector.broadcast %add3A_374 : i32 to vector<16xi32>
        %add3A_376 = arith.addi %and3A_252, %add3A_375 : vector<16xi32>
        %gather3A_377 = tpu.vector_load_idx %arg8[%add3A_352, %add3A_376] : memref<128x128xf32, #tpu.memory_space<vmem>>[vector<16xi32>, vector<16xi32>], vector<16xf32>,
        %add3A_378 = arith.constant 6 : i32
        %add3A_379 = vector.broadcast %add3A_378 : i32 to vector<16xi32>
        %add3A_380 = arith.addi %shift_right_arithmetic3A_257, %add3A_379 : vector<16xi32>
        tpu.vector_store_idx %arg11[%add3A_380, %and3A_255, %add3A_352], %gather3A_377 : memref<8x8x128xf32, #tpu.memory_space<vmem>>[vector<16xi32>, vector<16xi32>, vector<16xi32>], vector<16xf32>,
        %add3A_381 = arith.constant 64 : i32
        %add3A_382 = vector.broadcast %add3A_381 : i32 to vector<16xi32>
        %add3A_383 = arith.addi %iota3A, %add3A_382 : vector<16xi32>
        %add3A_384 = arith.constant 0 : i32
        %add3A_385 = vector.broadcast %add3A_384 : i32 to vector<16xi32>
        %add3A_386 = arith.addi %and3A_252, %add3A_385 : vector<16xi32>
        %gather3A_387 = tpu.vector_load_idx %arg8[%add3A_383, %add3A_386] : memref<128x128xf32, #tpu.memory_space<vmem>>[vector<16xi32>, vector<16xi32>], vector<16xf32>,
        %add3A_388 = arith.constant 0 : i32
        %add3A_389 = vector.broadcast %add3A_388 : i32 to vector<16xi32>
        %add3A_390 = arith.addi %shift_right_arithmetic3A_257, %add3A_389 : vector<16xi32>
        tpu.vector_store_idx %arg11[%add3A_390, %and3A_255, %add3A_383], %gather3A_387 : memref<8x8x128xf32, #tpu.memory_space<vmem>>[vector<16xi32>, vector<16xi32>, vector<16xi32>], vector<16xf32>,
        %add3A_391 = arith.constant 16 : i32
        %add3A_392 = vector.broadcast %add3A_391 : i32 to vector<16xi32>
        %add3A_393 = arith.addi %and3A_252, %add3A_392 : vector<16xi32>
        %gather3A_394 = tpu.vector_load_idx %arg8[%add3A_383, %add3A_393] : memref<128x128xf32, #tpu.memory_space<vmem>>[vector<16xi32>, vector<16xi32>], vector<16xf32>,
        %add3A_395 = arith.constant 2 : i32
        %add3A_396 = vector.broadcast %add3A_395 : i32 to vector<16xi32>
        %add3A_397 = arith.addi %shift_right_arithmetic3A_257, %add3A_396 : vector<16xi32>
        tpu.vector_store_idx %arg11[%add3A_397, %and3A_255, %add3A_383], %gather3A_394 : memref<8x8x128xf32, #tpu.memory_space<vmem>>[vector<16xi32>, vector<16xi32>, vector<16xi32>], vector<16xf32>,
        %add3A_398 = arith.constant 32 : i32
        %add3A_399 = vector.broadcast %add3A_398 : i32 to vector<16xi32>
        %add3A_400 = arith.addi %and3A_252, %add3A_399 : vector<16xi32>
        %gather3A_401 = tpu.vector_load_idx %arg8[%add3A_383, %add3A_400] : memref<128x128xf32, #tpu.memory_space<vmem>>[vector<16xi32>, vector<16xi32>], vector<16xf32>,
        %add3A_402 = arith.constant 4 : i32
        %add3A_403 = vector.broadcast %add3A_402 : i32 to vector<16xi32>
        %add3A_404 = arith.addi %shift_right_arithmetic3A_257, %add3A_403 : vector<16xi32>
        tpu.vector_store_idx %arg11[%add3A_404, %and3A_255, %add3A_383], %gather3A_401 : memref<8x8x128xf32, #tpu.memory_space<vmem>>[vector<16xi32>, vector<16xi32>, vector<16xi32>], vector<16xf32>,
        %add3A_405 = arith.constant 48 : i32
        %add3A_406 = vector.broadcast %add3A_405 : i32 to vector<16xi32>
        %add3A_407 = arith.addi %and3A_252, %add3A_406 : vector<16xi32>
        %gather3A_408 = tpu.vector_load_idx %arg8[%add3A_383, %add3A_407] : memref<128x128xf32, #tpu.memory_space<vmem>>[vector<16xi32>, vector<16xi32>], vector<16xf32>,
        %add3A_409 = arith.constant 6 : i32
        %add3A_410 = vector.broadcast %add3A_409 : i32 to vector<16xi32>
        %add3A_411 = arith.addi %shift_right_arithmetic3A_257, %add3A_410 : vector<16xi32>
        tpu.vector_store_idx %arg11[%add3A_411, %and3A_255, %add3A_383], %gather3A_408 : memref<8x8x128xf32, #tpu.memory_space<vmem>>[vector<16xi32>, vector<16xi32>, vector<16xi32>], vector<16xf32>,
        %add3A_412 = arith.constant 80 : i32
        %add3A_413 = vector.broadcast %add3A_412 : i32 to vector<16xi32>
        %add3A_414 = arith.addi %iota3A, %add3A_413 : vector<16xi32>
        %add3A_415 = arith.constant 0 : i32
        %add3A_416 = vector.broadcast %add3A_415 : i32 to vector<16xi32>
        %add3A_417 = arith.addi %and3A_252, %add3A_416 : vector<16xi32>
        %gather3A_418 = tpu.vector_load_idx %arg8[%add3A_414, %add3A_417] : memref<128x128xf32, #tpu.memory_space<vmem>>[vector<16xi32>, vector<16xi32>], vector<16xf32>,
        %add3A_419 = arith.constant 0 : i32
        %add3A_420 = vector.broadcast %add3A_419 : i32 to vector<16xi32>
        %add3A_421 = arith.addi %shift_right_arithmetic3A_257, %add3A_420 : vector<16xi32>
        tpu.vector_store_idx %arg11[%add3A_421, %and3A_255, %add3A_414], %gather3A_418 : memref<8x8x128xf32, #tpu.memory_space<vmem>>[vector<16xi32>, vector<16xi32>, vector<16xi32>], vector<16xf32>,
        %add3A_422 = arith.constant 16 : i32
        %add3A_423 = vector.broadcast %add3A_422 : i32 to vector<16xi32>
        %add3A_424 = arith.addi %and3A_252, %add3A_423 : vector<16xi32>
        %gather3A_425 = tpu.vector_load_idx %arg8[%add3A_414, %add3A_424] : memref<128x128xf32, #tpu.memory_space<vmem>>[vector<16xi32>, vector<16xi32>], vector<16xf32>,
        %add3A_426 = arith.constant 2 : i32
        %add3A_427 = vector.broadcast %add3A_426 : i32 to vector<16xi32>
        %add3A_428 = arith.addi %shift_right_arithmetic3A_257, %add3A_427 : vector<16xi32>
        tpu.vector_store_idx %arg11[%add3A_428, %and3A_255, %add3A_414], %gather3A_425 : memref<8x8x128xf32, #tpu.memory_space<vmem>>[vector<16xi32>, vector<16xi32>, vector<16xi32>], vector<16xf32>,
        %add3A_429 = arith.constant 32 : i32
        %add3A_430 = vector.broadcast %add3A_429 : i32 to vector<16xi32>
        %add3A_431 = arith.addi %and3A_252, %add3A_430 : vector<16xi32>
        %gather3A_432 = tpu.vector_load_idx %arg8[%add3A_414, %add3A_431] : memref<128x128xf32, #tpu.memory_space<vmem>>[vector<16xi32>, vector<16xi32>], vector<16xf32>,
        %add3A_433 = arith.constant 4 : i32
        %add3A_434 = vector.broadcast %add3A_433 : i32 to vector<16xi32>
        %add3A_435 = arith.addi %shift_right_arithmetic3A_257, %add3A_434 : vector<16xi32>
        tpu.vector_store_idx %arg11[%add3A_435, %and3A_255, %add3A_414], %gather3A_432 : memref<8x8x128xf32, #tpu.memory_space<vmem>>[vector<16xi32>, vector<16xi32>, vector<16xi32>], vector<16xf32>,
        %add3A_436 = arith.constant 48 : i32
        %add3A_437 = vector.broadcast %add3A_436 : i32 to vector<16xi32>
        %add3A_438 = arith.addi %and3A_252, %add3A_437 : vector<16xi32>
        %gather3A_439 = tpu.vector_load_idx %arg8[%add3A_414, %add3A_438] : memref<128x128xf32, #tpu.memory_space<vmem>>[vector<16xi32>, vector<16xi32>], vector<16xf32>,
        %add3A_440 = arith.constant 6 : i32
        %add3A_441 = vector.broadcast %add3A_440 : i32 to vector<16xi32>
        %add3A_442 = arith.addi %shift_right_arithmetic3A_257, %add3A_441 : vector<16xi32>
        tpu.vector_store_idx %arg11[%add3A_442, %and3A_255, %add3A_414], %gather3A_439 : memref<8x8x128xf32, #tpu.memory_space<vmem>>[vector<16xi32>, vector<16xi32>, vector<16xi32>], vector<16xf32>,
        %add3A_443 = arith.constant 96 : i32
        %add3A_444 = vector.broadcast %add3A_443 : i32 to vector<16xi32>
        %add3A_445 = arith.addi %iota3A, %add3A_444 : vector<16xi32>
        %add3A_446 = arith.constant 0 : i32
        %add3A_447 = vector.broadcast %add3A_446 : i32 to vector<16xi32>
        %add3A_448 = arith.addi %and3A_252, %add3A_447 : vector<16xi32>
        %gather3A_449 = tpu.vector_load_idx %arg8[%add3A_445, %add3A_448] : memref<128x128xf32, #tpu.memory_space<vmem>>[vector<16xi32>, vector<16xi32>], vector<16xf32>,
        %add3A_450 = arith.constant 0 : i32
        %add3A_451 = vector.broadcast %add3A_450 : i32 to vector<16xi32>
        %add3A_452 = arith.addi %shift_right_arithmetic3A_257, %add3A_451 : vector<16xi32>
        tpu.vector_store_idx %arg11[%add3A_452, %and3A_255, %add3A_445], %gather3A_449 : memref<8x8x128xf32, #tpu.memory_space<vmem>>[vector<16xi32>, vector<16xi32>, vector<16xi32>], vector<16xf32>,
        %add3A_453 = arith.constant 16 : i32
        %add3A_454 = vector.broadcast %add3A_453 : i32 to vector<16xi32>
        %add3A_455 = arith.addi %and3A_252, %add3A_454 : vector<16xi32>
        %gather3A_456 = tpu.vector_load_idx %arg8[%add3A_445, %add3A_455] : memref<128x128xf32, #tpu.memory_space<vmem>>[vector<16xi32>, vector<16xi32>], vector<16xf32>,
        %add3A_457 = arith.constant 2 : i32
        %add3A_458 = vector.broadcast %add3A_457 : i32 to vector<16xi32>
        %add3A_459 = arith.addi %shift_right_arithmetic3A_257, %add3A_458 : vector<16xi32>
        tpu.vector_store_idx %arg11[%add3A_459, %and3A_255, %add3A_445], %gather3A_456 : memref<8x8x128xf32, #tpu.memory_space<vmem>>[vector<16xi32>, vector<16xi32>, vector<16xi32>], vector<16xf32>,
        %add3A_460 = arith.constant 32 : i32
        %add3A_461 = vector.broadcast %add3A_460 : i32 to vector<16xi32>
        %add3A_462 = arith.addi %and3A_252, %add3A_461 : vector<16xi32>
        %gather3A_463 = tpu.vector_load_idx %arg8[%add3A_445, %add3A_462] : memref<128x128xf32, #tpu.memory_space<vmem>>[vector<16xi32>, vector<16xi32>], vector<16xf32>,
        %add3A_464 = arith.constant 4 : i32
        %add3A_465 = vector.broadcast %add3A_464 : i32 to vector<16xi32>
        %add3A_466 = arith.addi %shift_right_arithmetic3A_257, %add3A_465 : vector<16xi32>
        tpu.vector_store_idx %arg11[%add3A_466, %and3A_255, %add3A_445], %gather3A_463 : memref<8x8x128xf32, #tpu.memory_space<vmem>>[vector<16xi32>, vector<16xi32>, vector<16xi32>], vector<16xf32>,
        %add3A_467 = arith.constant 48 : i32
        %add3A_468 = vector.broadcast %add3A_467 : i32 to vector<16xi32>
        %add3A_469 = arith.addi %and3A_252, %add3A_468 : vector<16xi32>
        %gather3A_470 = tpu.vector_load_idx %arg8[%add3A_445, %add3A_469] : memref<128x128xf32, #tpu.memory_space<vmem>>[vector<16xi32>, vector<16xi32>], vector<16xf32>,
        %add3A_471 = arith.constant 6 : i32
        %add3A_472 = vector.broadcast %add3A_471 : i32 to vector<16xi32>
        %add3A_473 = arith.addi %shift_right_arithmetic3A_257, %add3A_472 : vector<16xi32>
        tpu.vector_store_idx %arg11[%add3A_473, %and3A_255, %add3A_445], %gather3A_470 : memref<8x8x128xf32, #tpu.memory_space<vmem>>[vector<16xi32>, vector<16xi32>, vector<16xi32>], vector<16xf32>,
        %add3A_474 = arith.constant 112 : i32
        %add3A_475 = vector.broadcast %add3A_474 : i32 to vector<16xi32>
        %add3A_476 = arith.addi %iota3A, %add3A_475 : vector<16xi32>
        %add3A_477 = arith.constant 0 : i32
        %add3A_478 = vector.broadcast %add3A_477 : i32 to vector<16xi32>
        %add3A_479 = arith.addi %and3A_252, %add3A_478 : vector<16xi32>
        %gather3A_480 = tpu.vector_load_idx %arg8[%add3A_476, %add3A_479] : memref<128x128xf32, #tpu.memory_space<vmem>>[vector<16xi32>, vector<16xi32>], vector<16xf32>,
        %add3A_481 = arith.constant 0 : i32
        %add3A_482 = vector.broadcast %add3A_481 : i32 to vector<16xi32>
        %add3A_483 = arith.addi %shift_right_arithmetic3A_257, %add3A_482 : vector<16xi32>
        tpu.vector_store_idx %arg11[%add3A_483, %and3A_255, %add3A_476], %gather3A_480 : memref<8x8x128xf32, #tpu.memory_space<vmem>>[vector<16xi32>, vector<16xi32>, vector<16xi32>], vector<16xf32>,
        %add3A_484 = arith.constant 16 : i32
        %add3A_485 = vector.broadcast %add3A_484 : i32 to vector<16xi32>
        %add3A_486 = arith.addi %and3A_252, %add3A_485 : vector<16xi32>
        %gather3A_487 = tpu.vector_load_idx %arg8[%add3A_476, %add3A_486] : memref<128x128xf32, #tpu.memory_space<vmem>>[vector<16xi32>, vector<16xi32>], vector<16xf32>,
        %add3A_488 = arith.constant 2 : i32
        %add3A_489 = vector.broadcast %add3A_488 : i32 to vector<16xi32>
        %add3A_490 = arith.addi %shift_right_arithmetic3A_257, %add3A_489 : vector<16xi32>
        tpu.vector_store_idx %arg11[%add3A_490, %and3A_255, %add3A_476], %gather3A_487 : memref<8x8x128xf32, #tpu.memory_space<vmem>>[vector<16xi32>, vector<16xi32>, vector<16xi32>], vector<16xf32>,
        %add3A_491 = arith.constant 32 : i32
        %add3A_492 = vector.broadcast %add3A_491 : i32 to vector<16xi32>
        %add3A_493 = arith.addi %and3A_252, %add3A_492 : vector<16xi32>
        %gather3A_494 = tpu.vector_load_idx %arg8[%add3A_476, %add3A_493] : memref<128x128xf32, #tpu.memory_space<vmem>>[vector<16xi32>, vector<16xi32>], vector<16xf32>,
        %add3A_495 = arith.constant 4 : i32
        %add3A_496 = vector.broadcast %add3A_495 : i32 to vector<16xi32>
        %add3A_497 = arith.addi %shift_right_arithmetic3A_257, %add3A_496 : vector<16xi32>
        tpu.vector_store_idx %arg11[%add3A_497, %and3A_255, %add3A_476], %gather3A_494 : memref<8x8x128xf32, #tpu.memory_space<vmem>>[vector<16xi32>, vector<16xi32>, vector<16xi32>], vector<16xf32>,
        %add3A_498 = arith.constant 48 : i32
        %add3A_499 = vector.broadcast %add3A_498 : i32 to vector<16xi32>
        %add3A_500 = arith.addi %and3A_252, %add3A_499 : vector<16xi32>
        %gather3A_501 = tpu.vector_load_idx %arg8[%add3A_476, %add3A_500] : memref<128x128xf32, #tpu.memory_space<vmem>>[vector<16xi32>, vector<16xi32>], vector<16xf32>,
        %add3A_502 = arith.constant 6 : i32
        %add3A_503 = vector.broadcast %add3A_502 : i32 to vector<16xi32>
        %add3A_504 = arith.addi %shift_right_arithmetic3A_257, %add3A_503 : vector<16xi32>
        tpu.vector_store_idx %arg11[%add3A_504, %and3A_255, %add3A_476], %gather3A_501 : memref<8x8x128xf32, #tpu.memory_space<vmem>>[vector<16xi32>, vector<16xi32>, vector<16xi32>], vector<16xf32>,
      }
      %scan3A_153 = arith.constant 16 : i32
      %dma_start3A_154 = arith.constant 0 : i32
      %dma_start3A_155 = arith.constant 0 : i32
      %dma_start3A_156 = arith.constant 0 : i32
      %dma_start3A_157 = tpu.memref_slice %arg4[%add3A_126, %dma_start3A_154, %add3A, %dma_start3A_155, %dma_start3A_156] : memref<200x8x32x8x128xf32, #tpu.memory_space<hbm>> -> memref<1x8x1x8x128xf32, #tpu.memory_space<hbm>>
      %dma_start3A_158 = tpu.memref_squeeze %dma_start3A_157 : memref<1x8x1x8x128xf32, #tpu.memory_space<hbm>> -> memref<8x8x128xf32, #tpu.memory_space<hbm>>
      %dma_start3A_159 = arith.constant 0 : i32
      %dma_start3A_160 = arith.constant 0 : i32
      %dma_start3A_161 = arith.constant 0 : i32
      %dma_start3A_162 = tpu.memref_slice %arg4[%add3A_126, %dma_start3A_159, %add3A, %dma_start3A_160, %dma_start3A_161] : memref<200x8x32x8x128xf32, #tpu.memory_space<hbm>> -> memref<1x8x1x8x128xf32, #tpu.memory_space<hbm>>
      %dma_start3A_163 = tpu.memref_squeeze %dma_start3A_162 : memref<1x8x1x8x128xf32, #tpu.memory_space<hbm>> -> memref<8x8x128xf32, #tpu.memory_space<hbm>>
      tpu.enqueue_dma source(%arg11 : memref<8x8x128xf32, #tpu.memory_space<vmem>>) target(%dma_start3A_163 : memref<8x8x128xf32, #tpu.memory_space<hbm>>) target_semaphore(%arg18 : memref<!tpu.dma_semaphore, #tpu.memory_space<semaphore_mem>>)
      %mul3A_164 = arith.constant 5 : i32
      %mul3A_165 = arith.muli %scan3A_47, %mul3A_164 : i32
      %add3A_166 = arith.constant 3 : i32
      %add3A_167 = arith.addi %mul3A_165, %add3A_166 : i32
      %lt3A_168 = arith.constant 39 : i32
      %lt3A_169 = arith.cmpi slt, %scan3A_47, %lt3A_168 : i32
      %convert_element_type3A_170 = arith.extui %lt3A_169 : i1 to i32
      %cond3A_171 = arith.constant 0 : i32
      %cond3A_172 = arith.cmpi ne, %convert_element_type3A_170, %cond3A_171 : i32
      scf.if %cond3A_172 {
        %add3A_248 = arith.constant 3 : i32
        %add3A_249 = arith.addi %add3A_167, %add3A_248 : i32
        %dma_start3A_250 = arith.constant 0 : i32
        %dma_start3A_251 = tpu.memref_slice %arg5[%add3A_249, %dma_start3A_250] : memref<200x128xi32, #tpu.memory_space<vmem>> -> memref<1x128xi32, #tpu.memory_space<vmem>>
        %dma_start3A_252 = tpu.memref_squeeze %dma_start3A_251 : memref<1x128xi32, #tpu.memory_space<vmem>> -> memref<128xi32, #tpu.memory_space<vmem>>
        %dma_start3A_253 = arith.constant 0 : i32
        %dma_start3A_254 = arith.constant 0 : i32
        %dma_start3A_255 = tpu.memref_slice %arg2[%dma_start3A_253, %dma_start3A_254] : memref<1000000x128xf32, #tpu.memory_space<hbm>> -> memref<1000000x128xf32, #tpu.memory_space<hbm>>
        tpu.enqueue_indirect_dma source(%dma_start3A_255 : memref<1000000x128xf32, #tpu.memory_space<hbm>>) target(%arg7 : memref<128x128xf32, #tpu.memory_space<vmem>>) offsets(%dma_start3A_252 : memref<128xi32, #tpu.memory_space<vmem>>) semaphore(%arg14 : memref<!tpu.dma_semaphore, #tpu.memory_space<semaphore_mem>>)
      } else {
      }
      %dma_wait3A_173 = arith.constant 0 : i32
      %dma_wait3A_174 = arith.constant 0 : i32
      %dma_wait3A_175 = tpu.memref_slice %arg2[%dma_wait3A_173, %dma_wait3A_174] : memref<1000000x128xf32, #tpu.memory_space<hbm>> -> memref<128x128xf32, #tpu.memory_space<hbm>>
      %dma_wait3A_176 = arith.constant 0 : i32
      %dma_wait3A_177 = arith.constant 0 : i32
      %dma_wait3A_178 = tpu.memref_slice %arg2[%dma_wait3A_176, %dma_wait3A_177] : memref<1000000x128xf32, #tpu.memory_space<hbm>> -> memref<128x128xf32, #tpu.memory_space<hbm>>
      tpu.wait_dma2 semaphore(%arg16 : memref<!tpu.dma_semaphore, #tpu.memory_space<semaphore_mem>>) src(%dma_wait3A_178 : memref<128x128xf32, #tpu.memory_space<hbm>>) dst(%arg9 : memref<128x128xf32, #tpu.memory_space<vmem>>)
      %dma_wait3A_179 = arith.constant 0 : i32
      %dma_wait3A_180 = arith.constant 0 : i32
      %dma_wait3A_181 = arith.constant 0 : i32
      %dma_wait3A_182 = arith.constant 0 : i32
      %dma_wait3A_183 = tpu.memref_slice %arg4[%dma_wait3A_179, %dma_wait3A_180, %add3A, %dma_wait3A_181, %dma_wait3A_182] : memref<200x8x32x8x128xf32, #tpu.memory_space<hbm>> -> memref<1x8x1x8x128xf32, #tpu.memory_space<hbm>>
      %dma_wait3A_184 = tpu.memref_squeeze %dma_wait3A_183 : memref<1x8x1x8x128xf32, #tpu.memory_space<hbm>> -> memref<8x8x128xf32, #tpu.memory_space<hbm>>
      %dma_wait3A_185 = arith.constant 0 : i32
      %dma_wait3A_186 = arith.constant 0 : i32
      %dma_wait3A_187 = arith.constant 0 : i32
      %dma_wait3A_188 = tpu.memref_slice %arg4[%dma_wait3A_179, %dma_wait3A_185, %add3A, %dma_wait3A_186, %dma_wait3A_187] : memref<200x8x32x8x128xf32, #tpu.memory_space<hbm>> -> memref<1x8x1x8x128xf32, #tpu.memory_space<hbm>>
      %dma_wait3A_189 = tpu.memref_squeeze %dma_wait3A_188 : memref<1x8x1x8x128xf32, #tpu.memory_space<hbm>> -> memref<8x8x128xf32, #tpu.memory_space<hbm>>
      tpu.wait_dma2 semaphore(%arg19 : memref<!tpu.dma_semaphore, #tpu.memory_space<semaphore_mem>>) src(%arg12 : memref<8x8x128xf32, #tpu.memory_space<vmem>>) dst(%dma_wait3A_189 : memref<8x8x128xf32, #tpu.memory_space<hbm>>)
      %scan3A_190 = arith.constant 0 : i32
      %scan3A_191 = arith.constant 0 : i32
      %scan3A_192 = arith.constant 16 : i32
      %scan3A_193 = arith.addi %scan3A_191, %scan3A_192 : i32
      %scan3A_194 = arith.constant 1 : i32
      scf.for %scan3A_248 = %scan3A_191 to %scan3A_193 step %scan3A_194  : i32 {
        %add3A_249 = vector.broadcast %scan3A_248 : i32 to vector<16xi32>
        %add3A_250 = arith.addi %iota3A, %add3A_249 : vector<16xi32>
        %and3A = arith.constant 15 : i32
        %and3A_251 = vector.broadcast %and3A : i32 to vector<16xi32>
        %and3A_252 = arith.andi %add3A_250, %and3A_251 : vector<16xi32>
        %and3A_253 = arith.constant 7 : i32
        %and3A_254 = vector.broadcast %and3A_253 : i32 to vector<16xi32>
        %and3A_255 = arith.andi %and3A_252, %and3A_254 : vector<16xi32>
        %shift_right_arithmetic3A = arith.constant 3 : i32
        %shift_right_arithmetic3A_256 = vector.broadcast %shift_right_arithmetic3A : i32 to vector<16xi32>
        %shift_right_arithmetic3A_257 = arith.shrsi %and3A_252, %shift_right_arithmetic3A_256 : vector<16xi32>
        %add3A_258 = arith.constant 0 : i32
        %add3A_259 = vector.broadcast %add3A_258 : i32 to vector<16xi32>
        %add3A_260 = arith.addi %iota3A, %add3A_259 : vector<16xi32>
        %add3A_261 = arith.constant 0 : i32
        %add3A_262 = vector.broadcast %add3A_261 : i32 to vector<16xi32>
        %add3A_263 = arith.addi %and3A_252, %add3A_262 : vector<16xi32>
        %gather3A = tpu.vector_load_idx %arg9[%add3A_260, %add3A_263] : memref<128x128xf32, #tpu.memory_space<vmem>>[vector<16xi32>, vector<16xi32>], vector<16xf32>,
        %add3A_264 = arith.constant 0 : i32
        %add3A_265 = vector.broadcast %add3A_264 : i32 to vector<16xi32>
        %add3A_266 = arith.addi %shift_right_arithmetic3A_257, %add3A_265 : vector<16xi32>
        tpu.vector_store_idx %arg12[%add3A_266, %and3A_255, %add3A_260], %gather3A : memref<8x8x128xf32, #tpu.memory_space<vmem>>[vector<16xi32>, vector<16xi32>, vector<16xi32>], vector<16xf32>,
        %add3A_267 = arith.constant 16 : i32
        %add3A_268 = vector.broadcast %add3A_267 : i32 to vector<16xi32>
        %add3A_269 = arith.addi %and3A_252, %add3A_268 : vector<16xi32>
        %gather3A_270 = tpu.vector_load_idx %arg9[%add3A_260, %add3A_269] : memref<128x128xf32, #tpu.memory_space<vmem>>[vector<16xi32>, vector<16xi32>], vector<16xf32>,
        %add3A_271 = arith.constant 2 : i32
        %add3A_272 = vector.broadcast %add3A_271 : i32 to vector<16xi32>
        %add3A_273 = arith.addi %shift_right_arithmetic3A_257, %add3A_272 : vector<16xi32>
        tpu.vector_store_idx %arg12[%add3A_273, %and3A_255, %add3A_260], %gather3A_270 : memref<8x8x128xf32, #tpu.memory_space<vmem>>[vector<16xi32>, vector<16xi32>, vector<16xi32>], vector<16xf32>,
        %add3A_274 = arith.constant 32 : i32
        %add3A_275 = vector.broadcast %add3A_274 : i32 to vector<16xi32>
        %add3A_276 = arith.addi %and3A_252, %add3A_275 : vector<16xi32>
        %gather3A_277 = tpu.vector_load_idx %arg9[%add3A_260, %add3A_276] : memref<128x128xf32, #tpu.memory_space<vmem>>[vector<16xi32>, vector<16xi32>], vector<16xf32>,
        %add3A_278 = arith.constant 4 : i32
        %add3A_279 = vector.broadcast %add3A_278 : i32 to vector<16xi32>
        %add3A_280 = arith.addi %shift_right_arithmetic3A_257, %add3A_279 : vector<16xi32>
        tpu.vector_store_idx %arg12[%add3A_280, %and3A_255, %add3A_260], %gather3A_277 : memref<8x8x128xf32, #tpu.memory_space<vmem>>[vector<16xi32>, vector<16xi32>, vector<16xi32>], vector<16xf32>,
        %add3A_281 = arith.constant 48 : i32
        %add3A_282 = vector.broadcast %add3A_281 : i32 to vector<16xi32>
        %add3A_283 = arith.addi %and3A_252, %add3A_282 : vector<16xi32>
        %gather3A_284 = tpu.vector_load_idx %arg9[%add3A_260, %add3A_283] : memref<128x128xf32, #tpu.memory_space<vmem>>[vector<16xi32>, vector<16xi32>], vector<16xf32>,
        %add3A_285 = arith.constant 6 : i32
        %add3A_286 = vector.broadcast %add3A_285 : i32 to vector<16xi32>
        %add3A_287 = arith.addi %shift_right_arithmetic3A_257, %add3A_286 : vector<16xi32>
        tpu.vector_store_idx %arg12[%add3A_287, %and3A_255, %add3A_260], %gather3A_284 : memref<8x8x128xf32, #tpu.memory_space<vmem>>[vector<16xi32>, vector<16xi32>, vector<16xi32>], vector<16xf32>,
        %add3A_288 = arith.constant 16 : i32
        %add3A_289 = vector.broadcast %add3A_288 : i32 to vector<16xi32>
        %add3A_290 = arith.addi %iota3A, %add3A_289 : vector<16xi32>
        %add3A_291 = arith.constant 0 : i32
        %add3A_292 = vector.broadcast %add3A_291 : i32 to vector<16xi32>
        %add3A_293 = arith.addi %and3A_252, %add3A_292 : vector<16xi32>
        %gather3A_294 = tpu.vector_load_idx %arg9[%add3A_290, %add3A_293] : memref<128x128xf32, #tpu.memory_space<vmem>>[vector<16xi32>, vector<16xi32>], vector<16xf32>,
        %add3A_295 = arith.constant 0 : i32
        %add3A_296 = vector.broadcast %add3A_295 : i32 to vector<16xi32>
        %add3A_297 = arith.addi %shift_right_arithmetic3A_257, %add3A_296 : vector<16xi32>
        tpu.vector_store_idx %arg12[%add3A_297, %and3A_255, %add3A_290], %gather3A_294 : memref<8x8x128xf32, #tpu.memory_space<vmem>>[vector<16xi32>, vector<16xi32>, vector<16xi32>], vector<16xf32>,
        %add3A_298 = arith.constant 16 : i32
        %add3A_299 = vector.broadcast %add3A_298 : i32 to vector<16xi32>
        %add3A_300 = arith.addi %and3A_252, %add3A_299 : vector<16xi32>
        %gather3A_301 = tpu.vector_load_idx %arg9[%add3A_290, %add3A_300] : memref<128x128xf32, #tpu.memory_space<vmem>>[vector<16xi32>, vector<16xi32>], vector<16xf32>,
        %add3A_302 = arith.constant 2 : i32
        %add3A_303 = vector.broadcast %add3A_302 : i32 to vector<16xi32>
        %add3A_304 = arith.addi %shift_right_arithmetic3A_257, %add3A_303 : vector<16xi32>
        tpu.vector_store_idx %arg12[%add3A_304, %and3A_255, %add3A_290], %gather3A_301 : memref<8x8x128xf32, #tpu.memory_space<vmem>>[vector<16xi32>, vector<16xi32>, vector<16xi32>], vector<16xf32>,
        %add3A_305 = arith.constant 32 : i32
        %add3A_306 = vector.broadcast %add3A_305 : i32 to vector<16xi32>
        %add3A_307 = arith.addi %and3A_252, %add3A_306 : vector<16xi32>
        %gather3A_308 = tpu.vector_load_idx %arg9[%add3A_290, %add3A_307] : memref<128x128xf32, #tpu.memory_space<vmem>>[vector<16xi32>, vector<16xi32>], vector<16xf32>,
        %add3A_309 = arith.constant 4 : i32
        %add3A_310 = vector.broadcast %add3A_309 : i32 to vector<16xi32>
        %add3A_311 = arith.addi %shift_right_arithmetic3A_257, %add3A_310 : vector<16xi32>
        tpu.vector_store_idx %arg12[%add3A_311, %and3A_255, %add3A_290], %gather3A_308 : memref<8x8x128xf32, #tpu.memory_space<vmem>>[vector<16xi32>, vector<16xi32>, vector<16xi32>], vector<16xf32>,
        %add3A_312 = arith.constant 48 : i32
        %add3A_313 = vector.broadcast %add3A_312 : i32 to vector<16xi32>
        %add3A_314 = arith.addi %and3A_252, %add3A_313 : vector<16xi32>
        %gather3A_315 = tpu.vector_load_idx %arg9[%add3A_290, %add3A_314] : memref<128x128xf32, #tpu.memory_space<vmem>>[vector<16xi32>, vector<16xi32>], vector<16xf32>,
        %add3A_316 = arith.constant 6 : i32
        %add3A_317 = vector.broadcast %add3A_316 : i32 to vector<16xi32>
        %add3A_318 = arith.addi %shift_right_arithmetic3A_257, %add3A_317 : vector<16xi32>
        tpu.vector_store_idx %arg12[%add3A_318, %and3A_255, %add3A_290], %gather3A_315 : memref<8x8x128xf32, #tpu.memory_space<vmem>>[vector<16xi32>, vector<16xi32>, vector<16xi32>], vector<16xf32>,
        %add3A_319 = arith.constant 32 : i32
        %add3A_320 = vector.broadcast %add3A_319 : i32 to vector<16xi32>
        %add3A_321 = arith.addi %iota3A, %add3A_320 : vector<16xi32>
        %add3A_322 = arith.constant 0 : i32
        %add3A_323 = vector.broadcast %add3A_322 : i32 to vector<16xi32>
        %add3A_324 = arith.addi %and3A_252, %add3A_323 : vector<16xi32>
        %gather3A_325 = tpu.vector_load_idx %arg9[%add3A_321, %add3A_324] : memref<128x128xf32, #tpu.memory_space<vmem>>[vector<16xi32>, vector<16xi32>], vector<16xf32>,
        %add3A_326 = arith.constant 0 : i32
        %add3A_327 = vector.broadcast %add3A_326 : i32 to vector<16xi32>
        %add3A_328 = arith.addi %shift_right_arithmetic3A_257, %add3A_327 : vector<16xi32>
        tpu.vector_store_idx %arg12[%add3A_328, %and3A_255, %add3A_321], %gather3A_325 : memref<8x8x128xf32, #tpu.memory_space<vmem>>[vector<16xi32>, vector<16xi32>, vector<16xi32>], vector<16xf32>,
        %add3A_329 = arith.constant 16 : i32
        %add3A_330 = vector.broadcast %add3A_329 : i32 to vector<16xi32>
        %add3A_331 = arith.addi %and3A_252, %add3A_330 : vector<16xi32>
        %gather3A_332 = tpu.vector_load_idx %arg9[%add3A_321, %add3A_331] : memref<128x128xf32, #tpu.memory_space<vmem>>[vector<16xi32>, vector<16xi32>], vector<16xf32>,
        %add3A_333 = arith.constant 2 : i32
        %add3A_334 = vector.broadcast %add3A_333 : i32 to vector<16xi32>
        %add3A_335 = arith.addi %shift_right_arithmetic3A_257, %add3A_334 : vector<16xi32>
        tpu.vector_store_idx %arg12[%add3A_335, %and3A_255, %add3A_321], %gather3A_332 : memref<8x8x128xf32, #tpu.memory_space<vmem>>[vector<16xi32>, vector<16xi32>, vector<16xi32>], vector<16xf32>,
        %add3A_336 = arith.constant 32 : i32
        %add3A_337 = vector.broadcast %add3A_336 : i32 to vector<16xi32>
        %add3A_338 = arith.addi %and3A_252, %add3A_337 : vector<16xi32>
        %gather3A_339 = tpu.vector_load_idx %arg9[%add3A_321, %add3A_338] : memref<128x128xf32, #tpu.memory_space<vmem>>[vector<16xi32>, vector<16xi32>], vector<16xf32>,
        %add3A_340 = arith.constant 4 : i32
        %add3A_341 = vector.broadcast %add3A_340 : i32 to vector<16xi32>
        %add3A_342 = arith.addi %shift_right_arithmetic3A_257, %add3A_341 : vector<16xi32>
        tpu.vector_store_idx %arg12[%add3A_342, %and3A_255, %add3A_321], %gather3A_339 : memref<8x8x128xf32, #tpu.memory_space<vmem>>[vector<16xi32>, vector<16xi32>, vector<16xi32>], vector<16xf32>,
        %add3A_343 = arith.constant 48 : i32
        %add3A_344 = vector.broadcast %add3A_343 : i32 to vector<16xi32>
        %add3A_345 = arith.addi %and3A_252, %add3A_344 : vector<16xi32>
        %gather3A_346 = tpu.vector_load_idx %arg9[%add3A_321, %add3A_345] : memref<128x128xf32, #tpu.memory_space<vmem>>[vector<16xi32>, vector<16xi32>], vector<16xf32>,
        %add3A_347 = arith.constant 6 : i32
        %add3A_348 = vector.broadcast %add3A_347 : i32 to vector<16xi32>
        %add3A_349 = arith.addi %shift_right_arithmetic3A_257, %add3A_348 : vector<16xi32>
        tpu.vector_store_idx %arg12[%add3A_349, %and3A_255, %add3A_321], %gather3A_346 : memref<8x8x128xf32, #tpu.memory_space<vmem>>[vector<16xi32>, vector<16xi32>, vector<16xi32>], vector<16xf32>,
        %add3A_350 = arith.constant 48 : i32
        %add3A_351 = vector.broadcast %add3A_350 : i32 to vector<16xi32>
        %add3A_352 = arith.addi %iota3A, %add3A_351 : vector<16xi32>
        %add3A_353 = arith.constant 0 : i32
        %add3A_354 = vector.broadcast %add3A_353 : i32 to vector<16xi32>
        %add3A_355 = arith.addi %and3A_252, %add3A_354 : vector<16xi32>
        %gather3A_356 = tpu.vector_load_idx %arg9[%add3A_352, %add3A_355] : memref<128x128xf32, #tpu.memory_space<vmem>>[vector<16xi32>, vector<16xi32>], vector<16xf32>,
        %add3A_357 = arith.constant 0 : i32
        %add3A_358 = vector.broadcast %add3A_357 : i32 to vector<16xi32>
        %add3A_359 = arith.addi %shift_right_arithmetic3A_257, %add3A_358 : vector<16xi32>
        tpu.vector_store_idx %arg12[%add3A_359, %and3A_255, %add3A_352], %gather3A_356 : memref<8x8x128xf32, #tpu.memory_space<vmem>>[vector<16xi32>, vector<16xi32>, vector<16xi32>], vector<16xf32>,
        %add3A_360 = arith.constant 16 : i32
        %add3A_361 = vector.broadcast %add3A_360 : i32 to vector<16xi32>
        %add3A_362 = arith.addi %and3A_252, %add3A_361 : vector<16xi32>
        %gather3A_363 = tpu.vector_load_idx %arg9[%add3A_352, %add3A_362] : memref<128x128xf32, #tpu.memory_space<vmem>>[vector<16xi32>, vector<16xi32>], vector<16xf32>,
        %add3A_364 = arith.constant 2 : i32
        %add3A_365 = vector.broadcast %add3A_364 : i32 to vector<16xi32>
        %add3A_366 = arith.addi %shift_right_arithmetic3A_257, %add3A_365 : vector<16xi32>
        tpu.vector_store_idx %arg12[%add3A_366, %and3A_255, %add3A_352], %gather3A_363 : memref<8x8x128xf32, #tpu.memory_space<vmem>>[vector<16xi32>, vector<16xi32>, vector<16xi32>], vector<16xf32>,
        %add3A_367 = arith.constant 32 : i32
        %add3A_368 = vector.broadcast %add3A_367 : i32 to vector<16xi32>
        %add3A_369 = arith.addi %and3A_252, %add3A_368 : vector<16xi32>
        %gather3A_370 = tpu.vector_load_idx %arg9[%add3A_352, %add3A_369] : memref<128x128xf32, #tpu.memory_space<vmem>>[vector<16xi32>, vector<16xi32>], vector<16xf32>,
        %add3A_371 = arith.constant 4 : i32
        %add3A_372 = vector.broadcast %add3A_371 : i32 to vector<16xi32>
        %add3A_373 = arith.addi %shift_right_arithmetic3A_257, %add3A_372 : vector<16xi32>
        tpu.vector_store_idx %arg12[%add3A_373, %and3A_255, %add3A_352], %gather3A_370 : memref<8x8x128xf32, #tpu.memory_space<vmem>>[vector<16xi32>, vector<16xi32>, vector<16xi32>], vector<16xf32>,
        %add3A_374 = arith.constant 48 : i32
        %add3A_375 = vector.broadcast %add3A_374 : i32 to vector<16xi32>
        %add3A_376 = arith.addi %and3A_252, %add3A_375 : vector<16xi32>
        %gather3A_377 = tpu.vector_load_idx %arg9[%add3A_352, %add3A_376] : memref<128x128xf32, #tpu.memory_space<vmem>>[vector<16xi32>, vector<16xi32>], vector<16xf32>,
        %add3A_378 = arith.constant 6 : i32
        %add3A_379 = vector.broadcast %add3A_378 : i32 to vector<16xi32>
        %add3A_380 = arith.addi %shift_right_arithmetic3A_257, %add3A_379 : vector<16xi32>
        tpu.vector_store_idx %arg12[%add3A_380, %and3A_255, %add3A_352], %gather3A_377 : memref<8x8x128xf32, #tpu.memory_space<vmem>>[vector<16xi32>, vector<16xi32>, vector<16xi32>], vector<16xf32>,
        %add3A_381 = arith.constant 64 : i32
        %add3A_382 = vector.broadcast %add3A_381 : i32 to vector<16xi32>
        %add3A_383 = arith.addi %iota3A, %add3A_382 : vector<16xi32>
        %add3A_384 = arith.constant 0 : i32
        %add3A_385 = vector.broadcast %add3A_384 : i32 to vector<16xi32>
        %add3A_386 = arith.addi %and3A_252, %add3A_385 : vector<16xi32>
        %gather3A_387 = tpu.vector_load_idx %arg9[%add3A_383, %add3A_386] : memref<128x128xf32, #tpu.memory_space<vmem>>[vector<16xi32>, vector<16xi32>], vector<16xf32>,
        %add3A_388 = arith.constant 0 : i32
        %add3A_389 = vector.broadcast %add3A_388 : i32 to vector<16xi32>
        %add3A_390 = arith.addi %shift_right_arithmetic3A_257, %add3A_389 : vector<16xi32>
        tpu.vector_store_idx %arg12[%add3A_390, %and3A_255, %add3A_383], %gather3A_387 : memref<8x8x128xf32, #tpu.memory_space<vmem>>[vector<16xi32>, vector<16xi32>, vector<16xi32>], vector<16xf32>,
        %add3A_391 = arith.constant 16 : i32
        %add3A_392 = vector.broadcast %add3A_391 : i32 to vector<16xi32>
        %add3A_393 = arith.addi %and3A_252, %add3A_392 : vector<16xi32>
        %gather3A_394 = tpu.vector_load_idx %arg9[%add3A_383, %add3A_393] : memref<128x128xf32, #tpu.memory_space<vmem>>[vector<16xi32>, vector<16xi32>], vector<16xf32>,
        %add3A_395 = arith.constant 2 : i32
        %add3A_396 = vector.broadcast %add3A_395 : i32 to vector<16xi32>
        %add3A_397 = arith.addi %shift_right_arithmetic3A_257, %add3A_396 : vector<16xi32>
        tpu.vector_store_idx %arg12[%add3A_397, %and3A_255, %add3A_383], %gather3A_394 : memref<8x8x128xf32, #tpu.memory_space<vmem>>[vector<16xi32>, vector<16xi32>, vector<16xi32>], vector<16xf32>,
        %add3A_398 = arith.constant 32 : i32
        %add3A_399 = vector.broadcast %add3A_398 : i32 to vector<16xi32>
        %add3A_400 = arith.addi %and3A_252, %add3A_399 : vector<16xi32>
        %gather3A_401 = tpu.vector_load_idx %arg9[%add3A_383, %add3A_400] : memref<128x128xf32, #tpu.memory_space<vmem>>[vector<16xi32>, vector<16xi32>], vector<16xf32>,
        %add3A_402 = arith.constant 4 : i32
        %add3A_403 = vector.broadcast %add3A_402 : i32 to vector<16xi32>
        %add3A_404 = arith.addi %shift_right_arithmetic3A_257, %add3A_403 : vector<16xi32>
        tpu.vector_store_idx %arg12[%add3A_404, %and3A_255, %add3A_383], %gather3A_401 : memref<8x8x128xf32, #tpu.memory_space<vmem>>[vector<16xi32>, vector<16xi32>, vector<16xi32>], vector<16xf32>,
        %add3A_405 = arith.constant 48 : i32
        %add3A_406 = vector.broadcast %add3A_405 : i32 to vector<16xi32>
        %add3A_407 = arith.addi %and3A_252, %add3A_406 : vector<16xi32>
        %gather3A_408 = tpu.vector_load_idx %arg9[%add3A_383, %add3A_407] : memref<128x128xf32, #tpu.memory_space<vmem>>[vector<16xi32>, vector<16xi32>], vector<16xf32>,
        %add3A_409 = arith.constant 6 : i32
        %add3A_410 = vector.broadcast %add3A_409 : i32 to vector<16xi32>
        %add3A_411 = arith.addi %shift_right_arithmetic3A_257, %add3A_410 : vector<16xi32>
        tpu.vector_store_idx %arg12[%add3A_411, %and3A_255, %add3A_383], %gather3A_408 : memref<8x8x128xf32, #tpu.memory_space<vmem>>[vector<16xi32>, vector<16xi32>, vector<16xi32>], vector<16xf32>,
        %add3A_412 = arith.constant 80 : i32
        %add3A_413 = vector.broadcast %add3A_412 : i32 to vector<16xi32>
        %add3A_414 = arith.addi %iota3A, %add3A_413 : vector<16xi32>
        %add3A_415 = arith.constant 0 : i32
        %add3A_416 = vector.broadcast %add3A_415 : i32 to vector<16xi32>
        %add3A_417 = arith.addi %and3A_252, %add3A_416 : vector<16xi32>
        %gather3A_418 = tpu.vector_load_idx %arg9[%add3A_414, %add3A_417] : memref<128x128xf32, #tpu.memory_space<vmem>>[vector<16xi32>, vector<16xi32>], vector<16xf32>,
        %add3A_419 = arith.constant 0 : i32
        %add3A_420 = vector.broadcast %add3A_419 : i32 to vector<16xi32>
        %add3A_421 = arith.addi %shift_right_arithmetic3A_257, %add3A_420 : vector<16xi32>
        tpu.vector_store_idx %arg12[%add3A_421, %and3A_255, %add3A_414], %gather3A_418 : memref<8x8x128xf32, #tpu.memory_space<vmem>>[vector<16xi32>, vector<16xi32>, vector<16xi32>], vector<16xf32>,
        %add3A_422 = arith.constant 16 : i32
        %add3A_423 = vector.broadcast %add3A_422 : i32 to vector<16xi32>
        %add3A_424 = arith.addi %and3A_252, %add3A_423 : vector<16xi32>
        %gather3A_425 = tpu.vector_load_idx %arg9[%add3A_414, %add3A_424] : memref<128x128xf32, #tpu.memory_space<vmem>>[vector<16xi32>, vector<16xi32>], vector<16xf32>,
        %add3A_426 = arith.constant 2 : i32
        %add3A_427 = vector.broadcast %add3A_426 : i32 to vector<16xi32>
        %add3A_428 = arith.addi %shift_right_arithmetic3A_257, %add3A_427 : vector<16xi32>
        tpu.vector_store_idx %arg12[%add3A_428, %and3A_255, %add3A_414], %gather3A_425 : memref<8x8x128xf32, #tpu.memory_space<vmem>>[vector<16xi32>, vector<16xi32>, vector<16xi32>], vector<16xf32>,
        %add3A_429 = arith.constant 32 : i32
        %add3A_430 = vector.broadcast %add3A_429 : i32 to vector<16xi32>
        %add3A_431 = arith.addi %and3A_252, %add3A_430 : vector<16xi32>
        %gather3A_432 = tpu.vector_load_idx %arg9[%add3A_414, %add3A_431] : memref<128x128xf32, #tpu.memory_space<vmem>>[vector<16xi32>, vector<16xi32>], vector<16xf32>,
        %add3A_433 = arith.constant 4 : i32
        %add3A_434 = vector.broadcast %add3A_433 : i32 to vector<16xi32>
        %add3A_435 = arith.addi %shift_right_arithmetic3A_257, %add3A_434 : vector<16xi32>
        tpu.vector_store_idx %arg12[%add3A_435, %and3A_255, %add3A_414], %gather3A_432 : memref<8x8x128xf32, #tpu.memory_space<vmem>>[vector<16xi32>, vector<16xi32>, vector<16xi32>], vector<16xf32>,
        %add3A_436 = arith.constant 48 : i32
        %add3A_437 = vector.broadcast %add3A_436 : i32 to vector<16xi32>
        %add3A_438 = arith.addi %and3A_252, %add3A_437 : vector<16xi32>
        %gather3A_439 = tpu.vector_load_idx %arg9[%add3A_414, %add3A_438] : memref<128x128xf32, #tpu.memory_space<vmem>>[vector<16xi32>, vector<16xi32>], vector<16xf32>,
        %add3A_440 = arith.constant 6 : i32
        %add3A_441 = vector.broadcast %add3A_440 : i32 to vector<16xi32>
        %add3A_442 = arith.addi %shift_right_arithmetic3A_257, %add3A_441 : vector<16xi32>
        tpu.vector_store_idx %arg12[%add3A_442, %and3A_255, %add3A_414], %gather3A_439 : memref<8x8x128xf32, #tpu.memory_space<vmem>>[vector<16xi32>, vector<16xi32>, vector<16xi32>], vector<16xf32>,
        %add3A_443 = arith.constant 96 : i32
        %add3A_444 = vector.broadcast %add3A_443 : i32 to vector<16xi32>
        %add3A_445 = arith.addi %iota3A, %add3A_444 : vector<16xi32>
        %add3A_446 = arith.constant 0 : i32
        %add3A_447 = vector.broadcast %add3A_446 : i32 to vector<16xi32>
        %add3A_448 = arith.addi %and3A_252, %add3A_447 : vector<16xi32>
        %gather3A_449 = tpu.vector_load_idx %arg9[%add3A_445, %add3A_448] : memref<128x128xf32, #tpu.memory_space<vmem>>[vector<16xi32>, vector<16xi32>], vector<16xf32>,
        %add3A_450 = arith.constant 0 : i32
        %add3A_451 = vector.broadcast %add3A_450 : i32 to vector<16xi32>
        %add3A_452 = arith.addi %shift_right_arithmetic3A_257, %add3A_451 : vector<16xi32>
        tpu.vector_store_idx %arg12[%add3A_452, %and3A_255, %add3A_445], %gather3A_449 : memref<8x8x128xf32, #tpu.memory_space<vmem>>[vector<16xi32>, vector<16xi32>, vector<16xi32>], vector<16xf32>,
        %add3A_453 = arith.constant 16 : i32
        %add3A_454 = vector.broadcast %add3A_453 : i32 to vector<16xi32>
        %add3A_455 = arith.addi %and3A_252, %add3A_454 : vector<16xi32>
        %gather3A_456 = tpu.vector_load_idx %arg9[%add3A_445, %add3A_455] : memref<128x128xf32, #tpu.memory_space<vmem>>[vector<16xi32>, vector<16xi32>], vector<16xf32>,
        %add3A_457 = arith.constant 2 : i32
        %add3A_458 = vector.broadcast %add3A_457 : i32 to vector<16xi32>
        %add3A_459 = arith.addi %shift_right_arithmetic3A_257, %add3A_458 : vector<16xi32>
        tpu.vector_store_idx %arg12[%add3A_459, %and3A_255, %add3A_445], %gather3A_456 : memref<8x8x128xf32, #tpu.memory_space<vmem>>[vector<16xi32>, vector<16xi32>, vector<16xi32>], vector<16xf32>,
        %add3A_460 = arith.constant 32 : i32
        %add3A_461 = vector.broadcast %add3A_460 : i32 to vector<16xi32>
        %add3A_462 = arith.addi %and3A_252, %add3A_461 : vector<16xi32>
        %gather3A_463 = tpu.vector_load_idx %arg9[%add3A_445, %add3A_462] : memref<128x128xf32, #tpu.memory_space<vmem>>[vector<16xi32>, vector<16xi32>], vector<16xf32>,
        %add3A_464 = arith.constant 4 : i32
        %add3A_465 = vector.broadcast %add3A_464 : i32 to vector<16xi32>
        %add3A_466 = arith.addi %shift_right_arithmetic3A_257, %add3A_465 : vector<16xi32>
        tpu.vector_store_idx %arg12[%add3A_466, %and3A_255, %add3A_445], %gather3A_463 : memref<8x8x128xf32, #tpu.memory_space<vmem>>[vector<16xi32>, vector<16xi32>, vector<16xi32>], vector<16xf32>,
        %add3A_467 = arith.constant 48 : i32
        %add3A_468 = vector.broadcast %add3A_467 : i32 to vector<16xi32>
        %add3A_469 = arith.addi %and3A_252, %add3A_468 : vector<16xi32>
        %gather3A_470 = tpu.vector_load_idx %arg9[%add3A_445, %add3A_469] : memref<128x128xf32, #tpu.memory_space<vmem>>[vector<16xi32>, vector<16xi32>], vector<16xf32>,
        %add3A_471 = arith.constant 6 : i32
        %add3A_472 = vector.broadcast %add3A_471 : i32 to vector<16xi32>
        %add3A_473 = arith.addi %shift_right_arithmetic3A_257, %add3A_472 : vector<16xi32>
        tpu.vector_store_idx %arg12[%add3A_473, %and3A_255, %add3A_445], %gather3A_470 : memref<8x8x128xf32, #tpu.memory_space<vmem>>[vector<16xi32>, vector<16xi32>, vector<16xi32>], vector<16xf32>,
        %add3A_474 = arith.constant 112 : i32
        %add3A_475 = vector.broadcast %add3A_474 : i32 to vector<16xi32>
        %add3A_476 = arith.addi %iota3A, %add3A_475 : vector<16xi32>
        %add3A_477 = arith.constant 0 : i32
        %add3A_478 = vector.broadcast %add3A_477 : i32 to vector<16xi32>
        %add3A_479 = arith.addi %and3A_252, %add3A_478 : vector<16xi32>
        %gather3A_480 = tpu.vector_load_idx %arg9[%add3A_476, %add3A_479] : memref<128x128xf32, #tpu.memory_space<vmem>>[vector<16xi32>, vector<16xi32>], vector<16xf32>,
        %add3A_481 = arith.constant 0 : i32
        %add3A_482 = vector.broadcast %add3A_481 : i32 to vector<16xi32>
        %add3A_483 = arith.addi %shift_right_arithmetic3A_257, %add3A_482 : vector<16xi32>
        tpu.vector_store_idx %arg12[%add3A_483, %and3A_255, %add3A_476], %gather3A_480 : memref<8x8x128xf32, #tpu.memory_space<vmem>>[vector<16xi32>, vector<16xi32>, vector<16xi32>], vector<16xf32>,
        %add3A_484 = arith.constant 16 : i32
        %add3A_485 = vector.broadcast %add3A_484 : i32 to vector<16xi32>
        %add3A_486 = arith.addi %and3A_252, %add3A_485 : vector<16xi32>
        %gather3A_487 = tpu.vector_load_idx %arg9[%add3A_476, %add3A_486] : memref<128x128xf32, #tpu.memory_space<vmem>>[vector<16xi32>, vector<16xi32>], vector<16xf32>,
        %add3A_488 = arith.constant 2 : i32
        %add3A_489 = vector.broadcast %add3A_488 : i32 to vector<16xi32>
        %add3A_490 = arith.addi %shift_right_arithmetic3A_257, %add3A_489 : vector<16xi32>
        tpu.vector_store_idx %arg12[%add3A_490, %and3A_255, %add3A_476], %gather3A_487 : memref<8x8x128xf32, #tpu.memory_space<vmem>>[vector<16xi32>, vector<16xi32>, vector<16xi32>], vector<16xf32>,
        %add3A_491 = arith.constant 32 : i32
        %add3A_492 = vector.broadcast %add3A_491 : i32 to vector<16xi32>
        %add3A_493 = arith.addi %and3A_252, %add3A_492 : vector<16xi32>
        %gather3A_494 = tpu.vector_load_idx %arg9[%add3A_476, %add3A_493] : memref<128x128xf32, #tpu.memory_space<vmem>>[vector<16xi32>, vector<16xi32>], vector<16xf32>,
        %add3A_495 = arith.constant 4 : i32
        %add3A_496 = vector.broadcast %add3A_495 : i32 to vector<16xi32>
        %add3A_497 = arith.addi %shift_right_arithmetic3A_257, %add3A_496 : vector<16xi32>
        tpu.vector_store_idx %arg12[%add3A_497, %and3A_255, %add3A_476], %gather3A_494 : memref<8x8x128xf32, #tpu.memory_space<vmem>>[vector<16xi32>, vector<16xi32>, vector<16xi32>], vector<16xf32>,
        %add3A_498 = arith.constant 48 : i32
        %add3A_499 = vector.broadcast %add3A_498 : i32 to vector<16xi32>
        %add3A_500 = arith.addi %and3A_252, %add3A_499 : vector<16xi32>
        %gather3A_501 = tpu.vector_load_idx %arg9[%add3A_476, %add3A_500] : memref<128x128xf32, #tpu.memory_space<vmem>>[vector<16xi32>, vector<16xi32>], vector<16xf32>,
        %add3A_502 = arith.constant 6 : i32
        %add3A_503 = vector.broadcast %add3A_502 : i32 to vector<16xi32>
        %add3A_504 = arith.addi %shift_right_arithmetic3A_257, %add3A_503 : vector<16xi32>
        tpu.vector_store_idx %arg12[%add3A_504, %and3A_255, %add3A_476], %gather3A_501 : memref<8x8x128xf32, #tpu.memory_space<vmem>>[vector<16xi32>, vector<16xi32>, vector<16xi32>], vector<16xf32>,
      }
      %scan3A_195 = arith.constant 16 : i32
      %dma_start3A_196 = arith.constant 0 : i32
      %dma_start3A_197 = arith.constant 0 : i32
      %dma_start3A_198 = arith.constant 0 : i32
      %dma_start3A_199 = tpu.memref_slice %arg4[%add3A_167, %dma_start3A_196, %add3A, %dma_start3A_197, %dma_start3A_198] : memref<200x8x32x8x128xf32, #tpu.memory_space<hbm>> -> memref<1x8x1x8x128xf32, #tpu.memory_space<hbm>>
      %dma_start3A_200 = tpu.memref_squeeze %dma_start3A_199 : memref<1x8x1x8x128xf32, #tpu.memory_space<hbm>> -> memref<8x8x128xf32, #tpu.memory_space<hbm>>
      %dma_start3A_201 = arith.constant 0 : i32
      %dma_start3A_202 = arith.constant 0 : i32
      %dma_start3A_203 = arith.constant 0 : i32
      %dma_start3A_204 = tpu.memref_slice %arg4[%add3A_167, %dma_start3A_201, %add3A, %dma_start3A_202, %dma_start3A_203] : memref<200x8x32x8x128xf32, #tpu.memory_space<hbm>> -> memref<1x8x1x8x128xf32, #tpu.memory_space<hbm>>
      %dma_start3A_205 = tpu.memref_squeeze %dma_start3A_204 : memref<1x8x1x8x128xf32, #tpu.memory_space<hbm>> -> memref<8x8x128xf32, #tpu.memory_space<hbm>>
      tpu.enqueue_dma source(%arg12 : memref<8x8x128xf32, #tpu.memory_space<vmem>>) target(%dma_start3A_205 : memref<8x8x128xf32, #tpu.memory_space<hbm>>) target_semaphore(%arg19 : memref<!tpu.dma_semaphore, #tpu.memory_space<semaphore_mem>>)
      %mul3A_206 = arith.constant 5 : i32
      %mul3A_207 = arith.muli %scan3A_47, %mul3A_206 : i32
      %add3A_208 = arith.constant 4 : i32
      %add3A_209 = arith.addi %mul3A_207, %add3A_208 : i32
      %lt3A_210 = arith.constant 39 : i32
      %lt3A_211 = arith.cmpi slt, %scan3A_47, %lt3A_210 : i32
      %convert_element_type3A_212 = arith.extui %lt3A_211 : i1 to i32
      %cond3A_213 = arith.constant 0 : i32
      %cond3A_214 = arith.cmpi ne, %convert_element_type3A_212, %cond3A_213 : i32
      scf.if %cond3A_214 {
        %add3A_248 = arith.constant 3 : i32
        %add3A_249 = arith.addi %add3A_209, %add3A_248 : i32
        %dma_start3A_250 = arith.constant 0 : i32
        %dma_start3A_251 = tpu.memref_slice %arg5[%add3A_249, %dma_start3A_250] : memref<200x128xi32, #tpu.memory_space<vmem>> -> memref<1x128xi32, #tpu.memory_space<vmem>>
        %dma_start3A_252 = tpu.memref_squeeze %dma_start3A_251 : memref<1x128xi32, #tpu.memory_space<vmem>> -> memref<128xi32, #tpu.memory_space<vmem>>
        %dma_start3A_253 = arith.constant 0 : i32
        %dma_start3A_254 = arith.constant 0 : i32
        %dma_start3A_255 = tpu.memref_slice %arg2[%dma_start3A_253, %dma_start3A_254] : memref<1000000x128xf32, #tpu.memory_space<hbm>> -> memref<1000000x128xf32, #tpu.memory_space<hbm>>
        tpu.enqueue_indirect_dma source(%dma_start3A_255 : memref<1000000x128xf32, #tpu.memory_space<hbm>>) target(%arg8 : memref<128x128xf32, #tpu.memory_space<vmem>>) offsets(%dma_start3A_252 : memref<128xi32, #tpu.memory_space<vmem>>) semaphore(%arg15 : memref<!tpu.dma_semaphore, #tpu.memory_space<semaphore_mem>>)
      } else {
      }
      %dma_wait3A_215 = arith.constant 0 : i32
      %dma_wait3A_216 = arith.constant 0 : i32
      %dma_wait3A_217 = tpu.memref_slice %arg2[%dma_wait3A_215, %dma_wait3A_216] : memref<1000000x128xf32, #tpu.memory_space<hbm>> -> memref<128x128xf32, #tpu.memory_space<hbm>>
      %dma_wait3A_218 = arith.constant 0 : i32
      %dma_wait3A_219 = arith.constant 0 : i32
      %dma_wait3A_220 = tpu.memref_slice %arg2[%dma_wait3A_218, %dma_wait3A_219] : memref<1000000x128xf32, #tpu.memory_space<hbm>> -> memref<128x128xf32, #tpu.memory_space<hbm>>
      tpu.wait_dma2 semaphore(%arg17 : memref<!tpu.dma_semaphore, #tpu.memory_space<semaphore_mem>>) src(%dma_wait3A_220 : memref<128x128xf32, #tpu.memory_space<hbm>>) dst(%arg10 : memref<128x128xf32, #tpu.memory_space<vmem>>)
      %dma_wait3A_221 = arith.constant 0 : i32
      %dma_wait3A_222 = arith.constant 0 : i32
      %dma_wait3A_223 = arith.constant 0 : i32
      %dma_wait3A_224 = arith.constant 0 : i32
      %dma_wait3A_225 = tpu.memref_slice %arg4[%dma_wait3A_221, %dma_wait3A_222, %add3A, %dma_wait3A_223, %dma_wait3A_224] : memref<200x8x32x8x128xf32, #tpu.memory_space<hbm>> -> memref<1x8x1x8x128xf32, #tpu.memory_space<hbm>>
      %dma_wait3A_226 = tpu.memref_squeeze %dma_wait3A_225 : memref<1x8x1x8x128xf32, #tpu.memory_space<hbm>> -> memref<8x8x128xf32, #tpu.memory_space<hbm>>
      %dma_wait3A_227 = arith.constant 0 : i32
      %dma_wait3A_228 = arith.constant 0 : i32
      %dma_wait3A_229 = arith.constant 0 : i32
      %dma_wait3A_230 = tpu.memref_slice %arg4[%dma_wait3A_221, %dma_wait3A_227, %add3A, %dma_wait3A_228, %dma_wait3A_229] : memref<200x8x32x8x128xf32, #tpu.memory_space<hbm>> -> memref<1x8x1x8x128xf32, #tpu.memory_space<hbm>>
      %dma_wait3A_231 = tpu.memref_squeeze %dma_wait3A_230 : memref<1x8x1x8x128xf32, #tpu.memory_space<hbm>> -> memref<8x8x128xf32, #tpu.memory_space<hbm>>
      tpu.wait_dma2 semaphore(%arg18 : memref<!tpu.dma_semaphore, #tpu.memory_space<semaphore_mem>>) src(%arg11 : memref<8x8x128xf32, #tpu.memory_space<vmem>>) dst(%dma_wait3A_231 : memref<8x8x128xf32, #tpu.memory_space<hbm>>)
      %scan3A_232 = arith.constant 0 : i32
      %scan3A_233 = arith.constant 0 : i32
      %scan3A_234 = arith.constant 16 : i32
      %scan3A_235 = arith.addi %scan3A_233, %scan3A_234 : i32
      %scan3A_236 = arith.constant 1 : i32
      scf.for %scan3A_248 = %scan3A_233 to %scan3A_235 step %scan3A_236  : i32 {
        %add3A_249 = vector.broadcast %scan3A_248 : i32 to vector<16xi32>
        %add3A_250 = arith.addi %iota3A, %add3A_249 : vector<16xi32>
        %and3A = arith.constant 15 : i32
        %and3A_251 = vector.broadcast %and3A : i32 to vector<16xi32>
        %and3A_252 = arith.andi %add3A_250, %and3A_251 : vector<16xi32>
        %and3A_253 = arith.constant 7 : i32
        %and3A_254 = vector.broadcast %and3A_253 : i32 to vector<16xi32>
        %and3A_255 = arith.andi %and3A_252, %and3A_254 : vector<16xi32>
        %shift_right_arithmetic3A = arith.constant 3 : i32
        %shift_right_arithmetic3A_256 = vector.broadcast %shift_right_arithmetic3A : i32 to vector<16xi32>
        %shift_right_arithmetic3A_257 = arith.shrsi %and3A_252, %shift_right_arithmetic3A_256 : vector<16xi32>
        %add3A_258 = arith.constant 0 : i32
        %add3A_259 = vector.broadcast %add3A_258 : i32 to vector<16xi32>
        %add3A_260 = arith.addi %iota3A, %add3A_259 : vector<16xi32>
        %add3A_261 = arith.constant 0 : i32
        %add3A_262 = vector.broadcast %add3A_261 : i32 to vector<16xi32>
        %add3A_263 = arith.addi %and3A_252, %add3A_262 : vector<16xi32>
        %gather3A = tpu.vector_load_idx %arg10[%add3A_260, %add3A_263] : memref<128x128xf32, #tpu.memory_space<vmem>>[vector<16xi32>, vector<16xi32>], vector<16xf32>,
        %add3A_264 = arith.constant 0 : i32
        %add3A_265 = vector.broadcast %add3A_264 : i32 to vector<16xi32>
        %add3A_266 = arith.addi %shift_right_arithmetic3A_257, %add3A_265 : vector<16xi32>
        tpu.vector_store_idx %arg11[%add3A_266, %and3A_255, %add3A_260], %gather3A : memref<8x8x128xf32, #tpu.memory_space<vmem>>[vector<16xi32>, vector<16xi32>, vector<16xi32>], vector<16xf32>,
        %add3A_267 = arith.constant 16 : i32
        %add3A_268 = vector.broadcast %add3A_267 : i32 to vector<16xi32>
        %add3A_269 = arith.addi %and3A_252, %add3A_268 : vector<16xi32>
        %gather3A_270 = tpu.vector_load_idx %arg10[%add3A_260, %add3A_269] : memref<128x128xf32, #tpu.memory_space<vmem>>[vector<16xi32>, vector<16xi32>], vector<16xf32>,
        %add3A_271 = arith.constant 2 : i32
        %add3A_272 = vector.broadcast %add3A_271 : i32 to vector<16xi32>
        %add3A_273 = arith.addi %shift_right_arithmetic3A_257, %add3A_272 : vector<16xi32>
        tpu.vector_store_idx %arg11[%add3A_273, %and3A_255, %add3A_260], %gather3A_270 : memref<8x8x128xf32, #tpu.memory_space<vmem>>[vector<16xi32>, vector<16xi32>, vector<16xi32>], vector<16xf32>,
        %add3A_274 = arith.constant 32 : i32
        %add3A_275 = vector.broadcast %add3A_274 : i32 to vector<16xi32>
        %add3A_276 = arith.addi %and3A_252, %add3A_275 : vector<16xi32>
        %gather3A_277 = tpu.vector_load_idx %arg10[%add3A_260, %add3A_276] : memref<128x128xf32, #tpu.memory_space<vmem>>[vector<16xi32>, vector<16xi32>], vector<16xf32>,
        %add3A_278 = arith.constant 4 : i32
        %add3A_279 = vector.broadcast %add3A_278 : i32 to vector<16xi32>
        %add3A_280 = arith.addi %shift_right_arithmetic3A_257, %add3A_279 : vector<16xi32>
        tpu.vector_store_idx %arg11[%add3A_280, %and3A_255, %add3A_260], %gather3A_277 : memref<8x8x128xf32, #tpu.memory_space<vmem>>[vector<16xi32>, vector<16xi32>, vector<16xi32>], vector<16xf32>,
        %add3A_281 = arith.constant 48 : i32
        %add3A_282 = vector.broadcast %add3A_281 : i32 to vector<16xi32>
        %add3A_283 = arith.addi %and3A_252, %add3A_282 : vector<16xi32>
        %gather3A_284 = tpu.vector_load_idx %arg10[%add3A_260, %add3A_283] : memref<128x128xf32, #tpu.memory_space<vmem>>[vector<16xi32>, vector<16xi32>], vector<16xf32>,
        %add3A_285 = arith.constant 6 : i32
        %add3A_286 = vector.broadcast %add3A_285 : i32 to vector<16xi32>
        %add3A_287 = arith.addi %shift_right_arithmetic3A_257, %add3A_286 : vector<16xi32>
        tpu.vector_store_idx %arg11[%add3A_287, %and3A_255, %add3A_260], %gather3A_284 : memref<8x8x128xf32, #tpu.memory_space<vmem>>[vector<16xi32>, vector<16xi32>, vector<16xi32>], vector<16xf32>,
        %add3A_288 = arith.constant 16 : i32
        %add3A_289 = vector.broadcast %add3A_288 : i32 to vector<16xi32>
        %add3A_290 = arith.addi %iota3A, %add3A_289 : vector<16xi32>
        %add3A_291 = arith.constant 0 : i32
        %add3A_292 = vector.broadcast %add3A_291 : i32 to vector<16xi32>
        %add3A_293 = arith.addi %and3A_252, %add3A_292 : vector<16xi32>
        %gather3A_294 = tpu.vector_load_idx %arg10[%add3A_290, %add3A_293] : memref<128x128xf32, #tpu.memory_space<vmem>>[vector<16xi32>, vector<16xi32>], vector<16xf32>,
        %add3A_295 = arith.constant 0 : i32
        %add3A_296 = vector.broadcast %add3A_295 : i32 to vector<16xi32>
        %add3A_297 = arith.addi %shift_right_arithmetic3A_257, %add3A_296 : vector<16xi32>
        tpu.vector_store_idx %arg11[%add3A_297, %and3A_255, %add3A_290], %gather3A_294 : memref<8x8x128xf32, #tpu.memory_space<vmem>>[vector<16xi32>, vector<16xi32>, vector<16xi32>], vector<16xf32>,
        %add3A_298 = arith.constant 16 : i32
        %add3A_299 = vector.broadcast %add3A_298 : i32 to vector<16xi32>
        %add3A_300 = arith.addi %and3A_252, %add3A_299 : vector<16xi32>
        %gather3A_301 = tpu.vector_load_idx %arg10[%add3A_290, %add3A_300] : memref<128x128xf32, #tpu.memory_space<vmem>>[vector<16xi32>, vector<16xi32>], vector<16xf32>,
        %add3A_302 = arith.constant 2 : i32
        %add3A_303 = vector.broadcast %add3A_302 : i32 to vector<16xi32>
        %add3A_304 = arith.addi %shift_right_arithmetic3A_257, %add3A_303 : vector<16xi32>
        tpu.vector_store_idx %arg11[%add3A_304, %and3A_255, %add3A_290], %gather3A_301 : memref<8x8x128xf32, #tpu.memory_space<vmem>>[vector<16xi32>, vector<16xi32>, vector<16xi32>], vector<16xf32>,
        %add3A_305 = arith.constant 32 : i32
        %add3A_306 = vector.broadcast %add3A_305 : i32 to vector<16xi32>
        %add3A_307 = arith.addi %and3A_252, %add3A_306 : vector<16xi32>
        %gather3A_308 = tpu.vector_load_idx %arg10[%add3A_290, %add3A_307] : memref<128x128xf32, #tpu.memory_space<vmem>>[vector<16xi32>, vector<16xi32>], vector<16xf32>,
        %add3A_309 = arith.constant 4 : i32
        %add3A_310 = vector.broadcast %add3A_309 : i32 to vector<16xi32>
        %add3A_311 = arith.addi %shift_right_arithmetic3A_257, %add3A_310 : vector<16xi32>
        tpu.vector_store_idx %arg11[%add3A_311, %and3A_255, %add3A_290], %gather3A_308 : memref<8x8x128xf32, #tpu.memory_space<vmem>>[vector<16xi32>, vector<16xi32>, vector<16xi32>], vector<16xf32>,
        %add3A_312 = arith.constant 48 : i32
        %add3A_313 = vector.broadcast %add3A_312 : i32 to vector<16xi32>
        %add3A_314 = arith.addi %and3A_252, %add3A_313 : vector<16xi32>
        %gather3A_315 = tpu.vector_load_idx %arg10[%add3A_290, %add3A_314] : memref<128x128xf32, #tpu.memory_space<vmem>>[vector<16xi32>, vector<16xi32>], vector<16xf32>,
        %add3A_316 = arith.constant 6 : i32
        %add3A_317 = vector.broadcast %add3A_316 : i32 to vector<16xi32>
        %add3A_318 = arith.addi %shift_right_arithmetic3A_257, %add3A_317 : vector<16xi32>
        tpu.vector_store_idx %arg11[%add3A_318, %and3A_255, %add3A_290], %gather3A_315 : memref<8x8x128xf32, #tpu.memory_space<vmem>>[vector<16xi32>, vector<16xi32>, vector<16xi32>], vector<16xf32>,
        %add3A_319 = arith.constant 32 : i32
        %add3A_320 = vector.broadcast %add3A_319 : i32 to vector<16xi32>
        %add3A_321 = arith.addi %iota3A, %add3A_320 : vector<16xi32>
        %add3A_322 = arith.constant 0 : i32
        %add3A_323 = vector.broadcast %add3A_322 : i32 to vector<16xi32>
        %add3A_324 = arith.addi %and3A_252, %add3A_323 : vector<16xi32>
        %gather3A_325 = tpu.vector_load_idx %arg10[%add3A_321, %add3A_324] : memref<128x128xf32, #tpu.memory_space<vmem>>[vector<16xi32>, vector<16xi32>], vector<16xf32>,
        %add3A_326 = arith.constant 0 : i32
        %add3A_327 = vector.broadcast %add3A_326 : i32 to vector<16xi32>
        %add3A_328 = arith.addi %shift_right_arithmetic3A_257, %add3A_327 : vector<16xi32>
        tpu.vector_store_idx %arg11[%add3A_328, %and3A_255, %add3A_321], %gather3A_325 : memref<8x8x128xf32, #tpu.memory_space<vmem>>[vector<16xi32>, vector<16xi32>, vector<16xi32>], vector<16xf32>,
        %add3A_329 = arith.constant 16 : i32
        %add3A_330 = vector.broadcast %add3A_329 : i32 to vector<16xi32>
        %add3A_331 = arith.addi %and3A_252, %add3A_330 : vector<16xi32>
        %gather3A_332 = tpu.vector_load_idx %arg10[%add3A_321, %add3A_331] : memref<128x128xf32, #tpu.memory_space<vmem>>[vector<16xi32>, vector<16xi32>], vector<16xf32>,
        %add3A_333 = arith.constant 2 : i32
        %add3A_334 = vector.broadcast %add3A_333 : i32 to vector<16xi32>
        %add3A_335 = arith.addi %shift_right_arithmetic3A_257, %add3A_334 : vector<16xi32>
        tpu.vector_store_idx %arg11[%add3A_335, %and3A_255, %add3A_321], %gather3A_332 : memref<8x8x128xf32, #tpu.memory_space<vmem>>[vector<16xi32>, vector<16xi32>, vector<16xi32>], vector<16xf32>,
        %add3A_336 = arith.constant 32 : i32
        %add3A_337 = vector.broadcast %add3A_336 : i32 to vector<16xi32>
        %add3A_338 = arith.addi %and3A_252, %add3A_337 : vector<16xi32>
        %gather3A_339 = tpu.vector_load_idx %arg10[%add3A_321, %add3A_338] : memref<128x128xf32, #tpu.memory_space<vmem>>[vector<16xi32>, vector<16xi32>], vector<16xf32>,
        %add3A_340 = arith.constant 4 : i32
        %add3A_341 = vector.broadcast %add3A_340 : i32 to vector<16xi32>
        %add3A_342 = arith.addi %shift_right_arithmetic3A_257, %add3A_341 : vector<16xi32>
        tpu.vector_store_idx %arg11[%add3A_342, %and3A_255, %add3A_321], %gather3A_339 : memref<8x8x128xf32, #tpu.memory_space<vmem>>[vector<16xi32>, vector<16xi32>, vector<16xi32>], vector<16xf32>,
        %add3A_343 = arith.constant 48 : i32
        %add3A_344 = vector.broadcast %add3A_343 : i32 to vector<16xi32>
        %add3A_345 = arith.addi %and3A_252, %add3A_344 : vector<16xi32>
        %gather3A_346 = tpu.vector_load_idx %arg10[%add3A_321, %add3A_345] : memref<128x128xf32, #tpu.memory_space<vmem>>[vector<16xi32>, vector<16xi32>], vector<16xf32>,
        %add3A_347 = arith.constant 6 : i32
        %add3A_348 = vector.broadcast %add3A_347 : i32 to vector<16xi32>
        %add3A_349 = arith.addi %shift_right_arithmetic3A_257, %add3A_348 : vector<16xi32>
        tpu.vector_store_idx %arg11[%add3A_349, %and3A_255, %add3A_321], %gather3A_346 : memref<8x8x128xf32, #tpu.memory_space<vmem>>[vector<16xi32>, vector<16xi32>, vector<16xi32>], vector<16xf32>,
        %add3A_350 = arith.constant 48 : i32
        %add3A_351 = vector.broadcast %add3A_350 : i32 to vector<16xi32>
        %add3A_352 = arith.addi %iota3A, %add3A_351 : vector<16xi32>
        %add3A_353 = arith.constant 0 : i32
        %add3A_354 = vector.broadcast %add3A_353 : i32 to vector<16xi32>
        %add3A_355 = arith.addi %and3A_252, %add3A_354 : vector<16xi32>
        %gather3A_356 = tpu.vector_load_idx %arg10[%add3A_352, %add3A_355] : memref<128x128xf32, #tpu.memory_space<vmem>>[vector<16xi32>, vector<16xi32>], vector<16xf32>,
        %add3A_357 = arith.constant 0 : i32
        %add3A_358 = vector.broadcast %add3A_357 : i32 to vector<16xi32>
        %add3A_359 = arith.addi %shift_right_arithmetic3A_257, %add3A_358 : vector<16xi32>
        tpu.vector_store_idx %arg11[%add3A_359, %and3A_255, %add3A_352], %gather3A_356 : memref<8x8x128xf32, #tpu.memory_space<vmem>>[vector<16xi32>, vector<16xi32>, vector<16xi32>], vector<16xf32>,
        %add3A_360 = arith.constant 16 : i32
        %add3A_361 = vector.broadcast %add3A_360 : i32 to vector<16xi32>
        %add3A_362 = arith.addi %and3A_252, %add3A_361 : vector<16xi32>
        %gather3A_363 = tpu.vector_load_idx %arg10[%add3A_352, %add3A_362] : memref<128x128xf32, #tpu.memory_space<vmem>>[vector<16xi32>, vector<16xi32>], vector<16xf32>,
        %add3A_364 = arith.constant 2 : i32
        %add3A_365 = vector.broadcast %add3A_364 : i32 to vector<16xi32>
        %add3A_366 = arith.addi %shift_right_arithmetic3A_257, %add3A_365 : vector<16xi32>
        tpu.vector_store_idx %arg11[%add3A_366, %and3A_255, %add3A_352], %gather3A_363 : memref<8x8x128xf32, #tpu.memory_space<vmem>>[vector<16xi32>, vector<16xi32>, vector<16xi32>], vector<16xf32>,
        %add3A_367 = arith.constant 32 : i32
        %add3A_368 = vector.broadcast %add3A_367 : i32 to vector<16xi32>
        %add3A_369 = arith.addi %and3A_252, %add3A_368 : vector<16xi32>
        %gather3A_370 = tpu.vector_load_idx %arg10[%add3A_352, %add3A_369] : memref<128x128xf32, #tpu.memory_space<vmem>>[vector<16xi32>, vector<16xi32>], vector<16xf32>,
        %add3A_371 = arith.constant 4 : i32
        %add3A_372 = vector.broadcast %add3A_371 : i32 to vector<16xi32>
        %add3A_373 = arith.addi %shift_right_arithmetic3A_257, %add3A_372 : vector<16xi32>
        tpu.vector_store_idx %arg11[%add3A_373, %and3A_255, %add3A_352], %gather3A_370 : memref<8x8x128xf32, #tpu.memory_space<vmem>>[vector<16xi32>, vector<16xi32>, vector<16xi32>], vector<16xf32>,
        %add3A_374 = arith.constant 48 : i32
        %add3A_375 = vector.broadcast %add3A_374 : i32 to vector<16xi32>
        %add3A_376 = arith.addi %and3A_252, %add3A_375 : vector<16xi32>
        %gather3A_377 = tpu.vector_load_idx %arg10[%add3A_352, %add3A_376] : memref<128x128xf32, #tpu.memory_space<vmem>>[vector<16xi32>, vector<16xi32>], vector<16xf32>,
        %add3A_378 = arith.constant 6 : i32
        %add3A_379 = vector.broadcast %add3A_378 : i32 to vector<16xi32>
        %add3A_380 = arith.addi %shift_right_arithmetic3A_257, %add3A_379 : vector<16xi32>
        tpu.vector_store_idx %arg11[%add3A_380, %and3A_255, %add3A_352], %gather3A_377 : memref<8x8x128xf32, #tpu.memory_space<vmem>>[vector<16xi32>, vector<16xi32>, vector<16xi32>], vector<16xf32>,
        %add3A_381 = arith.constant 64 : i32
        %add3A_382 = vector.broadcast %add3A_381 : i32 to vector<16xi32>
        %add3A_383 = arith.addi %iota3A, %add3A_382 : vector<16xi32>
        %add3A_384 = arith.constant 0 : i32
        %add3A_385 = vector.broadcast %add3A_384 : i32 to vector<16xi32>
        %add3A_386 = arith.addi %and3A_252, %add3A_385 : vector<16xi32>
        %gather3A_387 = tpu.vector_load_idx %arg10[%add3A_383, %add3A_386] : memref<128x128xf32, #tpu.memory_space<vmem>>[vector<16xi32>, vector<16xi32>], vector<16xf32>,
        %add3A_388 = arith.constant 0 : i32
        %add3A_389 = vector.broadcast %add3A_388 : i32 to vector<16xi32>
        %add3A_390 = arith.addi %shift_right_arithmetic3A_257, %add3A_389 : vector<16xi32>
        tpu.vector_store_idx %arg11[%add3A_390, %and3A_255, %add3A_383], %gather3A_387 : memref<8x8x128xf32, #tpu.memory_space<vmem>>[vector<16xi32>, vector<16xi32>, vector<16xi32>], vector<16xf32>,
        %add3A_391 = arith.constant 16 : i32
        %add3A_392 = vector.broadcast %add3A_391 : i32 to vector<16xi32>
        %add3A_393 = arith.addi %and3A_252, %add3A_392 : vector<16xi32>
        %gather3A_394 = tpu.vector_load_idx %arg10[%add3A_383, %add3A_393] : memref<128x128xf32, #tpu.memory_space<vmem>>[vector<16xi32>, vector<16xi32>], vector<16xf32>,
        %add3A_395 = arith.constant 2 : i32
        %add3A_396 = vector.broadcast %add3A_395 : i32 to vector<16xi32>
        %add3A_397 = arith.addi %shift_right_arithmetic3A_257, %add3A_396 : vector<16xi32>
        tpu.vector_store_idx %arg11[%add3A_397, %and3A_255, %add3A_383], %gather3A_394 : memref<8x8x128xf32, #tpu.memory_space<vmem>>[vector<16xi32>, vector<16xi32>, vector<16xi32>], vector<16xf32>,
        %add3A_398 = arith.constant 32 : i32
        %add3A_399 = vector.broadcast %add3A_398 : i32 to vector<16xi32>
        %add3A_400 = arith.addi %and3A_252, %add3A_399 : vector<16xi32>
        %gather3A_401 = tpu.vector_load_idx %arg10[%add3A_383, %add3A_400] : memref<128x128xf32, #tpu.memory_space<vmem>>[vector<16xi32>, vector<16xi32>], vector<16xf32>,
        %add3A_402 = arith.constant 4 : i32
        %add3A_403 = vector.broadcast %add3A_402 : i32 to vector<16xi32>
        %add3A_404 = arith.addi %shift_right_arithmetic3A_257, %add3A_403 : vector<16xi32>
        tpu.vector_store_idx %arg11[%add3A_404, %and3A_255, %add3A_383], %gather3A_401 : memref<8x8x128xf32, #tpu.memory_space<vmem>>[vector<16xi32>, vector<16xi32>, vector<16xi32>], vector<16xf32>,
        %add3A_405 = arith.constant 48 : i32
        %add3A_406 = vector.broadcast %add3A_405 : i32 to vector<16xi32>
        %add3A_407 = arith.addi %and3A_252, %add3A_406 : vector<16xi32>
        %gather3A_408 = tpu.vector_load_idx %arg10[%add3A_383, %add3A_407] : memref<128x128xf32, #tpu.memory_space<vmem>>[vector<16xi32>, vector<16xi32>], vector<16xf32>,
        %add3A_409 = arith.constant 6 : i32
        %add3A_410 = vector.broadcast %add3A_409 : i32 to vector<16xi32>
        %add3A_411 = arith.addi %shift_right_arithmetic3A_257, %add3A_410 : vector<16xi32>
        tpu.vector_store_idx %arg11[%add3A_411, %and3A_255, %add3A_383], %gather3A_408 : memref<8x8x128xf32, #tpu.memory_space<vmem>>[vector<16xi32>, vector<16xi32>, vector<16xi32>], vector<16xf32>,
        %add3A_412 = arith.constant 80 : i32
        %add3A_413 = vector.broadcast %add3A_412 : i32 to vector<16xi32>
        %add3A_414 = arith.addi %iota3A, %add3A_413 : vector<16xi32>
        %add3A_415 = arith.constant 0 : i32
        %add3A_416 = vector.broadcast %add3A_415 : i32 to vector<16xi32>
        %add3A_417 = arith.addi %and3A_252, %add3A_416 : vector<16xi32>
        %gather3A_418 = tpu.vector_load_idx %arg10[%add3A_414, %add3A_417] : memref<128x128xf32, #tpu.memory_space<vmem>>[vector<16xi32>, vector<16xi32>], vector<16xf32>,
        %add3A_419 = arith.constant 0 : i32
        %add3A_420 = vector.broadcast %add3A_419 : i32 to vector<16xi32>
        %add3A_421 = arith.addi %shift_right_arithmetic3A_257, %add3A_420 : vector<16xi32>
        tpu.vector_store_idx %arg11[%add3A_421, %and3A_255, %add3A_414], %gather3A_418 : memref<8x8x128xf32, #tpu.memory_space<vmem>>[vector<16xi32>, vector<16xi32>, vector<16xi32>], vector<16xf32>,
        %add3A_422 = arith.constant 16 : i32
        %add3A_423 = vector.broadcast %add3A_422 : i32 to vector<16xi32>
        %add3A_424 = arith.addi %and3A_252, %add3A_423 : vector<16xi32>
        %gather3A_425 = tpu.vector_load_idx %arg10[%add3A_414, %add3A_424] : memref<128x128xf32, #tpu.memory_space<vmem>>[vector<16xi32>, vector<16xi32>], vector<16xf32>,
        %add3A_426 = arith.constant 2 : i32
        %add3A_427 = vector.broadcast %add3A_426 : i32 to vector<16xi32>
        %add3A_428 = arith.addi %shift_right_arithmetic3A_257, %add3A_427 : vector<16xi32>
        tpu.vector_store_idx %arg11[%add3A_428, %and3A_255, %add3A_414], %gather3A_425 : memref<8x8x128xf32, #tpu.memory_space<vmem>>[vector<16xi32>, vector<16xi32>, vector<16xi32>], vector<16xf32>,
        %add3A_429 = arith.constant 32 : i32
        %add3A_430 = vector.broadcast %add3A_429 : i32 to vector<16xi32>
        %add3A_431 = arith.addi %and3A_252, %add3A_430 : vector<16xi32>
        %gather3A_432 = tpu.vector_load_idx %arg10[%add3A_414, %add3A_431] : memref<128x128xf32, #tpu.memory_space<vmem>>[vector<16xi32>, vector<16xi32>], vector<16xf32>,
        %add3A_433 = arith.constant 4 : i32
        %add3A_434 = vector.broadcast %add3A_433 : i32 to vector<16xi32>
        %add3A_435 = arith.addi %shift_right_arithmetic3A_257, %add3A_434 : vector<16xi32>
        tpu.vector_store_idx %arg11[%add3A_435, %and3A_255, %add3A_414], %gather3A_432 : memref<8x8x128xf32, #tpu.memory_space<vmem>>[vector<16xi32>, vector<16xi32>, vector<16xi32>], vector<16xf32>,
        %add3A_436 = arith.constant 48 : i32
        %add3A_437 = vector.broadcast %add3A_436 : i32 to vector<16xi32>
        %add3A_438 = arith.addi %and3A_252, %add3A_437 : vector<16xi32>
        %gather3A_439 = tpu.vector_load_idx %arg10[%add3A_414, %add3A_438] : memref<128x128xf32, #tpu.memory_space<vmem>>[vector<16xi32>, vector<16xi32>], vector<16xf32>,
        %add3A_440 = arith.constant 6 : i32
        %add3A_441 = vector.broadcast %add3A_440 : i32 to vector<16xi32>
        %add3A_442 = arith.addi %shift_right_arithmetic3A_257, %add3A_441 : vector<16xi32>
        tpu.vector_store_idx %arg11[%add3A_442, %and3A_255, %add3A_414], %gather3A_439 : memref<8x8x128xf32, #tpu.memory_space<vmem>>[vector<16xi32>, vector<16xi32>, vector<16xi32>], vector<16xf32>,
        %add3A_443 = arith.constant 96 : i32
        %add3A_444 = vector.broadcast %add3A_443 : i32 to vector<16xi32>
        %add3A_445 = arith.addi %iota3A, %add3A_444 : vector<16xi32>
        %add3A_446 = arith.constant 0 : i32
        %add3A_447 = vector.broadcast %add3A_446 : i32 to vector<16xi32>
        %add3A_448 = arith.addi %and3A_252, %add3A_447 : vector<16xi32>
        %gather3A_449 = tpu.vector_load_idx %arg10[%add3A_445, %add3A_448] : memref<128x128xf32, #tpu.memory_space<vmem>>[vector<16xi32>, vector<16xi32>], vector<16xf32>,
        %add3A_450 = arith.constant 0 : i32
        %add3A_451 = vector.broadcast %add3A_450 : i32 to vector<16xi32>
        %add3A_452 = arith.addi %shift_right_arithmetic3A_257, %add3A_451 : vector<16xi32>
        tpu.vector_store_idx %arg11[%add3A_452, %and3A_255, %add3A_445], %gather3A_449 : memref<8x8x128xf32, #tpu.memory_space<vmem>>[vector<16xi32>, vector<16xi32>, vector<16xi32>], vector<16xf32>,
        %add3A_453 = arith.constant 16 : i32
        %add3A_454 = vector.broadcast %add3A_453 : i32 to vector<16xi32>
        %add3A_455 = arith.addi %and3A_252, %add3A_454 : vector<16xi32>
        %gather3A_456 = tpu.vector_load_idx %arg10[%add3A_445, %add3A_455] : memref<128x128xf32, #tpu.memory_space<vmem>>[vector<16xi32>, vector<16xi32>], vector<16xf32>,
        %add3A_457 = arith.constant 2 : i32
        %add3A_458 = vector.broadcast %add3A_457 : i32 to vector<16xi32>
        %add3A_459 = arith.addi %shift_right_arithmetic3A_257, %add3A_458 : vector<16xi32>
        tpu.vector_store_idx %arg11[%add3A_459, %and3A_255, %add3A_445], %gather3A_456 : memref<8x8x128xf32, #tpu.memory_space<vmem>>[vector<16xi32>, vector<16xi32>, vector<16xi32>], vector<16xf32>,
        %add3A_460 = arith.constant 32 : i32
        %add3A_461 = vector.broadcast %add3A_460 : i32 to vector<16xi32>
        %add3A_462 = arith.addi %and3A_252, %add3A_461 : vector<16xi32>
        %gather3A_463 = tpu.vector_load_idx %arg10[%add3A_445, %add3A_462] : memref<128x128xf32, #tpu.memory_space<vmem>>[vector<16xi32>, vector<16xi32>], vector<16xf32>,
        %add3A_464 = arith.constant 4 : i32
        %add3A_465 = vector.broadcast %add3A_464 : i32 to vector<16xi32>
        %add3A_466 = arith.addi %shift_right_arithmetic3A_257, %add3A_465 : vector<16xi32>
        tpu.vector_store_idx %arg11[%add3A_466, %and3A_255, %add3A_445], %gather3A_463 : memref<8x8x128xf32, #tpu.memory_space<vmem>>[vector<16xi32>, vector<16xi32>, vector<16xi32>], vector<16xf32>,
        %add3A_467 = arith.constant 48 : i32
        %add3A_468 = vector.broadcast %add3A_467 : i32 to vector<16xi32>
        %add3A_469 = arith.addi %and3A_252, %add3A_468 : vector<16xi32>
        %gather3A_470 = tpu.vector_load_idx %arg10[%add3A_445, %add3A_469] : memref<128x128xf32, #tpu.memory_space<vmem>>[vector<16xi32>, vector<16xi32>], vector<16xf32>,
        %add3A_471 = arith.constant 6 : i32
        %add3A_472 = vector.broadcast %add3A_471 : i32 to vector<16xi32>
        %add3A_473 = arith.addi %shift_right_arithmetic3A_257, %add3A_472 : vector<16xi32>
        tpu.vector_store_idx %arg11[%add3A_473, %and3A_255, %add3A_445], %gather3A_470 : memref<8x8x128xf32, #tpu.memory_space<vmem>>[vector<16xi32>, vector<16xi32>, vector<16xi32>], vector<16xf32>,
        %add3A_474 = arith.constant 112 : i32
        %add3A_475 = vector.broadcast %add3A_474 : i32 to vector<16xi32>
        %add3A_476 = arith.addi %iota3A, %add3A_475 : vector<16xi32>
        %add3A_477 = arith.constant 0 : i32
        %add3A_478 = vector.broadcast %add3A_477 : i32 to vector<16xi32>
        %add3A_479 = arith.addi %and3A_252, %add3A_478 : vector<16xi32>
        %gather3A_480 = tpu.vector_load_idx %arg10[%add3A_476, %add3A_479] : memref<128x128xf32, #tpu.memory_space<vmem>>[vector<16xi32>, vector<16xi32>], vector<16xf32>,
        %add3A_481 = arith.constant 0 : i32
        %add3A_482 = vector.broadcast %add3A_481 : i32 to vector<16xi32>
        %add3A_483 = arith.addi %shift_right_arithmetic3A_257, %add3A_482 : vector<16xi32>
        tpu.vector_store_idx %arg11[%add3A_483, %and3A_255, %add3A_476], %gather3A_480 : memref<8x8x128xf32, #tpu.memory_space<vmem>>[vector<16xi32>, vector<16xi32>, vector<16xi32>], vector<16xf32>,
        %add3A_484 = arith.constant 16 : i32
        %add3A_485 = vector.broadcast %add3A_484 : i32 to vector<16xi32>
        %add3A_486 = arith.addi %and3A_252, %add3A_485 : vector<16xi32>
        %gather3A_487 = tpu.vector_load_idx %arg10[%add3A_476, %add3A_486] : memref<128x128xf32, #tpu.memory_space<vmem>>[vector<16xi32>, vector<16xi32>], vector<16xf32>,
        %add3A_488 = arith.constant 2 : i32
        %add3A_489 = vector.broadcast %add3A_488 : i32 to vector<16xi32>
        %add3A_490 = arith.addi %shift_right_arithmetic3A_257, %add3A_489 : vector<16xi32>
        tpu.vector_store_idx %arg11[%add3A_490, %and3A_255, %add3A_476], %gather3A_487 : memref<8x8x128xf32, #tpu.memory_space<vmem>>[vector<16xi32>, vector<16xi32>, vector<16xi32>], vector<16xf32>,
        %add3A_491 = arith.constant 32 : i32
        %add3A_492 = vector.broadcast %add3A_491 : i32 to vector<16xi32>
        %add3A_493 = arith.addi %and3A_252, %add3A_492 : vector<16xi32>
        %gather3A_494 = tpu.vector_load_idx %arg10[%add3A_476, %add3A_493] : memref<128x128xf32, #tpu.memory_space<vmem>>[vector<16xi32>, vector<16xi32>], vector<16xf32>,
        %add3A_495 = arith.constant 4 : i32
        %add3A_496 = vector.broadcast %add3A_495 : i32 to vector<16xi32>
        %add3A_497 = arith.addi %shift_right_arithmetic3A_257, %add3A_496 : vector<16xi32>
        tpu.vector_store_idx %arg11[%add3A_497, %and3A_255, %add3A_476], %gather3A_494 : memref<8x8x128xf32, #tpu.memory_space<vmem>>[vector<16xi32>, vector<16xi32>, vector<16xi32>], vector<16xf32>,
        %add3A_498 = arith.constant 48 : i32
        %add3A_499 = vector.broadcast %add3A_498 : i32 to vector<16xi32>
        %add3A_500 = arith.addi %and3A_252, %add3A_499 : vector<16xi32>
        %gather3A_501 = tpu.vector_load_idx %arg10[%add3A_476, %add3A_500] : memref<128x128xf32, #tpu.memory_space<vmem>>[vector<16xi32>, vector<16xi32>], vector<16xf32>,
        %add3A_502 = arith.constant 6 : i32
        %add3A_503 = vector.broadcast %add3A_502 : i32 to vector<16xi32>
        %add3A_504 = arith.addi %shift_right_arithmetic3A_257, %add3A_503 : vector<16xi32>
        tpu.vector_store_idx %arg11[%add3A_504, %and3A_255, %add3A_476], %gather3A_501 : memref<8x8x128xf32, #tpu.memory_space<vmem>>[vector<16xi32>, vector<16xi32>, vector<16xi32>], vector<16xf32>,
      }
      %scan3A_237 = arith.constant 16 : i32
      %dma_start3A_238 = arith.constant 0 : i32
      %dma_start3A_239 = arith.constant 0 : i32
      %dma_start3A_240 = arith.constant 0 : i32
      %dma_start3A_241 = tpu.memref_slice %arg4[%add3A_209, %dma_start3A_238, %add3A, %dma_start3A_239, %dma_start3A_240] : memref<200x8x32x8x128xf32, #tpu.memory_space<hbm>> -> memref<1x8x1x8x128xf32, #tpu.memory_space<hbm>>
      %dma_start3A_242 = tpu.memref_squeeze %dma_start3A_241 : memref<1x8x1x8x128xf32, #tpu.memory_space<hbm>> -> memref<8x8x128xf32, #tpu.memory_space<hbm>>
      %dma_start3A_243 = arith.constant 0 : i32
      %dma_start3A_244 = arith.constant 0 : i32
      %dma_start3A_245 = arith.constant 0 : i32
      %dma_start3A_246 = tpu.memref_slice %arg4[%add3A_209, %dma_start3A_243, %add3A, %dma_start3A_244, %dma_start3A_245] : memref<200x8x32x8x128xf32, #tpu.memory_space<hbm>> -> memref<1x8x1x8x128xf32, #tpu.memory_space<hbm>>
      %dma_start3A_247 = tpu.memref_squeeze %dma_start3A_246 : memref<1x8x1x8x128xf32, #tpu.memory_space<hbm>> -> memref<8x8x128xf32, #tpu.memory_space<hbm>>
      tpu.enqueue_dma source(%arg11 : memref<8x8x128xf32, #tpu.memory_space<vmem>>) target(%dma_start3A_247 : memref<8x8x128xf32, #tpu.memory_space<hbm>>) target_semaphore(%arg18 : memref<!tpu.dma_semaphore, #tpu.memory_space<semaphore_mem>>)
    }
    %scan3A_25 = arith.constant 40 : i32
    %dma_wait3A = arith.constant 0 : i32
    %dma_wait3A_26 = arith.constant 0 : i32
    %dma_wait3A_27 = arith.constant 0 : i32
    %dma_wait3A_28 = arith.constant 0 : i32
    %dma_wait3A_29 = tpu.memref_slice %arg4[%dma_wait3A, %dma_wait3A_26, %add3A, %dma_wait3A_27, %dma_wait3A_28] : memref<200x8x32x8x128xf32, #tpu.memory_space<hbm>> -> memref<1x8x1x8x128xf32, #tpu.memory_space<hbm>>
    %dma_wait3A_30 = tpu.memref_squeeze %dma_wait3A_29 : memref<1x8x1x8x128xf32, #tpu.memory_space<hbm>> -> memref<8x8x128xf32, #tpu.memory_space<hbm>>
    %dma_wait3A_31 = arith.constant 0 : i32
    %dma_wait3A_32 = arith.constant 0 : i32
    %dma_wait3A_33 = arith.constant 0 : i32
    %dma_wait3A_34 = tpu.memref_slice %arg4[%dma_wait3A, %dma_wait3A_31, %add3A, %dma_wait3A_32, %dma_wait3A_33] : memref<200x8x32x8x128xf32, #tpu.memory_space<hbm>> -> memref<1x8x1x8x128xf32, #tpu.memory_space<hbm>>
    %dma_wait3A_35 = tpu.memref_squeeze %dma_wait3A_34 : memref<1x8x1x8x128xf32, #tpu.memory_space<hbm>> -> memref<8x8x128xf32, #tpu.memory_space<hbm>>
    tpu.wait_dma2 semaphore(%arg18 : memref<!tpu.dma_semaphore, #tpu.memory_space<semaphore_mem>>) src(%arg11 : memref<8x8x128xf32, #tpu.memory_space<vmem>>) dst(%dma_wait3A_35 : memref<8x8x128xf32, #tpu.memory_space<hbm>>)
    %dma_wait3A_36 = arith.constant 0 : i32
    %dma_wait3A_37 = arith.constant 0 : i32
    %dma_wait3A_38 = arith.constant 0 : i32
    %dma_wait3A_39 = arith.constant 0 : i32
    %dma_wait3A_40 = tpu.memref_slice %arg4[%dma_wait3A_36, %dma_wait3A_37, %add3A, %dma_wait3A_38, %dma_wait3A_39] : memref<200x8x32x8x128xf32, #tpu.memory_space<hbm>> -> memref<1x8x1x8x128xf32, #tpu.memory_space<hbm>>
    %dma_wait3A_41 = tpu.memref_squeeze %dma_wait3A_40 : memref<1x8x1x8x128xf32, #tpu.memory_space<hbm>> -> memref<8x8x128xf32, #tpu.memory_space<hbm>>
    %dma_wait3A_42 = arith.constant 0 : i32
    %dma_wait3A_43 = arith.constant 0 : i32
    %dma_wait3A_44 = arith.constant 0 : i32
    %dma_wait3A_45 = tpu.memref_slice %arg4[%dma_wait3A_36, %dma_wait3A_42, %add3A, %dma_wait3A_43, %dma_wait3A_44] : memref<200x8x32x8x128xf32, #tpu.memory_space<hbm>> -> memref<1x8x1x8x128xf32, #tpu.memory_space<hbm>>
    %dma_wait3A_46 = tpu.memref_squeeze %dma_wait3A_45 : memref<1x8x1x8x128xf32, #tpu.memory_space<hbm>> -> memref<8x8x128xf32, #tpu.memory_space<hbm>>
    tpu.wait_dma2 semaphore(%arg19 : memref<!tpu.dma_semaphore, #tpu.memory_space<semaphore_mem>>) src(%arg12 : memref<8x8x128xf32, #tpu.memory_space<vmem>>) dst(%dma_wait3A_46 : memref<8x8x128xf32, #tpu.memory_space<hbm>>)
    return
  }
}

</mosaic_0001>

<sc_bundles>
// kernel: _embedding_lookup.3.cloned.1.call-start
scs
__scs_entry_jumppad:
0x0: {  	(pc) =	sbr.rel $0x88, $3  }
0x1: {  	(tag) =	ssettag $0x0;
	lr =	simm.s32 $0x1  }
0x2: {  	[smem:$0x3F9F] =	sst lr;
	_ =	strace $0xD0000000  }
0x3: {  	_ = 	snop  }
0x4: {  	_ = 	snop  }
0x5: {  	_ = 	snop  }
0x6: {  	_ = 	snop  }
0x7: {  	_ = 	snop  }
__scs_overlays_trampoline_lowered:
0x8: {  	[smem:$0x3FAE] =	sst s0  }
0x9: {  	[smem:$0x3FAF] =	sst s1  }
0xa: {  	[smem:$0x3FB0] =	sst s2  }
0xb: {  	[smem:$0x3FB1] =	sst s3  }
0xc: {  	[smem:$0x3FB2] =	sst s4  }
0xd: {  	[smem:$0x3FB3] =	sst s5  }
0xe: {  	[smem:$0x3FB4] =	sst s6  }
0xf: {  	[smem:$0x3FB5] =	sst s7  }
0x10: {  	[smem:$0x3FB6] =	sst s8  }
0x11: {  	[smem:$0x3FB7] =	sst s9;
	s0 =	simm.s32 @!p0 $0x0  }
0x12: {  	s1 =	sld [smem:$0x3F9D];
	s0 =	simm.s32 @p0 $0x1  }
0x13: {  	[smem:$0x3FB8] =	sst s0;
	s0 =	simm.s32 @!p1 $0x0  }
0x14: {  	s2 =	sld [smem:$0x3F9C];
	s0 =	simm.s32 @p1 $0x1  }
0x15: {  	[smem:$0x3FB9] =	sst s0;
	s0 =	simm.s32 @!p2 $0x0  }
0x16: {  	s3 =	sld [smem:$0x3FDB];
	s0 =	simm.s32 @p2 $0x1  }
0x17: {  	s4 =	simm.s32 $0x1BF5;
	[smem:$0x3FBB] =	sst s0  }
0x18: {  	s0 =	sld [smem:$0x3F9E];
	_ =	swait.ge [sflag:s4], $0x0  }
0x19: {  	s7 =	sld [smem:$0x3F9F]  }
0x1a: {  	s8 =	sadd.s32 $0xFFFFE003, lr  }
0x1b: {  	s9 =	sadd.s32 $0xFFFFFEF7, lr;
	s5 =	simm.s32 $0xFFFFFFFF;
	p2 =	slt.u32 s8, $0xFFFFF086  }
0x1c: {  	p1 =	slt.u32 s9, $0xF7A;
	s5 =	simm.s32 @!p2 $0x0  }
0x1d: {  	s5 =	simm.s32 @p1 $0x1;
	p0 =	seq.s32 s7, s2  }
0x1e: {  	s7 =	smul.u32 @!p0 $0xF7A, s2;
	p2 =	seq.s32 @!p0 s5, $0x0  }
0x1f: {  	s9 =	smul.u32 $0xF7A, s1;
	s8 =	simm.s32 @!p0 $0x1BF5;
	p2 =	por !p2, p0  }
0x20: {  	[sflag:s8] =	ssyncset.s32 @!p0 $0xFFFFF086;
	s6 =	sadd.s32 @!p0 s3, s7;
	s7 =	simm.s32 @!p0 $0x108  }
0x21: {  	s3 =	sadd.s32 s3, s9;
	s6 =	sadd.s32 @!p0 $0x88, s6;
	s7 =	simm.s32 @p2 $0x1082  }
0x22: {  	[simem:s7], [sflag:s8] =	dma.local @!p0 [hbm:s6], $0xF7A  }
0x23: {  	s9 =	sor.u32 $0xD0000000, s2;
	s6 =	simm.s32 $0x108;
	_ =	swait.ge @!p0 [sflag:s8], $0x0  }
0x24: {  	s3 =	sadd.s32 $0x88, s3;
	s6 =	simm.s32 @!p1 $0x1082;
	[sflag:s4] =	ssyncset.s32 $0xFFFFF086  }
0x25: {  	[simem:s6], [sflag:s4] =	dma.local [hbm:s3], $0xF7A  }
0x26: {  	[smem:$0x3F9F] =	sst s1;
	(tag) =	ssettag s2;
	_ =	strace s9  }
0x27: {  	s1 =	sld [smem:$0x3FAF]  }
0x28: {  	s2 =	sld [smem:$0x3FB0]  }
0x29: {  	s4 =	sld [smem:$0x3FB2]  }
0x2a: {  	p0 =	seq.s32 s5, $0x0;
	s5 =	sld [smem:$0x3FB3]  }
0x2b: {  	s6 =	sld [smem:$0x3FB4]  }
0x2c: {  	s7 =	sld [smem:$0x3FB5]  }
0x2d: {  	s3 =	simm.s32 $0x108;
	s8 =	sld [smem:$0x3FB6]  }
0x2e: {  	s3 =	simm.s32 @!p0 $0x1082;
	s9 =	sld [smem:$0x3FB7]  }
0x2f: {  	lr =	sadd.s32 s0, s3;
	s0 =	sld [smem:$0x3FAE]  }
0x30: {  	s3 =	sld [smem:$0x3FB1]  }
0x31: {  	[smem:$0x3FBA] =	sst s10  }
0x32: {  	s10 =	sld [smem:$0x3FB8];
	_ =	sdelay $0x3  }
0x33: {  	p0 =	seq.s32 s10, $0x1;
	s10 =	sld [smem:$0x3FBA];
	_ =	sdelay $0x3  }
0x34: {  	[smem:$0x3FBA] =	sst s10  }
0x35: {  	s10 =	sld [smem:$0x3FB9];
	_ =	sdelay $0x3  }
0x36: {  	p1 =	seq.s32 s10, $0x1;
	s10 =	sld [smem:$0x3FBA];
	_ =	sdelay $0x3  }
0x37: {  	[smem:$0x3FBA] =	sst s10  }
0x38: {  	s10 =	sld [smem:$0x3FBB]  }
0x39: {  	_ = 	snop;
	(pc) =	sbr.ind lr, $3  }
0x3a: {  	_ = 	snop  }
0x3b: {  	_ = 	snop  }
0x3c: {  	p2 =	seq.s32 s10, $0x1;
	s10 =	sld [smem:$0x3FBA]  }
0x3d: {  	_ =	shalt  }
0x3e: {  	_ =	shalt  }
0x3f: {  	_ =	shalt  }
0x40: {  	_ =	shalt  }
0x41: {  	_ =	shalt  }
0x42: {  	_ =	shalt  }
0x43: {  	_ =	shalt  }
0x44: {  	_ =	shalt  }
0x45: {  	_ =	shalt  }
0x46: {  	_ =	shalt  }
0x47: {  	_ =	shalt  }
0x48: {  	_ =	shalt  }
0x49: {  	_ =	shalt  }
0x4a: {  	_ =	shalt  }
0x4b: {  	_ =	shalt  }
0x4c: {  	_ =	shalt  }
0x4d: {  	_ =	shalt  }
0x4e: {  	_ =	shalt  }
0x4f: {  	_ =	shalt  }
0x50: {  	_ =	shalt  }
0x51: {  	_ =	shalt  }
0x52: {  	_ =	shalt  }
0x53: {  	_ =	shalt  }
0x54: {  	_ =	shalt  }
0x55: {  	_ =	shalt  }
0x56: {  	_ =	shalt  }
0x57: {  	_ =	shalt  }
0x58: {  	_ =	shalt  }
0x59: {  	_ =	shalt  }
0x5a: {  	_ =	shalt  }
0x5b: {  	_ =	shalt  }
0x5c: {  	_ =	shalt  }
0x5d: {  	_ =	shalt  }
0x5e: {  	_ =	shalt  }
0x5f: {  	_ =	shalt  }
0x60: {  	_ =	shalt  }
0x61: {  	_ =	shalt  }
0x62: {  	_ =	shalt  }
0x63: {  	_ =	shalt  }
0x64: {  	_ =	shalt  }
0x65: {  	_ =	shalt  }
0x66: {  	_ =	shalt  }
0x67: {  	_ =	shalt  }
0x68: {  	_ =	shalt  }
0x69: {  	_ =	shalt  }
0x6a: {  	_ =	shalt  }
0x6b: {  	_ =	shalt  }
0x6c: {  	_ =	shalt  }
0x6d: {  	_ =	shalt  }
0x6e: {  	_ =	shalt  }
0x6f: {  	_ =	shalt  }
0x70: {  	_ =	shalt  }
0x71: {  	_ =	shalt  }
0x72: {  	_ =	shalt  }
0x73: {  	_ =	shalt  }
0x74: {  	_ =	shalt  }
0x75: {  	_ =	shalt  }
0x76: {  	_ =	shalt  }
0x77: {  	_ =	shalt  }
0x78: {  	_ =	shalt  }
0x79: {  	_ =	shalt  }
0x7a: {  	_ =	shalt  }
0x7b: {  	_ =	shalt  }
0x7c: {  	_ =	shalt  }
0x7d: {  	_ =	shalt  }
0x7e: {  	_ =	shalt  }
0x7f: {  	_ =	shalt  }
0x80: {  	_ =	shalt  }
0x81: {  	_ =	shalt  }
0x82: {  	_ =	shalt  }
0x83: {  	_ =	shalt  }
0x84: {  	_ =	shalt  }
0x85: {  	_ =	shalt  }
0x86: {  	_ =	shalt  }
0x87: {  	_ =	shalt  }
.Lfunc_end0:
.L_simem_size_0:
called_computation_lowered:
.L_overlay_start_0:
0x88: {  	s2 =	sld [smem:$0x3FD9]  }
0x89: {  	s3 =	sld [smem:$0x3FFE];
	_ =	sdelay $0x1  }
0x8a: {  	s1 =	srdreg.scid  }
0x8b: {  	s0 =	sand.u32 $0x1, s1  }
0x8c: {  	s18 =	sshll.u32 s0, $0xA;
	s2 =	sadd.s32 s3, s2  }
0x8d: {  	s2 =	sadd.s32 s2, s18  }
0x8e: {  	[smem:$0x3FC6] =	sst s2  }
0x8f: {  	_ = 	snop  }
0x90: {  	s2 =	sld [smem:$0x3FC9]  }
0x91: {  	s19 =	sld [smem:$0x3FC8]  }
0x92: {  	s4 =	sld [smem:$0x3FD0];
	(tm) =	ssettm $0x1  }
0x93: {  	s5 =	sld [smem:$0x3FFB];
	_ =	sdelay $0x3  }
0x94: {  	_ =	strace s5  }
0x95: {  	s5 =	sld [smem:$0x3FFC];
	_ =	sdelay $0x3  }
0x96: {  	_ =	strace s5  }
0x97: {  	s5 =	sld [smem:$0x3FFD];
	_ =	sdelay $0x3  }
0x98: {  	_ =	strace s5  }
0x99: {  	_ =	strace $0x8FFFFFFF  }
0x9a: {  	s20 =	sld [smem:$0x3FDB];
	_ =	sdelay $0x1  }
0x9b: {  	s6 =	simm.s32 $_scs_section_size  }
0x9c: {  	s7 =	simm.s32 $_size__tile_overlayer_lowered;
	s8 =	simm.s32 $_tile_overlayer_lowered  }
0x9d: {  	s23 =	simm.s32 $0x1BFF;
	s22 =	sshll.u32 s8, $0x1;
	s5 =	sadd.s32 s6, s20  }
0x9e: {  	s9 =	simm.s32 $0x0;
	s21 =	sshll.u32 s7, $0x1;
	s7 =	sadd.s32 s22, s5  }
0x9f: {  	[timem:s9], [sflag:s23] =	dma.local [hbm:s7], s21  }
0xa0: {  	_ =	swait.ge [sflag:s23], s21  }
0xa1: {  	s6 =	ssub.s32 $0x0, s21;
	[sflag:s23] =	ssyncset.done $0x0  }
0xa2: {  	[sflag:s23] =	ssyncadd.s32 s6;
	_ =	sdelay $0x1  }
0xa3: {  	s24 =	simm.s32 $0x1B8B  }
0xa4: {  	_ =	swait.ge [sflag:s24], $0x1  }
0xa5: {  	[sflag:s24] =	ssyncset.done $0x0  }
0xa6: {  	s25 =	simm.s32 $0x1B8E;
	[sflag:s24] =	ssyncadd.s32 $0xFFFFFFFF  }
0xa7: {  	s26 =	simm.s32 $execute0_lowered;
	[smem:$0x3FD2] =	sst s25  }
0xa8: {  	s6 =	sshll.u32 s26, $0x1;
	_ =	strace $0x80000046;
	[dreg:$0x1] =	wrdreg $0xFFFFFFFF  }
0xa9: {  	s28 =	simm.s32 $_size_execute0_lowered;
	s5 =	sadd.s32 s5, s6;
	[dreg:$0x0] =	wrdreg $0x0  }
0xaa: {  	s6 =	sshll.u32 s28, $0x1;
	[dreg:$0x2] =	wrdreg s5  }
0xab: {  	[dreg:$0x3] =	wrdreg s6  }
0xac: {  	[dreg:$0x4] =	wrdreg $0xC0  }
0xad: {  	_ =	task [dreg:s9], $0x5FFFF  }
0xae: {  	[dreg:$0x1] =	wrdreg $0xFFFFFFFF  }
0xaf: {  	[dreg:$0x0] =	wrdreg $0x60  }
0xb0: {  	[dreg:$0x2] =	wrdreg s19  }
0xb1: {  	[dreg:$0x3] =	wrdreg s2  }
0xb2: {  	[dreg:$0x4] =	wrdreg s4  }
0xb3: {  	[dreg:$0x5] =	wrdreg $0x9  }
0xb4: {  	_ =	task.clear_ibuf [dreg:s9], $0x6FFFF;
	_ =	strace $0x90000046  }
0xb5: {  	s29 =	simm.s32 $0x9;
	_ =	strace $0x80000048  }
0xb6: {  	_ =	swait.ge [sflag:s29], $0x1  }
0xb7: {  	[sflag:s29] =	ssyncadd.s32 $0xFFFFFFFF  }
0xb8: {  	_ =	strace $0x90000048  }
0xb9: {  	_ =	sfence  }
0xba: {  	s30 =	sld [smem:$0x0];
	_ =	sdelay $0x2  }
0xbb: {  	s31 =	sshll.u32 s1, $0xD;
	s1 =	sshrl.u32 s1, $0x2  }
0xbc: {  	s3 =	sand.u32 $0x4000, s31;
	s1 =	sadd.s32 s1, s30  }
0xbd: {  	s0 =	sor.u32 s3, s0;
	s1 =	sshll.u32 s1, $0x11  }
0xbe: {  	s0 =	sor.u32 s1, s0  }
0xbf: {  	s0 =	sadd.s32 $0x8F2B, s0  }
0xc0: {  	[sflag:s0] =	ssyncadd.remote.s32 $0x1  }
0xc1: {  	_ =	sfence.sel $0xFFFF  }
0xc2: {  	[dreg:$0x0] =	wrdreg $0xFFFFFFFF;
	(pc) =	sbr.abs _section_cstart, $3  }
0xc3: {  	[dreg:$0x1] =	wrdreg $0xFFFFFFFF  }
0xc4: {  	_ =	task.clear_ibuf [dreg:s9], $0x2FFFF;
	_ =	strace $0x9FFFFFFF  }
0xc5: {  	(tm) =	ssettm $0x7FFFFFFF  }
tec
execute0_lowered:
.L_overlay_start_1:
0x0: {  	(tag) =	ssettag $0x1  }
0x1: {  	v0 =	vlaneseq.u32  }
0x2: {  	v2 =	vmul.u32 $0x80, v0  }
0x3: {  	s0 =	rddreg [dreg:$0x0]  }
0x4: {  	s1 =	rddreg [dreg:$0x1];
	s5 =	simm.s32 $0x0;
	v1 =	vor.u32 $0x10, v2  }
0x5: {  	[smem:$0x7FF] =	sst s5;
	[tilespmem:$0x1FC10] =	vst v1;
	v1 =	vor.u32 $0x3830, v2  }
0x6: {  	s2 =	rddreg [dreg:$0x2];
	_ =	strace $0x80000047;
	[tilespmem:$0x1FC20] =	vst v1  }
0x7: {  	v3 =	vor.u32 $0x1870, v0;
	[tilespmem:$0x1FC30] =	vst v2  }
0x8: {  	v4 =	vor.u32 $0x3820, v2;
	[tilespmem:$0x1FC40] =	vst v3  }
0x9: {  	v5 =	vor.u32 $0x1070, v0;
	[tilespmem:$0x1FC50] =	vst v4  }
0xa: {  	v7 =	vor.u32 $0x800, v0;
	[tilespmem:$0x1FC60] =	vst v5  }
0xb: {  	v9 =	vor.u32 $0x1000, v0;
	[tilespmem:$0x1FC70] =	vst v7  }
0xc: {  	v11 =	vor.u32 $0x1800, v0;
	[tilespmem:$0x1FC80] =	vst v9  }
0xd: {  	v13 =	vor.u32 $0x10, v0;
	[tilespmem:$0x1FC90] =	vst v11  }
0xe: {  	v15 =	vor.u32 $0x810, v0;
	[tilespmem:$0x1FCA0] =	vst v13  }
0xf: {  	v17 =	vor.u32 $0x1010, v0;
	[tilespmem:$0x1FCB0] =	vst v15  }
0x10: {  	v19 =	vor.u32 $0x1810, v0;
	[tilespmem:$0x1FCC0] =	vst v17  }
0x11: {  	v21 =	vor.u32 $0x20, v0;
	[tilespmem:$0x1FCD0] =	vst v19  }
0x12: {  	v23 =	vor.u32 $0x820, v0;
	[tilespmem:$0x1FCE0] =	vst v21  }
0x13: {  	v25 =	vor.u32 $0x1020, v0;
	[tilespmem:$0x1FCF0] =	vst v23  }
0x14: {  	v27 =	vor.u32 $0x1820, v0;
	[tilespmem:$0x1FD00] =	vst v25  }
0x15: {  	v29 =	vor.u32 $0x30, v0;
	[tilespmem:$0x1FD10] =	vst v27  }
0x16: {  	v31 =	vor.u32 $0x830, v0;
	[tilespmem:$0x1FD20] =	vst v29  }
0x17: {  	v33 =	vor.u32 $0x1030, v0;
	[tilespmem:$0x1FD30] =	vst v31  }
0x18: {  	v35 =	vor.u32 $0x1830, v0;
	[tilespmem:$0x1FD40] =	vst v33  }
0x19: {  	v37 =	vor.u32 $0x40, v0;
	[tilespmem:$0x1FD50] =	vst v35  }
0x1a: {  	v39 =	vor.u32 $0x840, v0;
	[tilespmem:$0x1FD60] =	vst v37  }
0x1b: {  	v41 =	vor.u32 $0x1040, v0;
	[tilespmem:$0x1FD70] =	vst v39  }
0x1c: {  	v43 =	vor.u32 $0x1840, v0;
	[tilespmem:$0x1FD80] =	vst v41  }
0x1d: {  	v45 =	vor.u32 $0x50, v0;
	[tilespmem:$0x1FD90] =	vst v43  }
0x1e: {  	v47 =	vor.u32 $0x850, v0;
	[tilespmem:$0x1FDA0] =	vst v45  }
0x1f: {  	v49 =	vor.u32 $0x1050, v0;
	[tilespmem:$0x1FDB0] =	vst v47  }
0x20: {  	v51 =	vor.u32 $0x1850, v0;
	[tilespmem:$0x1FDC0] =	vst v49  }
0x21: {  	v53 =	vor.u32 $0x60, v0;
	[tilespmem:$0x1FDD0] =	vst v51  }
0x22: {  	v55 =	vor.u32 $0x860, v0;
	[tilespmem:$0x1FDE0] =	vst v53  }
0x23: {  	v57 =	vor.u32 $0x1060, v0;
	[tilespmem:$0x1FDF0] =	vst v55  }
0x24: {  	v59 =	vor.u32 $0x1860, v0;
	[tilespmem:$0x1FE00] =	vst v57  }
0x25: {  	v61 =	vor.u32 $0x70, v0;
	[tilespmem:$0x1FE10] =	vst v59  }
0x26: {  	v63 =	vor.u32 $0x870, v0;
	[tilespmem:$0x1FE20] =	vst v61  }
0x27: {  	v8 =	vor.u32 $0x20, v2;
	[tilespmem:$0x1FE30] =	vst v63  }
0x28: {  	v10 =	vor.u32 $0x30, v2;
	[tilespmem:$0x1FE40] =	vst v8  }
0x29: {  	v12 =	vor.u32 $0x800, v2;
	[tilespmem:$0x1FE50] =	vst v10  }
0x2a: {  	v14 =	vor.u32 $0x810, v2;
	[tilespmem:$0x1FE60] =	vst v12  }
0x2b: {  	v16 =	vor.u32 $0x820, v2;
	[tilespmem:$0x1FE70] =	vst v14  }
0x2c: {  	v18 =	vor.u32 $0x830, v2;
	[tilespmem:$0x1FE80] =	vst v16  }
0x2d: {  	v20 =	vor.u32 $0x1000, v2;
	[tilespmem:$0x1FE90] =	vst v18  }
0x2e: {  	v22 =	vor.u32 $0x1010, v2;
	[tilespmem:$0x1FEA0] =	vst v20  }
0x2f: {  	v24 =	vor.u32 $0x1020, v2;
	[tilespmem:$0x1FEB0] =	vst v22  }
0x30: {  	v26 =	vor.u32 $0x1030, v2;
	[tilespmem:$0x1FEC0] =	vst v24  }
0x31: {  	v28 =	vor.u32 $0x1800, v2;
	[tilespmem:$0x1FED0] =	vst v26  }
0x32: {  	v30 =	vor.u32 $0x1810, v2;
	[tilespmem:$0x1FEE0] =	vst v28  }
0x33: {  	v32 =	vor.u32 $0x1820, v2;
	[tilespmem:$0x1FEF0] =	vst v30  }
0x34: {  	v34 =	vor.u32 $0x1830, v2;
	[tilespmem:$0x1FF00] =	vst v32  }
0x35: {  	v36 =	vor.u32 $0x2000, v2;
	[tilespmem:$0x1FF10] =	vst v34  }
0x36: {  	v38 =	vor.u32 $0x2010, v2;
	[tilespmem:$0x1FF20] =	vst v36  }
0x37: {  	v40 =	vor.u32 $0x2020, v2;
	[tilespmem:$0x1FF30] =	vst v38  }
0x38: {  	s3 =	srdreg.scid;
	s4 =	stileid.u32;
	v42 =	vor.u32 $0x2030, v2;
	[tilespmem:$0x1FF40] =	vst v40  }
0x39: {  	s10 =	simm.s32 $0x80;
	s13 =	simm.s32 $0x6400;
	s14 =	simm.s32 $0xA400;
	v44 =	vor.u32 $0x2800, v2;
	[tilespmem:$0x1FF50] =	vst v42  }
0x3a: {  	s16 =	simm.s32 $0xE400;
	s17 =	simm.s32 $0x12400;
	s18 =	simm.s32 $0x1;
	v46 =	vor.u32 $0x2810, v2;
	[tilespmem:$0x1FF60] =	vst v44  }
0x3b: {  	s19 =	simm.s32 $0x1A400;
	s20 =	simm.s32 $0x400;
	s21 =	simm.s32 $0x8000;
	v48 =	vor.u32 $0x2820, v2;
	[tilespmem:$0x1FF70] =	vst v46  }
0x3c: {  	s22 =	simm.s32 $0x16400;
	s23 =	simm.s32 $0x2;
	s28 =	simm.s32 $0x4;
	v50 =	vor.u32 $0x2830, v2;
	[tilespmem:$0x1FF80] =	vst v48  }
0x3d: {  	s29 =	simm.s32 $0x7;
	s3 =	sand.u32 $0x1, s3;
	s4 =	sshll.u32 s4, $0x1;
	v52 =	vor.u32 $0x3000, v2;
	[tilespmem:$0x1FF90] =	vst v50  }
0x3e: {  	s30 =	simm.s32 $0x5;
	s24 =	ssub.s32 $0x2, s3;
	s3 =	sor.u32 s3, s4;
	v54 =	vor.u32 $0x3010, v2;
	[tilespmem:$0x1FFA0] =	vst v52  }
0x3f: {  	s31 =	simm.s32 $0x0;
	s25 =	sshrl.u32 s24, $0x1;
	s6 =	sshll.u32 s3, $0x4;
	v56 =	vor.u32 $0x3020, v2;
	[tilespmem:$0x1FFB0] =	vst v54  }
0x40: {  	v58 =	vor.u32 $0x3030, v2;
	s4 =	ssub.s32 s24, s25;
	s1 =	sadd.s32 s1, s6;
	s6 =	sshll.u32 s3, $0xA;
	[tilespmem:$0x1FFC0] =	vst v56  }
0x41: {  	v60 =	vor.u32 $0x3800, v2;
	s24 =	simm.s32 $0x1C400;
	s25 =	simm.s32 $0x3;
	s3 =	simm.s32 $0x0;
	[tilespmem:$0x1FFD0] =	vst v58  }
0x42: {  	v62 =	vor.u32 $0x3810, v2;
	[dreg:$0x4] =	wrdreg s1;
	s7 =	sor.u32 $0x40000, s6;
	s26 =	smax.u32 s4, $0x1;
	[tilespmem:$0x1FFE0] =	vst v60  }
0x43: {  	s8 =	sor.u32 $0x80000, s6;
	[tilespmem:$0x1FFF0] =	vst v62;
	[dreg:$0x5] =	wrdreg s26;
	s26 =	simm.s32 $0x6  }
.LBB2_1:
0x44: {  	[dreg:$0x6] =	wrdreg s3;
	s1 =	simm.s32 $0x0  }
0x45: {  	s11 =	rddreg [dreg:$0x4];
	s4 =	simm.s32 $0x1000;
	s12 =	simm.s32 $0x8  }
0x46: {  	[tilespmem:s1], [sflag:$0x8] =	stream.strided.gather [hbm4b:s11+s10], $0x6400, s4, s10, $0x38;
	[tilespmem:$0x1E400] =	vst v63  }
0x47: {  	_ =	swait.ge [sflag:s12], $0x6400  }
0x48: {  	[sflag:s12] =	ssyncset.done $0x0  }
0x49: {  	[sflag:s12] =	ssyncadd.s32 $0xFFFF9C00  }
0x4a: {  	[tilespmem:s13], [sflag:$0x1] =	stream.indirect.gather [hbm4b:s0+s10], $0x80, s1, s10, $0xb8;
	[tilespmem:$0x1E400] =	vst v63  }
0x4b: {  	_ = 	snop  }
0x4c: {  	[tilespmem:s14], [sflag:$0x2] =	stream.indirect.gather [hbm4b:s0+s10], $0x80, s10, s10, $0xb8;
	[tilespmem:$0x1E400] =	vst v63  }
0x4d: {  	s15 =	simm.s32 $0x100;
	s1 =	simm.s32 $0x0  }
0x4e: {  	[tilespmem:s16], [sflag:$0x3] =	stream.indirect.gather [hbm4b:s0+s10], $0x80, s15, s10, $0xb8;
	[tilespmem:$0x1E400] =	vst v63  }
.LBB2_2:
0x4f: {  	s4 =	smul.u32 $0x5, s1;
	_ =	sdelay $0x1  }
0x50: {  	s3 =	sadd.s32 $0x3, s4  }
0x51: {  	s5 =	sshll.u32 s3, $0x7  }
0x52: {  	s11 =	simm.s32 $0x0;
	v0 =	vlaneseq.u32;
	s5 =	sand.u32 $0x3FFFFF80, s5  }
0x53: {  	v0 =	vadd.s32 s11, v0;
	[tilespmem:s17], [sflag:$0x4] =	stream.indirect.gather [hbm4b:s0+s10], $0x80, s5, s10, $0xb8;
	[tilespmem:$0x1E400] =	vst v63  }
0x54: {  	v1 =	vand.u32 $0xF, v0;
	_ =	swait.ge [sflag:s18], $0x4000  }
0x55: {  	p0 =	seq.s32 s1, $0x0;
	v2 =	vor.u32 v2, v1;
	[sflag:s18] =	ssyncset.done $0x0  }
0x56: {  	s5 =	simm.s32 @!p0 $0x6;
	[sflag:s18] =	ssyncadd.s32 $0xFFFFC000  }
0x57: {  	_ =	swait.ge @!p0 [sflag:s5], $0x2000  }
0x58: {  	[sflag:s5] =	ssyncset.done @!p0 $0x0  }
0x59: {  	[sflag:s5] =	ssyncadd.s32 @!p0 $0xFFFFE000  }
0x5a: {  	v2 =	vld.idx.msk [tilespmem:v2+s13+$0x0], $0xffff;
	_ =	sdelay $0x4  }
0x5b: {  	[tilespmem:$0x1FBD0] =	vst v2;
	v2 =	vld [tilespmem:$0x1FC10];
	_ =	sdelay $0x1  }
0x5c: {  	v0 =	vshll.u32 v0, $0x7  }
0x5d: {  	v3 =	vlaneseq.u32;
	v0 =	vand.u32 $0x780, v0  }
0x5e: {  	v61 =	vmov v39;
	v39 =	vmov v16;
	v3 =	vor.u32 v3, v0;
	v16 =	vld [tilespmem:$0x1FBD0]  }
0x5f: {  	v2 =	vor.u32 v2, v1;
	_ =	sdelay $0x3  }
0x60: {  	[tilespmem:v3+s19+$0x0] =	vst.idx.msk $0xffff, v16  }
0x61: {  	v3 =	vor.u32 v7, v0;
	v16 =	vld.idx.msk [tilespmem:v2+s13+$0x0], $0xffff  }
0x62: {  	v2 =	vor.u32 v8, v1;
	_ =	sdelay $0x3  }
0x63: {  	[tilespmem:v3+s19+$0x0] =	vst.idx.msk $0xffff, v16  }
0x64: {  	v3 =	vor.u32 v9, v0;
	v16 =	vld.idx.msk [tilespmem:v2+s13+$0x0], $0xffff  }
0x65: {  	v2 =	vor.u32 v10, v1;
	_ =	sdelay $0x3  }
0x66: {  	[tilespmem:v3+s19+$0x0] =	vst.idx.msk $0xffff, v16  }
0x67: {  	v3 =	vor.u32 v11, v0;
	v16 =	vld.idx.msk [tilespmem:v2+s13+$0x0], $0xffff  }
0x68: {  	v2 =	vor.u32 v12, v1;
	_ =	sdelay $0x3  }
0x69: {  	[tilespmem:v3+s19+$0x0] =	vst.idx.msk $0xffff, v16  }
0x6a: {  	v3 =	vor.u32 v13, v0;
	v16 =	vld.idx.msk [tilespmem:v2+s13+$0x0], $0xffff  }
0x6b: {  	v2 =	vor.u32 v14, v1;
	_ =	sdelay $0x3  }
0x6c: {  	[tilespmem:v3+s19+$0x0] =	vst.idx.msk $0xffff, v16  }
0x6d: {  	v2 =	vld.idx.msk [tilespmem:v2+s13+$0x0], $0xffff;
	_ =	sdelay $0x4  }
0x6e: {  	[tilespmem:$0x1FBE0] =	vst v2  }
0x6f: {  	v3 =	vor.u32 v15, v0;
	v16 =	vmov v39;
	v2 =	vor.u32 v39, v1;
	v39 =	vld [tilespmem:$0x1FBE0];
	_ =	sdelay $0x4  }
0x70: {  	[tilespmem:v3+s19+$0x0] =	vst.idx.msk $0xffff, v39  }
0x71: {  	v3 =	vor.u32 v17, v0;
	v39 =	vld.idx.msk [tilespmem:v2+s13+$0x0], $0xffff  }
0x72: {  	v2 =	vor.u32 v18, v1;
	_ =	sdelay $0x3  }
0x73: {  	[tilespmem:v3+s19+$0x0] =	vst.idx.msk $0xffff, v39  }
0x74: {  	v3 =	vor.u32 v19, v0;
	v39 =	vld.idx.msk [tilespmem:v2+s13+$0x0], $0xffff  }
0x75: {  	v2 =	vor.u32 v20, v1;
	_ =	sdelay $0x3  }
0x76: {  	[tilespmem:v3+s19+$0x0] =	vst.idx.msk $0xffff, v39  }
0x77: {  	v3 =	vor.u32 v21, v0;
	v39 =	vld.idx.msk [tilespmem:v2+s13+$0x0], $0xffff  }
0x78: {  	v2 =	vor.u32 v22, v1;
	_ =	sdelay $0x3  }
0x79: {  	[tilespmem:v3+s19+$0x0] =	vst.idx.msk $0xffff, v39  }
0x7a: {  	v3 =	vor.u32 v23, v0;
	v39 =	vld.idx.msk [tilespmem:v2+s13+$0x0], $0xffff  }
0x7b: {  	v2 =	vor.u32 v24, v1;
	_ =	sdelay $0x3  }
0x7c: {  	[tilespmem:v3+s19+$0x0] =	vst.idx.msk $0xffff, v39  }
0x7d: {  	v3 =	vor.u32 v25, v0;
	v39 =	vld.idx.msk [tilespmem:v2+s13+$0x0], $0xffff  }
0x7e: {  	v2 =	vor.u32 v26, v1;
	_ =	sdelay $0x3  }
0x7f: {  	[tilespmem:v3+s19+$0x0] =	vst.idx.msk $0xffff, v39  }
0x80: {  	v3 =	vor.u32 v27, v0;
	v39 =	vld.idx.msk [tilespmem:v2+s13+$0x0], $0xffff  }
0x81: {  	v2 =	vor.u32 v28, v1;
	_ =	sdelay $0x3  }
0x82: {  	[tilespmem:v3+s19+$0x0] =	vst.idx.msk $0xffff, v39  }
0x83: {  	v3 =	vor.u32 v29, v0;
	v39 =	vld.idx.msk [tilespmem:v2+s13+$0x0], $0xffff  }
0x84: {  	v2 =	vor.u32 v30, v1;
	_ =	sdelay $0x3  }
0x85: {  	[tilespmem:v3+s19+$0x0] =	vst.idx.msk $0xffff, v39  }
0x86: {  	v3 =	vor.u32 v31, v0;
	v39 =	vld.idx.msk [tilespmem:v2+s13+$0x0], $0xffff  }
0x87: {  	v2 =	vor.u32 v32, v1;
	_ =	sdelay $0x3  }
0x88: {  	[tilespmem:v3+s19+$0x0] =	vst.idx.msk $0xffff, v39  }
0x89: {  	v3 =	vor.u32 v33, v0;
	v39 =	vld.idx.msk [tilespmem:v2+s13+$0x0], $0xffff  }
0x8a: {  	v2 =	vor.u32 v34, v1;
	_ =	sdelay $0x3  }
0x8b: {  	[tilespmem:v3+s19+$0x0] =	vst.idx.msk $0xffff, v39  }
0x8c: {  	v3 =	vor.u32 v35, v0;
	v39 =	vld.idx.msk [tilespmem:v2+s13+$0x0], $0xffff  }
0x8d: {  	v2 =	vor.u32 v36, v1;
	_ =	sdelay $0x3  }
0x8e: {  	[tilespmem:v3+s19+$0x0] =	vst.idx.msk $0xffff, v39  }
0x8f: {  	v3 =	vor.u32 v37, v0;
	v39 =	vld.idx.msk [tilespmem:v2+s13+$0x0], $0xffff  }
0x90: {  	v2 =	vor.u32 v38, v1;
	_ =	sdelay $0x3  }
0x91: {  	[tilespmem:v3+s19+$0x0] =	vst.idx.msk $0xffff, v39  }
0x92: {  	v2 =	vld.idx.msk [tilespmem:v2+s13+$0x0], $0xffff;
	_ =	sdelay $0x4  }
0x93: {  	[tilespmem:$0x1FBF0] =	vst v2  }
0x94: {  	v39 =	vmov v61;
	v3 =	vor.u32 v61, v0;
	v61 =	vld [tilespmem:$0x1FBF0]  }
0x95: {  	v2 =	vor.u32 v40, v1;
	_ =	sdelay $0x3  }
0x96: {  	[tilespmem:v3+s19+$0x0] =	vst.idx.msk $0xffff, v61  }
0x97: {  	v3 =	vor.u32 v41, v0;
	v61 =	vld.idx.msk [tilespmem:v2+s13+$0x0], $0xffff  }
0x98: {  	v2 =	vor.u32 v42, v1;
	_ =	sdelay $0x3  }
0x99: {  	[tilespmem:v3+s19+$0x0] =	vst.idx.msk $0xffff, v61  }
0x9a: {  	v3 =	vor.u32 v43, v0;
	v61 =	vld.idx.msk [tilespmem:v2+s13+$0x0], $0xffff  }
0x9b: {  	v2 =	vor.u32 v44, v1;
	_ =	sdelay $0x3  }
0x9c: {  	[tilespmem:v3+s19+$0x0] =	vst.idx.msk $0xffff, v61  }
0x9d: {  	v3 =	vor.u32 v45, v0;
	v61 =	vld.idx.msk [tilespmem:v2+s13+$0x0], $0xffff  }
0x9e: {  	v2 =	vor.u32 v46, v1;
	_ =	sdelay $0x3  }
0x9f: {  	[tilespmem:v3+s19+$0x0] =	vst.idx.msk $0xffff, v61  }
0xa0: {  	v3 =	vor.u32 v47, v0;
	v61 =	vld.idx.msk [tilespmem:v2+s13+$0x0], $0xffff  }
0xa1: {  	v2 =	vor.u32 v48, v1;
	_ =	sdelay $0x3  }
0xa2: {  	[tilespmem:v3+s19+$0x0] =	vst.idx.msk $0xffff, v61  }
0xa3: {  	v3 =	vor.u32 v49, v0;
	v61 =	vld.idx.msk [tilespmem:v2+s13+$0x0], $0xffff  }
0xa4: {  	v2 =	vor.u32 v50, v1;
	_ =	sdelay $0x3  }
0xa5: {  	[tilespmem:v3+s19+$0x0] =	vst.idx.msk $0xffff, v61  }
0xa6: {  	v3 =	vor.u32 v51, v0;
	v61 =	vld.idx.msk [tilespmem:v2+s13+$0x0], $0xffff  }
0xa7: {  	v2 =	vor.u32 v52, v1;
	_ =	sdelay $0x3  }
0xa8: {  	[tilespmem:v3+s19+$0x0] =	vst.idx.msk $0xffff, v61  }
0xa9: {  	v3 =	vor.u32 v53, v0;
	v61 =	vld.idx.msk [tilespmem:v2+s13+$0x0], $0xffff  }
0xaa: {  	v2 =	vor.u32 v54, v1;
	_ =	sdelay $0x3  }
0xab: {  	[tilespmem:v3+s19+$0x0] =	vst.idx.msk $0xffff, v61  }
0xac: {  	v3 =	vor.u32 v55, v0;
	v61 =	vld.idx.msk [tilespmem:v2+s13+$0x0], $0xffff  }
0xad: {  	v2 =	vor.u32 v56, v1;
	_ =	sdelay $0x3  }
0xae: {  	[tilespmem:v3+s19+$0x0] =	vst.idx.msk $0xffff, v61  }
0xaf: {  	v3 =	vor.u32 v57, v0;
	v61 =	vld.idx.msk [tilespmem:v2+s13+$0x0], $0xffff  }
0xb0: {  	v2 =	vor.u32 v58, v1;
	_ =	sdelay $0x3  }
0xb1: {  	[tilespmem:v3+s19+$0x0] =	vst.idx.msk $0xffff, v61  }
0xb2: {  	v3 =	vor.u32 v59, v0;
	v61 =	vld.idx.msk [tilespmem:v2+s13+$0x0], $0xffff  }
0xb3: {  	v2 =	vor.u32 v60, v1;
	_ =	sdelay $0x3  }
0xb4: {  	[tilespmem:v3+s19+$0x0] =	vst.idx.msk $0xffff, v61  }
0xb5: {  	v2 =	vld.idx.msk [tilespmem:v2+s13+$0x0], $0xffff  }
0xb6: {  	v61 =	vld [tilespmem:$0x1FE20];
	_ =	sdelay $0x3  }
0xb7: {  	[tilespmem:$0x1FC00] =	vst v2  }
0xb8: {  	v3 =	vor.u32 v61, v0;
	v2 =	vor.u32 v62, v1;
	v62 =	vld [tilespmem:$0x1FC00];
	_ =	sdelay $0x4  }
0xb9: {  	[tilespmem:v3+s19+$0x0] =	vst.idx.msk $0xffff, v62  }
0xba: {  	v3 =	vor.u32 v63, v0;
	v62 =	vld.idx.msk [tilespmem:v2+s13+$0x0], $0xffff  }
0xbb: {  	v2 =	vor.u32 v4, v1  }
0xbc: {  	v4 =	vld [tilespmem:$0x1FC20];
	_ =	sdelay $0x2  }
0xbd: {  	[tilespmem:v3+s19+$0x0] =	vst.idx.msk $0xffff, v62  }
0xbe: {  	v3 =	vor.u32 v5, v0;
	v2 =	vld.idx.msk [tilespmem:v2+s13+$0x0], $0xffff  }
0xbf: {  	v1 =	vor.u32 v4, v1;
	_ =	sdelay $0x2  }
0xc0: {  	v6 =	vld [tilespmem:$0x1FC10]  }
0xc1: {  	s15 =	simm.s32 $0x1;
	v62 =	vld [tilespmem:$0x1FFF0];
	[tilespmem:v3+s19+$0x0] =	vst.idx.msk $0xffff, v2;
	v2 =	vlaneseq.u32  }
0xc2: {  	s11 =	simm.s32 $0x2;
	v2 =	vadd.s32 s15, v2;
	v3 =	vld.idx.msk [tilespmem:v1+s13+$0x0], $0xffff  }
.LBB2_3:
0xc3: {  	v4 =	vld [tilespmem:$0x1FC40];
	_ =	sdelay $0x4  }
0xc4: {  	v0 =	vor.u32 v4, v0;
	v4 =	vld [tilespmem:$0x1FC30];
	_ =	sdelay $0x3  }
0xc5: {  	v1 =	vand.u32 $0xF, v2  }
0xc6: {  	v4 =	vor.u32 v4, v1;
	_ =	sdelay $0x2  }
0xc7: {  	v2 =	vshll.u32 v2, $0x7  }
0xc8: {  	v5 =	vlaneseq.u32;
	[tilespmem:v0+s19+$0x0] =	vst.idx.msk $0xffff, v3;
	v0 =	vand.u32 $0x780, v2  }
0xc9: {  	v2 =	vor.u32 v5, v0;
	v3 =	vld.idx.msk [tilespmem:v4+s13+$0x0], $0xffff  }
0xca: {  	v4 =	vor.u32 v6, v1;
	_ =	sdelay $0x3  }
0xcb: {  	[tilespmem:v2+s19+$0x0] =	vst.idx.msk $0xffff, v3  }
0xcc: {  	v3 =	vor.u32 v7, v0;
	v2 =	vld.idx.msk [tilespmem:v4+s13+$0x0], $0xffff  }
0xcd: {  	v4 =	vor.u32 v8, v1;
	_ =	sdelay $0x3  }
0xce: {  	[tilespmem:v3+s19+$0x0] =	vst.idx.msk $0xffff, v2  }
0xcf: {  	v3 =	vor.u32 v9, v0;
	v2 =	vld.idx.msk [tilespmem:v4+s13+$0x0], $0xffff  }
0xd0: {  	v4 =	vor.u32 v10, v1;
	_ =	sdelay $0x3  }
0xd1: {  	[tilespmem:v3+s19+$0x0] =	vst.idx.msk $0xffff, v2  }
0xd2: {  	v3 =	vor.u32 v11, v0;
	v2 =	vld.idx.msk [tilespmem:v4+s13+$0x0], $0xffff  }
0xd3: {  	v4 =	vor.u32 v12, v1;
	_ =	sdelay $0x3  }
0xd4: {  	[tilespmem:v3+s19+$0x0] =	vst.idx.msk $0xffff, v2  }
0xd5: {  	v3 =	vor.u32 v13, v0;
	v2 =	vld.idx.msk [tilespmem:v4+s13+$0x0], $0xffff  }
0xd6: {  	v4 =	vor.u32 v14, v1;
	_ =	sdelay $0x3  }
0xd7: {  	[tilespmem:v3+s19+$0x0] =	vst.idx.msk $0xffff, v2  }
0xd8: {  	v3 =	vor.u32 v15, v0;
	v2 =	vld.idx.msk [tilespmem:v4+s13+$0x0], $0xffff  }
0xd9: {  	v4 =	vor.u32 v16, v1;
	_ =	sdelay $0x3  }
0xda: {  	[tilespmem:v3+s19+$0x0] =	vst.idx.msk $0xffff, v2  }
0xdb: {  	v3 =	vor.u32 v17, v0;
	v2 =	vld.idx.msk [tilespmem:v4+s13+$0x0], $0xffff  }
0xdc: {  	v4 =	vor.u32 v18, v1;
	_ =	sdelay $0x3  }
0xdd: {  	[tilespmem:v3+s19+$0x0] =	vst.idx.msk $0xffff, v2  }
0xde: {  	v3 =	vor.u32 v19, v0;
	v2 =	vld.idx.msk [tilespmem:v4+s13+$0x0], $0xffff  }
0xdf: {  	v4 =	vor.u32 v20, v1;
	_ =	sdelay $0x3  }
0xe0: {  	[tilespmem:v3+s19+$0x0] =	vst.idx.msk $0xffff, v2  }
0xe1: {  	v3 =	vor.u32 v21, v0;
	v2 =	vld.idx.msk [tilespmem:v4+s13+$0x0], $0xffff  }
0xe2: {  	v4 =	vor.u32 v22, v1;
	_ =	sdelay $0x3  }
0xe3: {  	[tilespmem:v3+s19+$0x0] =	vst.idx.msk $0xffff, v2  }
0xe4: {  	v3 =	vor.u32 v23, v0;
	v2 =	vld.idx.msk [tilespmem:v4+s13+$0x0], $0xffff  }
0xe5: {  	v4 =	vor.u32 v24, v1;
	_ =	sdelay $0x3  }
0xe6: {  	[tilespmem:v3+s19+$0x0] =	vst.idx.msk $0xffff, v2  }
0xe7: {  	v3 =	vor.u32 v25, v0;
	v2 =	vld.idx.msk [tilespmem:v4+s13+$0x0], $0xffff  }
0xe8: {  	v4 =	vor.u32 v26, v1;
	_ =	sdelay $0x3  }
0xe9: {  	[tilespmem:v3+s19+$0x0] =	vst.idx.msk $0xffff, v2  }
0xea: {  	v3 =	vor.u32 v27, v0;
	v2 =	vld.idx.msk [tilespmem:v4+s13+$0x0], $0xffff  }
0xeb: {  	v4 =	vor.u32 v28, v1;
	_ =	sdelay $0x3  }
0xec: {  	[tilespmem:v3+s19+$0x0] =	vst.idx.msk $0xffff, v2  }
0xed: {  	v3 =	vor.u32 v29, v0;
	v2 =	vld.idx.msk [tilespmem:v4+s13+$0x0], $0xffff  }
0xee: {  	v4 =	vor.u32 v30, v1;
	_ =	sdelay $0x3  }
0xef: {  	[tilespmem:v3+s19+$0x0] =	vst.idx.msk $0xffff, v2  }
0xf0: {  	v3 =	vor.u32 v31, v0;
	v2 =	vld.idx.msk [tilespmem:v4+s13+$0x0], $0xffff  }
0xf1: {  	v4 =	vor.u32 v32, v1;
	_ =	sdelay $0x3  }
0xf2: {  	[tilespmem:v3+s19+$0x0] =	vst.idx.msk $0xffff, v2  }
0xf3: {  	v3 =	vor.u32 v33, v0;
	v2 =	vld.idx.msk [tilespmem:v4+s13+$0x0], $0xffff  }
0xf4: {  	v4 =	vor.u32 v34, v1;
	_ =	sdelay $0x3  }
0xf5: {  	[tilespmem:v3+s19+$0x0] =	vst.idx.msk $0xffff, v2  }
0xf6: {  	v3 =	vor.u32 v35, v0;
	v2 =	vld.idx.msk [tilespmem:v4+s13+$0x0], $0xffff  }
0xf7: {  	v4 =	vor.u32 v36, v1;
	_ =	sdelay $0x3  }
0xf8: {  	[tilespmem:v3+s19+$0x0] =	vst.idx.msk $0xffff, v2  }
0xf9: {  	v3 =	vor.u32 v37, v0;
	v2 =	vld.idx.msk [tilespmem:v4+s13+$0x0], $0xffff  }
0xfa: {  	v4 =	vor.u32 v38, v1;
	_ =	sdelay $0x3  }
0xfb: {  	[tilespmem:v3+s19+$0x0] =	vst.idx.msk $0xffff, v2  }
0xfc: {  	v3 =	vor.u32 v39, v0;
	v2 =	vld.idx.msk [tilespmem:v4+s13+$0x0], $0xffff  }
0xfd: {  	v4 =	vor.u32 v40, v1;
	_ =	sdelay $0x3  }
0xfe: {  	[tilespmem:v3+s19+$0x0] =	vst.idx.msk $0xffff, v2  }
0xff: {  	v3 =	vor.u32 v41, v0;
	v2 =	vld.idx.msk [tilespmem:v4+s13+$0x0], $0xffff  }
0x100: {  	v4 =	vor.u32 v42, v1;
	_ =	sdelay $0x3  }
0x101: {  	[tilespmem:v3+s19+$0x0] =	vst.idx.msk $0xffff, v2  }
0x102: {  	v3 =	vor.u32 v43, v0;
	v2 =	vld.idx.msk [tilespmem:v4+s13+$0x0], $0xffff  }
0x103: {  	v4 =	vor.u32 v44, v1;
	_ =	sdelay $0x3  }
0x104: {  	[tilespmem:v3+s19+$0x0] =	vst.idx.msk $0xffff, v2  }
0x105: {  	v3 =	vor.u32 v45, v0;
	v2 =	vld.idx.msk [tilespmem:v4+s13+$0x0], $0xffff  }
0x106: {  	v4 =	vor.u32 v46, v1;
	_ =	sdelay $0x3  }
0x107: {  	[tilespmem:v3+s19+$0x0] =	vst.idx.msk $0xffff, v2  }
0x108: {  	v3 =	vor.u32 v47, v0;
	v2 =	vld.idx.msk [tilespmem:v4+s13+$0x0], $0xffff  }
0x109: {  	v4 =	vor.u32 v48, v1;
	_ =	sdelay $0x3  }
0x10a: {  	[tilespmem:v3+s19+$0x0] =	vst.idx.msk $0xffff, v2  }
0x10b: {  	v3 =	vor.u32 v49, v0;
	v2 =	vld.idx.msk [tilespmem:v4+s13+$0x0], $0xffff  }
0x10c: {  	v4 =	vor.u32 v50, v1;
	_ =	sdelay $0x3  }
0x10d: {  	[tilespmem:v3+s19+$0x0] =	vst.idx.msk $0xffff, v2  }
0x10e: {  	v3 =	vor.u32 v51, v0;
	v2 =	vld.idx.msk [tilespmem:v4+s13+$0x0], $0xffff  }
0x10f: {  	v4 =	vor.u32 v52, v1;
	_ =	sdelay $0x3  }
0x110: {  	[tilespmem:v3+s19+$0x0] =	vst.idx.msk $0xffff, v2  }
0x111: {  	v3 =	vor.u32 v53, v0;
	v2 =	vld.idx.msk [tilespmem:v4+s13+$0x0], $0xffff  }
0x112: {  	v4 =	vor.u32 v54, v1;
	_ =	sdelay $0x3  }
0x113: {  	[tilespmem:v3+s19+$0x0] =	vst.idx.msk $0xffff, v2  }
0x114: {  	v3 =	vor.u32 v55, v0;
	v2 =	vld.idx.msk [tilespmem:v4+s13+$0x0], $0xffff  }
0x115: {  	v4 =	vor.u32 v56, v1;
	_ =	sdelay $0x3  }
0x116: {  	[tilespmem:v3+s19+$0x0] =	vst.idx.msk $0xffff, v2  }
0x117: {  	v3 =	vor.u32 v57, v0;
	v2 =	vld.idx.msk [tilespmem:v4+s13+$0x0], $0xffff  }
0x118: {  	v4 =	vor.u32 v58, v1;
	_ =	sdelay $0x3  }
0x119: {  	[tilespmem:v3+s19+$0x0] =	vst.idx.msk $0xffff, v2  }
0x11a: {  	v3 =	vor.u32 v59, v0;
	v2 =	vld.idx.msk [tilespmem:v4+s13+$0x0], $0xffff  }
0x11b: {  	v4 =	vor.u32 v60, v1;
	_ =	sdelay $0x3  }
0x11c: {  	[tilespmem:v3+s19+$0x0] =	vst.idx.msk $0xffff, v2  }
0x11d: {  	v3 =	vor.u32 v61, v0;
	v2 =	vld.idx.msk [tilespmem:v4+s13+$0x0], $0xffff  }
0x11e: {  	v4 =	vor.u32 v62, v1;
	_ =	sdelay $0x3  }
0x11f: {  	[tilespmem:v3+s19+$0x0] =	vst.idx.msk $0xffff, v2  }
0x120: {  	v2 =	vld.idx.msk [tilespmem:v4+s13+$0x0], $0xffff  }
0x121: {  	v4 =	vld [tilespmem:$0x1FC50];
	_ =	sdelay $0x3  }
0x122: {  	v3 =	vor.u32 v63, v0  }
0x123: {  	v4 =	vor.u32 v4, v1;
	_ =	sdelay $0x3  }
0x124: {  	[tilespmem:v3+s19+$0x0] =	vst.idx.msk $0xffff, v2;
	v3 =	vld [tilespmem:$0x1FC60]  }
0x125: {  	v2 =	vld.idx.msk [tilespmem:v4+s13+$0x0], $0xffff  }
0x126: {  	v4 =	vld [tilespmem:$0x1FC20];
	_ =	sdelay $0x3  }
0x127: {  	v3 =	vor.u32 v3, v0  }
0x128: {  	p1 =	sne.s32 s11, $0xF;
	v1 =	vor.u32 v4, v1  }
.Ltmp0:
0x129: {  	_ = 	snop;
	(pc) =	sbr.rel @p1 .LBB2_3-.Ltmp0, $3  }
0x12a: {  	_ =	sdelay $0x1  }
0x12b: {  	[tilespmem:v3+s19+$0x0] =	vst.idx.msk $0xffff, v2  }
0x12c: {  	v2 =	vadd.s32 s11, v5;
	s11 =	sadd.s32 $0x1, s11;
	v3 =	vld.idx.msk [tilespmem:v1+s13+$0x0], $0xffff  }
0x12d: {  	v4 =	vld [tilespmem:$0x1FC40];
	_ =	sdelay $0x4  }
0x12e: {  	v0 =	vor.u32 v4, v0;
	v4 =	vld [tilespmem:$0x1FC30];
	_ =	sdelay $0x3  }
0x12f: {  	v1 =	vand.u32 $0xF, v2  }
0x130: {  	v4 =	vor.u32 v4, v1;
	_ =	sdelay $0x2  }
0x131: {  	v2 =	vshll.u32 v2, $0x7  }
0x132: {  	[tilespmem:v0+s19+$0x0] =	vst.idx.msk $0xffff, v3;
	v0 =	vand.u32 $0x780, v2;
	v3 =	vlaneseq.u32  }
0x133: {  	v3 =	vor.u32 v3, v0;
	v2 =	vld.idx.msk [tilespmem:v4+s13+$0x0], $0xffff  }
0x134: {  	v4 =	vor.u32 v6, v1;
	_ =	sdelay $0x3  }
0x135: {  	[tilespmem:v3+s19+$0x0] =	vst.idx.msk $0xffff, v2  }
0x136: {  	v3 =	vor.u32 v7, v0;
	v2 =	vld.idx.msk [tilespmem:v4+s13+$0x0], $0xffff  }
0x137: {  	v4 =	vor.u32 v8, v1;
	_ =	sdelay $0x3  }
0x138: {  	[tilespmem:v3+s19+$0x0] =	vst.idx.msk $0xffff, v2  }
0x139: {  	v3 =	vor.u32 v9, v0;
	v2 =	vld.idx.msk [tilespmem:v4+s13+$0x0], $0xffff  }
0x13a: {  	v4 =	vor.u32 v10, v1;
	_ =	sdelay $0x3  }
0x13b: {  	[tilespmem:v3+s19+$0x0] =	vst.idx.msk $0xffff, v2  }
0x13c: {  	v3 =	vor.u32 v11, v0;
	v2 =	vld.idx.msk [tilespmem:v4+s13+$0x0], $0xffff  }
0x13d: {  	v4 =	vor.u32 v12, v1;
	_ =	sdelay $0x3  }
0x13e: {  	[tilespmem:v3+s19+$0x0] =	vst.idx.msk $0xffff, v2  }
0x13f: {  	v3 =	vor.u32 v13, v0;
	v2 =	vld.idx.msk [tilespmem:v4+s13+$0x0], $0xffff  }
0x140: {  	v4 =	vor.u32 v14, v1;
	_ =	sdelay $0x3  }
0x141: {  	[tilespmem:v3+s19+$0x0] =	vst.idx.msk $0xffff, v2  }
0x142: {  	v3 =	vor.u32 v15, v0;
	v2 =	vld.idx.msk [tilespmem:v4+s13+$0x0], $0xffff  }
0x143: {  	v4 =	vor.u32 v16, v1;
	_ =	sdelay $0x3  }
0x144: {  	[tilespmem:v3+s19+$0x0] =	vst.idx.msk $0xffff, v2  }
0x145: {  	v3 =	vor.u32 v17, v0;
	v2 =	vld.idx.msk [tilespmem:v4+s13+$0x0], $0xffff  }
0x146: {  	v4 =	vor.u32 v18, v1;
	_ =	sdelay $0x3  }
0x147: {  	[tilespmem:v3+s19+$0x0] =	vst.idx.msk $0xffff, v2  }
0x148: {  	v3 =	vor.u32 v19, v0;
	v2 =	vld.idx.msk [tilespmem:v4+s13+$0x0], $0xffff  }
0x149: {  	v4 =	vor.u32 v20, v1;
	_ =	sdelay $0x3  }
0x14a: {  	[tilespmem:v3+s19+$0x0] =	vst.idx.msk $0xffff, v2  }
0x14b: {  	v3 =	vor.u32 v21, v0;
	v2 =	vld.idx.msk [tilespmem:v4+s13+$0x0], $0xffff  }
0x14c: {  	v4 =	vor.u32 v22, v1;
	_ =	sdelay $0x3  }
0x14d: {  	[tilespmem:v3+s19+$0x0] =	vst.idx.msk $0xffff, v2  }
0x14e: {  	v3 =	vor.u32 v23, v0;
	v2 =	vld.idx.msk [tilespmem:v4+s13+$0x0], $0xffff  }
0x14f: {  	v4 =	vor.u32 v24, v1;
	_ =	sdelay $0x3  }
0x150: {  	[tilespmem:v3+s19+$0x0] =	vst.idx.msk $0xffff, v2  }
0x151: {  	v3 =	vor.u32 v25, v0;
	v2 =	vld.idx.msk [tilespmem:v4+s13+$0x0], $0xffff  }
0x152: {  	v4 =	vor.u32 v26, v1;
	_ =	sdelay $0x3  }
0x153: {  	[tilespmem:v3+s19+$0x0] =	vst.idx.msk $0xffff, v2  }
0x154: {  	v3 =	vor.u32 v27, v0;
	v2 =	vld.idx.msk [tilespmem:v4+s13+$0x0], $0xffff  }
0x155: {  	v4 =	vor.u32 v28, v1;
	_ =	sdelay $0x3  }
0x156: {  	[tilespmem:v3+s19+$0x0] =	vst.idx.msk $0xffff, v2  }
0x157: {  	v3 =	vor.u32 v29, v0;
	v2 =	vld.idx.msk [tilespmem:v4+s13+$0x0], $0xffff  }
0x158: {  	v4 =	vor.u32 v30, v1;
	_ =	sdelay $0x3  }
0x159: {  	[tilespmem:v3+s19+$0x0] =	vst.idx.msk $0xffff, v2  }
0x15a: {  	v3 =	vor.u32 v31, v0;
	v2 =	vld.idx.msk [tilespmem:v4+s13+$0x0], $0xffff  }
0x15b: {  	v4 =	vor.u32 v32, v1;
	_ =	sdelay $0x3  }
0x15c: {  	[tilespmem:v3+s19+$0x0] =	vst.idx.msk $0xffff, v2  }
0x15d: {  	v3 =	vor.u32 v33, v0;
	v2 =	vld.idx.msk [tilespmem:v4+s13+$0x0], $0xffff  }
0x15e: {  	v4 =	vor.u32 v34, v1;
	_ =	sdelay $0x3  }
0x15f: {  	[tilespmem:v3+s19+$0x0] =	vst.idx.msk $0xffff, v2  }
0x160: {  	v3 =	vor.u32 v35, v0;
	v2 =	vld.idx.msk [tilespmem:v4+s13+$0x0], $0xffff  }
0x161: {  	v4 =	vor.u32 v36, v1;
	_ =	sdelay $0x3  }
0x162: {  	[tilespmem:v3+s19+$0x0] =	vst.idx.msk $0xffff, v2  }
0x163: {  	v3 =	vor.u32 v37, v0;
	v2 =	vld.idx.msk [tilespmem:v4+s13+$0x0], $0xffff  }
0x164: {  	v4 =	vor.u32 v38, v1;
	_ =	sdelay $0x3  }
0x165: {  	[tilespmem:v3+s19+$0x0] =	vst.idx.msk $0xffff, v2  }
0x166: {  	v3 =	vor.u32 v39, v0;
	v2 =	vld.idx.msk [tilespmem:v4+s13+$0x0], $0xffff  }
0x167: {  	v4 =	vor.u32 v40, v1;
	_ =	sdelay $0x3  }
0x168: {  	[tilespmem:v3+s19+$0x0] =	vst.idx.msk $0xffff, v2  }
0x169: {  	v3 =	vor.u32 v41, v0;
	v2 =	vld.idx.msk [tilespmem:v4+s13+$0x0], $0xffff  }
0x16a: {  	v4 =	vor.u32 v42, v1;
	_ =	sdelay $0x3  }
0x16b: {  	[tilespmem:v3+s19+$0x0] =	vst.idx.msk $0xffff, v2  }
0x16c: {  	v3 =	vor.u32 v43, v0;
	v2 =	vld.idx.msk [tilespmem:v4+s13+$0x0], $0xffff  }
0x16d: {  	v4 =	vor.u32 v44, v1;
	_ =	sdelay $0x3  }
0x16e: {  	[tilespmem:v3+s19+$0x0] =	vst.idx.msk $0xffff, v2  }
0x16f: {  	v3 =	vor.u32 v45, v0;
	v2 =	vld.idx.msk [tilespmem:v4+s13+$0x0], $0xffff  }
0x170: {  	v4 =	vor.u32 v46, v1;
	_ =	sdelay $0x3  }
0x171: {  	[tilespmem:v3+s19+$0x0] =	vst.idx.msk $0xffff, v2  }
0x172: {  	v3 =	vor.u32 v47, v0;
	v2 =	vld.idx.msk [tilespmem:v4+s13+$0x0], $0xffff  }
0x173: {  	v4 =	vor.u32 v48, v1;
	_ =	sdelay $0x3  }
0x174: {  	[tilespmem:v3+s19+$0x0] =	vst.idx.msk $0xffff, v2  }
0x175: {  	v3 =	vor.u32 v49, v0;
	v2 =	vld.idx.msk [tilespmem:v4+s13+$0x0], $0xffff  }
0x176: {  	v4 =	vor.u32 v50, v1;
	_ =	sdelay $0x3  }
0x177: {  	[tilespmem:v3+s19+$0x0] =	vst.idx.msk $0xffff, v2  }
0x178: {  	v3 =	vor.u32 v51, v0;
	v2 =	vld.idx.msk [tilespmem:v4+s13+$0x0], $0xffff  }
0x179: {  	v4 =	vor.u32 v52, v1;
	_ =	sdelay $0x3  }
0x17a: {  	[tilespmem:v3+s19+$0x0] =	vst.idx.msk $0xffff, v2  }
0x17b: {  	v3 =	vor.u32 v53, v0;
	v2 =	vld.idx.msk [tilespmem:v4+s13+$0x0], $0xffff  }
0x17c: {  	v4 =	vor.u32 v54, v1;
	_ =	sdelay $0x3  }
0x17d: {  	[tilespmem:v3+s19+$0x0] =	vst.idx.msk $0xffff, v2  }
0x17e: {  	v3 =	vor.u32 v55, v0;
	v2 =	vld.idx.msk [tilespmem:v4+s13+$0x0], $0xffff  }
0x17f: {  	v4 =	vor.u32 v56, v1;
	_ =	sdelay $0x3  }
0x180: {  	[tilespmem:v3+s19+$0x0] =	vst.idx.msk $0xffff, v2  }
0x181: {  	v3 =	vor.u32 v57, v0;
	v2 =	vld.idx.msk [tilespmem:v4+s13+$0x0], $0xffff  }
0x182: {  	v4 =	vor.u32 v58, v1;
	_ =	sdelay $0x3  }
0x183: {  	[tilespmem:v3+s19+$0x0] =	vst.idx.msk $0xffff, v2  }
0x184: {  	v3 =	vor.u32 v59, v0;
	v2 =	vld.idx.msk [tilespmem:v4+s13+$0x0], $0xffff  }
0x185: {  	v4 =	vor.u32 v60, v1;
	_ =	sdelay $0x3  }
0x186: {  	[tilespmem:v3+s19+$0x0] =	vst.idx.msk $0xffff, v2  }
0x187: {  	v3 =	vor.u32 v61, v0;
	v2 =	vld.idx.msk [tilespmem:v4+s13+$0x0], $0xffff  }
0x188: {  	v4 =	vor.u32 v62, v1;
	_ =	sdelay $0x3  }
0x189: {  	[tilespmem:v3+s19+$0x0] =	vst.idx.msk $0xffff, v2;
	v2 =	vld [tilespmem:$0x1FC50]  }
0x18a: {  	v3 =	vor.u32 v63, v0;
	v5 =	vld.idx.msk [tilespmem:v4+s13+$0x0], $0xffff;
	_ =	sdelay $0x3  }
0x18b: {  	v4 =	vor.u32 v2, v1  }
0x18c: {  	[tilespmem:v3+s19+$0x0] =	vst.idx.msk $0xffff, v5;
	v5 =	vld [tilespmem:$0x1FC60];
	_ =	sdelay $0x3  }
0x18d: {  	v2 =	vld.idx.msk [tilespmem:v4+s13+$0x0], $0xffff  }
0x18e: {  	v4 =	vld [tilespmem:$0x1FC20];
	v3 =	vor.u32 v5, v0;
	_ =	sdelay $0x4  }
0x18f: {  	v1 =	vor.u32 v4, v1;
	[tilespmem:v3+s19+$0x0] =	vst.idx.msk $0xffff, v2;
	v2 =	vld [tilespmem:$0x1FC40];
	_ =	sdelay $0x4  }
0x190: {  	v1 =	vld.idx.msk [tilespmem:v1+s13+$0x0], $0xffff;
	v0 =	vor.u32 v2, v0  }
0x191: {  	s15 =	smul.u32 $0x140000, s1;
	_ =	sdelay $0x1  }
0x192: {  	s5 =	sor.u32 s6, s15  }
0x193: {  	s11 =	sadd.s32 $0x4, s4;
	s5 =	sshrl.u32 s5, $0x3  }
0x194: {  	s4 =	sshll.u32 s11, $0x7;
	s5 =	sadd.s32 s2, s5;
	[tilespmem:v0+s19+$0x0] =	vst.idx.msk $0xffff, v1  }
0x195: {  	[hbm4b:s5+s20] =	stream.strided.scatter [tilespmem:s19], [sflag:$0x6], $0x2000, s21, s20, $0x38;
	[tilespmem:$0x1E400] =	vst v63  }
0x196: {  	s4 =	sand.u32 $0x3FFFFF80, s4  }
0x197: {  	[tilespmem:s22], [sflag:$0x5] =	stream.indirect.gather [hbm4b:s0+s10], $0x80, s4, s10, $0xb8;
	[tilespmem:$0x1E400] =	vst v63  }
0x198: {  	_ =	swait.ge [sflag:s23], $0x4000  }
0x199: {  	v2 =	vld [tilespmem:$0x1FC30];
	_ =	sdelay $0x1  }
0x19a: {  	s9 =	simm.s32 $0x0;
	v3 =	vlaneseq.u32  }
0x19b: {  	v0 =	vadd.s32 s9, v3;
	[sflag:s23] =	ssyncset.done $0x0  }
0x19c: {  	v1 =	vand.u32 $0xF, v0;
	s4 =	simm.s32 @!p0 $0x7;
	[sflag:s23] =	ssyncadd.s32 $0xFFFFC000  }
0x19d: {  	_ =	swait.ge @!p0 [sflag:s4], $0x2000;
	v2 =	vor.u32 v2, v1  }
0x19e: {  	v4 =	vld [tilespmem:$0x1FC10];
	_ =	sdelay $0x1  }
0x19f: {  	v0 =	vshll.u32 v0, $0x7;
	[sflag:s4] =	ssyncset.done @!p0 $0x0  }
0x1a0: {  	v0 =	vand.u32 $0x780, v0;
	[sflag:s4] =	ssyncadd.s32 @!p0 $0xFFFFE000  }
0x1a1: {  	v3 =	vor.u32 v3, v0;
	v2 =	vld.idx.msk [tilespmem:v2+s14+$0x0], $0xffff  }
0x1a2: {  	v4 =	vor.u32 v4, v1;
	_ =	sdelay $0x3  }
0x1a3: {  	[tilespmem:v3+s24+$0x0] =	vst.idx.msk $0xffff, v2;
	v3 =	vld [tilespmem:$0x1FC70]  }
0x1a4: {  	v2 =	vld.idx.msk [tilespmem:v4+s14+$0x0], $0xffff  }
0x1a5: {  	v4 =	vld [tilespmem:$0x1FE40];
	_ =	sdelay $0x3  }
0x1a6: {  	v3 =	vor.u32 v3, v0  }
0x1a7: {  	v4 =	vor.u32 v4, v1;
	_ =	sdelay $0x3  }
0x1a8: {  	[tilespmem:v3+s24+$0x0] =	vst.idx.msk $0xffff, v2;
	v3 =	vld [tilespmem:$0x1FC80]  }
0x1a9: {  	v2 =	vld.idx.msk [tilespmem:v4+s14+$0x0], $0xffff  }
0x1aa: {  	v4 =	vld [tilespmem:$0x1FE50];
	_ =	sdelay $0x3  }
0x1ab: {  	v3 =	vor.u32 v3, v0  }
0x1ac: {  	v4 =	vor.u32 v4, v1;
	_ =	sdelay $0x3  }
0x1ad: {  	[tilespmem:v3+s24+$0x0] =	vst.idx.msk $0xffff, v2;
	v3 =	vld [tilespmem:$0x1FC90]  }
0x1ae: {  	v2 =	vld.idx.msk [tilespmem:v4+s14+$0x0], $0xffff  }
0x1af: {  	v4 =	vld [tilespmem:$0x1FE60];
	_ =	sdelay $0x3  }
0x1b0: {  	v3 =	vor.u32 v3, v0  }
0x1b1: {  	v4 =	vor.u32 v4, v1;
	_ =	sdelay $0x3  }
0x1b2: {  	[tilespmem:v3+s24+$0x0] =	vst.idx.msk $0xffff, v2;
	v3 =	vld [tilespmem:$0x1FCA0]  }
0x1b3: {  	v2 =	vld.idx.msk [tilespmem:v4+s14+$0x0], $0xffff  }
0x1b4: {  	v4 =	vld [tilespmem:$0x1FE70];
	_ =	sdelay $0x3  }
0x1b5: {  	v3 =	vor.u32 v3, v0  }
0x1b6: {  	v4 =	vor.u32 v4, v1;
	_ =	sdelay $0x3  }
0x1b7: {  	[tilespmem:v3+s24+$0x0] =	vst.idx.msk $0xffff, v2;
	v3 =	vld [tilespmem:$0x1FCB0]  }
0x1b8: {  	v2 =	vld.idx.msk [tilespmem:v4+s14+$0x0], $0xffff  }
0x1b9: {  	v4 =	vld [tilespmem:$0x1FE80];
	_ =	sdelay $0x3  }
0x1ba: {  	v3 =	vor.u32 v3, v0  }
0x1bb: {  	v4 =	vor.u32 v4, v1;
	_ =	sdelay $0x3  }
0x1bc: {  	[tilespmem:v3+s24+$0x0] =	vst.idx.msk $0xffff, v2;
	v3 =	vld [tilespmem:$0x1FCC0]  }
0x1bd: {  	v2 =	vld.idx.msk [tilespmem:v4+s14+$0x0], $0xffff  }
0x1be: {  	v4 =	vld [tilespmem:$0x1FE90];
	_ =	sdelay $0x3  }
0x1bf: {  	v3 =	vor.u32 v3, v0  }
0x1c0: {  	v4 =	vor.u32 v4, v1;
	_ =	sdelay $0x3  }
0x1c1: {  	[tilespmem:v3+s24+$0x0] =	vst.idx.msk $0xffff, v2;
	v3 =	vld [tilespmem:$0x1FCD0]  }
0x1c2: {  	v2 =	vld.idx.msk [tilespmem:v4+s14+$0x0], $0xffff  }
0x1c3: {  	v4 =	vld [tilespmem:$0x1FEA0];
	_ =	sdelay $0x3  }
0x1c4: {  	v3 =	vor.u32 v3, v0  }
0x1c5: {  	v4 =	vor.u32 v4, v1;
	_ =	sdelay $0x3  }
0x1c6: {  	[tilespmem:v3+s24+$0x0] =	vst.idx.msk $0xffff, v2;
	v3 =	vld [tilespmem:$0x1FCE0]  }
0x1c7: {  	v2 =	vld.idx.msk [tilespmem:v4+s14+$0x0], $0xffff  }
0x1c8: {  	v4 =	vld [tilespmem:$0x1FEB0];
	_ =	sdelay $0x3  }
0x1c9: {  	v3 =	vor.u32 v3, v0  }
0x1ca: {  	v4 =	vor.u32 v4, v1;
	_ =	sdelay $0x3  }
0x1cb: {  	[tilespmem:v3+s24+$0x0] =	vst.idx.msk $0xffff, v2;
	v3 =	vld [tilespmem:$0x1FCF0]  }
0x1cc: {  	v2 =	vld.idx.msk [tilespmem:v4+s14+$0x0], $0xffff  }
0x1cd: {  	v4 =	vld [tilespmem:$0x1FEC0];
	_ =	sdelay $0x3  }
0x1ce: {  	v3 =	vor.u32 v3, v0  }
0x1cf: {  	v4 =	vor.u32 v4, v1;
	_ =	sdelay $0x3  }
0x1d0: {  	[tilespmem:v3+s24+$0x0] =	vst.idx.msk $0xffff, v2;
	v3 =	vld [tilespmem:$0x1FD00]  }
0x1d1: {  	v2 =	vld.idx.msk [tilespmem:v4+s14+$0x0], $0xffff  }
0x1d2: {  	v4 =	vld [tilespmem:$0x1FED0];
	_ =	sdelay $0x3  }
0x1d3: {  	v3 =	vor.u32 v3, v0  }
0x1d4: {  	v4 =	vor.u32 v4, v1;
	_ =	sdelay $0x3  }
0x1d5: {  	[tilespmem:v3+s24+$0x0] =	vst.idx.msk $0xffff, v2;
	v3 =	vld [tilespmem:$0x1FD10]  }
0x1d6: {  	v2 =	vld.idx.msk [tilespmem:v4+s14+$0x0], $0xffff  }
0x1d7: {  	v4 =	vld [tilespmem:$0x1FEE0];
	_ =	sdelay $0x3  }
0x1d8: {  	v3 =	vor.u32 v3, v0  }
0x1d9: {  	v4 =	vor.u32 v4, v1;
	_ =	sdelay $0x3  }
0x1da: {  	[tilespmem:v3+s24+$0x0] =	vst.idx.msk $0xffff, v2;
	v3 =	vld [tilespmem:$0x1FD20]  }
0x1db: {  	v2 =	vld.idx.msk [tilespmem:v4+s14+$0x0], $0xffff  }
0x1dc: {  	v4 =	vld [tilespmem:$0x1FEF0];
	_ =	sdelay $0x3  }
0x1dd: {  	v3 =	vor.u32 v3, v0  }
0x1de: {  	v4 =	vor.u32 v4, v1;
	_ =	sdelay $0x3  }
0x1df: {  	[tilespmem:v3+s24+$0x0] =	vst.idx.msk $0xffff, v2;
	v3 =	vld [tilespmem:$0x1FD30]  }
0x1e0: {  	v2 =	vld.idx.msk [tilespmem:v4+s14+$0x0], $0xffff  }
0x1e1: {  	v4 =	vld [tilespmem:$0x1FF00];
	_ =	sdelay $0x3  }
0x1e2: {  	v3 =	vor.u32 v3, v0  }
0x1e3: {  	v4 =	vor.u32 v4, v1;
	_ =	sdelay $0x3  }
0x1e4: {  	[tilespmem:v3+s24+$0x0] =	vst.idx.msk $0xffff, v2;
	v3 =	vld [tilespmem:$0x1FD40]  }
0x1e5: {  	v2 =	vld.idx.msk [tilespmem:v4+s14+$0x0], $0xffff  }
0x1e6: {  	v4 =	vld [tilespmem:$0x1FF10];
	_ =	sdelay $0x3  }
0x1e7: {  	v3 =	vor.u32 v3, v0  }
0x1e8: {  	v4 =	vor.u32 v4, v1;
	_ =	sdelay $0x3  }
0x1e9: {  	[tilespmem:v3+s24+$0x0] =	vst.idx.msk $0xffff, v2;
	v3 =	vld [tilespmem:$0x1FD50]  }
0x1ea: {  	v2 =	vld.idx.msk [tilespmem:v4+s14+$0x0], $0xffff  }
0x1eb: {  	v4 =	vld [tilespmem:$0x1FF20];
	_ =	sdelay $0x3  }
0x1ec: {  	v3 =	vor.u32 v3, v0  }
0x1ed: {  	v4 =	vor.u32 v4, v1;
	_ =	sdelay $0x3  }
0x1ee: {  	[tilespmem:v3+s24+$0x0] =	vst.idx.msk $0xffff, v2;
	v3 =	vld [tilespmem:$0x1FD60]  }
0x1ef: {  	v2 =	vld.idx.msk [tilespmem:v4+s14+$0x0], $0xffff  }
0x1f0: {  	v4 =	vld [tilespmem:$0x1FF30];
	_ =	sdelay $0x3  }
0x1f1: {  	v3 =	vor.u32 v3, v0  }
0x1f2: {  	v4 =	vor.u32 v4, v1;
	_ =	sdelay $0x3  }
0x1f3: {  	[tilespmem:v3+s24+$0x0] =	vst.idx.msk $0xffff, v2;
	v3 =	vld [tilespmem:$0x1FD70]  }
0x1f4: {  	v2 =	vld.idx.msk [tilespmem:v4+s14+$0x0], $0xffff  }
0x1f5: {  	v4 =	vld [tilespmem:$0x1FF40];
	_ =	sdelay $0x3  }
0x1f6: {  	v3 =	vor.u32 v3, v0  }
0x1f7: {  	v4 =	vor.u32 v4, v1;
	_ =	sdelay $0x3  }
0x1f8: {  	[tilespmem:v3+s24+$0x0] =	vst.idx.msk $0xffff, v2;
	v3 =	vld [tilespmem:$0x1FD80]  }
0x1f9: {  	v2 =	vld.idx.msk [tilespmem:v4+s14+$0x0], $0xffff  }
0x1fa: {  	v4 =	vld [tilespmem:$0x1FF50];
	_ =	sdelay $0x3  }
0x1fb: {  	v3 =	vor.u32 v3, v0  }
0x1fc: {  	v4 =	vor.u32 v4, v1;
	_ =	sdelay $0x3  }
0x1fd: {  	[tilespmem:v3+s24+$0x0] =	vst.idx.msk $0xffff, v2;
	v3 =	vld [tilespmem:$0x1FD90]  }
0x1fe: {  	v2 =	vld.idx.msk [tilespmem:v4+s14+$0x0], $0xffff  }
0x1ff: {  	v4 =	vld [tilespmem:$0x1FF60];
	_ =	sdelay $0x3  }
0x200: {  	v3 =	vor.u32 v3, v0  }
0x201: {  	v4 =	vor.u32 v4, v1;
	_ =	sdelay $0x3  }
0x202: {  	[tilespmem:v3+s24+$0x0] =	vst.idx.msk $0xffff, v2;
	v3 =	vld [tilespmem:$0x1FDA0]  }
0x203: {  	v2 =	vld.idx.msk [tilespmem:v4+s14+$0x0], $0xffff  }
0x204: {  	v4 =	vld [tilespmem:$0x1FF70];
	_ =	sdelay $0x3  }
0x205: {  	v3 =	vor.u32 v3, v0  }
0x206: {  	v4 =	vor.u32 v4, v1;
	_ =	sdelay $0x3  }
0x207: {  	[tilespmem:v3+s24+$0x0] =	vst.idx.msk $0xffff, v2;
	v3 =	vld [tilespmem:$0x1FDB0]  }
0x208: {  	v2 =	vld.idx.msk [tilespmem:v4+s14+$0x0], $0xffff  }
0x209: {  	v4 =	vld [tilespmem:$0x1FF80];
	_ =	sdelay $0x3  }
0x20a: {  	v3 =	vor.u32 v3, v0  }
0x20b: {  	v4 =	vor.u32 v4, v1;
	_ =	sdelay $0x3  }
0x20c: {  	[tilespmem:v3+s24+$0x0] =	vst.idx.msk $0xffff, v2;
	v3 =	vld [tilespmem:$0x1FDC0]  }
0x20d: {  	v2 =	vld.idx.msk [tilespmem:v4+s14+$0x0], $0xffff  }
0x20e: {  	v4 =	vld [tilespmem:$0x1FF90];
	_ =	sdelay $0x3  }
0x20f: {  	v3 =	vor.u32 v3, v0  }
0x210: {  	v4 =	vor.u32 v4, v1;
	_ =	sdelay $0x3  }
0x211: {  	[tilespmem:v3+s24+$0x0] =	vst.idx.msk $0xffff, v2;
	v3 =	vld [tilespmem:$0x1FDD0]  }
0x212: {  	v2 =	vld.idx.msk [tilespmem:v4+s14+$0x0], $0xffff  }
0x213: {  	v4 =	vld [tilespmem:$0x1FFA0];
	_ =	sdelay $0x3  }
0x214: {  	v3 =	vor.u32 v3, v0  }
0x215: {  	v4 =	vor.u32 v4, v1;
	_ =	sdelay $0x3  }
0x216: {  	[tilespmem:v3+s24+$0x0] =	vst.idx.msk $0xffff, v2;
	v3 =	vld [tilespmem:$0x1FDE0]  }
0x217: {  	v2 =	vld.idx.msk [tilespmem:v4+s14+$0x0], $0xffff  }
0x218: {  	v4 =	vld [tilespmem:$0x1FFB0];
	_ =	sdelay $0x3  }
0x219: {  	v3 =	vor.u32 v3, v0  }
0x21a: {  	v4 =	vor.u32 v4, v1;
	_ =	sdelay $0x3  }
0x21b: {  	[tilespmem:v3+s24+$0x0] =	vst.idx.msk $0xffff, v2;
	v3 =	vld [tilespmem:$0x1FDF0]  }
0x21c: {  	v2 =	vld.idx.msk [tilespmem:v4+s14+$0x0], $0xffff  }
0x21d: {  	v4 =	vld [tilespmem:$0x1FFC0];
	_ =	sdelay $0x3  }
0x21e: {  	v3 =	vor.u32 v3, v0  }
0x21f: {  	v4 =	vor.u32 v4, v1;
	_ =	sdelay $0x3  }
0x220: {  	[tilespmem:v3+s24+$0x0] =	vst.idx.msk $0xffff, v2;
	v3 =	vld [tilespmem:$0x1FE00]  }
0x221: {  	v2 =	vld.idx.msk [tilespmem:v4+s14+$0x0], $0xffff  }
0x222: {  	v4 =	vld [tilespmem:$0x1FFD0];
	_ =	sdelay $0x3  }
0x223: {  	v3 =	vor.u32 v3, v0  }
0x224: {  	v4 =	vor.u32 v4, v1;
	_ =	sdelay $0x3  }
0x225: {  	[tilespmem:v3+s24+$0x0] =	vst.idx.msk $0xffff, v2;
	v3 =	vld [tilespmem:$0x1FE10]  }
0x226: {  	v2 =	vld.idx.msk [tilespmem:v4+s14+$0x0], $0xffff  }
0x227: {  	v4 =	vld [tilespmem:$0x1FFE0];
	_ =	sdelay $0x3  }
0x228: {  	v3 =	vor.u32 v3, v0  }
0x229: {  	v4 =	vor.u32 v4, v1;
	_ =	sdelay $0x3  }
0x22a: {  	[tilespmem:v3+s24+$0x0] =	vst.idx.msk $0xffff, v2;
	v3 =	vld [tilespmem:$0x1FE20]  }
0x22b: {  	v2 =	vld.idx.msk [tilespmem:v4+s14+$0x0], $0xffff  }
0x22c: {  	v4 =	vld [tilespmem:$0x1FFF0];
	_ =	sdelay $0x3  }
0x22d: {  	v3 =	vor.u32 v3, v0  }
0x22e: {  	v4 =	vor.u32 v4, v1;
	_ =	sdelay $0x3  }
0x22f: {  	[tilespmem:v3+s24+$0x0] =	vst.idx.msk $0xffff, v2;
	v3 =	vld [tilespmem:$0x1FE30]  }
0x230: {  	v2 =	vld.idx.msk [tilespmem:v4+s14+$0x0], $0xffff  }
0x231: {  	v4 =	vld [tilespmem:$0x1FC50];
	_ =	sdelay $0x3  }
0x232: {  	v3 =	vor.u32 v3, v0  }
0x233: {  	v4 =	vor.u32 v4, v1;
	_ =	sdelay $0x3  }
0x234: {  	[tilespmem:v3+s24+$0x0] =	vst.idx.msk $0xffff, v2  }
0x235: {  	v2 =	vld.idx.msk [tilespmem:v4+s14+$0x0], $0xffff  }
0x236: {  	v4 =	vld [tilespmem:$0x1FC20];
	_ =	sdelay $0x3  }
0x237: {  	v3 =	vor.u32 v5, v0  }
0x238: {  	v1 =	vor.u32 v4, v1;
	_ =	sdelay $0x3  }
0x239: {  	s12 =	simm.s32 $0x1;
	[tilespmem:v3+s24+$0x0] =	vst.idx.msk $0xffff, v2;
	v2 =	vlaneseq.u32  }
0x23a: {  	s4 =	simm.s32 $0x2;
	v2 =	vadd.s32 s12, v2;
	v3 =	vld.idx.msk [tilespmem:v1+s14+$0x0], $0xffff  }
.LBB2_5:
0x23b: {  	v4 =	vld [tilespmem:$0x1FC40];
	_ =	sdelay $0x4  }
0x23c: {  	v0 =	vor.u32 v4, v0;
	v4 =	vld [tilespmem:$0x1FC30];
	_ =	sdelay $0x3  }
0x23d: {  	v1 =	vand.u32 $0xF, v2  }
0x23e: {  	v4 =	vor.u32 v4, v1;
	_ =	sdelay $0x2  }
0x23f: {  	v2 =	vshll.u32 v2, $0x7  }
0x240: {  	v5 =	vlaneseq.u32;
	[tilespmem:v0+s24+$0x0] =	vst.idx.msk $0xffff, v3;
	v0 =	vand.u32 $0x780, v2  }
0x241: {  	v2 =	vor.u32 v5, v0;
	v3 =	vld.idx.msk [tilespmem:v4+s14+$0x0], $0xffff  }
0x242: {  	v4 =	vor.u32 v6, v1;
	_ =	sdelay $0x3  }
0x243: {  	[tilespmem:v2+s24+$0x0] =	vst.idx.msk $0xffff, v3  }
0x244: {  	v3 =	vor.u32 v7, v0;
	v2 =	vld.idx.msk [tilespmem:v4+s14+$0x0], $0xffff  }
0x245: {  	v4 =	vor.u32 v8, v1;
	_ =	sdelay $0x3  }
0x246: {  	[tilespmem:v3+s24+$0x0] =	vst.idx.msk $0xffff, v2  }
0x247: {  	v3 =	vor.u32 v9, v0;
	v2 =	vld.idx.msk [tilespmem:v4+s14+$0x0], $0xffff  }
0x248: {  	v4 =	vor.u32 v10, v1;
	_ =	sdelay $0x3  }
0x249: {  	[tilespmem:v3+s24+$0x0] =	vst.idx.msk $0xffff, v2  }
0x24a: {  	v3 =	vor.u32 v11, v0;
	v2 =	vld.idx.msk [tilespmem:v4+s14+$0x0], $0xffff  }
0x24b: {  	v4 =	vor.u32 v12, v1;
	_ =	sdelay $0x3  }
0x24c: {  	[tilespmem:v3+s24+$0x0] =	vst.idx.msk $0xffff, v2  }
0x24d: {  	v3 =	vor.u32 v13, v0;
	v2 =	vld.idx.msk [tilespmem:v4+s14+$0x0], $0xffff  }
0x24e: {  	v4 =	vor.u32 v14, v1;
	_ =	sdelay $0x3  }
0x24f: {  	[tilespmem:v3+s24+$0x0] =	vst.idx.msk $0xffff, v2  }
0x250: {  	v3 =	vor.u32 v15, v0;
	v2 =	vld.idx.msk [tilespmem:v4+s14+$0x0], $0xffff  }
0x251: {  	v4 =	vor.u32 v16, v1;
	_ =	sdelay $0x3  }
0x252: {  	[tilespmem:v3+s24+$0x0] =	vst.idx.msk $0xffff, v2  }
0x253: {  	v3 =	vor.u32 v17, v0;
	v2 =	vld.idx.msk [tilespmem:v4+s14+$0x0], $0xffff  }
0x254: {  	v4 =	vor.u32 v18, v1;
	_ =	sdelay $0x3  }
0x255: {  	[tilespmem:v3+s24+$0x0] =	vst.idx.msk $0xffff, v2  }
0x256: {  	v3 =	vor.u32 v19, v0;
	v2 =	vld.idx.msk [tilespmem:v4+s14+$0x0], $0xffff  }
0x257: {  	v4 =	vor.u32 v20, v1;
	_ =	sdelay $0x3  }
0x258: {  	[tilespmem:v3+s24+$0x0] =	vst.idx.msk $0xffff, v2  }
0x259: {  	v3 =	vor.u32 v21, v0;
	v2 =	vld.idx.msk [tilespmem:v4+s14+$0x0], $0xffff  }
0x25a: {  	v4 =	vor.u32 v22, v1;
	_ =	sdelay $0x3  }
0x25b: {  	[tilespmem:v3+s24+$0x0] =	vst.idx.msk $0xffff, v2  }
0x25c: {  	v3 =	vor.u32 v23, v0;
	v2 =	vld.idx.msk [tilespmem:v4+s14+$0x0], $0xffff  }
0x25d: {  	v4 =	vor.u32 v24, v1;
	_ =	sdelay $0x3  }
0x25e: {  	[tilespmem:v3+s24+$0x0] =	vst.idx.msk $0xffff, v2  }
0x25f: {  	v3 =	vor.u32 v25, v0;
	v2 =	vld.idx.msk [tilespmem:v4+s14+$0x0], $0xffff  }
0x260: {  	v4 =	vor.u32 v26, v1;
	_ =	sdelay $0x3  }
0x261: {  	[tilespmem:v3+s24+$0x0] =	vst.idx.msk $0xffff, v2  }
0x262: {  	v3 =	vor.u32 v27, v0;
	v2 =	vld.idx.msk [tilespmem:v4+s14+$0x0], $0xffff  }
0x263: {  	v4 =	vor.u32 v28, v1;
	_ =	sdelay $0x3  }
0x264: {  	[tilespmem:v3+s24+$0x0] =	vst.idx.msk $0xffff, v2  }
0x265: {  	v3 =	vor.u32 v29, v0;
	v2 =	vld.idx.msk [tilespmem:v4+s14+$0x0], $0xffff  }
0x266: {  	v4 =	vor.u32 v30, v1;
	_ =	sdelay $0x3  }
0x267: {  	[tilespmem:v3+s24+$0x0] =	vst.idx.msk $0xffff, v2  }
0x268: {  	v3 =	vor.u32 v31, v0;
	v2 =	vld.idx.msk [tilespmem:v4+s14+$0x0], $0xffff  }
0x269: {  	v4 =	vor.u32 v32, v1;
	_ =	sdelay $0x3  }
0x26a: {  	[tilespmem:v3+s24+$0x0] =	vst.idx.msk $0xffff, v2  }
0x26b: {  	v3 =	vor.u32 v33, v0;
	v2 =	vld.idx.msk [tilespmem:v4+s14+$0x0], $0xffff  }
0x26c: {  	v4 =	vor.u32 v34, v1;
	_ =	sdelay $0x3  }
0x26d: {  	[tilespmem:v3+s24+$0x0] =	vst.idx.msk $0xffff, v2  }
0x26e: {  	v3 =	vor.u32 v35, v0;
	v2 =	vld.idx.msk [tilespmem:v4+s14+$0x0], $0xffff  }
0x26f: {  	v4 =	vor.u32 v36, v1;
	_ =	sdelay $0x3  }
0x270: {  	[tilespmem:v3+s24+$0x0] =	vst.idx.msk $0xffff, v2  }
0x271: {  	v3 =	vor.u32 v37, v0;
	v2 =	vld.idx.msk [tilespmem:v4+s14+$0x0], $0xffff  }
0x272: {  	v4 =	vor.u32 v38, v1;
	_ =	sdelay $0x3  }
0x273: {  	[tilespmem:v3+s24+$0x0] =	vst.idx.msk $0xffff, v2  }
0x274: {  	v3 =	vor.u32 v39, v0;
	v2 =	vld.idx.msk [tilespmem:v4+s14+$0x0], $0xffff  }
0x275: {  	v4 =	vor.u32 v40, v1;
	_ =	sdelay $0x3  }
0x276: {  	[tilespmem:v3+s24+$0x0] =	vst.idx.msk $0xffff, v2  }
0x277: {  	v3 =	vor.u32 v41, v0;
	v2 =	vld.idx.msk [tilespmem:v4+s14+$0x0], $0xffff  }
0x278: {  	v4 =	vor.u32 v42, v1;
	_ =	sdelay $0x3  }
0x279: {  	[tilespmem:v3+s24+$0x0] =	vst.idx.msk $0xffff, v2  }
0x27a: {  	v3 =	vor.u32 v43, v0;
	v2 =	vld.idx.msk [tilespmem:v4+s14+$0x0], $0xffff  }
0x27b: {  	v4 =	vor.u32 v44, v1;
	_ =	sdelay $0x3  }
0x27c: {  	[tilespmem:v3+s24+$0x0] =	vst.idx.msk $0xffff, v2  }
0x27d: {  	v3 =	vor.u32 v45, v0;
	v2 =	vld.idx.msk [tilespmem:v4+s14+$0x0], $0xffff  }
0x27e: {  	v4 =	vor.u32 v46, v1;
	_ =	sdelay $0x3  }
0x27f: {  	[tilespmem:v3+s24+$0x0] =	vst.idx.msk $0xffff, v2  }
0x280: {  	v3 =	vor.u32 v47, v0;
	v2 =	vld.idx.msk [tilespmem:v4+s14+$0x0], $0xffff  }
0x281: {  	v4 =	vor.u32 v48, v1;
	_ =	sdelay $0x3  }
0x282: {  	[tilespmem:v3+s24+$0x0] =	vst.idx.msk $0xffff, v2  }
0x283: {  	v3 =	vor.u32 v49, v0;
	v2 =	vld.idx.msk [tilespmem:v4+s14+$0x0], $0xffff  }
0x284: {  	v4 =	vor.u32 v50, v1;
	_ =	sdelay $0x3  }
0x285: {  	[tilespmem:v3+s24+$0x0] =	vst.idx.msk $0xffff, v2  }
0x286: {  	v3 =	vor.u32 v51, v0;
	v2 =	vld.idx.msk [tilespmem:v4+s14+$0x0], $0xffff  }
0x287: {  	v4 =	vor.u32 v52, v1;
	_ =	sdelay $0x3  }
0x288: {  	[tilespmem:v3+s24+$0x0] =	vst.idx.msk $0xffff, v2  }
0x289: {  	v3 =	vor.u32 v53, v0;
	v2 =	vld.idx.msk [tilespmem:v4+s14+$0x0], $0xffff  }
0x28a: {  	v4 =	vor.u32 v54, v1;
	_ =	sdelay $0x3  }
0x28b: {  	[tilespmem:v3+s24+$0x0] =	vst.idx.msk $0xffff, v2  }
0x28c: {  	v3 =	vor.u32 v55, v0;
	v2 =	vld.idx.msk [tilespmem:v4+s14+$0x0], $0xffff  }
0x28d: {  	v4 =	vor.u32 v56, v1;
	_ =	sdelay $0x3  }
0x28e: {  	[tilespmem:v3+s24+$0x0] =	vst.idx.msk $0xffff, v2  }
0x28f: {  	v3 =	vor.u32 v57, v0;
	v2 =	vld.idx.msk [tilespmem:v4+s14+$0x0], $0xffff  }
0x290: {  	v4 =	vor.u32 v58, v1;
	_ =	sdelay $0x3  }
0x291: {  	[tilespmem:v3+s24+$0x0] =	vst.idx.msk $0xffff, v2  }
0x292: {  	v3 =	vor.u32 v59, v0;
	v2 =	vld.idx.msk [tilespmem:v4+s14+$0x0], $0xffff  }
0x293: {  	v4 =	vor.u32 v60, v1;
	_ =	sdelay $0x3  }
0x294: {  	[tilespmem:v3+s24+$0x0] =	vst.idx.msk $0xffff, v2  }
0x295: {  	v3 =	vor.u32 v61, v0;
	v2 =	vld.idx.msk [tilespmem:v4+s14+$0x0], $0xffff  }
0x296: {  	v4 =	vor.u32 v62, v1;
	_ =	sdelay $0x3  }
0x297: {  	[tilespmem:v3+s24+$0x0] =	vst.idx.msk $0xffff, v2  }
0x298: {  	v2 =	vld.idx.msk [tilespmem:v4+s14+$0x0], $0xffff  }
0x299: {  	v4 =	vld [tilespmem:$0x1FC50];
	_ =	sdelay $0x3  }
0x29a: {  	v3 =	vor.u32 v63, v0  }
0x29b: {  	v4 =	vor.u32 v4, v1;
	_ =	sdelay $0x3  }
0x29c: {  	[tilespmem:v3+s24+$0x0] =	vst.idx.msk $0xffff, v2;
	v3 =	vld [tilespmem:$0x1FC60]  }
0x29d: {  	v2 =	vld.idx.msk [tilespmem:v4+s14+$0x0], $0xffff  }
0x29e: {  	v4 =	vld [tilespmem:$0x1FC20];
	_ =	sdelay $0x3  }
0x29f: {  	v3 =	vor.u32 v3, v0  }
0x2a0: {  	p0 =	sne.s32 s4, $0xF;
	v1 =	vor.u32 v4, v1  }
.Ltmp1:
0x2a1: {  	_ = 	snop;
	(pc) =	sbr.rel @p0 .LBB2_5-.Ltmp1, $3  }
0x2a2: {  	_ =	sdelay $0x1  }
0x2a3: {  	[tilespmem:v3+s24+$0x0] =	vst.idx.msk $0xffff, v2  }
0x2a4: {  	v2 =	vadd.s32 s4, v5;
	s4 =	sadd.s32 $0x1, s4;
	v3 =	vld.idx.msk [tilespmem:v1+s14+$0x0], $0xffff  }
0x2a5: {  	v4 =	vld [tilespmem:$0x1FC40];
	_ =	sdelay $0x4  }
0x2a6: {  	v0 =	vor.u32 v4, v0;
	v4 =	vld [tilespmem:$0x1FC30];
	_ =	sdelay $0x3  }
0x2a7: {  	v1 =	vand.u32 $0xF, v2  }
0x2a8: {  	v4 =	vor.u32 v4, v1;
	_ =	sdelay $0x2  }
0x2a9: {  	v2 =	vshll.u32 v2, $0x7  }
0x2aa: {  	[tilespmem:v0+s24+$0x0] =	vst.idx.msk $0xffff, v3;
	v0 =	vand.u32 $0x780, v2;
	v3 =	vlaneseq.u32  }
0x2ab: {  	v3 =	vor.u32 v3, v0;
	v2 =	vld.idx.msk [tilespmem:v4+s14+$0x0], $0xffff  }
0x2ac: {  	v4 =	vor.u32 v6, v1;
	_ =	sdelay $0x3  }
0x2ad: {  	[tilespmem:v3+s24+$0x0] =	vst.idx.msk $0xffff, v2  }
0x2ae: {  	v3 =	vor.u32 v7, v0;
	v2 =	vld.idx.msk [tilespmem:v4+s14+$0x0], $0xffff  }
0x2af: {  	v4 =	vor.u32 v8, v1;
	_ =	sdelay $0x3  }
0x2b0: {  	[tilespmem:v3+s24+$0x0] =	vst.idx.msk $0xffff, v2  }
0x2b1: {  	v3 =	vor.u32 v9, v0;
	v2 =	vld.idx.msk [tilespmem:v4+s14+$0x0], $0xffff  }
0x2b2: {  	v4 =	vor.u32 v10, v1;
	_ =	sdelay $0x3  }
0x2b3: {  	[tilespmem:v3+s24+$0x0] =	vst.idx.msk $0xffff, v2  }
0x2b4: {  	v3 =	vor.u32 v11, v0;
	v2 =	vld.idx.msk [tilespmem:v4+s14+$0x0], $0xffff  }
0x2b5: {  	v4 =	vor.u32 v12, v1;
	_ =	sdelay $0x3  }
0x2b6: {  	[tilespmem:v3+s24+$0x0] =	vst.idx.msk $0xffff, v2  }
0x2b7: {  	v3 =	vor.u32 v13, v0;
	v2 =	vld.idx.msk [tilespmem:v4+s14+$0x0], $0xffff  }
0x2b8: {  	v4 =	vor.u32 v14, v1;
	_ =	sdelay $0x3  }
0x2b9: {  	[tilespmem:v3+s24+$0x0] =	vst.idx.msk $0xffff, v2  }
0x2ba: {  	v3 =	vor.u32 v15, v0;
	v2 =	vld.idx.msk [tilespmem:v4+s14+$0x0], $0xffff  }
0x2bb: {  	v4 =	vor.u32 v16, v1;
	_ =	sdelay $0x3  }
0x2bc: {  	[tilespmem:v3+s24+$0x0] =	vst.idx.msk $0xffff, v2  }
0x2bd: {  	v3 =	vor.u32 v17, v0;
	v2 =	vld.idx.msk [tilespmem:v4+s14+$0x0], $0xffff  }
0x2be: {  	v4 =	vor.u32 v18, v1;
	_ =	sdelay $0x3  }
0x2bf: {  	[tilespmem:v3+s24+$0x0] =	vst.idx.msk $0xffff, v2  }
0x2c0: {  	v3 =	vor.u32 v19, v0;
	v2 =	vld.idx.msk [tilespmem:v4+s14+$0x0], $0xffff  }
0x2c1: {  	v4 =	vor.u32 v20, v1;
	_ =	sdelay $0x3  }
0x2c2: {  	[tilespmem:v3+s24+$0x0] =	vst.idx.msk $0xffff, v2  }
0x2c3: {  	v3 =	vor.u32 v21, v0;
	v2 =	vld.idx.msk [tilespmem:v4+s14+$0x0], $0xffff  }
0x2c4: {  	v4 =	vor.u32 v22, v1;
	_ =	sdelay $0x3  }
0x2c5: {  	[tilespmem:v3+s24+$0x0] =	vst.idx.msk $0xffff, v2  }
0x2c6: {  	v3 =	vor.u32 v23, v0;
	v2 =	vld.idx.msk [tilespmem:v4+s14+$0x0], $0xffff  }
0x2c7: {  	v4 =	vor.u32 v24, v1;
	_ =	sdelay $0x3  }
0x2c8: {  	[tilespmem:v3+s24+$0x0] =	vst.idx.msk $0xffff, v2  }
0x2c9: {  	v3 =	vor.u32 v25, v0;
	v2 =	vld.idx.msk [tilespmem:v4+s14+$0x0], $0xffff  }
0x2ca: {  	v4 =	vor.u32 v26, v1;
	_ =	sdelay $0x3  }
0x2cb: {  	[tilespmem:v3+s24+$0x0] =	vst.idx.msk $0xffff, v2  }
0x2cc: {  	v3 =	vor.u32 v27, v0;
	v2 =	vld.idx.msk [tilespmem:v4+s14+$0x0], $0xffff  }
0x2cd: {  	v4 =	vor.u32 v28, v1;
	_ =	sdelay $0x3  }
0x2ce: {  	[tilespmem:v3+s24+$0x0] =	vst.idx.msk $0xffff, v2  }
0x2cf: {  	v3 =	vor.u32 v29, v0;
	v2 =	vld.idx.msk [tilespmem:v4+s14+$0x0], $0xffff  }
0x2d0: {  	v4 =	vor.u32 v30, v1;
	_ =	sdelay $0x3  }
0x2d1: {  	[tilespmem:v3+s24+$0x0] =	vst.idx.msk $0xffff, v2  }
0x2d2: {  	v3 =	vor.u32 v31, v0;
	v2 =	vld.idx.msk [tilespmem:v4+s14+$0x0], $0xffff  }
0x2d3: {  	v4 =	vor.u32 v32, v1;
	_ =	sdelay $0x3  }
0x2d4: {  	[tilespmem:v3+s24+$0x0] =	vst.idx.msk $0xffff, v2  }
0x2d5: {  	v3 =	vor.u32 v33, v0;
	v2 =	vld.idx.msk [tilespmem:v4+s14+$0x0], $0xffff  }
0x2d6: {  	v4 =	vor.u32 v34, v1;
	_ =	sdelay $0x3  }
0x2d7: {  	[tilespmem:v3+s24+$0x0] =	vst.idx.msk $0xffff, v2  }
0x2d8: {  	v3 =	vor.u32 v35, v0;
	v2 =	vld.idx.msk [tilespmem:v4+s14+$0x0], $0xffff  }
0x2d9: {  	v4 =	vor.u32 v36, v1;
	_ =	sdelay $0x3  }
0x2da: {  	[tilespmem:v3+s24+$0x0] =	vst.idx.msk $0xffff, v2  }
0x2db: {  	v3 =	vor.u32 v37, v0;
	v2 =	vld.idx.msk [tilespmem:v4+s14+$0x0], $0xffff  }
0x2dc: {  	v4 =	vor.u32 v38, v1;
	_ =	sdelay $0x3  }
0x2dd: {  	[tilespmem:v3+s24+$0x0] =	vst.idx.msk $0xffff, v2  }
0x2de: {  	v3 =	vor.u32 v39, v0;
	v2 =	vld.idx.msk [tilespmem:v4+s14+$0x0], $0xffff  }
0x2df: {  	v4 =	vor.u32 v40, v1;
	_ =	sdelay $0x3  }
0x2e0: {  	[tilespmem:v3+s24+$0x0] =	vst.idx.msk $0xffff, v2  }
0x2e1: {  	v3 =	vor.u32 v41, v0;
	v2 =	vld.idx.msk [tilespmem:v4+s14+$0x0], $0xffff  }
0x2e2: {  	v4 =	vor.u32 v42, v1;
	_ =	sdelay $0x3  }
0x2e3: {  	[tilespmem:v3+s24+$0x0] =	vst.idx.msk $0xffff, v2  }
0x2e4: {  	v3 =	vor.u32 v43, v0;
	v2 =	vld.idx.msk [tilespmem:v4+s14+$0x0], $0xffff  }
0x2e5: {  	v4 =	vor.u32 v44, v1;
	_ =	sdelay $0x3  }
0x2e6: {  	[tilespmem:v3+s24+$0x0] =	vst.idx.msk $0xffff, v2  }
0x2e7: {  	v3 =	vor.u32 v45, v0;
	v2 =	vld.idx.msk [tilespmem:v4+s14+$0x0], $0xffff  }
0x2e8: {  	v4 =	vor.u32 v46, v1;
	_ =	sdelay $0x3  }
0x2e9: {  	[tilespmem:v3+s24+$0x0] =	vst.idx.msk $0xffff, v2  }
0x2ea: {  	v3 =	vor.u32 v47, v0;
	v2 =	vld.idx.msk [tilespmem:v4+s14+$0x0], $0xffff  }
0x2eb: {  	v4 =	vor.u32 v48, v1;
	_ =	sdelay $0x3  }
0x2ec: {  	[tilespmem:v3+s24+$0x0] =	vst.idx.msk $0xffff, v2  }
0x2ed: {  	v3 =	vor.u32 v49, v0;
	v2 =	vld.idx.msk [tilespmem:v4+s14+$0x0], $0xffff  }
0x2ee: {  	v4 =	vor.u32 v50, v1;
	_ =	sdelay $0x3  }
0x2ef: {  	[tilespmem:v3+s24+$0x0] =	vst.idx.msk $0xffff, v2  }
0x2f0: {  	v3 =	vor.u32 v51, v0;
	v2 =	vld.idx.msk [tilespmem:v4+s14+$0x0], $0xffff  }
0x2f1: {  	v4 =	vor.u32 v52, v1;
	_ =	sdelay $0x3  }
0x2f2: {  	[tilespmem:v3+s24+$0x0] =	vst.idx.msk $0xffff, v2  }
0x2f3: {  	v3 =	vor.u32 v53, v0;
	v2 =	vld.idx.msk [tilespmem:v4+s14+$0x0], $0xffff  }
0x2f4: {  	v4 =	vor.u32 v54, v1;
	_ =	sdelay $0x3  }
0x2f5: {  	[tilespmem:v3+s24+$0x0] =	vst.idx.msk $0xffff, v2  }
0x2f6: {  	v3 =	vor.u32 v55, v0;
	v2 =	vld.idx.msk [tilespmem:v4+s14+$0x0], $0xffff  }
0x2f7: {  	v4 =	vor.u32 v56, v1;
	_ =	sdelay $0x3  }
0x2f8: {  	[tilespmem:v3+s24+$0x0] =	vst.idx.msk $0xffff, v2  }
0x2f9: {  	v3 =	vor.u32 v57, v0;
	v2 =	vld.idx.msk [tilespmem:v4+s14+$0x0], $0xffff  }
0x2fa: {  	v4 =	vor.u32 v58, v1;
	_ =	sdelay $0x3  }
0x2fb: {  	[tilespmem:v3+s24+$0x0] =	vst.idx.msk $0xffff, v2  }
0x2fc: {  	v3 =	vor.u32 v59, v0;
	v2 =	vld.idx.msk [tilespmem:v4+s14+$0x0], $0xffff  }
0x2fd: {  	v4 =	vor.u32 v60, v1;
	_ =	sdelay $0x3  }
0x2fe: {  	[tilespmem:v3+s24+$0x0] =	vst.idx.msk $0xffff, v2  }
0x2ff: {  	v3 =	vor.u32 v61, v0;
	v2 =	vld.idx.msk [tilespmem:v4+s14+$0x0], $0xffff  }
0x300: {  	v4 =	vor.u32 v62, v1;
	_ =	sdelay $0x3  }
0x301: {  	[tilespmem:v3+s24+$0x0] =	vst.idx.msk $0xffff, v2;
	v2 =	vld [tilespmem:$0x1FC50]  }
0x302: {  	v3 =	vor.u32 v63, v0;
	v5 =	vld.idx.msk [tilespmem:v4+s14+$0x0], $0xffff;
	_ =	sdelay $0x3  }
0x303: {  	v4 =	vor.u32 v2, v1  }
0x304: {  	[tilespmem:v3+s24+$0x0] =	vst.idx.msk $0xffff, v5;
	v5 =	vld [tilespmem:$0x1FC60];
	_ =	sdelay $0x3  }
0x305: {  	v2 =	vld.idx.msk [tilespmem:v4+s14+$0x0], $0xffff  }
0x306: {  	v4 =	vld [tilespmem:$0x1FC20];
	v3 =	vor.u32 v5, v0;
	_ =	sdelay $0x4  }
0x307: {  	v1 =	vor.u32 v4, v1;
	[tilespmem:v3+s24+$0x0] =	vst.idx.msk $0xffff, v2;
	v2 =	vld [tilespmem:$0x1FC40];
	_ =	sdelay $0x4  }
0x308: {  	v1 =	vld.idx.msk [tilespmem:v1+s14+$0x0], $0xffff;
	v0 =	vor.u32 v2, v0;
	_ =	sdelay $0x2  }
0x309: {  	s4 =	sadd.s32 s7, s15  }
0x30a: {  	p0 =	seq.s32 s1, $0x27;
	s4 =	sshrl.u32 s4, $0x3  }
0x30b: {  	s5 =	smul.u32 @!p0 $0xA00, s1;
	s4 =	sadd.s32 s2, s4;
	[tilespmem:v0+s24+$0x0] =	vst.idx.msk $0xffff, v1  }
0x30c: {  	[hbm4b:s4+s20] =	stream.strided.scatter [tilespmem:s24], [sflag:$0x7], $0x2000, s21, s20, $0x38;
	[tilespmem:$0x1E400] =	vst v63  }
0x30d: {  	s4 =	sshra.s32 @!p0 s5, $0x2  }
0x30e: {  	s9 =	simm.s32 @!p0 $0x80;
	s12 =	simm.s32 @!p0 $0x6400;
	s5 =	sadd.s32 @!p0 $0x280, s4  }
0x30f: {  	[tilespmem:s12], [sflag:$0x1] =	stream.indirect.gather @!p0 [hbm4b:s0+s9], $0x80, s5, s9, $0xb8;
	[tilespmem:$0x1E400] =	vst v63  }
0x310: {  	_ =	swait.ge [sflag:s25], $0x4000  }
0x311: {  	v2 =	vld [tilespmem:$0x1FC30];
	_ =	sdelay $0x1  }
0x312: {  	v3 =	vlaneseq.u32  }
0x313: {  	v0 =	vadd.s32 s31, v3;
	[sflag:s25] =	ssyncset.done $0x0  }
0x314: {  	v1 =	vand.u32 $0xF, v0;
	[sflag:s25] =	ssyncadd.s32 $0xFFFFC000  }
0x315: {  	_ =	swait.ge [sflag:s26], $0x2000;
	v2 =	vor.u32 v2, v1  }
0x316: {  	v4 =	vld [tilespmem:$0x1FC10];
	_ =	sdelay $0x1  }
0x317: {  	v0 =	vshll.u32 v0, $0x7;
	[sflag:s26] =	ssyncset.done $0x0  }
0x318: {  	v0 =	vand.u32 $0x780, v0;
	[sflag:s26] =	ssyncadd.s32 $0xFFFFE000  }
0x319: {  	v3 =	vor.u32 v3, v0;
	v2 =	vld.idx.msk [tilespmem:v2+s16+$0x0], $0xffff  }
0x31a: {  	v4 =	vor.u32 v4, v1;
	_ =	sdelay $0x3  }
0x31b: {  	[tilespmem:v3+s19+$0x0] =	vst.idx.msk $0xffff, v2;
	v3 =	vld [tilespmem:$0x1FC70]  }
0x31c: {  	v2 =	vld.idx.msk [tilespmem:v4+s16+$0x0], $0xffff  }
0x31d: {  	v4 =	vld [tilespmem:$0x1FE40];
	_ =	sdelay $0x3  }
0x31e: {  	v3 =	vor.u32 v3, v0  }
0x31f: {  	v4 =	vor.u32 v4, v1;
	_ =	sdelay $0x3  }
0x320: {  	[tilespmem:v3+s19+$0x0] =	vst.idx.msk $0xffff, v2;
	v3 =	vld [tilespmem:$0x1FC80]  }
0x321: {  	v2 =	vld.idx.msk [tilespmem:v4+s16+$0x0], $0xffff  }
0x322: {  	v4 =	vld [tilespmem:$0x1FE50];
	_ =	sdelay $0x3  }
0x323: {  	v3 =	vor.u32 v3, v0  }
0x324: {  	v4 =	vor.u32 v4, v1;
	_ =	sdelay $0x3  }
0x325: {  	[tilespmem:v3+s19+$0x0] =	vst.idx.msk $0xffff, v2;
	v3 =	vld [tilespmem:$0x1FC90]  }
0x326: {  	v2 =	vld.idx.msk [tilespmem:v4+s16+$0x0], $0xffff  }
0x327: {  	v4 =	vld [tilespmem:$0x1FE60];
	_ =	sdelay $0x3  }
0x328: {  	v3 =	vor.u32 v3, v0  }
0x329: {  	v4 =	vor.u32 v4, v1;
	_ =	sdelay $0x3  }
0x32a: {  	[tilespmem:v3+s19+$0x0] =	vst.idx.msk $0xffff, v2;
	v3 =	vld [tilespmem:$0x1FCA0]  }
0x32b: {  	v2 =	vld.idx.msk [tilespmem:v4+s16+$0x0], $0xffff  }
0x32c: {  	v4 =	vld [tilespmem:$0x1FE70];
	_ =	sdelay $0x3  }
0x32d: {  	v3 =	vor.u32 v3, v0  }
0x32e: {  	v4 =	vor.u32 v4, v1;
	_ =	sdelay $0x3  }
0x32f: {  	[tilespmem:v3+s19+$0x0] =	vst.idx.msk $0xffff, v2;
	v3 =	vld [tilespmem:$0x1FCB0]  }
0x330: {  	v2 =	vld.idx.msk [tilespmem:v4+s16+$0x0], $0xffff  }
0x331: {  	v4 =	vld [tilespmem:$0x1FE80];
	_ =	sdelay $0x3  }
0x332: {  	v3 =	vor.u32 v3, v0  }
0x333: {  	v4 =	vor.u32 v4, v1;
	_ =	sdelay $0x3  }
0x334: {  	[tilespmem:v3+s19+$0x0] =	vst.idx.msk $0xffff, v2;
	v3 =	vld [tilespmem:$0x1FCC0]  }
0x335: {  	v2 =	vld.idx.msk [tilespmem:v4+s16+$0x0], $0xffff  }
0x336: {  	v4 =	vld [tilespmem:$0x1FE90];
	_ =	sdelay $0x3  }
0x337: {  	v3 =	vor.u32 v3, v0  }
0x338: {  	v4 =	vor.u32 v4, v1;
	_ =	sdelay $0x3  }
0x339: {  	[tilespmem:v3+s19+$0x0] =	vst.idx.msk $0xffff, v2;
	v3 =	vld [tilespmem:$0x1FCD0]  }
0x33a: {  	v2 =	vld.idx.msk [tilespmem:v4+s16+$0x0], $0xffff  }
0x33b: {  	v4 =	vld [tilespmem:$0x1FEA0];
	_ =	sdelay $0x3  }
0x33c: {  	v3 =	vor.u32 v3, v0  }
0x33d: {  	v4 =	vor.u32 v4, v1;
	_ =	sdelay $0x3  }
0x33e: {  	[tilespmem:v3+s19+$0x0] =	vst.idx.msk $0xffff, v2;
	v3 =	vld [tilespmem:$0x1FCE0]  }
0x33f: {  	v2 =	vld.idx.msk [tilespmem:v4+s16+$0x0], $0xffff  }
0x340: {  	v4 =	vld [tilespmem:$0x1FEB0];
	_ =	sdelay $0x3  }
0x341: {  	v3 =	vor.u32 v3, v0  }
0x342: {  	v4 =	vor.u32 v4, v1;
	_ =	sdelay $0x3  }
0x343: {  	[tilespmem:v3+s19+$0x0] =	vst.idx.msk $0xffff, v2;
	v3 =	vld [tilespmem:$0x1FCF0]  }
0x344: {  	v2 =	vld.idx.msk [tilespmem:v4+s16+$0x0], $0xffff  }
0x345: {  	v4 =	vld [tilespmem:$0x1FEC0];
	_ =	sdelay $0x3  }
0x346: {  	v3 =	vor.u32 v3, v0  }
0x347: {  	v4 =	vor.u32 v4, v1;
	_ =	sdelay $0x3  }
0x348: {  	[tilespmem:v3+s19+$0x0] =	vst.idx.msk $0xffff, v2;
	v3 =	vld [tilespmem:$0x1FD00]  }
0x349: {  	v2 =	vld.idx.msk [tilespmem:v4+s16+$0x0], $0xffff  }
0x34a: {  	v4 =	vld [tilespmem:$0x1FED0];
	_ =	sdelay $0x3  }
0x34b: {  	v3 =	vor.u32 v3, v0  }
0x34c: {  	v4 =	vor.u32 v4, v1;
	_ =	sdelay $0x3  }
0x34d: {  	[tilespmem:v3+s19+$0x0] =	vst.idx.msk $0xffff, v2;
	v3 =	vld [tilespmem:$0x1FD10]  }
0x34e: {  	v2 =	vld.idx.msk [tilespmem:v4+s16+$0x0], $0xffff  }
0x34f: {  	v4 =	vld [tilespmem:$0x1FEE0];
	_ =	sdelay $0x3  }
0x350: {  	v3 =	vor.u32 v3, v0  }
0x351: {  	v4 =	vor.u32 v4, v1;
	_ =	sdelay $0x3  }
0x352: {  	[tilespmem:v3+s19+$0x0] =	vst.idx.msk $0xffff, v2;
	v3 =	vld [tilespmem:$0x1FD20]  }
0x353: {  	v2 =	vld.idx.msk [tilespmem:v4+s16+$0x0], $0xffff  }
0x354: {  	v4 =	vld [tilespmem:$0x1FEF0];
	_ =	sdelay $0x3  }
0x355: {  	v3 =	vor.u32 v3, v0  }
0x356: {  	v4 =	vor.u32 v4, v1;
	_ =	sdelay $0x3  }
0x357: {  	[tilespmem:v3+s19+$0x0] =	vst.idx.msk $0xffff, v2;
	v3 =	vld [tilespmem:$0x1FD30]  }
0x358: {  	v2 =	vld.idx.msk [tilespmem:v4+s16+$0x0], $0xffff  }
0x359: {  	v4 =	vld [tilespmem:$0x1FF00];
	_ =	sdelay $0x3  }
0x35a: {  	v3 =	vor.u32 v3, v0  }
0x35b: {  	v4 =	vor.u32 v4, v1;
	_ =	sdelay $0x3  }
0x35c: {  	[tilespmem:v3+s19+$0x0] =	vst.idx.msk $0xffff, v2;
	v3 =	vld [tilespmem:$0x1FD40]  }
0x35d: {  	v2 =	vld.idx.msk [tilespmem:v4+s16+$0x0], $0xffff  }
0x35e: {  	v4 =	vld [tilespmem:$0x1FF10];
	_ =	sdelay $0x3  }
0x35f: {  	v3 =	vor.u32 v3, v0  }
0x360: {  	v4 =	vor.u32 v4, v1;
	_ =	sdelay $0x3  }
0x361: {  	[tilespmem:v3+s19+$0x0] =	vst.idx.msk $0xffff, v2;
	v3 =	vld [tilespmem:$0x1FD50]  }
0x362: {  	v2 =	vld.idx.msk [tilespmem:v4+s16+$0x0], $0xffff  }
0x363: {  	v4 =	vld [tilespmem:$0x1FF20];
	_ =	sdelay $0x3  }
0x364: {  	v3 =	vor.u32 v3, v0  }
0x365: {  	v4 =	vor.u32 v4, v1;
	_ =	sdelay $0x3  }
0x366: {  	[tilespmem:v3+s19+$0x0] =	vst.idx.msk $0xffff, v2;
	v3 =	vld [tilespmem:$0x1FD60]  }
0x367: {  	v2 =	vld.idx.msk [tilespmem:v4+s16+$0x0], $0xffff  }
0x368: {  	v4 =	vld [tilespmem:$0x1FF30];
	_ =	sdelay $0x3  }
0x369: {  	v3 =	vor.u32 v3, v0  }
0x36a: {  	v4 =	vor.u32 v4, v1;
	_ =	sdelay $0x3  }
0x36b: {  	[tilespmem:v3+s19+$0x0] =	vst.idx.msk $0xffff, v2;
	v3 =	vld [tilespmem:$0x1FD70]  }
0x36c: {  	v2 =	vld.idx.msk [tilespmem:v4+s16+$0x0], $0xffff  }
0x36d: {  	v4 =	vld [tilespmem:$0x1FF40];
	_ =	sdelay $0x3  }
0x36e: {  	v3 =	vor.u32 v3, v0  }
0x36f: {  	v4 =	vor.u32 v4, v1;
	_ =	sdelay $0x3  }
0x370: {  	[tilespmem:v3+s19+$0x0] =	vst.idx.msk $0xffff, v2;
	v3 =	vld [tilespmem:$0x1FD80]  }
0x371: {  	v2 =	vld.idx.msk [tilespmem:v4+s16+$0x0], $0xffff  }
0x372: {  	v4 =	vld [tilespmem:$0x1FF50];
	_ =	sdelay $0x3  }
0x373: {  	v3 =	vor.u32 v3, v0  }
0x374: {  	v4 =	vor.u32 v4, v1;
	_ =	sdelay $0x3  }
0x375: {  	[tilespmem:v3+s19+$0x0] =	vst.idx.msk $0xffff, v2;
	v3 =	vld [tilespmem:$0x1FD90]  }
0x376: {  	v2 =	vld.idx.msk [tilespmem:v4+s16+$0x0], $0xffff  }
0x377: {  	v4 =	vld [tilespmem:$0x1FF60];
	_ =	sdelay $0x3  }
0x378: {  	v3 =	vor.u32 v3, v0  }
0x379: {  	v4 =	vor.u32 v4, v1;
	_ =	sdelay $0x3  }
0x37a: {  	[tilespmem:v3+s19+$0x0] =	vst.idx.msk $0xffff, v2;
	v3 =	vld [tilespmem:$0x1FDA0]  }
0x37b: {  	v2 =	vld.idx.msk [tilespmem:v4+s16+$0x0], $0xffff  }
0x37c: {  	v4 =	vld [tilespmem:$0x1FF70];
	_ =	sdelay $0x3  }
0x37d: {  	v3 =	vor.u32 v3, v0  }
0x37e: {  	v4 =	vor.u32 v4, v1;
	_ =	sdelay $0x3  }
0x37f: {  	[tilespmem:v3+s19+$0x0] =	vst.idx.msk $0xffff, v2;
	v3 =	vld [tilespmem:$0x1FDB0]  }
0x380: {  	v2 =	vld.idx.msk [tilespmem:v4+s16+$0x0], $0xffff  }
0x381: {  	v4 =	vld [tilespmem:$0x1FF80];
	_ =	sdelay $0x3  }
0x382: {  	v3 =	vor.u32 v3, v0  }
0x383: {  	v4 =	vor.u32 v4, v1;
	_ =	sdelay $0x3  }
0x384: {  	[tilespmem:v3+s19+$0x0] =	vst.idx.msk $0xffff, v2;
	v3 =	vld [tilespmem:$0x1FDC0]  }
0x385: {  	v2 =	vld.idx.msk [tilespmem:v4+s16+$0x0], $0xffff  }
0x386: {  	v4 =	vld [tilespmem:$0x1FF90];
	_ =	sdelay $0x3  }
0x387: {  	v3 =	vor.u32 v3, v0  }
0x388: {  	v4 =	vor.u32 v4, v1;
	_ =	sdelay $0x3  }
0x389: {  	[tilespmem:v3+s19+$0x0] =	vst.idx.msk $0xffff, v2;
	v3 =	vld [tilespmem:$0x1FDD0]  }
0x38a: {  	v2 =	vld.idx.msk [tilespmem:v4+s16+$0x0], $0xffff  }
0x38b: {  	v4 =	vld [tilespmem:$0x1FFA0];
	_ =	sdelay $0x3  }
0x38c: {  	v3 =	vor.u32 v3, v0  }
0x38d: {  	v4 =	vor.u32 v4, v1;
	_ =	sdelay $0x3  }
0x38e: {  	[tilespmem:v3+s19+$0x0] =	vst.idx.msk $0xffff, v2;
	v3 =	vld [tilespmem:$0x1FDE0]  }
0x38f: {  	v2 =	vld.idx.msk [tilespmem:v4+s16+$0x0], $0xffff  }
0x390: {  	v4 =	vld [tilespmem:$0x1FFB0];
	_ =	sdelay $0x3  }
0x391: {  	v3 =	vor.u32 v3, v0  }
0x392: {  	v4 =	vor.u32 v4, v1;
	_ =	sdelay $0x3  }
0x393: {  	[tilespmem:v3+s19+$0x0] =	vst.idx.msk $0xffff, v2;
	v3 =	vld [tilespmem:$0x1FDF0]  }
0x394: {  	v2 =	vld.idx.msk [tilespmem:v4+s16+$0x0], $0xffff  }
0x395: {  	v4 =	vld [tilespmem:$0x1FFC0];
	_ =	sdelay $0x3  }
0x396: {  	v3 =	vor.u32 v3, v0  }
0x397: {  	v4 =	vor.u32 v4, v1;
	_ =	sdelay $0x3  }
0x398: {  	[tilespmem:v3+s19+$0x0] =	vst.idx.msk $0xffff, v2;
	v3 =	vld [tilespmem:$0x1FE00]  }
0x399: {  	v2 =	vld.idx.msk [tilespmem:v4+s16+$0x0], $0xffff  }
0x39a: {  	v4 =	vld [tilespmem:$0x1FFD0];
	_ =	sdelay $0x3  }
0x39b: {  	v3 =	vor.u32 v3, v0  }
0x39c: {  	v4 =	vor.u32 v4, v1;
	_ =	sdelay $0x3  }
0x39d: {  	[tilespmem:v3+s19+$0x0] =	vst.idx.msk $0xffff, v2;
	v3 =	vld [tilespmem:$0x1FE10]  }
0x39e: {  	v2 =	vld.idx.msk [tilespmem:v4+s16+$0x0], $0xffff  }
0x39f: {  	v4 =	vld [tilespmem:$0x1FFE0];
	_ =	sdelay $0x3  }
0x3a0: {  	v3 =	vor.u32 v3, v0  }
0x3a1: {  	v4 =	vor.u32 v4, v1;
	_ =	sdelay $0x3  }
0x3a2: {  	[tilespmem:v3+s19+$0x0] =	vst.idx.msk $0xffff, v2;
	v3 =	vld [tilespmem:$0x1FE20]  }
0x3a3: {  	v2 =	vld.idx.msk [tilespmem:v4+s16+$0x0], $0xffff  }
0x3a4: {  	v4 =	vld [tilespmem:$0x1FFF0];
	_ =	sdelay $0x3  }
0x3a5: {  	v3 =	vor.u32 v3, v0  }
0x3a6: {  	v4 =	vor.u32 v4, v1;
	_ =	sdelay $0x3  }
0x3a7: {  	[tilespmem:v3+s19+$0x0] =	vst.idx.msk $0xffff, v2;
	v3 =	vld [tilespmem:$0x1FE30]  }
0x3a8: {  	v2 =	vld.idx.msk [tilespmem:v4+s16+$0x0], $0xffff  }
0x3a9: {  	v4 =	vld [tilespmem:$0x1FC50];
	_ =	sdelay $0x3  }
0x3aa: {  	v3 =	vor.u32 v3, v0  }
0x3ab: {  	v4 =	vor.u32 v4, v1;
	_ =	sdelay $0x3  }
0x3ac: {  	[tilespmem:v3+s19+$0x0] =	vst.idx.msk $0xffff, v2  }
0x3ad: {  	v2 =	vld.idx.msk [tilespmem:v4+s16+$0x0], $0xffff  }
0x3ae: {  	v4 =	vld [tilespmem:$0x1FC20];
	_ =	sdelay $0x3  }
0x3af: {  	v3 =	vor.u32 v5, v0  }
0x3b0: {  	v1 =	vor.u32 v4, v1;
	_ =	sdelay $0x3  }
0x3b1: {  	s12 =	simm.s32 $0x1;
	[tilespmem:v3+s19+$0x0] =	vst.idx.msk $0xffff, v2;
	v2 =	vlaneseq.u32  }
0x3b2: {  	s5 =	simm.s32 $0x2;
	v2 =	vadd.s32 s12, v2;
	v3 =	vld.idx.msk [tilespmem:v1+s16+$0x0], $0xffff  }
.LBB2_7:
0x3b3: {  	v4 =	vld [tilespmem:$0x1FC40];
	_ =	sdelay $0x4  }
0x3b4: {  	v0 =	vor.u32 v4, v0;
	v4 =	vld [tilespmem:$0x1FC30];
	_ =	sdelay $0x3  }
0x3b5: {  	v1 =	vand.u32 $0xF, v2  }
0x3b6: {  	v4 =	vor.u32 v4, v1;
	_ =	sdelay $0x2  }
0x3b7: {  	v2 =	vshll.u32 v2, $0x7  }
0x3b8: {  	v5 =	vlaneseq.u32;
	[tilespmem:v0+s19+$0x0] =	vst.idx.msk $0xffff, v3;
	v0 =	vand.u32 $0x780, v2  }
0x3b9: {  	v2 =	vor.u32 v5, v0;
	v3 =	vld.idx.msk [tilespmem:v4+s16+$0x0], $0xffff  }
0x3ba: {  	v4 =	vor.u32 v6, v1;
	_ =	sdelay $0x3  }
0x3bb: {  	[tilespmem:v2+s19+$0x0] =	vst.idx.msk $0xffff, v3  }
0x3bc: {  	v3 =	vor.u32 v7, v0;
	v2 =	vld.idx.msk [tilespmem:v4+s16+$0x0], $0xffff  }
0x3bd: {  	v4 =	vor.u32 v8, v1;
	_ =	sdelay $0x3  }
0x3be: {  	[tilespmem:v3+s19+$0x0] =	vst.idx.msk $0xffff, v2  }
0x3bf: {  	v3 =	vor.u32 v9, v0;
	v2 =	vld.idx.msk [tilespmem:v4+s16+$0x0], $0xffff  }
0x3c0: {  	v4 =	vor.u32 v10, v1;
	_ =	sdelay $0x3  }
0x3c1: {  	[tilespmem:v3+s19+$0x0] =	vst.idx.msk $0xffff, v2  }
0x3c2: {  	v3 =	vor.u32 v11, v0;
	v2 =	vld.idx.msk [tilespmem:v4+s16+$0x0], $0xffff  }
0x3c3: {  	v4 =	vor.u32 v12, v1;
	_ =	sdelay $0x3  }
0x3c4: {  	[tilespmem:v3+s19+$0x0] =	vst.idx.msk $0xffff, v2  }
0x3c5: {  	v3 =	vor.u32 v13, v0;
	v2 =	vld.idx.msk [tilespmem:v4+s16+$0x0], $0xffff  }
0x3c6: {  	v4 =	vor.u32 v14, v1;
	_ =	sdelay $0x3  }
0x3c7: {  	[tilespmem:v3+s19+$0x0] =	vst.idx.msk $0xffff, v2  }
0x3c8: {  	v3 =	vor.u32 v15, v0;
	v2 =	vld.idx.msk [tilespmem:v4+s16+$0x0], $0xffff  }
0x3c9: {  	v4 =	vor.u32 v16, v1;
	_ =	sdelay $0x3  }
0x3ca: {  	[tilespmem:v3+s19+$0x0] =	vst.idx.msk $0xffff, v2  }
0x3cb: {  	v3 =	vor.u32 v17, v0;
	v2 =	vld.idx.msk [tilespmem:v4+s16+$0x0], $0xffff  }
0x3cc: {  	v4 =	vor.u32 v18, v1;
	_ =	sdelay $0x3  }
0x3cd: {  	[tilespmem:v3+s19+$0x0] =	vst.idx.msk $0xffff, v2  }
0x3ce: {  	v3 =	vor.u32 v19, v0;
	v2 =	vld.idx.msk [tilespmem:v4+s16+$0x0], $0xffff  }
0x3cf: {  	v4 =	vor.u32 v20, v1;
	_ =	sdelay $0x3  }
0x3d0: {  	[tilespmem:v3+s19+$0x0] =	vst.idx.msk $0xffff, v2  }
0x3d1: {  	v3 =	vor.u32 v21, v0;
	v2 =	vld.idx.msk [tilespmem:v4+s16+$0x0], $0xffff  }
0x3d2: {  	v4 =	vor.u32 v22, v1;
	_ =	sdelay $0x3  }
0x3d3: {  	[tilespmem:v3+s19+$0x0] =	vst.idx.msk $0xffff, v2  }
0x3d4: {  	v3 =	vor.u32 v23, v0;
	v2 =	vld.idx.msk [tilespmem:v4+s16+$0x0], $0xffff  }
0x3d5: {  	v4 =	vor.u32 v24, v1;
	_ =	sdelay $0x3  }
0x3d6: {  	[tilespmem:v3+s19+$0x0] =	vst.idx.msk $0xffff, v2  }
0x3d7: {  	v3 =	vor.u32 v25, v0;
	v2 =	vld.idx.msk [tilespmem:v4+s16+$0x0], $0xffff  }
0x3d8: {  	v4 =	vor.u32 v26, v1;
	_ =	sdelay $0x3  }
0x3d9: {  	[tilespmem:v3+s19+$0x0] =	vst.idx.msk $0xffff, v2  }
0x3da: {  	v3 =	vor.u32 v27, v0;
	v2 =	vld.idx.msk [tilespmem:v4+s16+$0x0], $0xffff  }
0x3db: {  	v4 =	vor.u32 v28, v1;
	_ =	sdelay $0x3  }
0x3dc: {  	[tilespmem:v3+s19+$0x0] =	vst.idx.msk $0xffff, v2  }
0x3dd: {  	v3 =	vor.u32 v29, v0;
	v2 =	vld.idx.msk [tilespmem:v4+s16+$0x0], $0xffff  }
0x3de: {  	v4 =	vor.u32 v30, v1;
	_ =	sdelay $0x3  }
0x3df: {  	[tilespmem:v3+s19+$0x0] =	vst.idx.msk $0xffff, v2  }
0x3e0: {  	v3 =	vor.u32 v31, v0;
	v2 =	vld.idx.msk [tilespmem:v4+s16+$0x0], $0xffff  }
0x3e1: {  	v4 =	vor.u32 v32, v1;
	_ =	sdelay $0x3  }
0x3e2: {  	[tilespmem:v3+s19+$0x0] =	vst.idx.msk $0xffff, v2  }
0x3e3: {  	v3 =	vor.u32 v33, v0;
	v2 =	vld.idx.msk [tilespmem:v4+s16+$0x0], $0xffff  }
0x3e4: {  	v4 =	vor.u32 v34, v1;
	_ =	sdelay $0x3  }
0x3e5: {  	[tilespmem:v3+s19+$0x0] =	vst.idx.msk $0xffff, v2  }
0x3e6: {  	v3 =	vor.u32 v35, v0;
	v2 =	vld.idx.msk [tilespmem:v4+s16+$0x0], $0xffff  }
0x3e7: {  	v4 =	vor.u32 v36, v1;
	_ =	sdelay $0x3  }
0x3e8: {  	[tilespmem:v3+s19+$0x0] =	vst.idx.msk $0xffff, v2  }
0x3e9: {  	v3 =	vor.u32 v37, v0;
	v2 =	vld.idx.msk [tilespmem:v4+s16+$0x0], $0xffff  }
0x3ea: {  	v4 =	vor.u32 v38, v1;
	_ =	sdelay $0x3  }
0x3eb: {  	[tilespmem:v3+s19+$0x0] =	vst.idx.msk $0xffff, v2  }
0x3ec: {  	v3 =	vor.u32 v39, v0;
	v2 =	vld.idx.msk [tilespmem:v4+s16+$0x0], $0xffff  }
0x3ed: {  	v4 =	vor.u32 v40, v1;
	_ =	sdelay $0x3  }
0x3ee: {  	[tilespmem:v3+s19+$0x0] =	vst.idx.msk $0xffff, v2  }
0x3ef: {  	v3 =	vor.u32 v41, v0;
	v2 =	vld.idx.msk [tilespmem:v4+s16+$0x0], $0xffff  }
0x3f0: {  	v4 =	vor.u32 v42, v1;
	_ =	sdelay $0x3  }
0x3f1: {  	[tilespmem:v3+s19+$0x0] =	vst.idx.msk $0xffff, v2  }
0x3f2: {  	v3 =	vor.u32 v43, v0;
	v2 =	vld.idx.msk [tilespmem:v4+s16+$0x0], $0xffff  }
0x3f3: {  	v4 =	vor.u32 v44, v1;
	_ =	sdelay $0x3  }
0x3f4: {  	[tilespmem:v3+s19+$0x0] =	vst.idx.msk $0xffff, v2  }
0x3f5: {  	v3 =	vor.u32 v45, v0;
	v2 =	vld.idx.msk [tilespmem:v4+s16+$0x0], $0xffff  }
0x3f6: {  	v4 =	vor.u32 v46, v1;
	_ =	sdelay $0x3  }
0x3f7: {  	[tilespmem:v3+s19+$0x0] =	vst.idx.msk $0xffff, v2  }
0x3f8: {  	v3 =	vor.u32 v47, v0;
	v2 =	vld.idx.msk [tilespmem:v4+s16+$0x0], $0xffff  }
0x3f9: {  	v4 =	vor.u32 v48, v1;
	_ =	sdelay $0x3  }
0x3fa: {  	[tilespmem:v3+s19+$0x0] =	vst.idx.msk $0xffff, v2  }
0x3fb: {  	v3 =	vor.u32 v49, v0;
	v2 =	vld.idx.msk [tilespmem:v4+s16+$0x0], $0xffff  }
0x3fc: {  	v4 =	vor.u32 v50, v1;
	_ =	sdelay $0x3  }
0x3fd: {  	[tilespmem:v3+s19+$0x0] =	vst.idx.msk $0xffff, v2  }
0x3fe: {  	v3 =	vor.u32 v51, v0;
	v2 =	vld.idx.msk [tilespmem:v4+s16+$0x0], $0xffff  }
0x3ff: {  	v4 =	vor.u32 v52, v1;
	_ =	sdelay $0x3  }
0x400: {  	[tilespmem:v3+s19+$0x0] =	vst.idx.msk $0xffff, v2  }
0x401: {  	v3 =	vor.u32 v53, v0;
	v2 =	vld.idx.msk [tilespmem:v4+s16+$0x0], $0xffff  }
0x402: {  	v4 =	vor.u32 v54, v1;
	_ =	sdelay $0x3  }
0x403: {  	[tilespmem:v3+s19+$0x0] =	vst.idx.msk $0xffff, v2  }
0x404: {  	v3 =	vor.u32 v55, v0;
	v2 =	vld.idx.msk [tilespmem:v4+s16+$0x0], $0xffff  }
0x405: {  	v4 =	vor.u32 v56, v1;
	_ =	sdelay $0x3  }
0x406: {  	[tilespmem:v3+s19+$0x0] =	vst.idx.msk $0xffff, v2  }
0x407: {  	v3 =	vor.u32 v57, v0;
	v2 =	vld.idx.msk [tilespmem:v4+s16+$0x0], $0xffff  }
0x408: {  	v4 =	vor.u32 v58, v1;
	_ =	sdelay $0x3  }
0x409: {  	[tilespmem:v3+s19+$0x0] =	vst.idx.msk $0xffff, v2  }
0x40a: {  	v3 =	vor.u32 v59, v0;
	v2 =	vld.idx.msk [tilespmem:v4+s16+$0x0], $0xffff  }
0x40b: {  	v4 =	vor.u32 v60, v1;
	_ =	sdelay $0x3  }
0x40c: {  	[tilespmem:v3+s19+$0x0] =	vst.idx.msk $0xffff, v2  }
0x40d: {  	v3 =	vor.u32 v61, v0;
	v2 =	vld.idx.msk [tilespmem:v4+s16+$0x0], $0xffff  }
0x40e: {  	v4 =	vor.u32 v62, v1;
	_ =	sdelay $0x3  }
0x40f: {  	[tilespmem:v3+s19+$0x0] =	vst.idx.msk $0xffff, v2  }
0x410: {  	v2 =	vld.idx.msk [tilespmem:v4+s16+$0x0], $0xffff  }
0x411: {  	v4 =	vld [tilespmem:$0x1FC50];
	_ =	sdelay $0x3  }
0x412: {  	v3 =	vor.u32 v63, v0  }
0x413: {  	v4 =	vor.u32 v4, v1;
	_ =	sdelay $0x3  }
0x414: {  	[tilespmem:v3+s19+$0x0] =	vst.idx.msk $0xffff, v2;
	v3 =	vld [tilespmem:$0x1FC60]  }
0x415: {  	v2 =	vld.idx.msk [tilespmem:v4+s16+$0x0], $0xffff  }
0x416: {  	v4 =	vld [tilespmem:$0x1FC20];
	_ =	sdelay $0x3  }
0x417: {  	v3 =	vor.u32 v3, v0  }
0x418: {  	p1 =	sne.s32 s5, $0xF;
	v1 =	vor.u32 v4, v1  }
.Ltmp2:
0x419: {  	_ = 	snop;
	(pc) =	sbr.rel @p1 .LBB2_7-.Ltmp2, $3  }
0x41a: {  	_ =	sdelay $0x1  }
0x41b: {  	[tilespmem:v3+s19+$0x0] =	vst.idx.msk $0xffff, v2  }
0x41c: {  	v2 =	vadd.s32 s5, v5;
	s5 =	sadd.s32 $0x1, s5;
	v3 =	vld.idx.msk [tilespmem:v1+s16+$0x0], $0xffff  }
0x41d: {  	v4 =	vld [tilespmem:$0x1FC40];
	_ =	sdelay $0x4  }
0x41e: {  	v0 =	vor.u32 v4, v0;
	v4 =	vld [tilespmem:$0x1FC30];
	_ =	sdelay $0x3  }
0x41f: {  	v1 =	vand.u32 $0xF, v2  }
0x420: {  	v4 =	vor.u32 v4, v1;
	_ =	sdelay $0x2  }
0x421: {  	v2 =	vshll.u32 v2, $0x7  }
0x422: {  	[tilespmem:v0+s19+$0x0] =	vst.idx.msk $0xffff, v3;
	v0 =	vand.u32 $0x780, v2;
	v3 =	vlaneseq.u32  }
0x423: {  	v3 =	vor.u32 v3, v0;
	v2 =	vld.idx.msk [tilespmem:v4+s16+$0x0], $0xffff  }
0x424: {  	v4 =	vor.u32 v6, v1;
	_ =	sdelay $0x3  }
0x425: {  	[tilespmem:v3+s19+$0x0] =	vst.idx.msk $0xffff, v2  }
0x426: {  	v3 =	vor.u32 v7, v0;
	v2 =	vld.idx.msk [tilespmem:v4+s16+$0x0], $0xffff  }
0x427: {  	v4 =	vor.u32 v8, v1;
	_ =	sdelay $0x3  }
0x428: {  	[tilespmem:v3+s19+$0x0] =	vst.idx.msk $0xffff, v2  }
0x429: {  	v3 =	vor.u32 v9, v0;
	v2 =	vld.idx.msk [tilespmem:v4+s16+$0x0], $0xffff  }
0x42a: {  	v4 =	vor.u32 v10, v1;
	_ =	sdelay $0x3  }
0x42b: {  	[tilespmem:v3+s19+$0x0] =	vst.idx.msk $0xffff, v2  }
0x42c: {  	v3 =	vor.u32 v11, v0;
	v2 =	vld.idx.msk [tilespmem:v4+s16+$0x0], $0xffff  }
0x42d: {  	v4 =	vor.u32 v12, v1;
	_ =	sdelay $0x3  }
0x42e: {  	[tilespmem:v3+s19+$0x0] =	vst.idx.msk $0xffff, v2  }
0x42f: {  	v3 =	vor.u32 v13, v0;
	v2 =	vld.idx.msk [tilespmem:v4+s16+$0x0], $0xffff  }
0x430: {  	v4 =	vor.u32 v14, v1;
	_ =	sdelay $0x3  }
0x431: {  	[tilespmem:v3+s19+$0x0] =	vst.idx.msk $0xffff, v2  }
0x432: {  	v3 =	vor.u32 v15, v0;
	v2 =	vld.idx.msk [tilespmem:v4+s16+$0x0], $0xffff  }
0x433: {  	v4 =	vor.u32 v16, v1;
	_ =	sdelay $0x3  }
0x434: {  	[tilespmem:v3+s19+$0x0] =	vst.idx.msk $0xffff, v2  }
0x435: {  	v3 =	vor.u32 v17, v0;
	v2 =	vld.idx.msk [tilespmem:v4+s16+$0x0], $0xffff  }
0x436: {  	v4 =	vor.u32 v18, v1;
	_ =	sdelay $0x3  }
0x437: {  	[tilespmem:v3+s19+$0x0] =	vst.idx.msk $0xffff, v2  }
0x438: {  	v3 =	vor.u32 v19, v0;
	v2 =	vld.idx.msk [tilespmem:v4+s16+$0x0], $0xffff  }
0x439: {  	v4 =	vor.u32 v20, v1;
	_ =	sdelay $0x3  }
0x43a: {  	[tilespmem:v3+s19+$0x0] =	vst.idx.msk $0xffff, v2  }
0x43b: {  	v3 =	vor.u32 v21, v0;
	v2 =	vld.idx.msk [tilespmem:v4+s16+$0x0], $0xffff  }
0x43c: {  	v4 =	vor.u32 v22, v1;
	_ =	sdelay $0x3  }
0x43d: {  	[tilespmem:v3+s19+$0x0] =	vst.idx.msk $0xffff, v2  }
0x43e: {  	v3 =	vor.u32 v23, v0;
	v2 =	vld.idx.msk [tilespmem:v4+s16+$0x0], $0xffff  }
0x43f: {  	v4 =	vor.u32 v24, v1;
	_ =	sdelay $0x3  }
0x440: {  	[tilespmem:v3+s19+$0x0] =	vst.idx.msk $0xffff, v2  }
0x441: {  	v3 =	vor.u32 v25, v0;
	v2 =	vld.idx.msk [tilespmem:v4+s16+$0x0], $0xffff  }
0x442: {  	v4 =	vor.u32 v26, v1;
	_ =	sdelay $0x3  }
0x443: {  	[tilespmem:v3+s19+$0x0] =	vst.idx.msk $0xffff, v2  }
0x444: {  	v3 =	vor.u32 v27, v0;
	v2 =	vld.idx.msk [tilespmem:v4+s16+$0x0], $0xffff  }
0x445: {  	v4 =	vor.u32 v28, v1;
	_ =	sdelay $0x3  }
0x446: {  	[tilespmem:v3+s19+$0x0] =	vst.idx.msk $0xffff, v2  }
0x447: {  	v3 =	vor.u32 v29, v0;
	v2 =	vld.idx.msk [tilespmem:v4+s16+$0x0], $0xffff  }
0x448: {  	v4 =	vor.u32 v30, v1;
	_ =	sdelay $0x3  }
0x449: {  	[tilespmem:v3+s19+$0x0] =	vst.idx.msk $0xffff, v2  }
0x44a: {  	v3 =	vor.u32 v31, v0;
	v2 =	vld.idx.msk [tilespmem:v4+s16+$0x0], $0xffff  }
0x44b: {  	v4 =	vor.u32 v32, v1;
	_ =	sdelay $0x3  }
0x44c: {  	[tilespmem:v3+s19+$0x0] =	vst.idx.msk $0xffff, v2  }
0x44d: {  	v3 =	vor.u32 v33, v0;
	v2 =	vld.idx.msk [tilespmem:v4+s16+$0x0], $0xffff  }
0x44e: {  	v4 =	vor.u32 v34, v1;
	_ =	sdelay $0x3  }
0x44f: {  	[tilespmem:v3+s19+$0x0] =	vst.idx.msk $0xffff, v2  }
0x450: {  	v3 =	vor.u32 v35, v0;
	v2 =	vld.idx.msk [tilespmem:v4+s16+$0x0], $0xffff  }
0x451: {  	v4 =	vor.u32 v36, v1;
	_ =	sdelay $0x3  }
0x452: {  	[tilespmem:v3+s19+$0x0] =	vst.idx.msk $0xffff, v2  }
0x453: {  	v3 =	vor.u32 v37, v0;
	v2 =	vld.idx.msk [tilespmem:v4+s16+$0x0], $0xffff  }
0x454: {  	v4 =	vor.u32 v38, v1;
	_ =	sdelay $0x3  }
0x455: {  	[tilespmem:v3+s19+$0x0] =	vst.idx.msk $0xffff, v2  }
0x456: {  	v3 =	vor.u32 v39, v0;
	v2 =	vld.idx.msk [tilespmem:v4+s16+$0x0], $0xffff  }
0x457: {  	v4 =	vor.u32 v40, v1;
	_ =	sdelay $0x3  }
0x458: {  	[tilespmem:v3+s19+$0x0] =	vst.idx.msk $0xffff, v2  }
0x459: {  	v3 =	vor.u32 v41, v0;
	v2 =	vld.idx.msk [tilespmem:v4+s16+$0x0], $0xffff  }
0x45a: {  	v4 =	vor.u32 v42, v1;
	_ =	sdelay $0x3  }
0x45b: {  	[tilespmem:v3+s19+$0x0] =	vst.idx.msk $0xffff, v2  }
0x45c: {  	v3 =	vor.u32 v43, v0;
	v2 =	vld.idx.msk [tilespmem:v4+s16+$0x0], $0xffff  }
0x45d: {  	v4 =	vor.u32 v44, v1;
	_ =	sdelay $0x3  }
0x45e: {  	[tilespmem:v3+s19+$0x0] =	vst.idx.msk $0xffff, v2  }
0x45f: {  	v3 =	vor.u32 v45, v0;
	v2 =	vld.idx.msk [tilespmem:v4+s16+$0x0], $0xffff  }
0x460: {  	v4 =	vor.u32 v46, v1;
	_ =	sdelay $0x3  }
0x461: {  	[tilespmem:v3+s19+$0x0] =	vst.idx.msk $0xffff, v2  }
0x462: {  	v3 =	vor.u32 v47, v0;
	v2 =	vld.idx.msk [tilespmem:v4+s16+$0x0], $0xffff  }
0x463: {  	v4 =	vor.u32 v48, v1;
	_ =	sdelay $0x3  }
0x464: {  	[tilespmem:v3+s19+$0x0] =	vst.idx.msk $0xffff, v2  }
0x465: {  	v3 =	vor.u32 v49, v0;
	v2 =	vld.idx.msk [tilespmem:v4+s16+$0x0], $0xffff  }
0x466: {  	v4 =	vor.u32 v50, v1;
	_ =	sdelay $0x3  }
0x467: {  	[tilespmem:v3+s19+$0x0] =	vst.idx.msk $0xffff, v2  }
0x468: {  	v3 =	vor.u32 v51, v0;
	v2 =	vld.idx.msk [tilespmem:v4+s16+$0x0], $0xffff  }
0x469: {  	v4 =	vor.u32 v52, v1;
	_ =	sdelay $0x3  }
0x46a: {  	[tilespmem:v3+s19+$0x0] =	vst.idx.msk $0xffff, v2  }
0x46b: {  	v3 =	vor.u32 v53, v0;
	v2 =	vld.idx.msk [tilespmem:v4+s16+$0x0], $0xffff  }
0x46c: {  	v4 =	vor.u32 v54, v1;
	_ =	sdelay $0x3  }
0x46d: {  	[tilespmem:v3+s19+$0x0] =	vst.idx.msk $0xffff, v2  }
0x46e: {  	v3 =	vor.u32 v55, v0;
	v2 =	vld.idx.msk [tilespmem:v4+s16+$0x0], $0xffff  }
0x46f: {  	v4 =	vor.u32 v56, v1;
	_ =	sdelay $0x3  }
0x470: {  	[tilespmem:v3+s19+$0x0] =	vst.idx.msk $0xffff, v2  }
0x471: {  	v3 =	vor.u32 v57, v0;
	v2 =	vld.idx.msk [tilespmem:v4+s16+$0x0], $0xffff  }
0x472: {  	v4 =	vor.u32 v58, v1;
	_ =	sdelay $0x3  }
0x473: {  	[tilespmem:v3+s19+$0x0] =	vst.idx.msk $0xffff, v2  }
0x474: {  	v3 =	vor.u32 v59, v0;
	v2 =	vld.idx.msk [tilespmem:v4+s16+$0x0], $0xffff  }
0x475: {  	v4 =	vor.u32 v60, v1;
	_ =	sdelay $0x3  }
0x476: {  	[tilespmem:v3+s19+$0x0] =	vst.idx.msk $0xffff, v2  }
0x477: {  	v3 =	vor.u32 v61, v0;
	v2 =	vld.idx.msk [tilespmem:v4+s16+$0x0], $0xffff  }
0x478: {  	v4 =	vor.u32 v62, v1;
	_ =	sdelay $0x3  }
0x479: {  	[tilespmem:v3+s19+$0x0] =	vst.idx.msk $0xffff, v2;
	v2 =	vld [tilespmem:$0x1FC50]  }
0x47a: {  	v3 =	vor.u32 v63, v0;
	v5 =	vld.idx.msk [tilespmem:v4+s16+$0x0], $0xffff;
	_ =	sdelay $0x3  }
0x47b: {  	v4 =	vor.u32 v2, v1  }
0x47c: {  	[tilespmem:v3+s19+$0x0] =	vst.idx.msk $0xffff, v5;
	v5 =	vld [tilespmem:$0x1FC60];
	_ =	sdelay $0x3  }
0x47d: {  	v2 =	vld.idx.msk [tilespmem:v4+s16+$0x0], $0xffff  }
0x47e: {  	v4 =	vld [tilespmem:$0x1FC20];
	v3 =	vor.u32 v5, v0;
	_ =	sdelay $0x4  }
0x47f: {  	v1 =	vor.u32 v4, v1;
	[tilespmem:v3+s19+$0x0] =	vst.idx.msk $0xffff, v2;
	v2 =	vld [tilespmem:$0x1FC40];
	_ =	sdelay $0x4  }
0x480: {  	v1 =	vld.idx.msk [tilespmem:v1+s16+$0x0], $0xffff;
	v0 =	vor.u32 v2, v0;
	_ =	sdelay $0x2  }
0x481: {  	s5 =	sadd.s32 s8, s15  }
0x482: {  	s5 =	sshrl.u32 s5, $0x3  }
0x483: {  	s5 =	sadd.s32 s2, s5;
	[tilespmem:v0+s19+$0x0] =	vst.idx.msk $0xffff, v1  }
0x484: {  	[hbm4b:s5+s20] =	stream.strided.scatter [tilespmem:s19], [sflag:$0x6], $0x2000, s21, s20, $0x38;
	[tilespmem:$0x1E400] =	vst v63  }
0x485: {  	s9 =	simm.s32 @!p0 $0x80;
	s12 =	simm.s32 @!p0 $0xA400;
	s5 =	sadd.s32 @!p0 $0x300, s4  }
0x486: {  	[tilespmem:s12], [sflag:$0x2] =	stream.indirect.gather @!p0 [hbm4b:s0+s9], $0x80, s5, s9, $0xb8;
	[tilespmem:$0x1E400] =	vst v63  }
0x487: {  	_ =	swait.ge [sflag:s28], $0x4000  }
0x488: {  	v2 =	vld [tilespmem:$0x1FC30];
	_ =	sdelay $0x1  }
0x489: {  	s15 =	simm.s32 $0x0;
	v3 =	vlaneseq.u32  }
0x48a: {  	v0 =	vadd.s32 s15, v3;
	[sflag:s28] =	ssyncset.done $0x0  }
0x48b: {  	v1 =	vand.u32 $0xF, v0;
	[sflag:s28] =	ssyncadd.s32 $0xFFFFC000  }
0x48c: {  	_ =	swait.ge [sflag:s29], $0x2000;
	v2 =	vor.u32 v2, v1  }
0x48d: {  	v4 =	vld [tilespmem:$0x1FC10];
	_ =	sdelay $0x1  }
0x48e: {  	v0 =	vshll.u32 v0, $0x7;
	[sflag:s29] =	ssyncset.done $0x0  }
0x48f: {  	v0 =	vand.u32 $0x780, v0;
	[sflag:s29] =	ssyncadd.s32 $0xFFFFE000  }
0x490: {  	v3 =	vor.u32 v3, v0;
	v2 =	vld.idx.msk [tilespmem:v2+s17+$0x0], $0xffff  }
0x491: {  	v4 =	vor.u32 v4, v1;
	_ =	sdelay $0x3  }
0x492: {  	[tilespmem:v3+s24+$0x0] =	vst.idx.msk $0xffff, v2;
	v3 =	vld [tilespmem:$0x1FC70]  }
0x493: {  	v2 =	vld.idx.msk [tilespmem:v4+s17+$0x0], $0xffff  }
0x494: {  	v4 =	vld [tilespmem:$0x1FE40];
	_ =	sdelay $0x3  }
0x495: {  	v3 =	vor.u32 v3, v0  }
0x496: {  	v4 =	vor.u32 v4, v1;
	_ =	sdelay $0x3  }
0x497: {  	[tilespmem:v3+s24+$0x0] =	vst.idx.msk $0xffff, v2;
	v3 =	vld [tilespmem:$0x1FC80]  }
0x498: {  	v2 =	vld.idx.msk [tilespmem:v4+s17+$0x0], $0xffff  }
0x499: {  	v4 =	vld [tilespmem:$0x1FE50];
	_ =	sdelay $0x3  }
0x49a: {  	v3 =	vor.u32 v3, v0  }
0x49b: {  	v4 =	vor.u32 v4, v1;
	_ =	sdelay $0x3  }
0x49c: {  	[tilespmem:v3+s24+$0x0] =	vst.idx.msk $0xffff, v2;
	v3 =	vld [tilespmem:$0x1FC90]  }
0x49d: {  	v2 =	vld.idx.msk [tilespmem:v4+s17+$0x0], $0xffff  }
0x49e: {  	v4 =	vld [tilespmem:$0x1FE60];
	_ =	sdelay $0x3  }
0x49f: {  	v3 =	vor.u32 v3, v0  }
0x4a0: {  	v4 =	vor.u32 v4, v1;
	_ =	sdelay $0x3  }
0x4a1: {  	[tilespmem:v3+s24+$0x0] =	vst.idx.msk $0xffff, v2;
	v3 =	vld [tilespmem:$0x1FCA0]  }
0x4a2: {  	v2 =	vld.idx.msk [tilespmem:v4+s17+$0x0], $0xffff  }
0x4a3: {  	v4 =	vld [tilespmem:$0x1FE70];
	_ =	sdelay $0x3  }
0x4a4: {  	v3 =	vor.u32 v3, v0  }
0x4a5: {  	v4 =	vor.u32 v4, v1;
	_ =	sdelay $0x3  }
0x4a6: {  	[tilespmem:v3+s24+$0x0] =	vst.idx.msk $0xffff, v2;
	v3 =	vld [tilespmem:$0x1FCB0]  }
0x4a7: {  	v2 =	vld.idx.msk [tilespmem:v4+s17+$0x0], $0xffff  }
0x4a8: {  	v4 =	vld [tilespmem:$0x1FE80];
	_ =	sdelay $0x3  }
0x4a9: {  	v3 =	vor.u32 v3, v0  }
0x4aa: {  	v4 =	vor.u32 v4, v1;
	_ =	sdelay $0x3  }
0x4ab: {  	[tilespmem:v3+s24+$0x0] =	vst.idx.msk $0xffff, v2;
	v3 =	vld [tilespmem:$0x1FCC0]  }
0x4ac: {  	v2 =	vld.idx.msk [tilespmem:v4+s17+$0x0], $0xffff  }
0x4ad: {  	v4 =	vld [tilespmem:$0x1FE90];
	_ =	sdelay $0x3  }
0x4ae: {  	v3 =	vor.u32 v3, v0  }
0x4af: {  	v4 =	vor.u32 v4, v1;
	_ =	sdelay $0x3  }
0x4b0: {  	[tilespmem:v3+s24+$0x0] =	vst.idx.msk $0xffff, v2;
	v3 =	vld [tilespmem:$0x1FCD0]  }
0x4b1: {  	v2 =	vld.idx.msk [tilespmem:v4+s17+$0x0], $0xffff  }
0x4b2: {  	v4 =	vld [tilespmem:$0x1FEA0];
	_ =	sdelay $0x3  }
0x4b3: {  	v3 =	vor.u32 v3, v0  }
0x4b4: {  	v4 =	vor.u32 v4, v1;
	_ =	sdelay $0x3  }
0x4b5: {  	[tilespmem:v3+s24+$0x0] =	vst.idx.msk $0xffff, v2;
	v3 =	vld [tilespmem:$0x1FCE0]  }
0x4b6: {  	v2 =	vld.idx.msk [tilespmem:v4+s17+$0x0], $0xffff  }
0x4b7: {  	v4 =	vld [tilespmem:$0x1FEB0];
	_ =	sdelay $0x3  }
0x4b8: {  	v3 =	vor.u32 v3, v0  }
0x4b9: {  	v4 =	vor.u32 v4, v1;
	_ =	sdelay $0x3  }
0x4ba: {  	[tilespmem:v3+s24+$0x0] =	vst.idx.msk $0xffff, v2;
	v3 =	vld [tilespmem:$0x1FCF0]  }
0x4bb: {  	v2 =	vld.idx.msk [tilespmem:v4+s17+$0x0], $0xffff  }
0x4bc: {  	v4 =	vld [tilespmem:$0x1FEC0];
	_ =	sdelay $0x3  }
0x4bd: {  	v3 =	vor.u32 v3, v0  }
0x4be: {  	v4 =	vor.u32 v4, v1;
	_ =	sdelay $0x3  }
0x4bf: {  	[tilespmem:v3+s24+$0x0] =	vst.idx.msk $0xffff, v2;
	v3 =	vld [tilespmem:$0x1FD00]  }
0x4c0: {  	v2 =	vld.idx.msk [tilespmem:v4+s17+$0x0], $0xffff  }
0x4c1: {  	v4 =	vld [tilespmem:$0x1FED0];
	_ =	sdelay $0x3  }
0x4c2: {  	v3 =	vor.u32 v3, v0  }
0x4c3: {  	v4 =	vor.u32 v4, v1;
	_ =	sdelay $0x3  }
0x4c4: {  	[tilespmem:v3+s24+$0x0] =	vst.idx.msk $0xffff, v2;
	v3 =	vld [tilespmem:$0x1FD10]  }
0x4c5: {  	v2 =	vld.idx.msk [tilespmem:v4+s17+$0x0], $0xffff  }
0x4c6: {  	v4 =	vld [tilespmem:$0x1FEE0];
	_ =	sdelay $0x3  }
0x4c7: {  	v3 =	vor.u32 v3, v0  }
0x4c8: {  	v4 =	vor.u32 v4, v1;
	_ =	sdelay $0x3  }
0x4c9: {  	[tilespmem:v3+s24+$0x0] =	vst.idx.msk $0xffff, v2;
	v3 =	vld [tilespmem:$0x1FD20]  }
0x4ca: {  	v2 =	vld.idx.msk [tilespmem:v4+s17+$0x0], $0xffff  }
0x4cb: {  	v4 =	vld [tilespmem:$0x1FEF0];
	_ =	sdelay $0x3  }
0x4cc: {  	v3 =	vor.u32 v3, v0  }
0x4cd: {  	v4 =	vor.u32 v4, v1;
	_ =	sdelay $0x3  }
0x4ce: {  	[tilespmem:v3+s24+$0x0] =	vst.idx.msk $0xffff, v2;
	v3 =	vld [tilespmem:$0x1FD30]  }
0x4cf: {  	v2 =	vld.idx.msk [tilespmem:v4+s17+$0x0], $0xffff  }
0x4d0: {  	v4 =	vld [tilespmem:$0x1FF00];
	_ =	sdelay $0x3  }
0x4d1: {  	v3 =	vor.u32 v3, v0  }
0x4d2: {  	v4 =	vor.u32 v4, v1;
	_ =	sdelay $0x3  }
0x4d3: {  	[tilespmem:v3+s24+$0x0] =	vst.idx.msk $0xffff, v2;
	v3 =	vld [tilespmem:$0x1FD40]  }
0x4d4: {  	v2 =	vld.idx.msk [tilespmem:v4+s17+$0x0], $0xffff  }
0x4d5: {  	v4 =	vld [tilespmem:$0x1FF10];
	_ =	sdelay $0x3  }
0x4d6: {  	v3 =	vor.u32 v3, v0  }
0x4d7: {  	v4 =	vor.u32 v4, v1;
	_ =	sdelay $0x3  }
0x4d8: {  	[tilespmem:v3+s24+$0x0] =	vst.idx.msk $0xffff, v2;
	v3 =	vld [tilespmem:$0x1FD50]  }
0x4d9: {  	v2 =	vld.idx.msk [tilespmem:v4+s17+$0x0], $0xffff  }
0x4da: {  	v4 =	vld [tilespmem:$0x1FF20];
	_ =	sdelay $0x3  }
0x4db: {  	v3 =	vor.u32 v3, v0  }
0x4dc: {  	v4 =	vor.u32 v4, v1;
	_ =	sdelay $0x3  }
0x4dd: {  	[tilespmem:v3+s24+$0x0] =	vst.idx.msk $0xffff, v2;
	v3 =	vld [tilespmem:$0x1FD60]  }
0x4de: {  	v2 =	vld.idx.msk [tilespmem:v4+s17+$0x0], $0xffff  }
0x4df: {  	v4 =	vld [tilespmem:$0x1FF30];
	_ =	sdelay $0x3  }
0x4e0: {  	v3 =	vor.u32 v3, v0  }
0x4e1: {  	v4 =	vor.u32 v4, v1;
	_ =	sdelay $0x3  }
0x4e2: {  	[tilespmem:v3+s24+$0x0] =	vst.idx.msk $0xffff, v2;
	v3 =	vld [tilespmem:$0x1FD70]  }
0x4e3: {  	v2 =	vld.idx.msk [tilespmem:v4+s17+$0x0], $0xffff  }
0x4e4: {  	v4 =	vld [tilespmem:$0x1FF40];
	_ =	sdelay $0x3  }
0x4e5: {  	v3 =	vor.u32 v3, v0  }
0x4e6: {  	v4 =	vor.u32 v4, v1;
	_ =	sdelay $0x3  }
0x4e7: {  	[tilespmem:v3+s24+$0x0] =	vst.idx.msk $0xffff, v2;
	v3 =	vld [tilespmem:$0x1FD80]  }
0x4e8: {  	v2 =	vld.idx.msk [tilespmem:v4+s17+$0x0], $0xffff  }
0x4e9: {  	v4 =	vld [tilespmem:$0x1FF50];
	_ =	sdelay $0x3  }
0x4ea: {  	v3 =	vor.u32 v3, v0  }
0x4eb: {  	v4 =	vor.u32 v4, v1;
	_ =	sdelay $0x3  }
0x4ec: {  	[tilespmem:v3+s24+$0x0] =	vst.idx.msk $0xffff, v2;
	v3 =	vld [tilespmem:$0x1FD90]  }
0x4ed: {  	v2 =	vld.idx.msk [tilespmem:v4+s17+$0x0], $0xffff  }
0x4ee: {  	v4 =	vld [tilespmem:$0x1FF60];
	_ =	sdelay $0x3  }
0x4ef: {  	v3 =	vor.u32 v3, v0  }
0x4f0: {  	v4 =	vor.u32 v4, v1;
	_ =	sdelay $0x3  }
0x4f1: {  	[tilespmem:v3+s24+$0x0] =	vst.idx.msk $0xffff, v2;
	v3 =	vld [tilespmem:$0x1FDA0]  }
0x4f2: {  	v2 =	vld.idx.msk [tilespmem:v4+s17+$0x0], $0xffff  }
0x4f3: {  	v4 =	vld [tilespmem:$0x1FF70];
	_ =	sdelay $0x3  }
0x4f4: {  	v3 =	vor.u32 v3, v0  }
0x4f5: {  	v4 =	vor.u32 v4, v1;
	_ =	sdelay $0x3  }
0x4f6: {  	[tilespmem:v3+s24+$0x0] =	vst.idx.msk $0xffff, v2;
	v3 =	vld [tilespmem:$0x1FDB0]  }
0x4f7: {  	v2 =	vld.idx.msk [tilespmem:v4+s17+$0x0], $0xffff  }
0x4f8: {  	v4 =	vld [tilespmem:$0x1FF80];
	_ =	sdelay $0x3  }
0x4f9: {  	v3 =	vor.u32 v3, v0  }
0x4fa: {  	v4 =	vor.u32 v4, v1;
	_ =	sdelay $0x3  }
0x4fb: {  	[tilespmem:v3+s24+$0x0] =	vst.idx.msk $0xffff, v2;
	v3 =	vld [tilespmem:$0x1FDC0]  }
0x4fc: {  	v2 =	vld.idx.msk [tilespmem:v4+s17+$0x0], $0xffff  }
0x4fd: {  	v4 =	vld [tilespmem:$0x1FF90];
	_ =	sdelay $0x3  }
0x4fe: {  	v3 =	vor.u32 v3, v0  }
0x4ff: {  	v4 =	vor.u32 v4, v1;
	_ =	sdelay $0x3  }
0x500: {  	[tilespmem:v3+s24+$0x0] =	vst.idx.msk $0xffff, v2;
	v3 =	vld [tilespmem:$0x1FDD0]  }
0x501: {  	v2 =	vld.idx.msk [tilespmem:v4+s17+$0x0], $0xffff  }
0x502: {  	v4 =	vld [tilespmem:$0x1FFA0];
	_ =	sdelay $0x3  }
0x503: {  	v3 =	vor.u32 v3, v0  }
0x504: {  	v4 =	vor.u32 v4, v1;
	_ =	sdelay $0x3  }
0x505: {  	[tilespmem:v3+s24+$0x0] =	vst.idx.msk $0xffff, v2;
	v3 =	vld [tilespmem:$0x1FDE0]  }
0x506: {  	v2 =	vld.idx.msk [tilespmem:v4+s17+$0x0], $0xffff  }
0x507: {  	v4 =	vld [tilespmem:$0x1FFB0];
	_ =	sdelay $0x3  }
0x508: {  	v3 =	vor.u32 v3, v0  }
0x509: {  	v4 =	vor.u32 v4, v1;
	_ =	sdelay $0x3  }
0x50a: {  	[tilespmem:v3+s24+$0x0] =	vst.idx.msk $0xffff, v2;
	v3 =	vld [tilespmem:$0x1FDF0]  }
0x50b: {  	v2 =	vld.idx.msk [tilespmem:v4+s17+$0x0], $0xffff  }
0x50c: {  	v4 =	vld [tilespmem:$0x1FFC0];
	_ =	sdelay $0x3  }
0x50d: {  	v3 =	vor.u32 v3, v0  }
0x50e: {  	v4 =	vor.u32 v4, v1;
	_ =	sdelay $0x3  }
0x50f: {  	[tilespmem:v3+s24+$0x0] =	vst.idx.msk $0xffff, v2;
	v3 =	vld [tilespmem:$0x1FE00]  }
0x510: {  	v2 =	vld.idx.msk [tilespmem:v4+s17+$0x0], $0xffff  }
0x511: {  	v4 =	vld [tilespmem:$0x1FFD0];
	_ =	sdelay $0x3  }
0x512: {  	v3 =	vor.u32 v3, v0  }
0x513: {  	v4 =	vor.u32 v4, v1;
	_ =	sdelay $0x3  }
0x514: {  	[tilespmem:v3+s24+$0x0] =	vst.idx.msk $0xffff, v2;
	v3 =	vld [tilespmem:$0x1FE10]  }
0x515: {  	v2 =	vld.idx.msk [tilespmem:v4+s17+$0x0], $0xffff  }
0x516: {  	v4 =	vld [tilespmem:$0x1FFE0];
	_ =	sdelay $0x3  }
0x517: {  	v3 =	vor.u32 v3, v0  }
0x518: {  	v4 =	vor.u32 v4, v1;
	_ =	sdelay $0x3  }
0x519: {  	[tilespmem:v3+s24+$0x0] =	vst.idx.msk $0xffff, v2;
	v3 =	vld [tilespmem:$0x1FE20]  }
0x51a: {  	v2 =	vld.idx.msk [tilespmem:v4+s17+$0x0], $0xffff  }
0x51b: {  	v4 =	vld [tilespmem:$0x1FFF0];
	_ =	sdelay $0x3  }
0x51c: {  	v3 =	vor.u32 v3, v0  }
0x51d: {  	v4 =	vor.u32 v4, v1;
	_ =	sdelay $0x3  }
0x51e: {  	[tilespmem:v3+s24+$0x0] =	vst.idx.msk $0xffff, v2;
	v3 =	vld [tilespmem:$0x1FE30]  }
0x51f: {  	v2 =	vld.idx.msk [tilespmem:v4+s17+$0x0], $0xffff  }
0x520: {  	v4 =	vld [tilespmem:$0x1FC50];
	_ =	sdelay $0x3  }
0x521: {  	v3 =	vor.u32 v3, v0  }
0x522: {  	v4 =	vor.u32 v4, v1;
	_ =	sdelay $0x3  }
0x523: {  	[tilespmem:v3+s24+$0x0] =	vst.idx.msk $0xffff, v2  }
0x524: {  	v2 =	vld.idx.msk [tilespmem:v4+s17+$0x0], $0xffff  }
0x525: {  	v4 =	vld [tilespmem:$0x1FC20];
	_ =	sdelay $0x3  }
0x526: {  	v3 =	vor.u32 v5, v0  }
0x527: {  	v1 =	vor.u32 v4, v1;
	_ =	sdelay $0x3  }
0x528: {  	s15 =	simm.s32 $0x1;
	[tilespmem:v3+s24+$0x0] =	vst.idx.msk $0xffff, v2;
	v2 =	vlaneseq.u32  }
0x529: {  	s5 =	simm.s32 $0x2;
	v2 =	vadd.s32 s15, v2;
	v3 =	vld.idx.msk [tilespmem:v1+s17+$0x0], $0xffff  }
.LBB2_9:
0x52a: {  	v4 =	vld [tilespmem:$0x1FC40];
	_ =	sdelay $0x4  }
0x52b: {  	v0 =	vor.u32 v4, v0;
	v4 =	vld [tilespmem:$0x1FC30];
	_ =	sdelay $0x3  }
0x52c: {  	v1 =	vand.u32 $0xF, v2  }
0x52d: {  	v4 =	vor.u32 v4, v1;
	_ =	sdelay $0x2  }
0x52e: {  	v2 =	vshll.u32 v2, $0x7  }
0x52f: {  	v5 =	vlaneseq.u32;
	[tilespmem:v0+s24+$0x0] =	vst.idx.msk $0xffff, v3;
	v0 =	vand.u32 $0x780, v2  }
0x530: {  	v2 =	vor.u32 v5, v0;
	v3 =	vld.idx.msk [tilespmem:v4+s17+$0x0], $0xffff  }
0x531: {  	v4 =	vor.u32 v6, v1;
	_ =	sdelay $0x3  }
0x532: {  	[tilespmem:v2+s24+$0x0] =	vst.idx.msk $0xffff, v3  }
0x533: {  	v3 =	vor.u32 v7, v0;
	v2 =	vld.idx.msk [tilespmem:v4+s17+$0x0], $0xffff  }
0x534: {  	v4 =	vor.u32 v8, v1;
	_ =	sdelay $0x3  }
0x535: {  	[tilespmem:v3+s24+$0x0] =	vst.idx.msk $0xffff, v2  }
0x536: {  	v3 =	vor.u32 v9, v0;
	v2 =	vld.idx.msk [tilespmem:v4+s17+$0x0], $0xffff  }
0x537: {  	v4 =	vor.u32 v10, v1;
	_ =	sdelay $0x3  }
0x538: {  	[tilespmem:v3+s24+$0x0] =	vst.idx.msk $0xffff, v2  }
0x539: {  	v3 =	vor.u32 v11, v0;
	v2 =	vld.idx.msk [tilespmem:v4+s17+$0x0], $0xffff  }
0x53a: {  	v4 =	vor.u32 v12, v1;
	_ =	sdelay $0x3  }
0x53b: {  	[tilespmem:v3+s24+$0x0] =	vst.idx.msk $0xffff, v2  }
0x53c: {  	v3 =	vor.u32 v13, v0;
	v2 =	vld.idx.msk [tilespmem:v4+s17+$0x0], $0xffff  }
0x53d: {  	v4 =	vor.u32 v14, v1;
	_ =	sdelay $0x3  }
0x53e: {  	[tilespmem:v3+s24+$0x0] =	vst.idx.msk $0xffff, v2  }
0x53f: {  	v3 =	vor.u32 v15, v0;
	v2 =	vld.idx.msk [tilespmem:v4+s17+$0x0], $0xffff  }
0x540: {  	v4 =	vor.u32 v16, v1;
	_ =	sdelay $0x3  }
0x541: {  	[tilespmem:v3+s24+$0x0] =	vst.idx.msk $0xffff, v2  }
0x542: {  	v3 =	vor.u32 v17, v0;
	v2 =	vld.idx.msk [tilespmem:v4+s17+$0x0], $0xffff  }
0x543: {  	v4 =	vor.u32 v18, v1;
	_ =	sdelay $0x3  }
0x544: {  	[tilespmem:v3+s24+$0x0] =	vst.idx.msk $0xffff, v2  }
0x545: {  	v3 =	vor.u32 v19, v0;
	v2 =	vld.idx.msk [tilespmem:v4+s17+$0x0], $0xffff  }
0x546: {  	v4 =	vor.u32 v20, v1;
	_ =	sdelay $0x3  }
0x547: {  	[tilespmem:v3+s24+$0x0] =	vst.idx.msk $0xffff, v2  }
0x548: {  	v3 =	vor.u32 v21, v0;
	v2 =	vld.idx.msk [tilespmem:v4+s17+$0x0], $0xffff  }
0x549: {  	v4 =	vor.u32 v22, v1;
	_ =	sdelay $0x3  }
0x54a: {  	[tilespmem:v3+s24+$0x0] =	vst.idx.msk $0xffff, v2  }
0x54b: {  	v3 =	vor.u32 v23, v0;
	v2 =	vld.idx.msk [tilespmem:v4+s17+$0x0], $0xffff  }
0x54c: {  	v4 =	vor.u32 v24, v1;
	_ =	sdelay $0x3  }
0x54d: {  	[tilespmem:v3+s24+$0x0] =	vst.idx.msk $0xffff, v2  }
0x54e: {  	v3 =	vor.u32 v25, v0;
	v2 =	vld.idx.msk [tilespmem:v4+s17+$0x0], $0xffff  }
0x54f: {  	v4 =	vor.u32 v26, v1;
	_ =	sdelay $0x3  }
0x550: {  	[tilespmem:v3+s24+$0x0] =	vst.idx.msk $0xffff, v2  }
0x551: {  	v3 =	vor.u32 v27, v0;
	v2 =	vld.idx.msk [tilespmem:v4+s17+$0x0], $0xffff  }
0x552: {  	v4 =	vor.u32 v28, v1;
	_ =	sdelay $0x3  }
0x553: {  	[tilespmem:v3+s24+$0x0] =	vst.idx.msk $0xffff, v2  }
0x554: {  	v3 =	vor.u32 v29, v0;
	v2 =	vld.idx.msk [tilespmem:v4+s17+$0x0], $0xffff  }
0x555: {  	v4 =	vor.u32 v30, v1;
	_ =	sdelay $0x3  }
0x556: {  	[tilespmem:v3+s24+$0x0] =	vst.idx.msk $0xffff, v2  }
0x557: {  	v3 =	vor.u32 v31, v0;
	v2 =	vld.idx.msk [tilespmem:v4+s17+$0x0], $0xffff  }
0x558: {  	v4 =	vor.u32 v32, v1;
	_ =	sdelay $0x3  }
0x559: {  	[tilespmem:v3+s24+$0x0] =	vst.idx.msk $0xffff, v2  }
0x55a: {  	v3 =	vor.u32 v33, v0;
	v2 =	vld.idx.msk [tilespmem:v4+s17+$0x0], $0xffff  }
0x55b: {  	v4 =	vor.u32 v34, v1;
	_ =	sdelay $0x3  }
0x55c: {  	[tilespmem:v3+s24+$0x0] =	vst.idx.msk $0xffff, v2  }
0x55d: {  	v3 =	vor.u32 v35, v0;
	v2 =	vld.idx.msk [tilespmem:v4+s17+$0x0], $0xffff  }
0x55e: {  	v4 =	vor.u32 v36, v1;
	_ =	sdelay $0x3  }
0x55f: {  	[tilespmem:v3+s24+$0x0] =	vst.idx.msk $0xffff, v2  }
0x560: {  	v3 =	vor.u32 v37, v0;
	v2 =	vld.idx.msk [tilespmem:v4+s17+$0x0], $0xffff  }
0x561: {  	v4 =	vor.u32 v38, v1;
	_ =	sdelay $0x3  }
0x562: {  	[tilespmem:v3+s24+$0x0] =	vst.idx.msk $0xffff, v2  }
0x563: {  	v3 =	vor.u32 v39, v0;
	v2 =	vld.idx.msk [tilespmem:v4+s17+$0x0], $0xffff  }
0x564: {  	v4 =	vor.u32 v40, v1;
	_ =	sdelay $0x3  }
0x565: {  	[tilespmem:v3+s24+$0x0] =	vst.idx.msk $0xffff, v2  }
0x566: {  	v3 =	vor.u32 v41, v0;
	v2 =	vld.idx.msk [tilespmem:v4+s17+$0x0], $0xffff  }
0x567: {  	v4 =	vor.u32 v42, v1;
	_ =	sdelay $0x3  }
0x568: {  	[tilespmem:v3+s24+$0x0] =	vst.idx.msk $0xffff, v2  }
0x569: {  	v3 =	vor.u32 v43, v0;
	v2 =	vld.idx.msk [tilespmem:v4+s17+$0x0], $0xffff  }
0x56a: {  	v4 =	vor.u32 v44, v1;
	_ =	sdelay $0x3  }
0x56b: {  	[tilespmem:v3+s24+$0x0] =	vst.idx.msk $0xffff, v2  }
0x56c: {  	v3 =	vor.u32 v45, v0;
	v2 =	vld.idx.msk [tilespmem:v4+s17+$0x0], $0xffff  }
0x56d: {  	v4 =	vor.u32 v46, v1;
	_ =	sdelay $0x3  }
0x56e: {  	[tilespmem:v3+s24+$0x0] =	vst.idx.msk $0xffff, v2  }
0x56f: {  	v3 =	vor.u32 v47, v0;
	v2 =	vld.idx.msk [tilespmem:v4+s17+$0x0], $0xffff  }
0x570: {  	v4 =	vor.u32 v48, v1;
	_ =	sdelay $0x3  }
0x571: {  	[tilespmem:v3+s24+$0x0] =	vst.idx.msk $0xffff, v2  }
0x572: {  	v3 =	vor.u32 v49, v0;
	v2 =	vld.idx.msk [tilespmem:v4+s17+$0x0], $0xffff  }
0x573: {  	v4 =	vor.u32 v50, v1;
	_ =	sdelay $0x3  }
0x574: {  	[tilespmem:v3+s24+$0x0] =	vst.idx.msk $0xffff, v2  }
0x575: {  	v3 =	vor.u32 v51, v0;
	v2 =	vld.idx.msk [tilespmem:v4+s17+$0x0], $0xffff  }
0x576: {  	v4 =	vor.u32 v52, v1;
	_ =	sdelay $0x3  }
0x577: {  	[tilespmem:v3+s24+$0x0] =	vst.idx.msk $0xffff, v2  }
0x578: {  	v3 =	vor.u32 v53, v0;
	v2 =	vld.idx.msk [tilespmem:v4+s17+$0x0], $0xffff  }
0x579: {  	v4 =	vor.u32 v54, v1;
	_ =	sdelay $0x3  }
0x57a: {  	[tilespmem:v3+s24+$0x0] =	vst.idx.msk $0xffff, v2  }
0x57b: {  	v3 =	vor.u32 v55, v0;
	v2 =	vld.idx.msk [tilespmem:v4+s17+$0x0], $0xffff  }
0x57c: {  	v4 =	vor.u32 v56, v1;
	_ =	sdelay $0x3  }
0x57d: {  	[tilespmem:v3+s24+$0x0] =	vst.idx.msk $0xffff, v2  }
0x57e: {  	v3 =	vor.u32 v57, v0;
	v2 =	vld.idx.msk [tilespmem:v4+s17+$0x0], $0xffff  }
0x57f: {  	v4 =	vor.u32 v58, v1;
	_ =	sdelay $0x3  }
0x580: {  	[tilespmem:v3+s24+$0x0] =	vst.idx.msk $0xffff, v2  }
0x581: {  	v3 =	vor.u32 v59, v0;
	v2 =	vld.idx.msk [tilespmem:v4+s17+$0x0], $0xffff  }
0x582: {  	v4 =	vor.u32 v60, v1;
	_ =	sdelay $0x3  }
0x583: {  	[tilespmem:v3+s24+$0x0] =	vst.idx.msk $0xffff, v2  }
0x584: {  	v3 =	vor.u32 v61, v0;
	v2 =	vld.idx.msk [tilespmem:v4+s17+$0x0], $0xffff  }
0x585: {  	v4 =	vor.u32 v62, v1;
	_ =	sdelay $0x3  }
0x586: {  	[tilespmem:v3+s24+$0x0] =	vst.idx.msk $0xffff, v2  }
0x587: {  	v2 =	vld.idx.msk [tilespmem:v4+s17+$0x0], $0xffff  }
0x588: {  	v4 =	vld [tilespmem:$0x1FC50];
	_ =	sdelay $0x3  }
0x589: {  	v3 =	vor.u32 v63, v0  }
0x58a: {  	v4 =	vor.u32 v4, v1;
	_ =	sdelay $0x3  }
0x58b: {  	[tilespmem:v3+s24+$0x0] =	vst.idx.msk $0xffff, v2;
	v3 =	vld [tilespmem:$0x1FC60]  }
0x58c: {  	v2 =	vld.idx.msk [tilespmem:v4+s17+$0x0], $0xffff  }
0x58d: {  	v4 =	vld [tilespmem:$0x1FC20];
	_ =	sdelay $0x3  }
0x58e: {  	v3 =	vor.u32 v3, v0  }
0x58f: {  	p1 =	sne.s32 s5, $0xF;
	v1 =	vor.u32 v4, v1  }
.Ltmp3:
0x590: {  	_ = 	snop;
	(pc) =	sbr.rel @p1 .LBB2_9-.Ltmp3, $3  }
0x591: {  	_ =	sdelay $0x1  }
0x592: {  	[tilespmem:v3+s24+$0x0] =	vst.idx.msk $0xffff, v2  }
0x593: {  	v2 =	vadd.s32 s5, v5;
	s5 =	sadd.s32 $0x1, s5;
	v3 =	vld.idx.msk [tilespmem:v1+s17+$0x0], $0xffff  }
0x594: {  	v4 =	vld [tilespmem:$0x1FC40];
	_ =	sdelay $0x4  }
0x595: {  	v0 =	vor.u32 v4, v0;
	v4 =	vld [tilespmem:$0x1FC30];
	_ =	sdelay $0x3  }
0x596: {  	v1 =	vand.u32 $0xF, v2  }
0x597: {  	v4 =	vor.u32 v4, v1;
	_ =	sdelay $0x2  }
0x598: {  	v2 =	vshll.u32 v2, $0x7  }
0x599: {  	[tilespmem:v0+s24+$0x0] =	vst.idx.msk $0xffff, v3;
	v0 =	vand.u32 $0x780, v2;
	v3 =	vlaneseq.u32  }
0x59a: {  	v3 =	vor.u32 v3, v0;
	v2 =	vld.idx.msk [tilespmem:v4+s17+$0x0], $0xffff  }
0x59b: {  	v4 =	vor.u32 v6, v1;
	_ =	sdelay $0x3  }
0x59c: {  	[tilespmem:v3+s24+$0x0] =	vst.idx.msk $0xffff, v2  }
0x59d: {  	v3 =	vor.u32 v7, v0;
	v2 =	vld.idx.msk [tilespmem:v4+s17+$0x0], $0xffff  }
0x59e: {  	v4 =	vor.u32 v8, v1;
	_ =	sdelay $0x3  }
0x59f: {  	[tilespmem:v3+s24+$0x0] =	vst.idx.msk $0xffff, v2  }
0x5a0: {  	v3 =	vor.u32 v9, v0;
	v2 =	vld.idx.msk [tilespmem:v4+s17+$0x0], $0xffff  }
0x5a1: {  	v4 =	vor.u32 v10, v1;
	_ =	sdelay $0x3  }
0x5a2: {  	[tilespmem:v3+s24+$0x0] =	vst.idx.msk $0xffff, v2  }
0x5a3: {  	v3 =	vor.u32 v11, v0;
	v2 =	vld.idx.msk [tilespmem:v4+s17+$0x0], $0xffff  }
0x5a4: {  	v4 =	vor.u32 v12, v1;
	_ =	sdelay $0x3  }
0x5a5: {  	[tilespmem:v3+s24+$0x0] =	vst.idx.msk $0xffff, v2  }
0x5a6: {  	v3 =	vor.u32 v13, v0;
	v2 =	vld.idx.msk [tilespmem:v4+s17+$0x0], $0xffff  }
0x5a7: {  	v4 =	vor.u32 v14, v1;
	_ =	sdelay $0x3  }
0x5a8: {  	[tilespmem:v3+s24+$0x0] =	vst.idx.msk $0xffff, v2  }
0x5a9: {  	v3 =	vor.u32 v15, v0;
	v2 =	vld.idx.msk [tilespmem:v4+s17+$0x0], $0xffff  }
0x5aa: {  	v4 =	vor.u32 v16, v1;
	_ =	sdelay $0x3  }
0x5ab: {  	[tilespmem:v3+s24+$0x0] =	vst.idx.msk $0xffff, v2  }
0x5ac: {  	v3 =	vor.u32 v17, v0;
	v2 =	vld.idx.msk [tilespmem:v4+s17+$0x0], $0xffff  }
0x5ad: {  	v4 =	vor.u32 v18, v1;
	_ =	sdelay $0x3  }
0x5ae: {  	[tilespmem:v3+s24+$0x0] =	vst.idx.msk $0xffff, v2  }
0x5af: {  	v3 =	vor.u32 v19, v0;
	v2 =	vld.idx.msk [tilespmem:v4+s17+$0x0], $0xffff  }
0x5b0: {  	v4 =	vor.u32 v20, v1;
	_ =	sdelay $0x3  }
0x5b1: {  	[tilespmem:v3+s24+$0x0] =	vst.idx.msk $0xffff, v2  }
0x5b2: {  	v3 =	vor.u32 v21, v0;
	v2 =	vld.idx.msk [tilespmem:v4+s17+$0x0], $0xffff  }
0x5b3: {  	v4 =	vor.u32 v22, v1;
	_ =	sdelay $0x3  }
0x5b4: {  	[tilespmem:v3+s24+$0x0] =	vst.idx.msk $0xffff, v2  }
0x5b5: {  	v3 =	vor.u32 v23, v0;
	v2 =	vld.idx.msk [tilespmem:v4+s17+$0x0], $0xffff  }
0x5b6: {  	v4 =	vor.u32 v24, v1;
	_ =	sdelay $0x3  }
0x5b7: {  	[tilespmem:v3+s24+$0x0] =	vst.idx.msk $0xffff, v2  }
0x5b8: {  	v3 =	vor.u32 v25, v0;
	v2 =	vld.idx.msk [tilespmem:v4+s17+$0x0], $0xffff  }
0x5b9: {  	v4 =	vor.u32 v26, v1;
	_ =	sdelay $0x3  }
0x5ba: {  	[tilespmem:v3+s24+$0x0] =	vst.idx.msk $0xffff, v2  }
0x5bb: {  	v3 =	vor.u32 v27, v0;
	v2 =	vld.idx.msk [tilespmem:v4+s17+$0x0], $0xffff  }
0x5bc: {  	v4 =	vor.u32 v28, v1;
	_ =	sdelay $0x3  }
0x5bd: {  	[tilespmem:v3+s24+$0x0] =	vst.idx.msk $0xffff, v2  }
0x5be: {  	v3 =	vor.u32 v29, v0;
	v2 =	vld.idx.msk [tilespmem:v4+s17+$0x0], $0xffff  }
0x5bf: {  	v4 =	vor.u32 v30, v1;
	_ =	sdelay $0x3  }
0x5c0: {  	[tilespmem:v3+s24+$0x0] =	vst.idx.msk $0xffff, v2  }
0x5c1: {  	v3 =	vor.u32 v31, v0;
	v2 =	vld.idx.msk [tilespmem:v4+s17+$0x0], $0xffff  }
0x5c2: {  	v4 =	vor.u32 v32, v1;
	_ =	sdelay $0x3  }
0x5c3: {  	[tilespmem:v3+s24+$0x0] =	vst.idx.msk $0xffff, v2  }
0x5c4: {  	v3 =	vor.u32 v33, v0;
	v2 =	vld.idx.msk [tilespmem:v4+s17+$0x0], $0xffff  }
0x5c5: {  	v4 =	vor.u32 v34, v1;
	_ =	sdelay $0x3  }
0x5c6: {  	[tilespmem:v3+s24+$0x0] =	vst.idx.msk $0xffff, v2  }
0x5c7: {  	v3 =	vor.u32 v35, v0;
	v2 =	vld.idx.msk [tilespmem:v4+s17+$0x0], $0xffff  }
0x5c8: {  	v4 =	vor.u32 v36, v1;
	_ =	sdelay $0x3  }
0x5c9: {  	[tilespmem:v3+s24+$0x0] =	vst.idx.msk $0xffff, v2  }
0x5ca: {  	v3 =	vor.u32 v37, v0;
	v2 =	vld.idx.msk [tilespmem:v4+s17+$0x0], $0xffff  }
0x5cb: {  	v4 =	vor.u32 v38, v1;
	_ =	sdelay $0x3  }
0x5cc: {  	[tilespmem:v3+s24+$0x0] =	vst.idx.msk $0xffff, v2  }
0x5cd: {  	v3 =	vor.u32 v39, v0;
	v2 =	vld.idx.msk [tilespmem:v4+s17+$0x0], $0xffff  }
0x5ce: {  	v4 =	vor.u32 v40, v1;
	_ =	sdelay $0x3  }
0x5cf: {  	[tilespmem:v3+s24+$0x0] =	vst.idx.msk $0xffff, v2  }
0x5d0: {  	v3 =	vor.u32 v41, v0;
	v2 =	vld.idx.msk [tilespmem:v4+s17+$0x0], $0xffff  }
0x5d1: {  	v4 =	vor.u32 v42, v1;
	_ =	sdelay $0x3  }
0x5d2: {  	[tilespmem:v3+s24+$0x0] =	vst.idx.msk $0xffff, v2  }
0x5d3: {  	v3 =	vor.u32 v43, v0;
	v2 =	vld.idx.msk [tilespmem:v4+s17+$0x0], $0xffff  }
0x5d4: {  	v4 =	vor.u32 v44, v1;
	_ =	sdelay $0x3  }
0x5d5: {  	[tilespmem:v3+s24+$0x0] =	vst.idx.msk $0xffff, v2  }
0x5d6: {  	v3 =	vor.u32 v45, v0;
	v2 =	vld.idx.msk [tilespmem:v4+s17+$0x0], $0xffff  }
0x5d7: {  	v4 =	vor.u32 v46, v1;
	_ =	sdelay $0x3  }
0x5d8: {  	[tilespmem:v3+s24+$0x0] =	vst.idx.msk $0xffff, v2  }
0x5d9: {  	v3 =	vor.u32 v47, v0;
	v2 =	vld.idx.msk [tilespmem:v4+s17+$0x0], $0xffff  }
0x5da: {  	v4 =	vor.u32 v48, v1;
	_ =	sdelay $0x3  }
0x5db: {  	[tilespmem:v3+s24+$0x0] =	vst.idx.msk $0xffff, v2  }
0x5dc: {  	v3 =	vor.u32 v49, v0;
	v2 =	vld.idx.msk [tilespmem:v4+s17+$0x0], $0xffff  }
0x5dd: {  	v4 =	vor.u32 v50, v1;
	_ =	sdelay $0x3  }
0x5de: {  	[tilespmem:v3+s24+$0x0] =	vst.idx.msk $0xffff, v2  }
0x5df: {  	v3 =	vor.u32 v51, v0;
	v2 =	vld.idx.msk [tilespmem:v4+s17+$0x0], $0xffff  }
0x5e0: {  	v4 =	vor.u32 v52, v1;
	_ =	sdelay $0x3  }
0x5e1: {  	[tilespmem:v3+s24+$0x0] =	vst.idx.msk $0xffff, v2  }
0x5e2: {  	v3 =	vor.u32 v53, v0;
	v2 =	vld.idx.msk [tilespmem:v4+s17+$0x0], $0xffff  }
0x5e3: {  	v4 =	vor.u32 v54, v1;
	_ =	sdelay $0x3  }
0x5e4: {  	[tilespmem:v3+s24+$0x0] =	vst.idx.msk $0xffff, v2  }
0x5e5: {  	v3 =	vor.u32 v55, v0;
	v2 =	vld.idx.msk [tilespmem:v4+s17+$0x0], $0xffff  }
0x5e6: {  	v4 =	vor.u32 v56, v1;
	_ =	sdelay $0x3  }
0x5e7: {  	[tilespmem:v3+s24+$0x0] =	vst.idx.msk $0xffff, v2  }
0x5e8: {  	v3 =	vor.u32 v57, v0;
	v2 =	vld.idx.msk [tilespmem:v4+s17+$0x0], $0xffff  }
0x5e9: {  	v4 =	vor.u32 v58, v1;
	_ =	sdelay $0x3  }
0x5ea: {  	[tilespmem:v3+s24+$0x0] =	vst.idx.msk $0xffff, v2  }
0x5eb: {  	v3 =	vor.u32 v59, v0;
	v2 =	vld.idx.msk [tilespmem:v4+s17+$0x0], $0xffff  }
0x5ec: {  	v4 =	vor.u32 v60, v1;
	_ =	sdelay $0x3  }
0x5ed: {  	[tilespmem:v3+s24+$0x0] =	vst.idx.msk $0xffff, v2  }
0x5ee: {  	v3 =	vor.u32 v61, v0;
	v2 =	vld.idx.msk [tilespmem:v4+s17+$0x0], $0xffff  }
0x5ef: {  	v4 =	vor.u32 v62, v1;
	_ =	sdelay $0x3  }
0x5f0: {  	[tilespmem:v3+s24+$0x0] =	vst.idx.msk $0xffff, v2;
	v2 =	vld [tilespmem:$0x1FC50]  }
0x5f1: {  	v3 =	vor.u32 v63, v0;
	v5 =	vld.idx.msk [tilespmem:v4+s17+$0x0], $0xffff;
	_ =	sdelay $0x3  }
0x5f2: {  	v4 =	vor.u32 v2, v1  }
0x5f3: {  	[tilespmem:v3+s24+$0x0] =	vst.idx.msk $0xffff, v5;
	v5 =	vld [tilespmem:$0x1FC60];
	_ =	sdelay $0x3  }
0x5f4: {  	v2 =	vld.idx.msk [tilespmem:v4+s17+$0x0], $0xffff  }
0x5f5: {  	v4 =	vld [tilespmem:$0x1FC20];
	v3 =	vor.u32 v5, v0;
	_ =	sdelay $0x4  }
0x5f6: {  	v1 =	vor.u32 v4, v1;
	[tilespmem:v3+s24+$0x0] =	vst.idx.msk $0xffff, v2;
	v2 =	vld [tilespmem:$0x1FC40];
	_ =	sdelay $0x4  }
0x5f7: {  	v1 =	vld.idx.msk [tilespmem:v1+s17+$0x0], $0xffff;
	v0 =	vor.u32 v2, v0;
	_ =	sdelay $0x1  }
0x5f8: {  	s3 =	sshll.u32 s3, $0x12  }
0x5f9: {  	s3 =	sor.u32 s6, s3  }
0x5fa: {  	s3 =	sshrl.u32 s3, $0x3  }
0x5fb: {  	s3 =	sadd.s32 s2, s3;
	[tilespmem:v0+s24+$0x0] =	vst.idx.msk $0xffff, v1  }
0x5fc: {  	[hbm4b:s3+s20] =	stream.strided.scatter [tilespmem:s24], [sflag:$0x7], $0x2000, s21, s20, $0x38;
	[tilespmem:$0x1E400] =	vst v63  }
0x5fd: {  	s5 =	simm.s32 @!p0 $0xE400;
	s3 =	sadd.s32 @!p0 $0x380, s4;
	s4 =	simm.s32 @!p0 $0x80  }
0x5fe: {  	[tilespmem:s5], [sflag:$0x3] =	stream.indirect.gather @!p0 [hbm4b:s0+s4], $0x80, s3, s4, $0xb8;
	[tilespmem:$0x1E400] =	vst v63  }
0x5ff: {  	_ =	swait.ge [sflag:s30], $0x4000  }
0x600: {  	v2 =	vld [tilespmem:$0x1FC30];
	_ =	sdelay $0x1  }
0x601: {  	s9 =	simm.s32 $0x0;
	v3 =	vlaneseq.u32  }
0x602: {  	v0 =	vadd.s32 s9, v3;
	[sflag:s30] =	ssyncset.done $0x0  }
0x603: {  	v1 =	vand.u32 $0xF, v0;
	[sflag:s30] =	ssyncadd.s32 $0xFFFFC000  }
0x604: {  	_ =	swait.ge [sflag:s26], $0x2000;
	v2 =	vor.u32 v2, v1  }
0x605: {  	v4 =	vld [tilespmem:$0x1FC10];
	_ =	sdelay $0x1  }
0x606: {  	v0 =	vshll.u32 v0, $0x7;
	[sflag:s26] =	ssyncset.done $0x0  }
0x607: {  	v0 =	vand.u32 $0x780, v0;
	[sflag:s26] =	ssyncadd.s32 $0xFFFFE000  }
0x608: {  	v3 =	vor.u32 v3, v0;
	v2 =	vld.idx.msk [tilespmem:v2+s22+$0x0], $0xffff  }
0x609: {  	v4 =	vor.u32 v4, v1;
	_ =	sdelay $0x3  }
0x60a: {  	[tilespmem:v3+s19+$0x0] =	vst.idx.msk $0xffff, v2;
	v3 =	vld [tilespmem:$0x1FC70]  }
0x60b: {  	v2 =	vld.idx.msk [tilespmem:v4+s22+$0x0], $0xffff  }
0x60c: {  	v4 =	vld [tilespmem:$0x1FE40];
	_ =	sdelay $0x3  }
0x60d: {  	v3 =	vor.u32 v3, v0  }
0x60e: {  	v4 =	vor.u32 v4, v1;
	_ =	sdelay $0x3  }
0x60f: {  	[tilespmem:v3+s19+$0x0] =	vst.idx.msk $0xffff, v2;
	v3 =	vld [tilespmem:$0x1FC80]  }
0x610: {  	v2 =	vld.idx.msk [tilespmem:v4+s22+$0x0], $0xffff  }
0x611: {  	v4 =	vld [tilespmem:$0x1FE50];
	_ =	sdelay $0x3  }
0x612: {  	v3 =	vor.u32 v3, v0  }
0x613: {  	v4 =	vor.u32 v4, v1;
	_ =	sdelay $0x3  }
0x614: {  	[tilespmem:v3+s19+$0x0] =	vst.idx.msk $0xffff, v2;
	v3 =	vld [tilespmem:$0x1FC90]  }
0x615: {  	v2 =	vld.idx.msk [tilespmem:v4+s22+$0x0], $0xffff  }
0x616: {  	v4 =	vld [tilespmem:$0x1FE60];
	_ =	sdelay $0x3  }
0x617: {  	v3 =	vor.u32 v3, v0  }
0x618: {  	v4 =	vor.u32 v4, v1;
	_ =	sdelay $0x3  }
0x619: {  	[tilespmem:v3+s19+$0x0] =	vst.idx.msk $0xffff, v2;
	v3 =	vld [tilespmem:$0x1FCA0]  }
0x61a: {  	v2 =	vld.idx.msk [tilespmem:v4+s22+$0x0], $0xffff  }
0x61b: {  	v4 =	vld [tilespmem:$0x1FE70];
	_ =	sdelay $0x3  }
0x61c: {  	v3 =	vor.u32 v3, v0  }
0x61d: {  	v4 =	vor.u32 v4, v1;
	_ =	sdelay $0x3  }
0x61e: {  	[tilespmem:v3+s19+$0x0] =	vst.idx.msk $0xffff, v2;
	v3 =	vld [tilespmem:$0x1FCB0]  }
0x61f: {  	v2 =	vld.idx.msk [tilespmem:v4+s22+$0x0], $0xffff  }
0x620: {  	v4 =	vld [tilespmem:$0x1FE80];
	_ =	sdelay $0x3  }
0x621: {  	v3 =	vor.u32 v3, v0  }
0x622: {  	v4 =	vor.u32 v4, v1;
	_ =	sdelay $0x3  }
0x623: {  	[tilespmem:v3+s19+$0x0] =	vst.idx.msk $0xffff, v2;
	v3 =	vld [tilespmem:$0x1FCC0]  }
0x624: {  	v2 =	vld.idx.msk [tilespmem:v4+s22+$0x0], $0xffff  }
0x625: {  	v4 =	vld [tilespmem:$0x1FE90];
	_ =	sdelay $0x3  }
0x626: {  	v3 =	vor.u32 v3, v0  }
0x627: {  	v4 =	vor.u32 v4, v1;
	_ =	sdelay $0x3  }
0x628: {  	[tilespmem:v3+s19+$0x0] =	vst.idx.msk $0xffff, v2;
	v3 =	vld [tilespmem:$0x1FCD0]  }
0x629: {  	v2 =	vld.idx.msk [tilespmem:v4+s22+$0x0], $0xffff  }
0x62a: {  	v4 =	vld [tilespmem:$0x1FEA0];
	_ =	sdelay $0x3  }
0x62b: {  	v3 =	vor.u32 v3, v0  }
0x62c: {  	v4 =	vor.u32 v4, v1;
	_ =	sdelay $0x3  }
0x62d: {  	[tilespmem:v3+s19+$0x0] =	vst.idx.msk $0xffff, v2;
	v3 =	vld [tilespmem:$0x1FCE0]  }
0x62e: {  	v2 =	vld.idx.msk [tilespmem:v4+s22+$0x0], $0xffff  }
0x62f: {  	v4 =	vld [tilespmem:$0x1FEB0];
	_ =	sdelay $0x3  }
0x630: {  	v3 =	vor.u32 v3, v0  }
0x631: {  	v4 =	vor.u32 v4, v1;
	_ =	sdelay $0x3  }
0x632: {  	[tilespmem:v3+s19+$0x0] =	vst.idx.msk $0xffff, v2;
	v3 =	vld [tilespmem:$0x1FCF0]  }
0x633: {  	v2 =	vld.idx.msk [tilespmem:v4+s22+$0x0], $0xffff  }
0x634: {  	v4 =	vld [tilespmem:$0x1FEC0];
	_ =	sdelay $0x3  }
0x635: {  	v3 =	vor.u32 v3, v0  }
0x636: {  	v4 =	vor.u32 v4, v1;
	_ =	sdelay $0x3  }
0x637: {  	[tilespmem:v3+s19+$0x0] =	vst.idx.msk $0xffff, v2;
	v3 =	vld [tilespmem:$0x1FD00]  }
0x638: {  	v2 =	vld.idx.msk [tilespmem:v4+s22+$0x0], $0xffff  }
0x639: {  	v4 =	vld [tilespmem:$0x1FED0];
	_ =	sdelay $0x3  }
0x63a: {  	v3 =	vor.u32 v3, v0  }
0x63b: {  	v4 =	vor.u32 v4, v1;
	_ =	sdelay $0x3  }
0x63c: {  	[tilespmem:v3+s19+$0x0] =	vst.idx.msk $0xffff, v2;
	v3 =	vld [tilespmem:$0x1FD10]  }
0x63d: {  	v2 =	vld.idx.msk [tilespmem:v4+s22+$0x0], $0xffff  }
0x63e: {  	v4 =	vld [tilespmem:$0x1FEE0];
	_ =	sdelay $0x3  }
0x63f: {  	v3 =	vor.u32 v3, v0  }
0x640: {  	v4 =	vor.u32 v4, v1;
	_ =	sdelay $0x3  }
0x641: {  	[tilespmem:v3+s19+$0x0] =	vst.idx.msk $0xffff, v2;
	v3 =	vld [tilespmem:$0x1FD20]  }
0x642: {  	v2 =	vld.idx.msk [tilespmem:v4+s22+$0x0], $0xffff  }
0x643: {  	v4 =	vld [tilespmem:$0x1FEF0];
	_ =	sdelay $0x3  }
0x644: {  	v3 =	vor.u32 v3, v0  }
0x645: {  	v4 =	vor.u32 v4, v1;
	_ =	sdelay $0x3  }
0x646: {  	[tilespmem:v3+s19+$0x0] =	vst.idx.msk $0xffff, v2;
	v3 =	vld [tilespmem:$0x1FD30]  }
0x647: {  	v2 =	vld.idx.msk [tilespmem:v4+s22+$0x0], $0xffff  }
0x648: {  	v4 =	vld [tilespmem:$0x1FF00];
	_ =	sdelay $0x3  }
0x649: {  	v3 =	vor.u32 v3, v0  }
0x64a: {  	v4 =	vor.u32 v4, v1;
	_ =	sdelay $0x3  }
0x64b: {  	[tilespmem:v3+s19+$0x0] =	vst.idx.msk $0xffff, v2;
	v3 =	vld [tilespmem:$0x1FD40]  }
0x64c: {  	v2 =	vld.idx.msk [tilespmem:v4+s22+$0x0], $0xffff  }
0x64d: {  	v4 =	vld [tilespmem:$0x1FF10];
	_ =	sdelay $0x3  }
0x64e: {  	v3 =	vor.u32 v3, v0  }
0x64f: {  	v4 =	vor.u32 v4, v1;
	_ =	sdelay $0x3  }
0x650: {  	[tilespmem:v3+s19+$0x0] =	vst.idx.msk $0xffff, v2;
	v3 =	vld [tilespmem:$0x1FD50]  }
0x651: {  	v2 =	vld.idx.msk [tilespmem:v4+s22+$0x0], $0xffff  }
0x652: {  	v4 =	vld [tilespmem:$0x1FF20];
	_ =	sdelay $0x3  }
0x653: {  	v3 =	vor.u32 v3, v0  }
0x654: {  	v4 =	vor.u32 v4, v1;
	_ =	sdelay $0x3  }
0x655: {  	[tilespmem:v3+s19+$0x0] =	vst.idx.msk $0xffff, v2;
	v3 =	vld [tilespmem:$0x1FD60]  }
0x656: {  	v2 =	vld.idx.msk [tilespmem:v4+s22+$0x0], $0xffff  }
0x657: {  	v4 =	vld [tilespmem:$0x1FF30];
	_ =	sdelay $0x3  }
0x658: {  	v3 =	vor.u32 v3, v0  }
0x659: {  	v4 =	vor.u32 v4, v1;
	_ =	sdelay $0x3  }
0x65a: {  	[tilespmem:v3+s19+$0x0] =	vst.idx.msk $0xffff, v2;
	v3 =	vld [tilespmem:$0x1FD70]  }
0x65b: {  	v2 =	vld.idx.msk [tilespmem:v4+s22+$0x0], $0xffff  }
0x65c: {  	v4 =	vld [tilespmem:$0x1FF40];
	_ =	sdelay $0x3  }
0x65d: {  	v3 =	vor.u32 v3, v0  }
0x65e: {  	v4 =	vor.u32 v4, v1;
	_ =	sdelay $0x3  }
0x65f: {  	[tilespmem:v3+s19+$0x0] =	vst.idx.msk $0xffff, v2;
	v3 =	vld [tilespmem:$0x1FD80]  }
0x660: {  	v2 =	vld.idx.msk [tilespmem:v4+s22+$0x0], $0xffff  }
0x661: {  	v4 =	vld [tilespmem:$0x1FF50];
	_ =	sdelay $0x3  }
0x662: {  	v3 =	vor.u32 v3, v0  }
0x663: {  	v4 =	vor.u32 v4, v1;
	_ =	sdelay $0x3  }
0x664: {  	[tilespmem:v3+s19+$0x0] =	vst.idx.msk $0xffff, v2;
	v3 =	vld [tilespmem:$0x1FD90]  }
0x665: {  	v2 =	vld.idx.msk [tilespmem:v4+s22+$0x0], $0xffff  }
0x666: {  	v4 =	vld [tilespmem:$0x1FF60];
	_ =	sdelay $0x3  }
0x667: {  	v3 =	vor.u32 v3, v0  }
0x668: {  	v4 =	vor.u32 v4, v1;
	_ =	sdelay $0x3  }
0x669: {  	[tilespmem:v3+s19+$0x0] =	vst.idx.msk $0xffff, v2;
	v3 =	vld [tilespmem:$0x1FDA0]  }
0x66a: {  	v2 =	vld.idx.msk [tilespmem:v4+s22+$0x0], $0xffff  }
0x66b: {  	v4 =	vld [tilespmem:$0x1FF70];
	_ =	sdelay $0x3  }
0x66c: {  	v3 =	vor.u32 v3, v0  }
0x66d: {  	v4 =	vor.u32 v4, v1;
	_ =	sdelay $0x3  }
0x66e: {  	[tilespmem:v3+s19+$0x0] =	vst.idx.msk $0xffff, v2;
	v3 =	vld [tilespmem:$0x1FDB0]  }
0x66f: {  	v2 =	vld.idx.msk [tilespmem:v4+s22+$0x0], $0xffff  }
0x670: {  	v4 =	vld [tilespmem:$0x1FF80];
	_ =	sdelay $0x3  }
0x671: {  	v3 =	vor.u32 v3, v0  }
0x672: {  	v4 =	vor.u32 v4, v1;
	_ =	sdelay $0x3  }
0x673: {  	[tilespmem:v3+s19+$0x0] =	vst.idx.msk $0xffff, v2;
	v3 =	vld [tilespmem:$0x1FDC0]  }
0x674: {  	v2 =	vld.idx.msk [tilespmem:v4+s22+$0x0], $0xffff  }
0x675: {  	v4 =	vld [tilespmem:$0x1FF90];
	_ =	sdelay $0x3  }
0x676: {  	v3 =	vor.u32 v3, v0  }
0x677: {  	v4 =	vor.u32 v4, v1;
	_ =	sdelay $0x3  }
0x678: {  	[tilespmem:v3+s19+$0x0] =	vst.idx.msk $0xffff, v2;
	v3 =	vld [tilespmem:$0x1FDD0]  }
0x679: {  	v2 =	vld.idx.msk [tilespmem:v4+s22+$0x0], $0xffff  }
0x67a: {  	v4 =	vld [tilespmem:$0x1FFA0];
	_ =	sdelay $0x3  }
0x67b: {  	v3 =	vor.u32 v3, v0  }
0x67c: {  	v4 =	vor.u32 v4, v1;
	_ =	sdelay $0x3  }
0x67d: {  	[tilespmem:v3+s19+$0x0] =	vst.idx.msk $0xffff, v2;
	v3 =	vld [tilespmem:$0x1FDE0]  }
0x67e: {  	v2 =	vld.idx.msk [tilespmem:v4+s22+$0x0], $0xffff  }
0x67f: {  	v4 =	vld [tilespmem:$0x1FFB0];
	_ =	sdelay $0x3  }
0x680: {  	v3 =	vor.u32 v3, v0  }
0x681: {  	v4 =	vor.u32 v4, v1;
	_ =	sdelay $0x3  }
0x682: {  	[tilespmem:v3+s19+$0x0] =	vst.idx.msk $0xffff, v2;
	v3 =	vld [tilespmem:$0x1FDF0]  }
0x683: {  	v2 =	vld.idx.msk [tilespmem:v4+s22+$0x0], $0xffff  }
0x684: {  	v4 =	vld [tilespmem:$0x1FFC0];
	_ =	sdelay $0x3  }
0x685: {  	v3 =	vor.u32 v3, v0  }
0x686: {  	v4 =	vor.u32 v4, v1;
	_ =	sdelay $0x3  }
0x687: {  	[tilespmem:v3+s19+$0x0] =	vst.idx.msk $0xffff, v2;
	v3 =	vld [tilespmem:$0x1FE00]  }
0x688: {  	v2 =	vld.idx.msk [tilespmem:v4+s22+$0x0], $0xffff  }
0x689: {  	v4 =	vld [tilespmem:$0x1FFD0];
	_ =	sdelay $0x3  }
0x68a: {  	v3 =	vor.u32 v3, v0  }
0x68b: {  	v4 =	vor.u32 v4, v1;
	_ =	sdelay $0x3  }
0x68c: {  	[tilespmem:v3+s19+$0x0] =	vst.idx.msk $0xffff, v2;
	v3 =	vld [tilespmem:$0x1FE10]  }
0x68d: {  	v2 =	vld.idx.msk [tilespmem:v4+s22+$0x0], $0xffff  }
0x68e: {  	v4 =	vld [tilespmem:$0x1FFE0];
	_ =	sdelay $0x3  }
0x68f: {  	v3 =	vor.u32 v3, v0  }
0x690: {  	v4 =	vor.u32 v4, v1;
	_ =	sdelay $0x3  }
0x691: {  	[tilespmem:v3+s19+$0x0] =	vst.idx.msk $0xffff, v2;
	v3 =	vld [tilespmem:$0x1FE20]  }
0x692: {  	v2 =	vld.idx.msk [tilespmem:v4+s22+$0x0], $0xffff  }
0x693: {  	v4 =	vld [tilespmem:$0x1FFF0];
	_ =	sdelay $0x3  }
0x694: {  	v3 =	vor.u32 v3, v0  }
0x695: {  	v4 =	vor.u32 v4, v1;
	_ =	sdelay $0x3  }
0x696: {  	[tilespmem:v3+s19+$0x0] =	vst.idx.msk $0xffff, v2;
	v3 =	vld [tilespmem:$0x1FE30]  }
0x697: {  	v2 =	vld.idx.msk [tilespmem:v4+s22+$0x0], $0xffff  }
0x698: {  	v4 =	vld [tilespmem:$0x1FC50];
	_ =	sdelay $0x3  }
0x699: {  	v3 =	vor.u32 v3, v0  }
0x69a: {  	v4 =	vor.u32 v4, v1;
	_ =	sdelay $0x3  }
0x69b: {  	[tilespmem:v3+s19+$0x0] =	vst.idx.msk $0xffff, v2  }
0x69c: {  	v2 =	vld.idx.msk [tilespmem:v4+s22+$0x0], $0xffff  }
0x69d: {  	v4 =	vld [tilespmem:$0x1FC20];
	_ =	sdelay $0x3  }
0x69e: {  	v3 =	vor.u32 v5, v0  }
0x69f: {  	v1 =	vor.u32 v4, v1;
	_ =	sdelay $0x3  }
0x6a0: {  	s15 =	simm.s32 $0x1;
	[tilespmem:v3+s19+$0x0] =	vst.idx.msk $0xffff, v2;
	v2 =	vlaneseq.u32  }
0x6a1: {  	s3 =	simm.s32 $0x2;
	v2 =	vadd.s32 s15, v2;
	v3 =	vld.idx.msk [tilespmem:v1+s22+$0x0], $0xffff  }
.LBB2_11:
0x6a2: {  	v4 =	vld [tilespmem:$0x1FC40];
	_ =	sdelay $0x4  }
0x6a3: {  	v0 =	vor.u32 v4, v0;
	v4 =	vld [tilespmem:$0x1FC30];
	_ =	sdelay $0x3  }
0x6a4: {  	v1 =	vand.u32 $0xF, v2  }
0x6a5: {  	v4 =	vor.u32 v4, v1;
	_ =	sdelay $0x2  }
0x6a6: {  	v2 =	vshll.u32 v2, $0x7  }
0x6a7: {  	v5 =	vlaneseq.u32;
	[tilespmem:v0+s19+$0x0] =	vst.idx.msk $0xffff, v3;
	v0 =	vand.u32 $0x780, v2  }
0x6a8: {  	v2 =	vor.u32 v5, v0;
	v3 =	vld.idx.msk [tilespmem:v4+s22+$0x0], $0xffff  }
0x6a9: {  	v4 =	vor.u32 v6, v1;
	_ =	sdelay $0x3  }
0x6aa: {  	[tilespmem:v2+s19+$0x0] =	vst.idx.msk $0xffff, v3  }
0x6ab: {  	v3 =	vor.u32 v7, v0;
	v2 =	vld.idx.msk [tilespmem:v4+s22+$0x0], $0xffff  }
0x6ac: {  	v4 =	vor.u32 v8, v1;
	_ =	sdelay $0x3  }
0x6ad: {  	[tilespmem:v3+s19+$0x0] =	vst.idx.msk $0xffff, v2  }
0x6ae: {  	v3 =	vor.u32 v9, v0;
	v2 =	vld.idx.msk [tilespmem:v4+s22+$0x0], $0xffff  }
0x6af: {  	v4 =	vor.u32 v10, v1;
	_ =	sdelay $0x3  }
0x6b0: {  	[tilespmem:v3+s19+$0x0] =	vst.idx.msk $0xffff, v2  }
0x6b1: {  	v3 =	vor.u32 v11, v0;
	v2 =	vld.idx.msk [tilespmem:v4+s22+$0x0], $0xffff  }
0x6b2: {  	v4 =	vor.u32 v12, v1;
	_ =	sdelay $0x3  }
0x6b3: {  	[tilespmem:v3+s19+$0x0] =	vst.idx.msk $0xffff, v2  }
0x6b4: {  	v3 =	vor.u32 v13, v0;
	v2 =	vld.idx.msk [tilespmem:v4+s22+$0x0], $0xffff  }
0x6b5: {  	v4 =	vor.u32 v14, v1;
	_ =	sdelay $0x3  }
0x6b6: {  	[tilespmem:v3+s19+$0x0] =	vst.idx.msk $0xffff, v2  }
0x6b7: {  	v3 =	vor.u32 v15, v0;
	v2 =	vld.idx.msk [tilespmem:v4+s22+$0x0], $0xffff  }
0x6b8: {  	v4 =	vor.u32 v16, v1;
	_ =	sdelay $0x3  }
0x6b9: {  	[tilespmem:v3+s19+$0x0] =	vst.idx.msk $0xffff, v2  }
0x6ba: {  	v3 =	vor.u32 v17, v0;
	v2 =	vld.idx.msk [tilespmem:v4+s22+$0x0], $0xffff  }
0x6bb: {  	v4 =	vor.u32 v18, v1;
	_ =	sdelay $0x3  }
0x6bc: {  	[tilespmem:v3+s19+$0x0] =	vst.idx.msk $0xffff, v2  }
0x6bd: {  	v3 =	vor.u32 v19, v0;
	v2 =	vld.idx.msk [tilespmem:v4+s22+$0x0], $0xffff  }
0x6be: {  	v4 =	vor.u32 v20, v1;
	_ =	sdelay $0x3  }
0x6bf: {  	[tilespmem:v3+s19+$0x0] =	vst.idx.msk $0xffff, v2  }
0x6c0: {  	v3 =	vor.u32 v21, v0;
	v2 =	vld.idx.msk [tilespmem:v4+s22+$0x0], $0xffff  }
0x6c1: {  	v4 =	vor.u32 v22, v1;
	_ =	sdelay $0x3  }
0x6c2: {  	[tilespmem:v3+s19+$0x0] =	vst.idx.msk $0xffff, v2  }
0x6c3: {  	v3 =	vor.u32 v23, v0;
	v2 =	vld.idx.msk [tilespmem:v4+s22+$0x0], $0xffff  }
0x6c4: {  	v4 =	vor.u32 v24, v1;
	_ =	sdelay $0x3  }
0x6c5: {  	[tilespmem:v3+s19+$0x0] =	vst.idx.msk $0xffff, v2  }
0x6c6: {  	v3 =	vor.u32 v25, v0;
	v2 =	vld.idx.msk [tilespmem:v4+s22+$0x0], $0xffff  }
0x6c7: {  	v4 =	vor.u32 v26, v1;
	_ =	sdelay $0x3  }
0x6c8: {  	[tilespmem:v3+s19+$0x0] =	vst.idx.msk $0xffff, v2  }
0x6c9: {  	v3 =	vor.u32 v27, v0;
	v2 =	vld.idx.msk [tilespmem:v4+s22+$0x0], $0xffff  }
0x6ca: {  	v4 =	vor.u32 v28, v1;
	_ =	sdelay $0x3  }
0x6cb: {  	[tilespmem:v3+s19+$0x0] =	vst.idx.msk $0xffff, v2  }
0x6cc: {  	v3 =	vor.u32 v29, v0;
	v2 =	vld.idx.msk [tilespmem:v4+s22+$0x0], $0xffff  }
0x6cd: {  	v4 =	vor.u32 v30, v1;
	_ =	sdelay $0x3  }
0x6ce: {  	[tilespmem:v3+s19+$0x0] =	vst.idx.msk $0xffff, v2  }
0x6cf: {  	v3 =	vor.u32 v31, v0;
	v2 =	vld.idx.msk [tilespmem:v4+s22+$0x0], $0xffff  }
0x6d0: {  	v4 =	vor.u32 v32, v1;
	_ =	sdelay $0x3  }
0x6d1: {  	[tilespmem:v3+s19+$0x0] =	vst.idx.msk $0xffff, v2  }
0x6d2: {  	v3 =	vor.u32 v33, v0;
	v2 =	vld.idx.msk [tilespmem:v4+s22+$0x0], $0xffff  }
0x6d3: {  	v4 =	vor.u32 v34, v1;
	_ =	sdelay $0x3  }
0x6d4: {  	[tilespmem:v3+s19+$0x0] =	vst.idx.msk $0xffff, v2  }
0x6d5: {  	v3 =	vor.u32 v35, v0;
	v2 =	vld.idx.msk [tilespmem:v4+s22+$0x0], $0xffff  }
0x6d6: {  	v4 =	vor.u32 v36, v1;
	_ =	sdelay $0x3  }
0x6d7: {  	[tilespmem:v3+s19+$0x0] =	vst.idx.msk $0xffff, v2  }
0x6d8: {  	v3 =	vor.u32 v37, v0;
	v2 =	vld.idx.msk [tilespmem:v4+s22+$0x0], $0xffff  }
0x6d9: {  	v4 =	vor.u32 v38, v1;
	_ =	sdelay $0x3  }
0x6da: {  	[tilespmem:v3+s19+$0x0] =	vst.idx.msk $0xffff, v2  }
0x6db: {  	v3 =	vor.u32 v39, v0;
	v2 =	vld.idx.msk [tilespmem:v4+s22+$0x0], $0xffff  }
0x6dc: {  	v4 =	vor.u32 v40, v1;
	_ =	sdelay $0x3  }
0x6dd: {  	[tilespmem:v3+s19+$0x0] =	vst.idx.msk $0xffff, v2  }
0x6de: {  	v3 =	vor.u32 v41, v0;
	v2 =	vld.idx.msk [tilespmem:v4+s22+$0x0], $0xffff  }
0x6df: {  	v4 =	vor.u32 v42, v1;
	_ =	sdelay $0x3  }
0x6e0: {  	[tilespmem:v3+s19+$0x0] =	vst.idx.msk $0xffff, v2  }
0x6e1: {  	v3 =	vor.u32 v43, v0;
	v2 =	vld.idx.msk [tilespmem:v4+s22+$0x0], $0xffff  }
0x6e2: {  	v4 =	vor.u32 v44, v1;
	_ =	sdelay $0x3  }
0x6e3: {  	[tilespmem:v3+s19+$0x0] =	vst.idx.msk $0xffff, v2  }
0x6e4: {  	v3 =	vor.u32 v45, v0;
	v2 =	vld.idx.msk [tilespmem:v4+s22+$0x0], $0xffff  }
0x6e5: {  	v4 =	vor.u32 v46, v1;
	_ =	sdelay $0x3  }
0x6e6: {  	[tilespmem:v3+s19+$0x0] =	vst.idx.msk $0xffff, v2  }
0x6e7: {  	v3 =	vor.u32 v47, v0;
	v2 =	vld.idx.msk [tilespmem:v4+s22+$0x0], $0xffff  }
0x6e8: {  	v4 =	vor.u32 v48, v1;
	_ =	sdelay $0x3  }
0x6e9: {  	[tilespmem:v3+s19+$0x0] =	vst.idx.msk $0xffff, v2  }
0x6ea: {  	v3 =	vor.u32 v49, v0;
	v2 =	vld.idx.msk [tilespmem:v4+s22+$0x0], $0xffff  }
0x6eb: {  	v4 =	vor.u32 v50, v1;
	_ =	sdelay $0x3  }
0x6ec: {  	[tilespmem:v3+s19+$0x0] =	vst.idx.msk $0xffff, v2  }
0x6ed: {  	v3 =	vor.u32 v51, v0;
	v2 =	vld.idx.msk [tilespmem:v4+s22+$0x0], $0xffff  }
0x6ee: {  	v4 =	vor.u32 v52, v1;
	_ =	sdelay $0x3  }
0x6ef: {  	[tilespmem:v3+s19+$0x0] =	vst.idx.msk $0xffff, v2  }
0x6f0: {  	v3 =	vor.u32 v53, v0;
	v2 =	vld.idx.msk [tilespmem:v4+s22+$0x0], $0xffff  }
0x6f1: {  	v4 =	vor.u32 v54, v1;
	_ =	sdelay $0x3  }
0x6f2: {  	[tilespmem:v3+s19+$0x0] =	vst.idx.msk $0xffff, v2  }
0x6f3: {  	v3 =	vor.u32 v55, v0;
	v2 =	vld.idx.msk [tilespmem:v4+s22+$0x0], $0xffff  }
0x6f4: {  	v4 =	vor.u32 v56, v1;
	_ =	sdelay $0x3  }
0x6f5: {  	[tilespmem:v3+s19+$0x0] =	vst.idx.msk $0xffff, v2  }
0x6f6: {  	v3 =	vor.u32 v57, v0;
	v2 =	vld.idx.msk [tilespmem:v4+s22+$0x0], $0xffff  }
0x6f7: {  	v4 =	vor.u32 v58, v1;
	_ =	sdelay $0x3  }
0x6f8: {  	[tilespmem:v3+s19+$0x0] =	vst.idx.msk $0xffff, v2  }
0x6f9: {  	v3 =	vor.u32 v59, v0;
	v2 =	vld.idx.msk [tilespmem:v4+s22+$0x0], $0xffff  }
0x6fa: {  	v4 =	vor.u32 v60, v1;
	_ =	sdelay $0x3  }
0x6fb: {  	[tilespmem:v3+s19+$0x0] =	vst.idx.msk $0xffff, v2  }
0x6fc: {  	v3 =	vor.u32 v61, v0;
	v2 =	vld.idx.msk [tilespmem:v4+s22+$0x0], $0xffff  }
0x6fd: {  	v4 =	vor.u32 v62, v1;
	_ =	sdelay $0x3  }
0x6fe: {  	[tilespmem:v3+s19+$0x0] =	vst.idx.msk $0xffff, v2  }
0x6ff: {  	v2 =	vld.idx.msk [tilespmem:v4+s22+$0x0], $0xffff  }
0x700: {  	v4 =	vld [tilespmem:$0x1FC50];
	_ =	sdelay $0x3  }
0x701: {  	v3 =	vor.u32 v63, v0  }
0x702: {  	v4 =	vor.u32 v4, v1;
	_ =	sdelay $0x3  }
0x703: {  	[tilespmem:v3+s19+$0x0] =	vst.idx.msk $0xffff, v2;
	v3 =	vld [tilespmem:$0x1FC60]  }
0x704: {  	v2 =	vld.idx.msk [tilespmem:v4+s22+$0x0], $0xffff  }
0x705: {  	v4 =	vld [tilespmem:$0x1FC20];
	_ =	sdelay $0x3  }
0x706: {  	v3 =	vor.u32 v3, v0  }
0x707: {  	p0 =	sne.s32 s3, $0xF;
	v1 =	vor.u32 v4, v1  }
.Ltmp4:
0x708: {  	_ = 	snop;
	(pc) =	sbr.rel @p0 .LBB2_11-.Ltmp4, $3  }
0x709: {  	_ =	sdelay $0x1  }
0x70a: {  	[tilespmem:v3+s19+$0x0] =	vst.idx.msk $0xffff, v2  }
0x70b: {  	v4 =	vlaneseq.u32;
	v2 =	vadd.s32 s3, v5;
	s3 =	sadd.s32 $0x1, s3;
	v3 =	vld.idx.msk [tilespmem:v1+s22+$0x0], $0xffff  }
0x70c: {  	v5 =	vld [tilespmem:$0x1FC40];
	_ =	sdelay $0x4  }
0x70d: {  	v0 =	vor.u32 v5, v0  }
0x70e: {  	[tilespmem:$0x1FBC0] =	vst v0;
	v0 =	vld [tilespmem:$0x1FC30];
	_ =	sdelay $0x3  }
0x70f: {  	v1 =	vand.u32 $0xF, v2  }
0x710: {  	v5 =	vor.u32 v0, v1;
	v0 =	vld [tilespmem:$0x1FBC0];
	_ =	sdelay $0x6  }
0x711: {  	v2 =	vshll.u32 v2, $0x7  }
0x712: {  	[tilespmem:v0+s19+$0x0] =	vst.idx.msk $0xffff, v3;
	v0 =	vand.u32 $0x780, v2  }
0x713: {  	v2 =	vld.idx.msk [tilespmem:v5+s22+$0x0], $0xffff;
	v3 =	vor.u32 v4, v0  }
0x714: {  	v4 =	vor.u32 v6, v1;
	_ =	sdelay $0x3  }
0x715: {  	[tilespmem:v3+s19+$0x0] =	vst.idx.msk $0xffff, v2  }
0x716: {  	v3 =	vor.u32 v7, v0;
	v2 =	vld.idx.msk [tilespmem:v4+s22+$0x0], $0xffff  }
0x717: {  	v4 =	vor.u32 v8, v1;
	_ =	sdelay $0x3  }
0x718: {  	[tilespmem:v3+s19+$0x0] =	vst.idx.msk $0xffff, v2  }
0x719: {  	v3 =	vor.u32 v9, v0;
	v2 =	vld.idx.msk [tilespmem:v4+s22+$0x0], $0xffff  }
0x71a: {  	v4 =	vor.u32 v10, v1;
	_ =	sdelay $0x3  }
0x71b: {  	[tilespmem:v3+s19+$0x0] =	vst.idx.msk $0xffff, v2  }
0x71c: {  	v3 =	vor.u32 v11, v0;
	v2 =	vld.idx.msk [tilespmem:v4+s22+$0x0], $0xffff  }
0x71d: {  	v4 =	vor.u32 v12, v1;
	_ =	sdelay $0x3  }
0x71e: {  	[tilespmem:v3+s19+$0x0] =	vst.idx.msk $0xffff, v2  }
0x71f: {  	v3 =	vor.u32 v13, v0;
	v2 =	vld.idx.msk [tilespmem:v4+s22+$0x0], $0xffff  }
0x720: {  	v4 =	vor.u32 v14, v1;
	_ =	sdelay $0x3  }
0x721: {  	[tilespmem:v3+s19+$0x0] =	vst.idx.msk $0xffff, v2  }
0x722: {  	v3 =	vor.u32 v15, v0;
	v2 =	vld.idx.msk [tilespmem:v4+s22+$0x0], $0xffff  }
0x723: {  	v4 =	vor.u32 v16, v1;
	_ =	sdelay $0x3  }
0x724: {  	[tilespmem:v3+s19+$0x0] =	vst.idx.msk $0xffff, v2  }
0x725: {  	v3 =	vor.u32 v17, v0;
	v2 =	vld.idx.msk [tilespmem:v4+s22+$0x0], $0xffff  }
0x726: {  	v4 =	vor.u32 v18, v1;
	_ =	sdelay $0x3  }
0x727: {  	[tilespmem:v3+s19+$0x0] =	vst.idx.msk $0xffff, v2  }
0x728: {  	v3 =	vor.u32 v19, v0;
	v2 =	vld.idx.msk [tilespmem:v4+s22+$0x0], $0xffff  }
0x729: {  	v4 =	vor.u32 v20, v1;
	_ =	sdelay $0x3  }
0x72a: {  	[tilespmem:v3+s19+$0x0] =	vst.idx.msk $0xffff, v2  }
0x72b: {  	v3 =	vor.u32 v21, v0;
	v2 =	vld.idx.msk [tilespmem:v4+s22+$0x0], $0xffff  }
0x72c: {  	v4 =	vor.u32 v22, v1;
	_ =	sdelay $0x3  }
0x72d: {  	[tilespmem:v3+s19+$0x0] =	vst.idx.msk $0xffff, v2  }
0x72e: {  	v3 =	vor.u32 v23, v0;
	v2 =	vld.idx.msk [tilespmem:v4+s22+$0x0], $0xffff  }
0x72f: {  	v4 =	vor.u32 v24, v1;
	_ =	sdelay $0x3  }
0x730: {  	[tilespmem:v3+s19+$0x0] =	vst.idx.msk $0xffff, v2  }
0x731: {  	v3 =	vor.u32 v25, v0;
	v2 =	vld.idx.msk [tilespmem:v4+s22+$0x0], $0xffff  }
0x732: {  	v4 =	vor.u32 v26, v1;
	_ =	sdelay $0x3  }
0x733: {  	[tilespmem:v3+s19+$0x0] =	vst.idx.msk $0xffff, v2  }
0x734: {  	v3 =	vor.u32 v27, v0;
	v2 =	vld.idx.msk [tilespmem:v4+s22+$0x0], $0xffff  }
0x735: {  	v4 =	vor.u32 v28, v1;
	_ =	sdelay $0x3  }
0x736: {  	[tilespmem:v3+s19+$0x0] =	vst.idx.msk $0xffff, v2  }
0x737: {  	v3 =	vor.u32 v29, v0;
	v2 =	vld.idx.msk [tilespmem:v4+s22+$0x0], $0xffff  }
0x738: {  	v4 =	vor.u32 v30, v1;
	_ =	sdelay $0x3  }
0x739: {  	[tilespmem:v3+s19+$0x0] =	vst.idx.msk $0xffff, v2  }
0x73a: {  	v3 =	vor.u32 v31, v0;
	v2 =	vld.idx.msk [tilespmem:v4+s22+$0x0], $0xffff  }
0x73b: {  	v4 =	vor.u32 v32, v1;
	_ =	sdelay $0x3  }
0x73c: {  	[tilespmem:v3+s19+$0x0] =	vst.idx.msk $0xffff, v2  }
0x73d: {  	v3 =	vor.u32 v33, v0;
	v2 =	vld.idx.msk [tilespmem:v4+s22+$0x0], $0xffff  }
0x73e: {  	v4 =	vor.u32 v34, v1;
	_ =	sdelay $0x3  }
0x73f: {  	[tilespmem:v3+s19+$0x0] =	vst.idx.msk $0xffff, v2  }
0x740: {  	v3 =	vor.u32 v35, v0;
	v2 =	vld.idx.msk [tilespmem:v4+s22+$0x0], $0xffff  }
0x741: {  	v4 =	vor.u32 v36, v1;
	_ =	sdelay $0x3  }
0x742: {  	[tilespmem:v3+s19+$0x0] =	vst.idx.msk $0xffff, v2  }
0x743: {  	v3 =	vor.u32 v37, v0;
	v2 =	vld.idx.msk [tilespmem:v4+s22+$0x0], $0xffff  }
0x744: {  	v4 =	vor.u32 v38, v1;
	_ =	sdelay $0x3  }
0x745: {  	[tilespmem:v3+s19+$0x0] =	vst.idx.msk $0xffff, v2  }
0x746: {  	v3 =	vor.u32 v39, v0;
	v2 =	vld.idx.msk [tilespmem:v4+s22+$0x0], $0xffff  }
0x747: {  	v4 =	vor.u32 v40, v1;
	_ =	sdelay $0x3  }
0x748: {  	[tilespmem:v3+s19+$0x0] =	vst.idx.msk $0xffff, v2  }
0x749: {  	v3 =	vor.u32 v41, v0;
	v2 =	vld.idx.msk [tilespmem:v4+s22+$0x0], $0xffff  }
0x74a: {  	v4 =	vor.u32 v42, v1;
	_ =	sdelay $0x3  }
0x74b: {  	[tilespmem:v3+s19+$0x0] =	vst.idx.msk $0xffff, v2  }
0x74c: {  	v3 =	vor.u32 v43, v0;
	v2 =	vld.idx.msk [tilespmem:v4+s22+$0x0], $0xffff  }
0x74d: {  	v4 =	vor.u32 v44, v1;
	_ =	sdelay $0x3  }
0x74e: {  	[tilespmem:v3+s19+$0x0] =	vst.idx.msk $0xffff, v2  }
0x74f: {  	v3 =	vor.u32 v45, v0;
	v2 =	vld.idx.msk [tilespmem:v4+s22+$0x0], $0xffff  }
0x750: {  	v4 =	vor.u32 v46, v1;
	_ =	sdelay $0x3  }
0x751: {  	[tilespmem:v3+s19+$0x0] =	vst.idx.msk $0xffff, v2  }
0x752: {  	v3 =	vor.u32 v47, v0;
	v2 =	vld.idx.msk [tilespmem:v4+s22+$0x0], $0xffff  }
0x753: {  	v4 =	vor.u32 v48, v1;
	_ =	sdelay $0x3  }
0x754: {  	[tilespmem:v3+s19+$0x0] =	vst.idx.msk $0xffff, v2  }
0x755: {  	v3 =	vor.u32 v49, v0;
	v2 =	vld.idx.msk [tilespmem:v4+s22+$0x0], $0xffff  }
0x756: {  	v4 =	vor.u32 v50, v1;
	_ =	sdelay $0x3  }
0x757: {  	[tilespmem:v3+s19+$0x0] =	vst.idx.msk $0xffff, v2  }
0x758: {  	v3 =	vor.u32 v51, v0;
	v2 =	vld.idx.msk [tilespmem:v4+s22+$0x0], $0xffff  }
0x759: {  	v4 =	vor.u32 v52, v1;
	_ =	sdelay $0x3  }
0x75a: {  	[tilespmem:v3+s19+$0x0] =	vst.idx.msk $0xffff, v2  }
0x75b: {  	v3 =	vor.u32 v53, v0;
	v2 =	vld.idx.msk [tilespmem:v4+s22+$0x0], $0xffff  }
0x75c: {  	v4 =	vor.u32 v54, v1;
	_ =	sdelay $0x3  }
0x75d: {  	[tilespmem:v3+s19+$0x0] =	vst.idx.msk $0xffff, v2  }
0x75e: {  	v3 =	vor.u32 v55, v0;
	v2 =	vld.idx.msk [tilespmem:v4+s22+$0x0], $0xffff  }
0x75f: {  	v4 =	vor.u32 v56, v1;
	_ =	sdelay $0x3  }
0x760: {  	[tilespmem:v3+s19+$0x0] =	vst.idx.msk $0xffff, v2  }
0x761: {  	v3 =	vor.u32 v57, v0;
	v2 =	vld.idx.msk [tilespmem:v4+s22+$0x0], $0xffff  }
0x762: {  	v4 =	vor.u32 v58, v1;
	_ =	sdelay $0x3  }
0x763: {  	[tilespmem:v3+s19+$0x0] =	vst.idx.msk $0xffff, v2  }
0x764: {  	v3 =	vor.u32 v59, v0;
	v2 =	vld.idx.msk [tilespmem:v4+s22+$0x0], $0xffff  }
0x765: {  	v4 =	vor.u32 v60, v1;
	_ =	sdelay $0x3  }
0x766: {  	[tilespmem:v3+s19+$0x0] =	vst.idx.msk $0xffff, v2  }
0x767: {  	v3 =	vor.u32 v61, v0;
	v2 =	vld.idx.msk [tilespmem:v4+s22+$0x0], $0xffff;
	_ =	sdelay $0x3  }
0x768: {  	v4 =	vor.u32 v62, v1  }
0x769: {  	v6 =	vmov v63;
	[tilespmem:v3+s19+$0x0] =	vst.idx.msk $0xffff, v2;
	v3 =	vor.u32 v63, v0;
	v63 =	vld [tilespmem:$0x1FC50];
	_ =	sdelay $0x3  }
0x76a: {  	v2 =	vld.idx.msk [tilespmem:v4+s22+$0x0], $0xffff  }
0x76b: {  	v4 =	vor.u32 v63, v1  }
0x76c: {  	v5 =	vld [tilespmem:$0x1FC60];
	_ =	sdelay $0x2  }
0x76d: {  	[tilespmem:v3+s19+$0x0] =	vst.idx.msk $0xffff, v2  }
0x76e: {  	v2 =	vld.idx.msk [tilespmem:v4+s22+$0x0], $0xffff  }
0x76f: {  	v3 =	vor.u32 v5, v0;
	v4 =	vld [tilespmem:$0x1FC20];
	_ =	sdelay $0x4  }
0x770: {  	v1 =	vor.u32 v4, v1;
	[tilespmem:v3+s19+$0x0] =	vst.idx.msk $0xffff, v2;
	v3 =	vld [tilespmem:$0x1FC40];
	_ =	sdelay $0x4  }
0x771: {  	s1 =	sadd.s32 $0x1, s1;
	v1 =	vld.idx.msk [tilespmem:v1+s22+$0x0], $0xffff;
	v0 =	vor.u32 v3, v0  }
0x772: {  	p0 =	sne.s32 s1, $0x28  }
.Ltmp5:
0x773: {  	s3 =	sshll.u32 s11, $0x12;
	(pc) =	sbr.rel @p0 .LBB2_2-.Ltmp5, $4  }
0x774: {  	s3 =	sor.u32 s6, s3  }
0x775: {  	s3 =	sshrl.u32 s3, $0x3  }
0x776: {  	s3 =	sadd.s32 s2, s3;
	[tilespmem:v0+s19+$0x0] =	vst.idx.msk $0xffff, v1  }
0x777: {  	v2 =	vld [tilespmem:$0x1FC30];
	v4 =	vmov v63;
	v63 =	vmov v6;
	[hbm4b:s3+s20] =	stream.strided.scatter [tilespmem:s19], [sflag:$0x6], $0x2000, s21, s20, $0x38  }
0x778: {  	_ =	swait.ge [sflag:s26], $0x2000  }
0x779: {  	[sflag:s26] =	ssyncset.done $0x0  }
0x77a: {  	[sflag:s26] =	ssyncadd.s32 $0xFFFFE000  }
0x77b: {  	_ =	swait.ge [sflag:s29], $0x2000  }
0x77c: {  	s3 =	rddreg [dreg:$0x6]  }
0x77d: {  	s1 =	rddreg [dreg:$0x5];
	s3 =	sadd.s32 $0x1, s3  }
0x77e: {  	p0 =	sne.s32 s3, s1  }
.Ltmp6:
0x77f: {  	_ = 	snop;
	(pc) =	sbr.rel @p0 .LBB2_1-.Ltmp6, $3  }
0x780: {  	_ =	sdelay $0x1  }
0x781: {  	[sflag:s29] =	ssyncset.done $0x0  }
0x782: {  	[sflag:s29] =	ssyncadd.s32 $0xFFFFE000  }
0x783: {  	_ =	sfence.sel $0x180000  }
0x784: {  	[bflag:$0x0] =	sbarrier.arrive $0xFFFF  }
0x785: {  	_ =	strace $0x90000047  }
0x786: {  	s0 =	stileid.u32;
	[bflag:$0x2] =	sbarrier.arrive $0xFFFF  }
0x787: {  	p0 =	sne.s32 s0, $0x0;
	s0 =	rddreg [dreg:$0x3]  }
0x788: {  	s0 =	sadd.s32 @!p0 $0x100000, s0  }
0x789: {  	[sflag:s0] =	ssyncadd.tile.s32 @!p0 $0x1;
	_ =	shalt  }
.Lfunc_end2:
_tile_overlayer_lowered:
.L_overlay_start_2:
0x78a: {  	(tag) =	ssettag $0x2  }
0x78b: {  	s0 =	rddreg [dreg:$0x0];
	s2 =	stileid.u32  }
0x78c: {  	s1 =	rddreg [dreg:$0x1];
	p0 =	sne.s32 s2, $0x0  }
0x78d: {  	s3 =	rddreg [dreg:$0x2];
	[bflag:$0x3] =	sbarrier.arrive $0xFFFF;
	s2 =	simm.s32 @!p0 $0x1C08  }
0x78e: {  	[timem:s3], [sflag:s2] =	dma.local @!p0 [hbm:s0], s1  }
0x78f: {  	s0 =	simm.s32 @!p0 $0x8  }
0x790: {  	_ =	swait.ge @!p0 [sflag:s0], s1  }
0x791: {  	s1 =	ssub.s32 @!p0 $0x0, s1;
	[sflag:s0] =	ssyncset.done @!p0 $0x0  }
0x792: {  	[sflag:s0] =	ssyncadd.s32 @!p0 s1  }
0x793: {  	[bflag:$0x3] =	sbarrier.arrive $0xFFFF  }
0x794: {  	_ =	shalt  }

</sc_bundles>
